<compile_context>
chip_gen: v7x
topology: tpu7x:2x2x1
jax: 0.10.2.dev20260603
libtpu: 0.0.44.dev20260713+nightly
codegen_flags: <defaults>
</compile_context>

<pallas_src>
import jax
import jax.numpy as jnp
from jax import lax
from jax.experimental import pallas as pl
from jax.experimental.pallas import tpu as pltpu
from jax.experimental.pallas import tpu_sc as plsc

BATCH = 4096
HIST = 200
EMB_DIM = 300
EMB_PAD = 384
LANES = 16
NUM_CORES = 2
NUM_SUBCORES = 16
NUM_WORKERS = NUM_CORES * NUM_SUBCORES
B_PER_W = BATCH // NUM_WORKERS
CHUNK_A = 104
CHUNK_B = HIST - CHUNK_A
OUT_BLK = 32
N_BLKS = B_PER_W // OUT_BLK

_OFFS = tuple(range(0, EMB_DIM - LANES, LANES)) + (EMB_DIM - LANES,)


def _body(x_hbm, table_hbm, out_hbm, idx_v, buf_a, buf_b, out_v,
          sem_a, sem_b):
    wid = lax.axis_index("s") * NUM_CORES + lax.axis_index("c")
    base = wid * B_PER_W * HIST

    pltpu.sync_copy(x_hbm.at[pl.ds(base, B_PER_W * HIST)], idx_v)

    inv_n = jnp.float32(1.0 / HIST)

    def gather_a(r):
        return pltpu.make_async_copy(
            table_hbm.at[idx_v.at[pl.ds(r * HIST, CHUNK_A)]], buf_a, sem_a)

    def gather_b(r):
        return pltpu.make_async_copy(
            table_hbm.at[idx_v.at[pl.ds(r * HIST + CHUNK_A, CHUNK_B)]],
            buf_b, sem_b)

    def reduce_into(buf, n, accs):
        def acc_body(j, accs):
            return tuple(
                acc + buf[j, pl.ds(off, LANES)]
                for acc, off in zip(accs, _OFFS))
        return lax.fori_loop(0, n, acc_body, accs)

    gather_a(0).start()
    gather_b(0).start()

    for blk in range(N_BLKS):
        last_blk = blk == N_BLKS - 1

        def row_body(r, carry, blk=blk, last_blk=last_blk):
            row = blk * OUT_BLK + r
            zeros = tuple(jnp.zeros((LANES,), jnp.float32) for _ in _OFFS)

            gather_a(row).wait()
            accs = reduce_into(buf_a, CHUNK_A, zeros)

            if last_blk:
                @pl.when(r < OUT_BLK - 1)
                def _():
                    gather_a(row + 1).start()
            else:
                gather_a(row + 1).start()

            gather_b(row).wait()
            accs = reduce_into(buf_b, CHUNK_B, accs)

            if last_blk:
                @pl.when(r < OUT_BLK - 1)
                def _():
                    gather_b(row + 1).start()
            else:
                gather_b(row + 1).start()

            for acc, off in zip(accs, _OFFS):
                out_v[r, pl.ds(off, LANES)] = acc * inv_n
            return carry

        lax.fori_loop(0, OUT_BLK, row_body, 0)
        pltpu.sync_copy(
            out_v, out_hbm.at[pl.ds(wid * B_PER_W + blk * OUT_BLK, OUT_BLK)])


PAD_BLK = 2000


def _pad_body(t_ref, o_ref):
    o_ref[:, :EMB_DIM] = t_ref[...]
    o_ref[:, EMB_DIM:] = jnp.zeros((PAD_BLK, EMB_PAD - EMB_DIM), jnp.float32)


def _pad_table(table):
    v = table.shape[0]
    return pl.pallas_call(
        _pad_body,
        grid=(v // PAD_BLK,),
        in_specs=[pl.BlockSpec((PAD_BLK, EMB_DIM), lambda i: (i, 0))],
        out_specs=pl.BlockSpec((PAD_BLK, EMB_PAD), lambda i: (i, 0)),
        out_shape=jax.ShapeDtypeStruct((v, EMB_PAD), jnp.float32),
    )(table)


@jax.jit
def _mean_embedding(x, table):
    table_p = _pad_table(table)
    xf = x.reshape(-1)
    mesh = plsc.VectorSubcoreMesh(
        core_axis_name="c", subcore_axis_name="s")
    return pl.kernel(
        _body,
        out_type=jax.ShapeDtypeStruct((BATCH, EMB_DIM), jnp.float32),
        mesh=mesh,
        scratch_types=[
            pltpu.VMEM((B_PER_W * HIST,), jnp.int32),
            pltpu.VMEM((CHUNK_A, EMB_PAD), jnp.float32),
            pltpu.VMEM((CHUNK_B, EMB_PAD), jnp.float32),
            pltpu.VMEM((OUT_BLK, EMB_DIM), jnp.float32),
            pltpu.SemaphoreType.DMA,
            pltpu.SemaphoreType.DMA,
        ],
    )(xf, table_p)


def kernel(x, table):
    return _mean_embedding(x, table)

# --- scband reference (transcript-rebuilt; emitter-appended) ---
"""Pipeline reference for scband-mean-embedding-30056181137912 (READ-ONLY COPY).

The authoritative reference and input builder live on the scoring server;
editing this copy changes nothing except your own understanding.
"""

import jax, jax.numpy as jnp
import numpy as np

VOCAB = 100000
EMB_DIM = 300
BATCH = 4096
HIST = 200

def setup_inputs(seed: int = 0) -> dict:
    key = jax.random.key(seed)
    k1, k2 = jax.random.split(key)
    x = jax.random.randint(k1, (BATCH, HIST), 0, VOCAB, dtype=jnp.int64 if jax.config.jax_enable_x64 else jnp.int32).astype(jnp.int32)
    table = jax.random.normal(k2, (VOCAB, EMB_DIM), dtype=jnp.float32)
    return {"x": x, "table": table}

def reference(x, table):
    # embedding lookup (gather) followed by mean over sequence dim
    embed = jnp.take(table, x, axis=0)          # [B, L, D]
    out = jnp.mean(embed, axis=1)               # [B, D]
    return out

if __name__ == "__main__":
    import jax
    _d = setup_inputs()
    print(jax.jit(kernel)(*tuple(_d.values())))

</pallas_src>

<mosaic_0001>
#map = affine_map<(d0, d1) -> (0)>
#map1 = affine_map<(d0, d1) -> (0, 0)>
module attributes {stable_mosaic.version = 14 : i64} {
  func.func @_body(%arg0: i32, %arg1: i32, %arg2: memref<819200xi32, #tpu.memory_space<hbm>>, %arg3: memref<100000x384xf32, #tpu.memory_space<hbm>>, %arg4: memref<4096x300xf32, #tpu.memory_space<hbm>>, %arg5: memref<25600xi32, #tpu.memory_space<vmem>>, %arg6: memref<104x384xf32, #tpu.memory_space<vmem>>, %arg7: memref<96x384xf32, #tpu.memory_space<vmem>>, %arg8: memref<32x300xf32, #tpu.memory_space<vmem>>, %arg9: memref<!tpu.dma_semaphore, #tpu.memory_space<semaphore_mem>>, %arg10: memref<!tpu.dma_semaphore, #tpu.memory_space<semaphore_mem>>) attributes {dimension_semantics = [#tpu.dimension_semantics<core_parallel>, #tpu.dimension_semantics<subcore_parallel>], iteration_bounds = array<i64: 2, 16>, scalar_prefetch = 0 : i64, scratch_operands = 6 : i64, tpu.core_type = #tpu.core_type<sc_vector_subcore>, window_params = [{transform_indices = #map}, {transform_indices = #map1}, {transform_indices = #map1}]} {
    %mul3A = arith.constant 2 : i32
    %mul3A_0 = arith.muli %arg1, %mul3A : i32
    %add3A = arith.addi %mul3A_0, %arg0 : i32
    %mul3A_1 = arith.constant 128 : i32
    %mul3A_2 = arith.muli %add3A, %mul3A_1 : i32
    %mul3A_3 = arith.constant 200 : i32
    %mul3A_4 = arith.muli %mul3A_2, %mul3A_3 : i32
    "tpu.region"() ({
      %run_scoped3A = tpu.sem_alloc : memref<!tpu.dma_semaphore, #tpu.memory_space<semaphore_mem>>
      %dma_start3A_57 = tpu.memref_slice %arg2[%mul3A_4] : memref<819200xi32, #tpu.memory_space<hbm>> -> memref<25600xi32, #tpu.memory_space<hbm>>
      %dma_start3A_58 = tpu.memref_slice %arg2[%mul3A_4] : memref<819200xi32, #tpu.memory_space<hbm>> -> memref<25600xi32, #tpu.memory_space<hbm>>
      tpu.enqueue_dma source(%dma_start3A_58 : memref<25600xi32, #tpu.memory_space<hbm>>) target(%arg5 : memref<25600xi32, #tpu.memory_space<vmem>>) target_semaphore(%run_scoped3A : memref<!tpu.dma_semaphore, #tpu.memory_space<semaphore_mem>>)
      %dma_wait3A = tpu.memref_slice %arg2[%mul3A_4] : memref<819200xi32, #tpu.memory_space<hbm>> -> memref<25600xi32, #tpu.memory_space<hbm>>
      %dma_wait3A_59 = tpu.memref_slice %arg2[%mul3A_4] : memref<819200xi32, #tpu.memory_space<hbm>> -> memref<25600xi32, #tpu.memory_space<hbm>>
      tpu.wait_dma2 semaphore(%run_scoped3A : memref<!tpu.dma_semaphore, #tpu.memory_space<semaphore_mem>>) src(%dma_wait3A_59 : memref<25600xi32, #tpu.memory_space<hbm>>) dst(%arg5 : memref<25600xi32, #tpu.memory_space<vmem>>)
      tpu.yield
    }) : () -> ()
    %dma_start3A = arith.constant 0 : i32
    %dma_start3A_5 = tpu.memref_slice %arg5[%dma_start3A] : memref<25600xi32, #tpu.memory_space<vmem>> -> memref<104xi32, #tpu.memory_space<vmem>>
    %dma_start3A_6 = arith.constant 0 : i32
    %dma_start3A_7 = arith.constant 0 : i32
    %dma_start3A_8 = tpu.memref_slice %arg3[%dma_start3A_6, %dma_start3A_7] : memref<100000x384xf32, #tpu.memory_space<hbm>> -> memref<100000x384xf32, #tpu.memory_space<hbm>>
    tpu.enqueue_indirect_dma source(%dma_start3A_8 : memref<100000x384xf32, #tpu.memory_space<hbm>>) target(%arg6 : memref<104x384xf32, #tpu.memory_space<vmem>>) offsets(%dma_start3A_5 : memref<104xi32, #tpu.memory_space<vmem>>) semaphore(%arg9 : memref<!tpu.dma_semaphore, #tpu.memory_space<semaphore_mem>>)
    %dma_start3A_9 = arith.constant 104 : i32
    %dma_start3A_10 = tpu.memref_slice %arg5[%dma_start3A_9] : memref<25600xi32, #tpu.memory_space<vmem>> -> memref<96xi32, #tpu.memory_space<vmem>>
    %dma_start3A_11 = arith.constant 0 : i32
    %dma_start3A_12 = arith.constant 0 : i32
    %dma_start3A_13 = tpu.memref_slice %arg3[%dma_start3A_11, %dma_start3A_12] : memref<100000x384xf32, #tpu.memory_space<hbm>> -> memref<100000x384xf32, #tpu.memory_space<hbm>>
    tpu.enqueue_indirect_dma source(%dma_start3A_13 : memref<100000x384xf32, #tpu.memory_space<hbm>>) target(%arg7 : memref<96x384xf32, #tpu.memory_space<vmem>>) offsets(%dma_start3A_10 : memref<96xi32, #tpu.memory_space<vmem>>) semaphore(%arg10 : memref<!tpu.dma_semaphore, #tpu.memory_space<semaphore_mem>>)
    %scan3A = arith.constant 0 : i32
    %scan3A_14 = arith.constant 5.000000e-03 : f32
    %scan3A_15 = arith.constant 0 : i32
    %scan3A_16 = arith.constant 32 : i32
    %scan3A_17 = arith.addi %scan3A_15, %scan3A_16 : i32
    %scan3A_18 = arith.constant 1 : i32
    scf.for %scan3A_57 = %scan3A_15 to %scan3A_17 step %scan3A_18  : i32 {
      %add3A_58 = arith.constant 0 : i32
      %add3A_59 = arith.addi %add3A_58, %scan3A_57 : i32
      %broadcast_in_dim3A = arith.constant 0.000000e+00 : f32
      %broadcast_in_dim3A_60 = vector.broadcast %broadcast_in_dim3A : f32 to vector<16xf32>
      %broadcast_in_dim3A_61 = arith.constant 0.000000e+00 : f32
      %broadcast_in_dim3A_62 = vector.broadcast %broadcast_in_dim3A_61 : f32 to vector<16xf32>
      %broadcast_in_dim3A_63 = arith.constant 0.000000e+00 : f32
      %broadcast_in_dim3A_64 = vector.broadcast %broadcast_in_dim3A_63 : f32 to vector<16xf32>
      %broadcast_in_dim3A_65 = arith.constant 0.000000e+00 : f32
      %broadcast_in_dim3A_66 = vector.broadcast %broadcast_in_dim3A_65 : f32 to vector<16xf32>
      %broadcast_in_dim3A_67 = arith.constant 0.000000e+00 : f32
      %broadcast_in_dim3A_68 = vector.broadcast %broadcast_in_dim3A_67 : f32 to vector<16xf32>
      %broadcast_in_dim3A_69 = arith.constant 0.000000e+00 : f32
      %broadcast_in_dim3A_70 = vector.broadcast %broadcast_in_dim3A_69 : f32 to vector<16xf32>
      %broadcast_in_dim3A_71 = arith.constant 0.000000e+00 : f32
      %broadcast_in_dim3A_72 = vector.broadcast %broadcast_in_dim3A_71 : f32 to vector<16xf32>
      %broadcast_in_dim3A_73 = arith.constant 0.000000e+00 : f32
      %broadcast_in_dim3A_74 = vector.broadcast %broadcast_in_dim3A_73 : f32 to vector<16xf32>
      %broadcast_in_dim3A_75 = arith.constant 0.000000e+00 : f32
      %broadcast_in_dim3A_76 = vector.broadcast %broadcast_in_dim3A_75 : f32 to vector<16xf32>
      %broadcast_in_dim3A_77 = arith.constant 0.000000e+00 : f32
      %broadcast_in_dim3A_78 = vector.broadcast %broadcast_in_dim3A_77 : f32 to vector<16xf32>
      %broadcast_in_dim3A_79 = arith.constant 0.000000e+00 : f32
      %broadcast_in_dim3A_80 = vector.broadcast %broadcast_in_dim3A_79 : f32 to vector<16xf32>
      %broadcast_in_dim3A_81 = arith.constant 0.000000e+00 : f32
      %broadcast_in_dim3A_82 = vector.broadcast %broadcast_in_dim3A_81 : f32 to vector<16xf32>
      %broadcast_in_dim3A_83 = arith.constant 0.000000e+00 : f32
      %broadcast_in_dim3A_84 = vector.broadcast %broadcast_in_dim3A_83 : f32 to vector<16xf32>
      %broadcast_in_dim3A_85 = arith.constant 0.000000e+00 : f32
      %broadcast_in_dim3A_86 = vector.broadcast %broadcast_in_dim3A_85 : f32 to vector<16xf32>
      %broadcast_in_dim3A_87 = arith.constant 0.000000e+00 : f32
      %broadcast_in_dim3A_88 = vector.broadcast %broadcast_in_dim3A_87 : f32 to vector<16xf32>
      %broadcast_in_dim3A_89 = arith.constant 0.000000e+00 : f32
      %broadcast_in_dim3A_90 = vector.broadcast %broadcast_in_dim3A_89 : f32 to vector<16xf32>
      %broadcast_in_dim3A_91 = arith.constant 0.000000e+00 : f32
      %broadcast_in_dim3A_92 = vector.broadcast %broadcast_in_dim3A_91 : f32 to vector<16xf32>
      %broadcast_in_dim3A_93 = arith.constant 0.000000e+00 : f32
      %broadcast_in_dim3A_94 = vector.broadcast %broadcast_in_dim3A_93 : f32 to vector<16xf32>
      %broadcast_in_dim3A_95 = arith.constant 0.000000e+00 : f32
      %broadcast_in_dim3A_96 = vector.broadcast %broadcast_in_dim3A_95 : f32 to vector<16xf32>
      %mul3A_97 = arith.constant 200 : i32
      %mul3A_98 = arith.muli %add3A_59, %mul3A_97 : i32
      %dma_wait3A = tpu.memref_slice %arg5[%mul3A_98] : memref<25600xi32, #tpu.memory_space<vmem>> -> memref<104xi32, #tpu.memory_space<vmem>>
      %dma_wait3A_99 = arith.constant 0 : i32
      %dma_wait3A_100 = arith.constant 0 : i32
      %dma_wait3A_101 = tpu.memref_slice %arg3[%dma_wait3A_99, %dma_wait3A_100] : memref<100000x384xf32, #tpu.memory_space<hbm>> -> memref<100000x384xf32, #tpu.memory_space<hbm>>
      tpu.wait_indirect_dma semaphore(%arg9 : memref<!tpu.dma_semaphore, #tpu.memory_space<semaphore_mem>>) src(%dma_wait3A_101 : memref<100000x384xf32, #tpu.memory_space<hbm>>) dst(%arg6 : memref<104x384xf32, #tpu.memory_space<vmem>>)
      %scan3A_102 = arith.constant 0 : i32
      %scan3A_103 = arith.constant 104 : i32
      %scan3A_104 = arith.addi %scan3A_102, %scan3A_103 : i32
      %scan3A_105 = arith.constant 1 : i32
      %scan3A_106:19 = scf.for %scan3A_272 = %scan3A_102 to %scan3A_104 step %scan3A_105 iter_args(%scan3A_273 = %broadcast_in_dim3A_60, %scan3A_274 = %broadcast_in_dim3A_62, %scan3A_275 = %broadcast_in_dim3A_64, %scan3A_276 = %broadcast_in_dim3A_66, %scan3A_277 = %broadcast_in_dim3A_68, %scan3A_278 = %broadcast_in_dim3A_70, %scan3A_279 = %broadcast_in_dim3A_72, %scan3A_280 = %broadcast_in_dim3A_74, %scan3A_281 = %broadcast_in_dim3A_76, %scan3A_282 = %broadcast_in_dim3A_78, %scan3A_283 = %broadcast_in_dim3A_80, %scan3A_284 = %broadcast_in_dim3A_82, %scan3A_285 = %broadcast_in_dim3A_84, %scan3A_286 = %broadcast_in_dim3A_86, %scan3A_287 = %broadcast_in_dim3A_88, %scan3A_288 = %broadcast_in_dim3A_90, %scan3A_289 = %broadcast_in_dim3A_92, %scan3A_290 = %broadcast_in_dim3A_94, %scan3A_291 = %broadcast_in_dim3A_96) -> (vector<16xf32>, vector<16xf32>, vector<16xf32>, vector<16xf32>, vector<16xf32>, vector<16xf32>, vector<16xf32>, vector<16xf32>, vector<16xf32>, vector<16xf32>, vector<16xf32>, vector<16xf32>, vector<16xf32>, vector<16xf32>, vector<16xf32>, vector<16xf32>, vector<16xf32>, vector<16xf32>, vector<16xf32>)  : i32 {
        %get3A = arith.index_cast %scan3A_272 : i32 to index
        %get3A_292 = arith.constant 0 : index
        %get3A_293 = tpu.vector_load %arg6[%get3A, %get3A_292] {strides = array<i32>} : memref<104x384xf32, #tpu.memory_space<vmem>>, vector<1x16xf32>,
        %get3A_294 = vector.shape_cast %get3A_293 : vector<1x16xf32> to vector<16xf32>
        %add3A_295 = arith.addf %scan3A_273, %get3A_294 : vector<16xf32>
        %get3A_296 = arith.index_cast %scan3A_272 : i32 to index
        %get3A_297 = arith.constant 16 : index
        %get3A_298 = tpu.vector_load %arg6[%get3A_296, %get3A_297] {strides = array<i32>} : memref<104x384xf32, #tpu.memory_space<vmem>>, vector<1x16xf32>,
        %get3A_299 = vector.shape_cast %get3A_298 : vector<1x16xf32> to vector<16xf32>
        %add3A_300 = arith.addf %scan3A_274, %get3A_299 : vector<16xf32>
        %get3A_301 = arith.index_cast %scan3A_272 : i32 to index
        %get3A_302 = arith.constant 32 : index
        %get3A_303 = tpu.vector_load %arg6[%get3A_301, %get3A_302] {strides = array<i32>} : memref<104x384xf32, #tpu.memory_space<vmem>>, vector<1x16xf32>,
        %get3A_304 = vector.shape_cast %get3A_303 : vector<1x16xf32> to vector<16xf32>
        %add3A_305 = arith.addf %scan3A_275, %get3A_304 : vector<16xf32>
        %get3A_306 = arith.index_cast %scan3A_272 : i32 to index
        %get3A_307 = arith.constant 48 : index
        %get3A_308 = tpu.vector_load %arg6[%get3A_306, %get3A_307] {strides = array<i32>} : memref<104x384xf32, #tpu.memory_space<vmem>>, vector<1x16xf32>,
        %get3A_309 = vector.shape_cast %get3A_308 : vector<1x16xf32> to vector<16xf32>
        %add3A_310 = arith.addf %scan3A_276, %get3A_309 : vector<16xf32>
        %get3A_311 = arith.index_cast %scan3A_272 : i32 to index
        %get3A_312 = arith.constant 64 : index
        %get3A_313 = tpu.vector_load %arg6[%get3A_311, %get3A_312] {strides = array<i32>} : memref<104x384xf32, #tpu.memory_space<vmem>>, vector<1x16xf32>,
        %get3A_314 = vector.shape_cast %get3A_313 : vector<1x16xf32> to vector<16xf32>
        %add3A_315 = arith.addf %scan3A_277, %get3A_314 : vector<16xf32>
        %get3A_316 = arith.index_cast %scan3A_272 : i32 to index
        %get3A_317 = arith.constant 80 : index
        %get3A_318 = tpu.vector_load %arg6[%get3A_316, %get3A_317] {strides = array<i32>} : memref<104x384xf32, #tpu.memory_space<vmem>>, vector<1x16xf32>,
        %get3A_319 = vector.shape_cast %get3A_318 : vector<1x16xf32> to vector<16xf32>
        %add3A_320 = arith.addf %scan3A_278, %get3A_319 : vector<16xf32>
        %get3A_321 = arith.index_cast %scan3A_272 : i32 to index
        %get3A_322 = arith.constant 96 : index
        %get3A_323 = tpu.vector_load %arg6[%get3A_321, %get3A_322] {strides = array<i32>} : memref<104x384xf32, #tpu.memory_space<vmem>>, vector<1x16xf32>,
        %get3A_324 = vector.shape_cast %get3A_323 : vector<1x16xf32> to vector<16xf32>
        %add3A_325 = arith.addf %scan3A_279, %get3A_324 : vector<16xf32>
        %get3A_326 = arith.index_cast %scan3A_272 : i32 to index
        %get3A_327 = arith.constant 112 : index
        %get3A_328 = tpu.vector_load %arg6[%get3A_326, %get3A_327] {strides = array<i32>} : memref<104x384xf32, #tpu.memory_space<vmem>>, vector<1x16xf32>,
        %get3A_329 = vector.shape_cast %get3A_328 : vector<1x16xf32> to vector<16xf32>
        %add3A_330 = arith.addf %scan3A_280, %get3A_329 : vector<16xf32>
        %get3A_331 = arith.index_cast %scan3A_272 : i32 to index
        %get3A_332 = arith.constant 128 : index
        %get3A_333 = tpu.vector_load %arg6[%get3A_331, %get3A_332] {strides = array<i32>} : memref<104x384xf32, #tpu.memory_space<vmem>>, vector<1x16xf32>,
        %get3A_334 = vector.shape_cast %get3A_333 : vector<1x16xf32> to vector<16xf32>
        %add3A_335 = arith.addf %scan3A_281, %get3A_334 : vector<16xf32>
        %get3A_336 = arith.index_cast %scan3A_272 : i32 to index
        %get3A_337 = arith.constant 144 : index
        %get3A_338 = tpu.vector_load %arg6[%get3A_336, %get3A_337] {strides = array<i32>} : memref<104x384xf32, #tpu.memory_space<vmem>>, vector<1x16xf32>,
        %get3A_339 = vector.shape_cast %get3A_338 : vector<1x16xf32> to vector<16xf32>
        %add3A_340 = arith.addf %scan3A_282, %get3A_339 : vector<16xf32>
        %get3A_341 = arith.index_cast %scan3A_272 : i32 to index
        %get3A_342 = arith.constant 160 : index
        %get3A_343 = tpu.vector_load %arg6[%get3A_341, %get3A_342] {strides = array<i32>} : memref<104x384xf32, #tpu.memory_space<vmem>>, vector<1x16xf32>,
        %get3A_344 = vector.shape_cast %get3A_343 : vector<1x16xf32> to vector<16xf32>
        %add3A_345 = arith.addf %scan3A_283, %get3A_344 : vector<16xf32>
        %get3A_346 = arith.index_cast %scan3A_272 : i32 to index
        %get3A_347 = arith.constant 176 : index
        %get3A_348 = tpu.vector_load %arg6[%get3A_346, %get3A_347] {strides = array<i32>} : memref<104x384xf32, #tpu.memory_space<vmem>>, vector<1x16xf32>,
        %get3A_349 = vector.shape_cast %get3A_348 : vector<1x16xf32> to vector<16xf32>
        %add3A_350 = arith.addf %scan3A_284, %get3A_349 : vector<16xf32>
        %get3A_351 = arith.index_cast %scan3A_272 : i32 to index
        %get3A_352 = arith.constant 192 : index
        %get3A_353 = tpu.vector_load %arg6[%get3A_351, %get3A_352] {strides = array<i32>} : memref<104x384xf32, #tpu.memory_space<vmem>>, vector<1x16xf32>,
        %get3A_354 = vector.shape_cast %get3A_353 : vector<1x16xf32> to vector<16xf32>
        %add3A_355 = arith.addf %scan3A_285, %get3A_354 : vector<16xf32>
        %get3A_356 = arith.index_cast %scan3A_272 : i32 to index
        %get3A_357 = arith.constant 208 : index
        %get3A_358 = tpu.vector_load %arg6[%get3A_356, %get3A_357] {strides = array<i32>} : memref<104x384xf32, #tpu.memory_space<vmem>>, vector<1x16xf32>,
        %get3A_359 = vector.shape_cast %get3A_358 : vector<1x16xf32> to vector<16xf32>
        %add3A_360 = arith.addf %scan3A_286, %get3A_359 : vector<16xf32>
        %get3A_361 = arith.index_cast %scan3A_272 : i32 to index
        %get3A_362 = arith.constant 224 : index
        %get3A_363 = tpu.vector_load %arg6[%get3A_361, %get3A_362] {strides = array<i32>} : memref<104x384xf32, #tpu.memory_space<vmem>>, vector<1x16xf32>,
        %get3A_364 = vector.shape_cast %get3A_363 : vector<1x16xf32> to vector<16xf32>
        %add3A_365 = arith.addf %scan3A_287, %get3A_364 : vector<16xf32>
        %get3A_366 = arith.index_cast %scan3A_272 : i32 to index
        %get3A_367 = arith.constant 240 : index
        %get3A_368 = tpu.vector_load %arg6[%get3A_366, %get3A_367] {strides = array<i32>} : memref<104x384xf32, #tpu.memory_space<vmem>>, vector<1x16xf32>,
        %get3A_369 = vector.shape_cast %get3A_368 : vector<1x16xf32> to vector<16xf32>
        %add3A_370 = arith.addf %scan3A_288, %get3A_369 : vector<16xf32>
        %get3A_371 = arith.index_cast %scan3A_272 : i32 to index
        %get3A_372 = arith.constant 256 : index
        %get3A_373 = tpu.vector_load %arg6[%get3A_371, %get3A_372] {strides = array<i32>} : memref<104x384xf32, #tpu.memory_space<vmem>>, vector<1x16xf32>,
        %get3A_374 = vector.shape_cast %get3A_373 : vector<1x16xf32> to vector<16xf32>
        %add3A_375 = arith.addf %scan3A_289, %get3A_374 : vector<16xf32>
        %get3A_376 = arith.index_cast %scan3A_272 : i32 to index
        %get3A_377 = arith.constant 272 : index
        %get3A_378 = tpu.vector_load %arg6[%get3A_376, %get3A_377] {strides = array<i32>} : memref<104x384xf32, #tpu.memory_space<vmem>>, vector<1x16xf32>,
        %get3A_379 = vector.shape_cast %get3A_378 : vector<1x16xf32> to vector<16xf32>
        %add3A_380 = arith.addf %scan3A_290, %get3A_379 : vector<16xf32>
        %get3A_381 = arith.index_cast %scan3A_272 : i32 to index
        %get3A_382 = arith.constant 284 : index
        %get3A_383 = tpu.vector_load %arg6[%get3A_381, %get3A_382] {strides = array<i32>} : memref<104x384xf32, #tpu.memory_space<vmem>>, vector<1x16xf32>,
        %get3A_384 = vector.shape_cast %get3A_383 : vector<1x16xf32> to vector<16xf32>
        %add3A_385 = arith.addf %scan3A_291, %get3A_384 : vector<16xf32>
        scf.yield %add3A_295, %add3A_300, %add3A_305, %add3A_310, %add3A_315, %add3A_320, %add3A_325, %add3A_330, %add3A_335, %add3A_340, %add3A_345, %add3A_350, %add3A_355, %add3A_360, %add3A_365, %add3A_370, %add3A_375, %add3A_380, %add3A_385 : vector<16xf32>, vector<16xf32>, vector<16xf32>, vector<16xf32>, vector<16xf32>, vector<16xf32>, vector<16xf32>, vector<16xf32>, vector<16xf32>, vector<16xf32>, vector<16xf32>, vector<16xf32>, vector<16xf32>, vector<16xf32>, vector<16xf32>, vector<16xf32>, vector<16xf32>, vector<16xf32>, vector<16xf32>
      }
      %scan3A_107 = arith.constant 104 : i32
      %add3A_108 = arith.constant 1 : i32
      %add3A_109 = arith.addi %add3A_59, %add3A_108 : i32
      %mul3A_110 = arith.constant 200 : i32
      %mul3A_111 = arith.muli %add3A_109, %mul3A_110 : i32
      %dma_start3A_112 = tpu.memref_slice %arg5[%mul3A_111] : memref<25600xi32, #tpu.memory_space<vmem>> -> memref<104xi32, #tpu.memory_space<vmem>>
      %dma_start3A_113 = arith.constant 0 : i32
      %dma_start3A_114 = arith.constant 0 : i32
      %dma_start3A_115 = tpu.memref_slice %arg3[%dma_start3A_113, %dma_start3A_114] : memref<100000x384xf32, #tpu.memory_space<hbm>> -> memref<100000x384xf32, #tpu.memory_space<hbm>>
      tpu.enqueue_indirect_dma source(%dma_start3A_115 : memref<100000x384xf32, #tpu.memory_space<hbm>>) target(%arg6 : memref<104x384xf32, #tpu.memory_space<vmem>>) offsets(%dma_start3A_112 : memref<104xi32, #tpu.memory_space<vmem>>) semaphore(%arg9 : memref<!tpu.dma_semaphore, #tpu.memory_space<semaphore_mem>>)
      %mul3A_116 = arith.constant 200 : i32
      %mul3A_117 = arith.muli %add3A_59, %mul3A_116 : i32
      %add3A_118 = arith.constant 104 : i32
      %add3A_119 = arith.addi %mul3A_117, %add3A_118 : i32
      %dma_wait3A_120 = tpu.memref_slice %arg5[%add3A_119] : memref<25600xi32, #tpu.memory_space<vmem>> -> memref<96xi32, #tpu.memory_space<vmem>>
      %dma_wait3A_121 = arith.constant 0 : i32
      %dma_wait3A_122 = arith.constant 0 : i32
      %dma_wait3A_123 = tpu.memref_slice %arg3[%dma_wait3A_121, %dma_wait3A_122] : memref<100000x384xf32, #tpu.memory_space<hbm>> -> memref<100000x384xf32, #tpu.memory_space<hbm>>
      tpu.wait_indirect_dma semaphore(%arg10 : memref<!tpu.dma_semaphore, #tpu.memory_space<semaphore_mem>>) src(%dma_wait3A_123 : memref<100000x384xf32, #tpu.memory_space<hbm>>) dst(%arg7 : memref<96x384xf32, #tpu.memory_space<vmem>>)
      %scan3A_124 = arith.constant 0 : i32
      %scan3A_125 = arith.constant 96 : i32
      %scan3A_126 = arith.addi %scan3A_124, %scan3A_125 : i32
      %scan3A_127 = arith.constant 1 : i32
      %scan3A_128:19 = scf.for %scan3A_272 = %scan3A_124 to %scan3A_126 step %scan3A_127 iter_args(%scan3A_273 = %scan3A_106#0, %scan3A_274 = %scan3A_106#1, %scan3A_275 = %scan3A_106#2, %scan3A_276 = %scan3A_106#3, %scan3A_277 = %scan3A_106#4, %scan3A_278 = %scan3A_106#5, %scan3A_279 = %scan3A_106#6, %scan3A_280 = %scan3A_106#7, %scan3A_281 = %scan3A_106#8, %scan3A_282 = %scan3A_106#9, %scan3A_283 = %scan3A_106#10, %scan3A_284 = %scan3A_106#11, %scan3A_285 = %scan3A_106#12, %scan3A_286 = %scan3A_106#13, %scan3A_287 = %scan3A_106#14, %scan3A_288 = %scan3A_106#15, %scan3A_289 = %scan3A_106#16, %scan3A_290 = %scan3A_106#17, %scan3A_291 = %scan3A_106#18) -> (vector<16xf32>, vector<16xf32>, vector<16xf32>, vector<16xf32>, vector<16xf32>, vector<16xf32>, vector<16xf32>, vector<16xf32>, vector<16xf32>, vector<16xf32>, vector<16xf32>, vector<16xf32>, vector<16xf32>, vector<16xf32>, vector<16xf32>, vector<16xf32>, vector<16xf32>, vector<16xf32>, vector<16xf32>)  : i32 {
        %get3A = arith.index_cast %scan3A_272 : i32 to index
        %get3A_292 = arith.constant 0 : index
        %get3A_293 = tpu.vector_load %arg7[%get3A, %get3A_292] {strides = array<i32>} : memref<96x384xf32, #tpu.memory_space<vmem>>, vector<1x16xf32>,
        %get3A_294 = vector.shape_cast %get3A_293 : vector<1x16xf32> to vector<16xf32>
        %add3A_295 = arith.addf %scan3A_273, %get3A_294 : vector<16xf32>
        %get3A_296 = arith.index_cast %scan3A_272 : i32 to index
        %get3A_297 = arith.constant 16 : index
        %get3A_298 = tpu.vector_load %arg7[%get3A_296, %get3A_297] {strides = array<i32>} : memref<96x384xf32, #tpu.memory_space<vmem>>, vector<1x16xf32>,
        %get3A_299 = vector.shape_cast %get3A_298 : vector<1x16xf32> to vector<16xf32>
        %add3A_300 = arith.addf %scan3A_274, %get3A_299 : vector<16xf32>
        %get3A_301 = arith.index_cast %scan3A_272 : i32 to index
        %get3A_302 = arith.constant 32 : index
        %get3A_303 = tpu.vector_load %arg7[%get3A_301, %get3A_302] {strides = array<i32>} : memref<96x384xf32, #tpu.memory_space<vmem>>, vector<1x16xf32>,
        %get3A_304 = vector.shape_cast %get3A_303 : vector<1x16xf32> to vector<16xf32>
        %add3A_305 = arith.addf %scan3A_275, %get3A_304 : vector<16xf32>
        %get3A_306 = arith.index_cast %scan3A_272 : i32 to index
        %get3A_307 = arith.constant 48 : index
        %get3A_308 = tpu.vector_load %arg7[%get3A_306, %get3A_307] {strides = array<i32>} : memref<96x384xf32, #tpu.memory_space<vmem>>, vector<1x16xf32>,
        %get3A_309 = vector.shape_cast %get3A_308 : vector<1x16xf32> to vector<16xf32>
        %add3A_310 = arith.addf %scan3A_276, %get3A_309 : vector<16xf32>
        %get3A_311 = arith.index_cast %scan3A_272 : i32 to index
        %get3A_312 = arith.constant 64 : index
        %get3A_313 = tpu.vector_load %arg7[%get3A_311, %get3A_312] {strides = array<i32>} : memref<96x384xf32, #tpu.memory_space<vmem>>, vector<1x16xf32>,
        %get3A_314 = vector.shape_cast %get3A_313 : vector<1x16xf32> to vector<16xf32>
        %add3A_315 = arith.addf %scan3A_277, %get3A_314 : vector<16xf32>
        %get3A_316 = arith.index_cast %scan3A_272 : i32 to index
        %get3A_317 = arith.constant 80 : index
        %get3A_318 = tpu.vector_load %arg7[%get3A_316, %get3A_317] {strides = array<i32>} : memref<96x384xf32, #tpu.memory_space<vmem>>, vector<1x16xf32>,
        %get3A_319 = vector.shape_cast %get3A_318 : vector<1x16xf32> to vector<16xf32>
        %add3A_320 = arith.addf %scan3A_278, %get3A_319 : vector<16xf32>
        %get3A_321 = arith.index_cast %scan3A_272 : i32 to index
        %get3A_322 = arith.constant 96 : index
        %get3A_323 = tpu.vector_load %arg7[%get3A_321, %get3A_322] {strides = array<i32>} : memref<96x384xf32, #tpu.memory_space<vmem>>, vector<1x16xf32>,
        %get3A_324 = vector.shape_cast %get3A_323 : vector<1x16xf32> to vector<16xf32>
        %add3A_325 = arith.addf %scan3A_279, %get3A_324 : vector<16xf32>
        %get3A_326 = arith.index_cast %scan3A_272 : i32 to index
        %get3A_327 = arith.constant 112 : index
        %get3A_328 = tpu.vector_load %arg7[%get3A_326, %get3A_327] {strides = array<i32>} : memref<96x384xf32, #tpu.memory_space<vmem>>, vector<1x16xf32>,
        %get3A_329 = vector.shape_cast %get3A_328 : vector<1x16xf32> to vector<16xf32>
        %add3A_330 = arith.addf %scan3A_280, %get3A_329 : vector<16xf32>
        %get3A_331 = arith.index_cast %scan3A_272 : i32 to index
        %get3A_332 = arith.constant 128 : index
        %get3A_333 = tpu.vector_load %arg7[%get3A_331, %get3A_332] {strides = array<i32>} : memref<96x384xf32, #tpu.memory_space<vmem>>, vector<1x16xf32>,
        %get3A_334 = vector.shape_cast %get3A_333 : vector<1x16xf32> to vector<16xf32>
        %add3A_335 = arith.addf %scan3A_281, %get3A_334 : vector<16xf32>
        %get3A_336 = arith.index_cast %scan3A_272 : i32 to index
        %get3A_337 = arith.constant 144 : index
        %get3A_338 = tpu.vector_load %arg7[%get3A_336, %get3A_337] {strides = array<i32>} : memref<96x384xf32, #tpu.memory_space<vmem>>, vector<1x16xf32>,
        %get3A_339 = vector.shape_cast %get3A_338 : vector<1x16xf32> to vector<16xf32>
        %add3A_340 = arith.addf %scan3A_282, %get3A_339 : vector<16xf32>
        %get3A_341 = arith.index_cast %scan3A_272 : i32 to index
        %get3A_342 = arith.constant 160 : index
        %get3A_343 = tpu.vector_load %arg7[%get3A_341, %get3A_342] {strides = array<i32>} : memref<96x384xf32, #tpu.memory_space<vmem>>, vector<1x16xf32>,
        %get3A_344 = vector.shape_cast %get3A_343 : vector<1x16xf32> to vector<16xf32>
        %add3A_345 = arith.addf %scan3A_283, %get3A_344 : vector<16xf32>
        %get3A_346 = arith.index_cast %scan3A_272 : i32 to index
        %get3A_347 = arith.constant 176 : index
        %get3A_348 = tpu.vector_load %arg7[%get3A_346, %get3A_347] {strides = array<i32>} : memref<96x384xf32, #tpu.memory_space<vmem>>, vector<1x16xf32>,
        %get3A_349 = vector.shape_cast %get3A_348 : vector<1x16xf32> to vector<16xf32>
        %add3A_350 = arith.addf %scan3A_284, %get3A_349 : vector<16xf32>
        %get3A_351 = arith.index_cast %scan3A_272 : i32 to index
        %get3A_352 = arith.constant 192 : index
        %get3A_353 = tpu.vector_load %arg7[%get3A_351, %get3A_352] {strides = array<i32>} : memref<96x384xf32, #tpu.memory_space<vmem>>, vector<1x16xf32>,
        %get3A_354 = vector.shape_cast %get3A_353 : vector<1x16xf32> to vector<16xf32>
        %add3A_355 = arith.addf %scan3A_285, %get3A_354 : vector<16xf32>
        %get3A_356 = arith.index_cast %scan3A_272 : i32 to index
        %get3A_357 = arith.constant 208 : index
        %get3A_358 = tpu.vector_load %arg7[%get3A_356, %get3A_357] {strides = array<i32>} : memref<96x384xf32, #tpu.memory_space<vmem>>, vector<1x16xf32>,
        %get3A_359 = vector.shape_cast %get3A_358 : vector<1x16xf32> to vector<16xf32>
        %add3A_360 = arith.addf %scan3A_286, %get3A_359 : vector<16xf32>
        %get3A_361 = arith.index_cast %scan3A_272 : i32 to index
        %get3A_362 = arith.constant 224 : index
        %get3A_363 = tpu.vector_load %arg7[%get3A_361, %get3A_362] {strides = array<i32>} : memref<96x384xf32, #tpu.memory_space<vmem>>, vector<1x16xf32>,
        %get3A_364 = vector.shape_cast %get3A_363 : vector<1x16xf32> to vector<16xf32>
        %add3A_365 = arith.addf %scan3A_287, %get3A_364 : vector<16xf32>
        %get3A_366 = arith.index_cast %scan3A_272 : i32 to index
        %get3A_367 = arith.constant 240 : index
        %get3A_368 = tpu.vector_load %arg7[%get3A_366, %get3A_367] {strides = array<i32>} : memref<96x384xf32, #tpu.memory_space<vmem>>, vector<1x16xf32>,
        %get3A_369 = vector.shape_cast %get3A_368 : vector<1x16xf32> to vector<16xf32>
        %add3A_370 = arith.addf %scan3A_288, %get3A_369 : vector<16xf32>
        %get3A_371 = arith.index_cast %scan3A_272 : i32 to index
        %get3A_372 = arith.constant 256 : index
        %get3A_373 = tpu.vector_load %arg7[%get3A_371, %get3A_372] {strides = array<i32>} : memref<96x384xf32, #tpu.memory_space<vmem>>, vector<1x16xf32>,
        %get3A_374 = vector.shape_cast %get3A_373 : vector<1x16xf32> to vector<16xf32>
        %add3A_375 = arith.addf %scan3A_289, %get3A_374 : vector<16xf32>
        %get3A_376 = arith.index_cast %scan3A_272 : i32 to index
        %get3A_377 = arith.constant 272 : index
        %get3A_378 = tpu.vector_load %arg7[%get3A_376, %get3A_377] {strides = array<i32>} : memref<96x384xf32, #tpu.memory_space<vmem>>, vector<1x16xf32>,
        %get3A_379 = vector.shape_cast %get3A_378 : vector<1x16xf32> to vector<16xf32>
        %add3A_380 = arith.addf %scan3A_290, %get3A_379 : vector<16xf32>
        %get3A_381 = arith.index_cast %scan3A_272 : i32 to index
        %get3A_382 = arith.constant 284 : index
        %get3A_383 = tpu.vector_load %arg7[%get3A_381, %get3A_382] {strides = array<i32>} : memref<96x384xf32, #tpu.memory_space<vmem>>, vector<1x16xf32>,
        %get3A_384 = vector.shape_cast %get3A_383 : vector<1x16xf32> to vector<16xf32>
        %add3A_385 = arith.addf %scan3A_291, %get3A_384 : vector<16xf32>
        scf.yield %add3A_295, %add3A_300, %add3A_305, %add3A_310, %add3A_315, %add3A_320, %add3A_325, %add3A_330, %add3A_335, %add3A_340, %add3A_345, %add3A_350, %add3A_355, %add3A_360, %add3A_365, %add3A_370, %add3A_375, %add3A_380, %add3A_385 : vector<16xf32>, vector<16xf32>, vector<16xf32>, vector<16xf32>, vector<16xf32>, vector<16xf32>, vector<16xf32>, vector<16xf32>, vector<16xf32>, vector<16xf32>, vector<16xf32>, vector<16xf32>, vector<16xf32>, vector<16xf32>, vector<16xf32>, vector<16xf32>, vector<16xf32>, vector<16xf32>, vector<16xf32>
      }
      %scan3A_129 = arith.constant 96 : i32
      %add3A_130 = arith.constant 1 : i32
      %add3A_131 = arith.addi %add3A_59, %add3A_130 : i32
      %mul3A_132 = arith.constant 200 : i32
      %mul3A_133 = arith.muli %add3A_131, %mul3A_132 : i32
      %add3A_134 = arith.constant 104 : i32
      %add3A_135 = arith.addi %mul3A_133, %add3A_134 : i32
      %dma_start3A_136 = tpu.memref_slice %arg5[%add3A_135] : memref<25600xi32, #tpu.memory_space<vmem>> -> memref<96xi32, #tpu.memory_space<vmem>>
      %dma_start3A_137 = arith.constant 0 : i32
      %dma_start3A_138 = arith.constant 0 : i32
      %dma_start3A_139 = tpu.memref_slice %arg3[%dma_start3A_137, %dma_start3A_138] : memref<100000x384xf32, #tpu.memory_space<hbm>> -> memref<100000x384xf32, #tpu.memory_space<hbm>>
      tpu.enqueue_indirect_dma source(%dma_start3A_139 : memref<100000x384xf32, #tpu.memory_space<hbm>>) target(%arg7 : memref<96x384xf32, #tpu.memory_space<vmem>>) offsets(%dma_start3A_136 : memref<96xi32, #tpu.memory_space<vmem>>) semaphore(%arg10 : memref<!tpu.dma_semaphore, #tpu.memory_space<semaphore_mem>>)
      %mul3A_140 = vector.broadcast %scan3A_14 : f32 to vector<16xf32>
      %mul3A_141 = arith.mulf %scan3A_128#0, %mul3A_140 : vector<16xf32>
      %swap3A = arith.index_cast %scan3A_57 : i32 to index
      %swap3A_142 = arith.constant 0 : index
      %swap3A_143 = tpu.vector_load %arg8[%swap3A, %swap3A_142] {strides = array<i32>} : memref<32x300xf32, #tpu.memory_space<vmem>>, vector<1x16xf32>,
      %swap3A_144 = vector.shape_cast %swap3A_143 : vector<1x16xf32> to vector<16xf32>
      %swap3A_145 = vector.shape_cast %mul3A_141 : vector<16xf32> to vector<1x16xf32>
      tpu.vector_store %arg8[%swap3A, %swap3A_142], %swap3A_145 {strides = array<i32>} : memref<32x300xf32, #tpu.memory_space<vmem>>, vector<1x16xf32>,
      %mul3A_146 = vector.broadcast %scan3A_14 : f32 to vector<16xf32>
      %mul3A_147 = arith.mulf %scan3A_128#1, %mul3A_146 : vector<16xf32>
      %swap3A_148 = arith.index_cast %scan3A_57 : i32 to index
      %swap3A_149 = arith.constant 16 : index
      %swap3A_150 = tpu.vector_load %arg8[%swap3A_148, %swap3A_149] {strides = array<i32>} : memref<32x300xf32, #tpu.memory_space<vmem>>, vector<1x16xf32>,
      %swap3A_151 = vector.shape_cast %swap3A_150 : vector<1x16xf32> to vector<16xf32>
      %swap3A_152 = vector.shape_cast %mul3A_147 : vector<16xf32> to vector<1x16xf32>
      tpu.vector_store %arg8[%swap3A_148, %swap3A_149], %swap3A_152 {strides = array<i32>} : memref<32x300xf32, #tpu.memory_space<vmem>>, vector<1x16xf32>,
      %mul3A_153 = vector.broadcast %scan3A_14 : f32 to vector<16xf32>
      %mul3A_154 = arith.mulf %scan3A_128#2, %mul3A_153 : vector<16xf32>
      %swap3A_155 = arith.index_cast %scan3A_57 : i32 to index
      %swap3A_156 = arith.constant 32 : index
      %swap3A_157 = tpu.vector_load %arg8[%swap3A_155, %swap3A_156] {strides = array<i32>} : memref<32x300xf32, #tpu.memory_space<vmem>>, vector<1x16xf32>,
      %swap3A_158 = vector.shape_cast %swap3A_157 : vector<1x16xf32> to vector<16xf32>
      %swap3A_159 = vector.shape_cast %mul3A_154 : vector<16xf32> to vector<1x16xf32>
      tpu.vector_store %arg8[%swap3A_155, %swap3A_156], %swap3A_159 {strides = array<i32>} : memref<32x300xf32, #tpu.memory_space<vmem>>, vector<1x16xf32>,
      %mul3A_160 = vector.broadcast %scan3A_14 : f32 to vector<16xf32>
      %mul3A_161 = arith.mulf %scan3A_128#3, %mul3A_160 : vector<16xf32>
      %swap3A_162 = arith.index_cast %scan3A_57 : i32 to index
      %swap3A_163 = arith.constant 48 : index
      %swap3A_164 = tpu.vector_load %arg8[%swap3A_162, %swap3A_163] {strides = array<i32>} : memref<32x300xf32, #tpu.memory_space<vmem>>, vector<1x16xf32>,
      %swap3A_165 = vector.shape_cast %swap3A_164 : vector<1x16xf32> to vector<16xf32>
      %swap3A_166 = vector.shape_cast %mul3A_161 : vector<16xf32> to vector<1x16xf32>
      tpu.vector_store %arg8[%swap3A_162, %swap3A_163], %swap3A_166 {strides = array<i32>} : memref<32x300xf32, #tpu.memory_space<vmem>>, vector<1x16xf32>,
      %mul3A_167 = vector.broadcast %scan3A_14 : f32 to vector<16xf32>
      %mul3A_168 = arith.mulf %scan3A_128#4, %mul3A_167 : vector<16xf32>
      %swap3A_169 = arith.index_cast %scan3A_57 : i32 to index
      %swap3A_170 = arith.constant 64 : index
      %swap3A_171 = tpu.vector_load %arg8[%swap3A_169, %swap3A_170] {strides = array<i32>} : memref<32x300xf32, #tpu.memory_space<vmem>>, vector<1x16xf32>,
      %swap3A_172 = vector.shape_cast %swap3A_171 : vector<1x16xf32> to vector<16xf32>
      %swap3A_173 = vector.shape_cast %mul3A_168 : vector<16xf32> to vector<1x16xf32>
      tpu.vector_store %arg8[%swap3A_169, %swap3A_170], %swap3A_173 {strides = array<i32>} : memref<32x300xf32, #tpu.memory_space<vmem>>, vector<1x16xf32>,
      %mul3A_174 = vector.broadcast %scan3A_14 : f32 to vector<16xf32>
      %mul3A_175 = arith.mulf %scan3A_128#5, %mul3A_174 : vector<16xf32>
      %swap3A_176 = arith.index_cast %scan3A_57 : i32 to index
      %swap3A_177 = arith.constant 80 : index
      %swap3A_178 = tpu.vector_load %arg8[%swap3A_176, %swap3A_177] {strides = array<i32>} : memref<32x300xf32, #tpu.memory_space<vmem>>, vector<1x16xf32>,
      %swap3A_179 = vector.shape_cast %swap3A_178 : vector<1x16xf32> to vector<16xf32>
      %swap3A_180 = vector.shape_cast %mul3A_175 : vector<16xf32> to vector<1x16xf32>
      tpu.vector_store %arg8[%swap3A_176, %swap3A_177], %swap3A_180 {strides = array<i32>} : memref<32x300xf32, #tpu.memory_space<vmem>>, vector<1x16xf32>,
      %mul3A_181 = vector.broadcast %scan3A_14 : f32 to vector<16xf32>
      %mul3A_182 = arith.mulf %scan3A_128#6, %mul3A_181 : vector<16xf32>
      %swap3A_183 = arith.index_cast %scan3A_57 : i32 to index
      %swap3A_184 = arith.constant 96 : index
      %swap3A_185 = tpu.vector_load %arg8[%swap3A_183, %swap3A_184] {strides = array<i32>} : memref<32x300xf32, #tpu.memory_space<vmem>>, vector<1x16xf32>,
      %swap3A_186 = vector.shape_cast %swap3A_185 : vector<1x16xf32> to vector<16xf32>
      %swap3A_187 = vector.shape_cast %mul3A_182 : vector<16xf32> to vector<1x16xf32>
      tpu.vector_store %arg8[%swap3A_183, %swap3A_184], %swap3A_187 {strides = array<i32>} : memref<32x300xf32, #tpu.memory_space<vmem>>, vector<1x16xf32>,
      %mul3A_188 = vector.broadcast %scan3A_14 : f32 to vector<16xf32>
      %mul3A_189 = arith.mulf %scan3A_128#7, %mul3A_188 : vector<16xf32>
      %swap3A_190 = arith.index_cast %scan3A_57 : i32 to index
      %swap3A_191 = arith.constant 112 : index
      %swap3A_192 = tpu.vector_load %arg8[%swap3A_190, %swap3A_191] {strides = array<i32>} : memref<32x300xf32, #tpu.memory_space<vmem>>, vector<1x16xf32>,
      %swap3A_193 = vector.shape_cast %swap3A_192 : vector<1x16xf32> to vector<16xf32>
      %swap3A_194 = vector.shape_cast %mul3A_189 : vector<16xf32> to vector<1x16xf32>
      tpu.vector_store %arg8[%swap3A_190, %swap3A_191], %swap3A_194 {strides = array<i32>} : memref<32x300xf32, #tpu.memory_space<vmem>>, vector<1x16xf32>,
      %mul3A_195 = vector.broadcast %scan3A_14 : f32 to vector<16xf32>
      %mul3A_196 = arith.mulf %scan3A_128#8, %mul3A_195 : vector<16xf32>
      %swap3A_197 = arith.index_cast %scan3A_57 : i32 to index
      %swap3A_198 = arith.constant 128 : index
      %swap3A_199 = tpu.vector_load %arg8[%swap3A_197, %swap3A_198] {strides = array<i32>} : memref<32x300xf32, #tpu.memory_space<vmem>>, vector<1x16xf32>,
      %swap3A_200 = vector.shape_cast %swap3A_199 : vector<1x16xf32> to vector<16xf32>
      %swap3A_201 = vector.shape_cast %mul3A_196 : vector<16xf32> to vector<1x16xf32>
      tpu.vector_store %arg8[%swap3A_197, %swap3A_198], %swap3A_201 {strides = array<i32>} : memref<32x300xf32, #tpu.memory_space<vmem>>, vector<1x16xf32>,
      %mul3A_202 = vector.broadcast %scan3A_14 : f32 to vector<16xf32>
      %mul3A_203 = arith.mulf %scan3A_128#9, %mul3A_202 : vector<16xf32>
      %swap3A_204 = arith.index_cast %scan3A_57 : i32 to index
      %swap3A_205 = arith.constant 144 : index
      %swap3A_206 = tpu.vector_load %arg8[%swap3A_204, %swap3A_205] {strides = array<i32>} : memref<32x300xf32, #tpu.memory_space<vmem>>, vector<1x16xf32>,
      %swap3A_207 = vector.shape_cast %swap3A_206 : vector<1x16xf32> to vector<16xf32>
      %swap3A_208 = vector.shape_cast %mul3A_203 : vector<16xf32> to vector<1x16xf32>
      tpu.vector_store %arg8[%swap3A_204, %swap3A_205], %swap3A_208 {strides = array<i32>} : memref<32x300xf32, #tpu.memory_space<vmem>>, vector<1x16xf32>,
      %mul3A_209 = vector.broadcast %scan3A_14 : f32 to vector<16xf32>
      %mul3A_210 = arith.mulf %scan3A_128#10, %mul3A_209 : vector<16xf32>
      %swap3A_211 = arith.index_cast %scan3A_57 : i32 to index
      %swap3A_212 = arith.constant 160 : index
      %swap3A_213 = tpu.vector_load %arg8[%swap3A_211, %swap3A_212] {strides = array<i32>} : memref<32x300xf32, #tpu.memory_space<vmem>>, vector<1x16xf32>,
      %swap3A_214 = vector.shape_cast %swap3A_213 : vector<1x16xf32> to vector<16xf32>
      %swap3A_215 = vector.shape_cast %mul3A_210 : vector<16xf32> to vector<1x16xf32>
      tpu.vector_store %arg8[%swap3A_211, %swap3A_212], %swap3A_215 {strides = array<i32>} : memref<32x300xf32, #tpu.memory_space<vmem>>, vector<1x16xf32>,
      %mul3A_216 = vector.broadcast %scan3A_14 : f32 to vector<16xf32>
      %mul3A_217 = arith.mulf %scan3A_128#11, %mul3A_216 : vector<16xf32>
      %swap3A_218 = arith.index_cast %scan3A_57 : i32 to index
      %swap3A_219 = arith.constant 176 : index
      %swap3A_220 = tpu.vector_load %arg8[%swap3A_218, %swap3A_219] {strides = array<i32>} : memref<32x300xf32, #tpu.memory_space<vmem>>, vector<1x16xf32>,
      %swap3A_221 = vector.shape_cast %swap3A_220 : vector<1x16xf32> to vector<16xf32>
      %swap3A_222 = vector.shape_cast %mul3A_217 : vector<16xf32> to vector<1x16xf32>
      tpu.vector_store %arg8[%swap3A_218, %swap3A_219], %swap3A_222 {strides = array<i32>} : memref<32x300xf32, #tpu.memory_space<vmem>>, vector<1x16xf32>,
      %mul3A_223 = vector.broadcast %scan3A_14 : f32 to vector<16xf32>
      %mul3A_224 = arith.mulf %scan3A_128#12, %mul3A_223 : vector<16xf32>
      %swap3A_225 = arith.index_cast %scan3A_57 : i32 to index
      %swap3A_226 = arith.constant 192 : index
      %swap3A_227 = tpu.vector_load %arg8[%swap3A_225, %swap3A_226] {strides = array<i32>} : memref<32x300xf32, #tpu.memory_space<vmem>>, vector<1x16xf32>,
      %swap3A_228 = vector.shape_cast %swap3A_227 : vector<1x16xf32> to vector<16xf32>
      %swap3A_229 = vector.shape_cast %mul3A_224 : vector<16xf32> to vector<1x16xf32>
      tpu.vector_store %arg8[%swap3A_225, %swap3A_226], %swap3A_229 {strides = array<i32>} : memref<32x300xf32, #tpu.memory_space<vmem>>, vector<1x16xf32>,
      %mul3A_230 = vector.broadcast %scan3A_14 : f32 to vector<16xf32>
      %mul3A_231 = arith.mulf %scan3A_128#13, %mul3A_230 : vector<16xf32>
      %swap3A_232 = arith.index_cast %scan3A_57 : i32 to index
      %swap3A_233 = arith.constant 208 : index
      %swap3A_234 = tpu.vector_load %arg8[%swap3A_232, %swap3A_233] {strides = array<i32>} : memref<32x300xf32, #tpu.memory_space<vmem>>, vector<1x16xf32>,
      %swap3A_235 = vector.shape_cast %swap3A_234 : vector<1x16xf32> to vector<16xf32>
      %swap3A_236 = vector.shape_cast %mul3A_231 : vector<16xf32> to vector<1x16xf32>
      tpu.vector_store %arg8[%swap3A_232, %swap3A_233], %swap3A_236 {strides = array<i32>} : memref<32x300xf32, #tpu.memory_space<vmem>>, vector<1x16xf32>,
      %mul3A_237 = vector.broadcast %scan3A_14 : f32 to vector<16xf32>
      %mul3A_238 = arith.mulf %scan3A_128#14, %mul3A_237 : vector<16xf32>
      %swap3A_239 = arith.index_cast %scan3A_57 : i32 to index
      %swap3A_240 = arith.constant 224 : index
      %swap3A_241 = tpu.vector_load %arg8[%swap3A_239, %swap3A_240] {strides = array<i32>} : memref<32x300xf32, #tpu.memory_space<vmem>>, vector<1x16xf32>,
      %swap3A_242 = vector.shape_cast %swap3A_241 : vector<1x16xf32> to vector<16xf32>
      %swap3A_243 = vector.shape_cast %mul3A_238 : vector<16xf32> to vector<1x16xf32>
      tpu.vector_store %arg8[%swap3A_239, %swap3A_240], %swap3A_243 {strides = array<i32>} : memref<32x300xf32, #tpu.memory_space<vmem>>, vector<1x16xf32>,
      %mul3A_244 = vector.broadcast %scan3A_14 : f32 to vector<16xf32>
      %mul3A_245 = arith.mulf %scan3A_128#15, %mul3A_244 : vector<16xf32>
      %swap3A_246 = arith.index_cast %scan3A_57 : i32 to index
      %swap3A_247 = arith.constant 240 : index
      %swap3A_248 = tpu.vector_load %arg8[%swap3A_246, %swap3A_247] {strides = array<i32>} : memref<32x300xf32, #tpu.memory_space<vmem>>, vector<1x16xf32>,
      %swap3A_249 = vector.shape_cast %swap3A_248 : vector<1x16xf32> to vector<16xf32>
      %swap3A_250 = vector.shape_cast %mul3A_245 : vector<16xf32> to vector<1x16xf32>
      tpu.vector_store %arg8[%swap3A_246, %swap3A_247], %swap3A_250 {strides = array<i32>} : memref<32x300xf32, #tpu.memory_space<vmem>>, vector<1x16xf32>,
      %mul3A_251 = vector.broadcast %scan3A_14 : f32 to vector<16xf32>
      %mul3A_252 = arith.mulf %scan3A_128#16, %mul3A_251 : vector<16xf32>
      %swap3A_253 = arith.index_cast %scan3A_57 : i32 to index
      %swap3A_254 = arith.constant 256 : index
      %swap3A_255 = tpu.vector_load %arg8[%swap3A_253, %swap3A_254] {strides = array<i32>} : memref<32x300xf32, #tpu.memory_space<vmem>>, vector<1x16xf32>,
      %swap3A_256 = vector.shape_cast %swap3A_255 : vector<1x16xf32> to vector<16xf32>
      %swap3A_257 = vector.shape_cast %mul3A_252 : vector<16xf32> to vector<1x16xf32>
      tpu.vector_store %arg8[%swap3A_253, %swap3A_254], %swap3A_257 {strides = array<i32>} : memref<32x300xf32, #tpu.memory_space<vmem>>, vector<1x16xf32>,
      %mul3A_258 = vector.broadcast %scan3A_14 : f32 to vector<16xf32>
      %mul3A_259 = arith.mulf %scan3A_128#17, %mul3A_258 : vector<16xf32>
      %swap3A_260 = arith.index_cast %scan3A_57 : i32 to index
      %swap3A_261 = arith.constant 272 : index
      %swap3A_262 = tpu.vector_load %arg8[%swap3A_260, %swap3A_261] {strides = array<i32>} : memref<32x300xf32, #tpu.memory_space<vmem>>, vector<1x16xf32>,
      %swap3A_263 = vector.shape_cast %swap3A_262 : vector<1x16xf32> to vector<16xf32>
      %swap3A_264 = vector.shape_cast %mul3A_259 : vector<16xf32> to vector<1x16xf32>
      tpu.vector_store %arg8[%swap3A_260, %swap3A_261], %swap3A_264 {strides = array<i32>} : memref<32x300xf32, #tpu.memory_space<vmem>>, vector<1x16xf32>,
      %mul3A_265 = vector.broadcast %scan3A_14 : f32 to vector<16xf32>
      %mul3A_266 = arith.mulf %scan3A_128#18, %mul3A_265 : vector<16xf32>
      %swap3A_267 = arith.index_cast %scan3A_57 : i32 to index
      %swap3A_268 = arith.constant 284 : index
      %swap3A_269 = tpu.vector_load %arg8[%swap3A_267, %swap3A_268] {strides = array<i32>} : memref<32x300xf32, #tpu.memory_space<vmem>>, vector<1x16xf32>,
      %swap3A_270 = vector.shape_cast %swap3A_269 : vector<1x16xf32> to vector<16xf32>
      %swap3A_271 = vector.shape_cast %mul3A_266 : vector<16xf32> to vector<1x16xf32>
      tpu.vector_store %arg8[%swap3A_267, %swap3A_268], %swap3A_271 {strides = array<i32>} : memref<32x300xf32, #tpu.memory_space<vmem>>, vector<1x16xf32>,
    }
    %scan3A_19 = arith.constant 32 : i32
    %mul3A_20 = arith.constant 128 : i32
    %mul3A_21 = arith.muli %add3A, %mul3A_20 : i32
    %add3A_22 = arith.constant 0 : i32
    %add3A_23 = arith.addi %mul3A_21, %add3A_22 : i32
    "tpu.region"() ({
      %run_scoped3A = tpu.sem_alloc : memref<!tpu.dma_semaphore, #tpu.memory_space<semaphore_mem>>
      %dma_start3A_57 = arith.constant 0 : i32
      %dma_start3A_58 = tpu.memref_slice %arg4[%add3A_23, %dma_start3A_57] : memref<4096x300xf32, #tpu.memory_space<hbm>> -> memref<32x300xf32, #tpu.memory_space<hbm>>
      %dma_start3A_59 = arith.constant 0 : i32
      %dma_start3A_60 = tpu.memref_slice %arg4[%add3A_23, %dma_start3A_59] : memref<4096x300xf32, #tpu.memory_space<hbm>> -> memref<32x300xf32, #tpu.memory_space<hbm>>
      tpu.enqueue_dma source(%arg8 : memref<32x300xf32, #tpu.memory_space<vmem>>) target(%dma_start3A_60 : memref<32x300xf32, #tpu.memory_space<hbm>>) target_semaphore(%run_scoped3A : memref<!tpu.dma_semaphore, #tpu.memory_space<semaphore_mem>>)
      %dma_wait3A = arith.constant 0 : i32
      %dma_wait3A_61 = tpu.memref_slice %arg4[%add3A_23, %dma_wait3A] : memref<4096x300xf32, #tpu.memory_space<hbm>> -> memref<32x300xf32, #tpu.memory_space<hbm>>
      %dma_wait3A_62 = arith.constant 0 : i32
      %dma_wait3A_63 = tpu.memref_slice %arg4[%add3A_23, %dma_wait3A_62] : memref<4096x300xf32, #tpu.memory_space<hbm>> -> memref<32x300xf32, #tpu.memory_space<hbm>>
      tpu.wait_dma2 semaphore(%run_scoped3A : memref<!tpu.dma_semaphore, #tpu.memory_space<semaphore_mem>>) src(%arg8 : memref<32x300xf32, #tpu.memory_space<vmem>>) dst(%dma_wait3A_63 : memref<32x300xf32, #tpu.memory_space<hbm>>)
      tpu.yield
    }) : () -> ()
    %scan3A_24 = arith.constant 0 : i32
    %scan3A_25 = arith.constant 5.000000e-03 : f32
    %scan3A_26 = arith.constant 0 : i32
    %scan3A_27 = arith.constant 32 : i32
    %scan3A_28 = arith.addi %scan3A_26, %scan3A_27 : i32
    %scan3A_29 = arith.constant 1 : i32
    scf.for %scan3A_57 = %scan3A_26 to %scan3A_28 step %scan3A_29  : i32 {
      %add3A_58 = arith.constant 32 : i32
      %add3A_59 = arith.addi %add3A_58, %scan3A_57 : i32
      %broadcast_in_dim3A = arith.constant 0.000000e+00 : f32
      %broadcast_in_dim3A_60 = vector.broadcast %broadcast_in_dim3A : f32 to vector<16xf32>
      %broadcast_in_dim3A_61 = arith.constant 0.000000e+00 : f32
      %broadcast_in_dim3A_62 = vector.broadcast %broadcast_in_dim3A_61 : f32 to vector<16xf32>
      %broadcast_in_dim3A_63 = arith.constant 0.000000e+00 : f32
      %broadcast_in_dim3A_64 = vector.broadcast %broadcast_in_dim3A_63 : f32 to vector<16xf32>
      %broadcast_in_dim3A_65 = arith.constant 0.000000e+00 : f32
      %broadcast_in_dim3A_66 = vector.broadcast %broadcast_in_dim3A_65 : f32 to vector<16xf32>
      %broadcast_in_dim3A_67 = arith.constant 0.000000e+00 : f32
      %broadcast_in_dim3A_68 = vector.broadcast %broadcast_in_dim3A_67 : f32 to vector<16xf32>
      %broadcast_in_dim3A_69 = arith.constant 0.000000e+00 : f32
      %broadcast_in_dim3A_70 = vector.broadcast %broadcast_in_dim3A_69 : f32 to vector<16xf32>
      %broadcast_in_dim3A_71 = arith.constant 0.000000e+00 : f32
      %broadcast_in_dim3A_72 = vector.broadcast %broadcast_in_dim3A_71 : f32 to vector<16xf32>
      %broadcast_in_dim3A_73 = arith.constant 0.000000e+00 : f32
      %broadcast_in_dim3A_74 = vector.broadcast %broadcast_in_dim3A_73 : f32 to vector<16xf32>
      %broadcast_in_dim3A_75 = arith.constant 0.000000e+00 : f32
      %broadcast_in_dim3A_76 = vector.broadcast %broadcast_in_dim3A_75 : f32 to vector<16xf32>
      %broadcast_in_dim3A_77 = arith.constant 0.000000e+00 : f32
      %broadcast_in_dim3A_78 = vector.broadcast %broadcast_in_dim3A_77 : f32 to vector<16xf32>
      %broadcast_in_dim3A_79 = arith.constant 0.000000e+00 : f32
      %broadcast_in_dim3A_80 = vector.broadcast %broadcast_in_dim3A_79 : f32 to vector<16xf32>
      %broadcast_in_dim3A_81 = arith.constant 0.000000e+00 : f32
      %broadcast_in_dim3A_82 = vector.broadcast %broadcast_in_dim3A_81 : f32 to vector<16xf32>
      %broadcast_in_dim3A_83 = arith.constant 0.000000e+00 : f32
      %broadcast_in_dim3A_84 = vector.broadcast %broadcast_in_dim3A_83 : f32 to vector<16xf32>
      %broadcast_in_dim3A_85 = arith.constant 0.000000e+00 : f32
      %broadcast_in_dim3A_86 = vector.broadcast %broadcast_in_dim3A_85 : f32 to vector<16xf32>
      %broadcast_in_dim3A_87 = arith.constant 0.000000e+00 : f32
      %broadcast_in_dim3A_88 = vector.broadcast %broadcast_in_dim3A_87 : f32 to vector<16xf32>
      %broadcast_in_dim3A_89 = arith.constant 0.000000e+00 : f32
      %broadcast_in_dim3A_90 = vector.broadcast %broadcast_in_dim3A_89 : f32 to vector<16xf32>
      %broadcast_in_dim3A_91 = arith.constant 0.000000e+00 : f32
      %broadcast_in_dim3A_92 = vector.broadcast %broadcast_in_dim3A_91 : f32 to vector<16xf32>
      %broadcast_in_dim3A_93 = arith.constant 0.000000e+00 : f32
      %broadcast_in_dim3A_94 = vector.broadcast %broadcast_in_dim3A_93 : f32 to vector<16xf32>
      %broadcast_in_dim3A_95 = arith.constant 0.000000e+00 : f32
      %broadcast_in_dim3A_96 = vector.broadcast %broadcast_in_dim3A_95 : f32 to vector<16xf32>
      %mul3A_97 = arith.constant 200 : i32
      %mul3A_98 = arith.muli %add3A_59, %mul3A_97 : i32
      %dma_wait3A = tpu.memref_slice %arg5[%mul3A_98] : memref<25600xi32, #tpu.memory_space<vmem>> -> memref<104xi32, #tpu.memory_space<vmem>>
      %dma_wait3A_99 = arith.constant 0 : i32
      %dma_wait3A_100 = arith.constant 0 : i32
      %dma_wait3A_101 = tpu.memref_slice %arg3[%dma_wait3A_99, %dma_wait3A_100] : memref<100000x384xf32, #tpu.memory_space<hbm>> -> memref<100000x384xf32, #tpu.memory_space<hbm>>
      tpu.wait_indirect_dma semaphore(%arg9 : memref<!tpu.dma_semaphore, #tpu.memory_space<semaphore_mem>>) src(%dma_wait3A_101 : memref<100000x384xf32, #tpu.memory_space<hbm>>) dst(%arg6 : memref<104x384xf32, #tpu.memory_space<vmem>>)
      %scan3A_102 = arith.constant 0 : i32
      %scan3A_103 = arith.constant 104 : i32
      %scan3A_104 = arith.addi %scan3A_102, %scan3A_103 : i32
      %scan3A_105 = arith.constant 1 : i32
      %scan3A_106:19 = scf.for %scan3A_272 = %scan3A_102 to %scan3A_104 step %scan3A_105 iter_args(%scan3A_273 = %broadcast_in_dim3A_60, %scan3A_274 = %broadcast_in_dim3A_62, %scan3A_275 = %broadcast_in_dim3A_64, %scan3A_276 = %broadcast_in_dim3A_66, %scan3A_277 = %broadcast_in_dim3A_68, %scan3A_278 = %broadcast_in_dim3A_70, %scan3A_279 = %broadcast_in_dim3A_72, %scan3A_280 = %broadcast_in_dim3A_74, %scan3A_281 = %broadcast_in_dim3A_76, %scan3A_282 = %broadcast_in_dim3A_78, %scan3A_283 = %broadcast_in_dim3A_80, %scan3A_284 = %broadcast_in_dim3A_82, %scan3A_285 = %broadcast_in_dim3A_84, %scan3A_286 = %broadcast_in_dim3A_86, %scan3A_287 = %broadcast_in_dim3A_88, %scan3A_288 = %broadcast_in_dim3A_90, %scan3A_289 = %broadcast_in_dim3A_92, %scan3A_290 = %broadcast_in_dim3A_94, %scan3A_291 = %broadcast_in_dim3A_96) -> (vector<16xf32>, vector<16xf32>, vector<16xf32>, vector<16xf32>, vector<16xf32>, vector<16xf32>, vector<16xf32>, vector<16xf32>, vector<16xf32>, vector<16xf32>, vector<16xf32>, vector<16xf32>, vector<16xf32>, vector<16xf32>, vector<16xf32>, vector<16xf32>, vector<16xf32>, vector<16xf32>, vector<16xf32>)  : i32 {
        %get3A = arith.index_cast %scan3A_272 : i32 to index
        %get3A_292 = arith.constant 0 : index
        %get3A_293 = tpu.vector_load %arg6[%get3A, %get3A_292] {strides = array<i32>} : memref<104x384xf32, #tpu.memory_space<vmem>>, vector<1x16xf32>,
        %get3A_294 = vector.shape_cast %get3A_293 : vector<1x16xf32> to vector<16xf32>
        %add3A_295 = arith.addf %scan3A_273, %get3A_294 : vector<16xf32>
        %get3A_296 = arith.index_cast %scan3A_272 : i32 to index
        %get3A_297 = arith.constant 16 : index
        %get3A_298 = tpu.vector_load %arg6[%get3A_296, %get3A_297] {strides = array<i32>} : memref<104x384xf32, #tpu.memory_space<vmem>>, vector<1x16xf32>,
        %get3A_299 = vector.shape_cast %get3A_298 : vector<1x16xf32> to vector<16xf32>
        %add3A_300 = arith.addf %scan3A_274, %get3A_299 : vector<16xf32>
        %get3A_301 = arith.index_cast %scan3A_272 : i32 to index
        %get3A_302 = arith.constant 32 : index
        %get3A_303 = tpu.vector_load %arg6[%get3A_301, %get3A_302] {strides = array<i32>} : memref<104x384xf32, #tpu.memory_space<vmem>>, vector<1x16xf32>,
        %get3A_304 = vector.shape_cast %get3A_303 : vector<1x16xf32> to vector<16xf32>
        %add3A_305 = arith.addf %scan3A_275, %get3A_304 : vector<16xf32>
        %get3A_306 = arith.index_cast %scan3A_272 : i32 to index
        %get3A_307 = arith.constant 48 : index
        %get3A_308 = tpu.vector_load %arg6[%get3A_306, %get3A_307] {strides = array<i32>} : memref<104x384xf32, #tpu.memory_space<vmem>>, vector<1x16xf32>,
        %get3A_309 = vector.shape_cast %get3A_308 : vector<1x16xf32> to vector<16xf32>
        %add3A_310 = arith.addf %scan3A_276, %get3A_309 : vector<16xf32>
        %get3A_311 = arith.index_cast %scan3A_272 : i32 to index
        %get3A_312 = arith.constant 64 : index
        %get3A_313 = tpu.vector_load %arg6[%get3A_311, %get3A_312] {strides = array<i32>} : memref<104x384xf32, #tpu.memory_space<vmem>>, vector<1x16xf32>,
        %get3A_314 = vector.shape_cast %get3A_313 : vector<1x16xf32> to vector<16xf32>
        %add3A_315 = arith.addf %scan3A_277, %get3A_314 : vector<16xf32>
        %get3A_316 = arith.index_cast %scan3A_272 : i32 to index
        %get3A_317 = arith.constant 80 : index
        %get3A_318 = tpu.vector_load %arg6[%get3A_316, %get3A_317] {strides = array<i32>} : memref<104x384xf32, #tpu.memory_space<vmem>>, vector<1x16xf32>,
        %get3A_319 = vector.shape_cast %get3A_318 : vector<1x16xf32> to vector<16xf32>
        %add3A_320 = arith.addf %scan3A_278, %get3A_319 : vector<16xf32>
        %get3A_321 = arith.index_cast %scan3A_272 : i32 to index
        %get3A_322 = arith.constant 96 : index
        %get3A_323 = tpu.vector_load %arg6[%get3A_321, %get3A_322] {strides = array<i32>} : memref<104x384xf32, #tpu.memory_space<vmem>>, vector<1x16xf32>,
        %get3A_324 = vector.shape_cast %get3A_323 : vector<1x16xf32> to vector<16xf32>
        %add3A_325 = arith.addf %scan3A_279, %get3A_324 : vector<16xf32>
        %get3A_326 = arith.index_cast %scan3A_272 : i32 to index
        %get3A_327 = arith.constant 112 : index
        %get3A_328 = tpu.vector_load %arg6[%get3A_326, %get3A_327] {strides = array<i32>} : memref<104x384xf32, #tpu.memory_space<vmem>>, vector<1x16xf32>,
        %get3A_329 = vector.shape_cast %get3A_328 : vector<1x16xf32> to vector<16xf32>
        %add3A_330 = arith.addf %scan3A_280, %get3A_329 : vector<16xf32>
        %get3A_331 = arith.index_cast %scan3A_272 : i32 to index
        %get3A_332 = arith.constant 128 : index
        %get3A_333 = tpu.vector_load %arg6[%get3A_331, %get3A_332] {strides = array<i32>} : memref<104x384xf32, #tpu.memory_space<vmem>>, vector<1x16xf32>,
        %get3A_334 = vector.shape_cast %get3A_333 : vector<1x16xf32> to vector<16xf32>
        %add3A_335 = arith.addf %scan3A_281, %get3A_334 : vector<16xf32>
        %get3A_336 = arith.index_cast %scan3A_272 : i32 to index
        %get3A_337 = arith.constant 144 : index
        %get3A_338 = tpu.vector_load %arg6[%get3A_336, %get3A_337] {strides = array<i32>} : memref<104x384xf32, #tpu.memory_space<vmem>>, vector<1x16xf32>,
        %get3A_339 = vector.shape_cast %get3A_338 : vector<1x16xf32> to vector<16xf32>
        %add3A_340 = arith.addf %scan3A_282, %get3A_339 : vector<16xf32>
        %get3A_341 = arith.index_cast %scan3A_272 : i32 to index
        %get3A_342 = arith.constant 160 : index
        %get3A_343 = tpu.vector_load %arg6[%get3A_341, %get3A_342] {strides = array<i32>} : memref<104x384xf32, #tpu.memory_space<vmem>>, vector<1x16xf32>,
        %get3A_344 = vector.shape_cast %get3A_343 : vector<1x16xf32> to vector<16xf32>
        %add3A_345 = arith.addf %scan3A_283, %get3A_344 : vector<16xf32>
        %get3A_346 = arith.index_cast %scan3A_272 : i32 to index
        %get3A_347 = arith.constant 176 : index
        %get3A_348 = tpu.vector_load %arg6[%get3A_346, %get3A_347] {strides = array<i32>} : memref<104x384xf32, #tpu.memory_space<vmem>>, vector<1x16xf32>,
        %get3A_349 = vector.shape_cast %get3A_348 : vector<1x16xf32> to vector<16xf32>
        %add3A_350 = arith.addf %scan3A_284, %get3A_349 : vector<16xf32>
        %get3A_351 = arith.index_cast %scan3A_272 : i32 to index
        %get3A_352 = arith.constant 192 : index
        %get3A_353 = tpu.vector_load %arg6[%get3A_351, %get3A_352] {strides = array<i32>} : memref<104x384xf32, #tpu.memory_space<vmem>>, vector<1x16xf32>,
        %get3A_354 = vector.shape_cast %get3A_353 : vector<1x16xf32> to vector<16xf32>
        %add3A_355 = arith.addf %scan3A_285, %get3A_354 : vector<16xf32>
        %get3A_356 = arith.index_cast %scan3A_272 : i32 to index
        %get3A_357 = arith.constant 208 : index
        %get3A_358 = tpu.vector_load %arg6[%get3A_356, %get3A_357] {strides = array<i32>} : memref<104x384xf32, #tpu.memory_space<vmem>>, vector<1x16xf32>,
        %get3A_359 = vector.shape_cast %get3A_358 : vector<1x16xf32> to vector<16xf32>
        %add3A_360 = arith.addf %scan3A_286, %get3A_359 : vector<16xf32>
        %get3A_361 = arith.index_cast %scan3A_272 : i32 to index
        %get3A_362 = arith.constant 224 : index
        %get3A_363 = tpu.vector_load %arg6[%get3A_361, %get3A_362] {strides = array<i32>} : memref<104x384xf32, #tpu.memory_space<vmem>>, vector<1x16xf32>,
        %get3A_364 = vector.shape_cast %get3A_363 : vector<1x16xf32> to vector<16xf32>
        %add3A_365 = arith.addf %scan3A_287, %get3A_364 : vector<16xf32>
        %get3A_366 = arith.index_cast %scan3A_272 : i32 to index
        %get3A_367 = arith.constant 240 : index
        %get3A_368 = tpu.vector_load %arg6[%get3A_366, %get3A_367] {strides = array<i32>} : memref<104x384xf32, #tpu.memory_space<vmem>>, vector<1x16xf32>,
        %get3A_369 = vector.shape_cast %get3A_368 : vector<1x16xf32> to vector<16xf32>
        %add3A_370 = arith.addf %scan3A_288, %get3A_369 : vector<16xf32>
        %get3A_371 = arith.index_cast %scan3A_272 : i32 to index
        %get3A_372 = arith.constant 256 : index
        %get3A_373 = tpu.vector_load %arg6[%get3A_371, %get3A_372] {strides = array<i32>} : memref<104x384xf32, #tpu.memory_space<vmem>>, vector<1x16xf32>,
        %get3A_374 = vector.shape_cast %get3A_373 : vector<1x16xf32> to vector<16xf32>
        %add3A_375 = arith.addf %scan3A_289, %get3A_374 : vector<16xf32>
        %get3A_376 = arith.index_cast %scan3A_272 : i32 to index
        %get3A_377 = arith.constant 272 : index
        %get3A_378 = tpu.vector_load %arg6[%get3A_376, %get3A_377] {strides = array<i32>} : memref<104x384xf32, #tpu.memory_space<vmem>>, vector<1x16xf32>,
        %get3A_379 = vector.shape_cast %get3A_378 : vector<1x16xf32> to vector<16xf32>
        %add3A_380 = arith.addf %scan3A_290, %get3A_379 : vector<16xf32>
        %get3A_381 = arith.index_cast %scan3A_272 : i32 to index
        %get3A_382 = arith.constant 284 : index
        %get3A_383 = tpu.vector_load %arg6[%get3A_381, %get3A_382] {strides = array<i32>} : memref<104x384xf32, #tpu.memory_space<vmem>>, vector<1x16xf32>,
        %get3A_384 = vector.shape_cast %get3A_383 : vector<1x16xf32> to vector<16xf32>
        %add3A_385 = arith.addf %scan3A_291, %get3A_384 : vector<16xf32>
        scf.yield %add3A_295, %add3A_300, %add3A_305, %add3A_310, %add3A_315, %add3A_320, %add3A_325, %add3A_330, %add3A_335, %add3A_340, %add3A_345, %add3A_350, %add3A_355, %add3A_360, %add3A_365, %add3A_370, %add3A_375, %add3A_380, %add3A_385 : vector<16xf32>, vector<16xf32>, vector<16xf32>, vector<16xf32>, vector<16xf32>, vector<16xf32>, vector<16xf32>, vector<16xf32>, vector<16xf32>, vector<16xf32>, vector<16xf32>, vector<16xf32>, vector<16xf32>, vector<16xf32>, vector<16xf32>, vector<16xf32>, vector<16xf32>, vector<16xf32>, vector<16xf32>
      }
      %scan3A_107 = arith.constant 104 : i32
      %add3A_108 = arith.constant 1 : i32
      %add3A_109 = arith.addi %add3A_59, %add3A_108 : i32
      %mul3A_110 = arith.constant 200 : i32
      %mul3A_111 = arith.muli %add3A_109, %mul3A_110 : i32
      %dma_start3A_112 = tpu.memref_slice %arg5[%mul3A_111] : memref<25600xi32, #tpu.memory_space<vmem>> -> memref<104xi32, #tpu.memory_space<vmem>>
      %dma_start3A_113 = arith.constant 0 : i32
      %dma_start3A_114 = arith.constant 0 : i32
      %dma_start3A_115 = tpu.memref_slice %arg3[%dma_start3A_113, %dma_start3A_114] : memref<100000x384xf32, #tpu.memory_space<hbm>> -> memref<100000x384xf32, #tpu.memory_space<hbm>>
      tpu.enqueue_indirect_dma source(%dma_start3A_115 : memref<100000x384xf32, #tpu.memory_space<hbm>>) target(%arg6 : memref<104x384xf32, #tpu.memory_space<vmem>>) offsets(%dma_start3A_112 : memref<104xi32, #tpu.memory_space<vmem>>) semaphore(%arg9 : memref<!tpu.dma_semaphore, #tpu.memory_space<semaphore_mem>>)
      %mul3A_116 = arith.constant 200 : i32
      %mul3A_117 = arith.muli %add3A_59, %mul3A_116 : i32
      %add3A_118 = arith.constant 104 : i32
      %add3A_119 = arith.addi %mul3A_117, %add3A_118 : i32
      %dma_wait3A_120 = tpu.memref_slice %arg5[%add3A_119] : memref<25600xi32, #tpu.memory_space<vmem>> -> memref<96xi32, #tpu.memory_space<vmem>>
      %dma_wait3A_121 = arith.constant 0 : i32
      %dma_wait3A_122 = arith.constant 0 : i32
      %dma_wait3A_123 = tpu.memref_slice %arg3[%dma_wait3A_121, %dma_wait3A_122] : memref<100000x384xf32, #tpu.memory_space<hbm>> -> memref<100000x384xf32, #tpu.memory_space<hbm>>
      tpu.wait_indirect_dma semaphore(%arg10 : memref<!tpu.dma_semaphore, #tpu.memory_space<semaphore_mem>>) src(%dma_wait3A_123 : memref<100000x384xf32, #tpu.memory_space<hbm>>) dst(%arg7 : memref<96x384xf32, #tpu.memory_space<vmem>>)
      %scan3A_124 = arith.constant 0 : i32
      %scan3A_125 = arith.constant 96 : i32
      %scan3A_126 = arith.addi %scan3A_124, %scan3A_125 : i32
      %scan3A_127 = arith.constant 1 : i32
      %scan3A_128:19 = scf.for %scan3A_272 = %scan3A_124 to %scan3A_126 step %scan3A_127 iter_args(%scan3A_273 = %scan3A_106#0, %scan3A_274 = %scan3A_106#1, %scan3A_275 = %scan3A_106#2, %scan3A_276 = %scan3A_106#3, %scan3A_277 = %scan3A_106#4, %scan3A_278 = %scan3A_106#5, %scan3A_279 = %scan3A_106#6, %scan3A_280 = %scan3A_106#7, %scan3A_281 = %scan3A_106#8, %scan3A_282 = %scan3A_106#9, %scan3A_283 = %scan3A_106#10, %scan3A_284 = %scan3A_106#11, %scan3A_285 = %scan3A_106#12, %scan3A_286 = %scan3A_106#13, %scan3A_287 = %scan3A_106#14, %scan3A_288 = %scan3A_106#15, %scan3A_289 = %scan3A_106#16, %scan3A_290 = %scan3A_106#17, %scan3A_291 = %scan3A_106#18) -> (vector<16xf32>, vector<16xf32>, vector<16xf32>, vector<16xf32>, vector<16xf32>, vector<16xf32>, vector<16xf32>, vector<16xf32>, vector<16xf32>, vector<16xf32>, vector<16xf32>, vector<16xf32>, vector<16xf32>, vector<16xf32>, vector<16xf32>, vector<16xf32>, vector<16xf32>, vector<16xf32>, vector<16xf32>)  : i32 {
        %get3A = arith.index_cast %scan3A_272 : i32 to index
        %get3A_292 = arith.constant 0 : index
        %get3A_293 = tpu.vector_load %arg7[%get3A, %get3A_292] {strides = array<i32>} : memref<96x384xf32, #tpu.memory_space<vmem>>, vector<1x16xf32>,
        %get3A_294 = vector.shape_cast %get3A_293 : vector<1x16xf32> to vector<16xf32>
        %add3A_295 = arith.addf %scan3A_273, %get3A_294 : vector<16xf32>
        %get3A_296 = arith.index_cast %scan3A_272 : i32 to index
        %get3A_297 = arith.constant 16 : index
        %get3A_298 = tpu.vector_load %arg7[%get3A_296, %get3A_297] {strides = array<i32>} : memref<96x384xf32, #tpu.memory_space<vmem>>, vector<1x16xf32>,
        %get3A_299 = vector.shape_cast %get3A_298 : vector<1x16xf32> to vector<16xf32>
        %add3A_300 = arith.addf %scan3A_274, %get3A_299 : vector<16xf32>
        %get3A_301 = arith.index_cast %scan3A_272 : i32 to index
        %get3A_302 = arith.constant 32 : index
        %get3A_303 = tpu.vector_load %arg7[%get3A_301, %get3A_302] {strides = array<i32>} : memref<96x384xf32, #tpu.memory_space<vmem>>, vector<1x16xf32>,
        %get3A_304 = vector.shape_cast %get3A_303 : vector<1x16xf32> to vector<16xf32>
        %add3A_305 = arith.addf %scan3A_275, %get3A_304 : vector<16xf32>
        %get3A_306 = arith.index_cast %scan3A_272 : i32 to index
        %get3A_307 = arith.constant 48 : index
        %get3A_308 = tpu.vector_load %arg7[%get3A_306, %get3A_307] {strides = array<i32>} : memref<96x384xf32, #tpu.memory_space<vmem>>, vector<1x16xf32>,
        %get3A_309 = vector.shape_cast %get3A_308 : vector<1x16xf32> to vector<16xf32>
        %add3A_310 = arith.addf %scan3A_276, %get3A_309 : vector<16xf32>
        %get3A_311 = arith.index_cast %scan3A_272 : i32 to index
        %get3A_312 = arith.constant 64 : index
        %get3A_313 = tpu.vector_load %arg7[%get3A_311, %get3A_312] {strides = array<i32>} : memref<96x384xf32, #tpu.memory_space<vmem>>, vector<1x16xf32>,
        %get3A_314 = vector.shape_cast %get3A_313 : vector<1x16xf32> to vector<16xf32>
        %add3A_315 = arith.addf %scan3A_277, %get3A_314 : vector<16xf32>
        %get3A_316 = arith.index_cast %scan3A_272 : i32 to index
        %get3A_317 = arith.constant 80 : index
        %get3A_318 = tpu.vector_load %arg7[%get3A_316, %get3A_317] {strides = array<i32>} : memref<96x384xf32, #tpu.memory_space<vmem>>, vector<1x16xf32>,
        %get3A_319 = vector.shape_cast %get3A_318 : vector<1x16xf32> to vector<16xf32>
        %add3A_320 = arith.addf %scan3A_278, %get3A_319 : vector<16xf32>
        %get3A_321 = arith.index_cast %scan3A_272 : i32 to index
        %get3A_322 = arith.constant 96 : index
        %get3A_323 = tpu.vector_load %arg7[%get3A_321, %get3A_322] {strides = array<i32>} : memref<96x384xf32, #tpu.memory_space<vmem>>, vector<1x16xf32>,
        %get3A_324 = vector.shape_cast %get3A_323 : vector<1x16xf32> to vector<16xf32>
        %add3A_325 = arith.addf %scan3A_279, %get3A_324 : vector<16xf32>
        %get3A_326 = arith.index_cast %scan3A_272 : i32 to index
        %get3A_327 = arith.constant 112 : index
        %get3A_328 = tpu.vector_load %arg7[%get3A_326, %get3A_327] {strides = array<i32>} : memref<96x384xf32, #tpu.memory_space<vmem>>, vector<1x16xf32>,
        %get3A_329 = vector.shape_cast %get3A_328 : vector<1x16xf32> to vector<16xf32>
        %add3A_330 = arith.addf %scan3A_280, %get3A_329 : vector<16xf32>
        %get3A_331 = arith.index_cast %scan3A_272 : i32 to index
        %get3A_332 = arith.constant 128 : index
        %get3A_333 = tpu.vector_load %arg7[%get3A_331, %get3A_332] {strides = array<i32>} : memref<96x384xf32, #tpu.memory_space<vmem>>, vector<1x16xf32>,
        %get3A_334 = vector.shape_cast %get3A_333 : vector<1x16xf32> to vector<16xf32>
        %add3A_335 = arith.addf %scan3A_281, %get3A_334 : vector<16xf32>
        %get3A_336 = arith.index_cast %scan3A_272 : i32 to index
        %get3A_337 = arith.constant 144 : index
        %get3A_338 = tpu.vector_load %arg7[%get3A_336, %get3A_337] {strides = array<i32>} : memref<96x384xf32, #tpu.memory_space<vmem>>, vector<1x16xf32>,
        %get3A_339 = vector.shape_cast %get3A_338 : vector<1x16xf32> to vector<16xf32>
        %add3A_340 = arith.addf %scan3A_282, %get3A_339 : vector<16xf32>
        %get3A_341 = arith.index_cast %scan3A_272 : i32 to index
        %get3A_342 = arith.constant 160 : index
        %get3A_343 = tpu.vector_load %arg7[%get3A_341, %get3A_342] {strides = array<i32>} : memref<96x384xf32, #tpu.memory_space<vmem>>, vector<1x16xf32>,
        %get3A_344 = vector.shape_cast %get3A_343 : vector<1x16xf32> to vector<16xf32>
        %add3A_345 = arith.addf %scan3A_283, %get3A_344 : vector<16xf32>
        %get3A_346 = arith.index_cast %scan3A_272 : i32 to index
        %get3A_347 = arith.constant 176 : index
        %get3A_348 = tpu.vector_load %arg7[%get3A_346, %get3A_347] {strides = array<i32>} : memref<96x384xf32, #tpu.memory_space<vmem>>, vector<1x16xf32>,
        %get3A_349 = vector.shape_cast %get3A_348 : vector<1x16xf32> to vector<16xf32>
        %add3A_350 = arith.addf %scan3A_284, %get3A_349 : vector<16xf32>
        %get3A_351 = arith.index_cast %scan3A_272 : i32 to index
        %get3A_352 = arith.constant 192 : index
        %get3A_353 = tpu.vector_load %arg7[%get3A_351, %get3A_352] {strides = array<i32>} : memref<96x384xf32, #tpu.memory_space<vmem>>, vector<1x16xf32>,
        %get3A_354 = vector.shape_cast %get3A_353 : vector<1x16xf32> to vector<16xf32>
        %add3A_355 = arith.addf %scan3A_285, %get3A_354 : vector<16xf32>
        %get3A_356 = arith.index_cast %scan3A_272 : i32 to index
        %get3A_357 = arith.constant 208 : index
        %get3A_358 = tpu.vector_load %arg7[%get3A_356, %get3A_357] {strides = array<i32>} : memref<96x384xf32, #tpu.memory_space<vmem>>, vector<1x16xf32>,
        %get3A_359 = vector.shape_cast %get3A_358 : vector<1x16xf32> to vector<16xf32>
        %add3A_360 = arith.addf %scan3A_286, %get3A_359 : vector<16xf32>
        %get3A_361 = arith.index_cast %scan3A_272 : i32 to index
        %get3A_362 = arith.constant 224 : index
        %get3A_363 = tpu.vector_load %arg7[%get3A_361, %get3A_362] {strides = array<i32>} : memref<96x384xf32, #tpu.memory_space<vmem>>, vector<1x16xf32>,
        %get3A_364 = vector.shape_cast %get3A_363 : vector<1x16xf32> to vector<16xf32>
        %add3A_365 = arith.addf %scan3A_287, %get3A_364 : vector<16xf32>
        %get3A_366 = arith.index_cast %scan3A_272 : i32 to index
        %get3A_367 = arith.constant 240 : index
        %get3A_368 = tpu.vector_load %arg7[%get3A_366, %get3A_367] {strides = array<i32>} : memref<96x384xf32, #tpu.memory_space<vmem>>, vector<1x16xf32>,
        %get3A_369 = vector.shape_cast %get3A_368 : vector<1x16xf32> to vector<16xf32>
        %add3A_370 = arith.addf %scan3A_288, %get3A_369 : vector<16xf32>
        %get3A_371 = arith.index_cast %scan3A_272 : i32 to index
        %get3A_372 = arith.constant 256 : index
        %get3A_373 = tpu.vector_load %arg7[%get3A_371, %get3A_372] {strides = array<i32>} : memref<96x384xf32, #tpu.memory_space<vmem>>, vector<1x16xf32>,
        %get3A_374 = vector.shape_cast %get3A_373 : vector<1x16xf32> to vector<16xf32>
        %add3A_375 = arith.addf %scan3A_289, %get3A_374 : vector<16xf32>
        %get3A_376 = arith.index_cast %scan3A_272 : i32 to index
        %get3A_377 = arith.constant 272 : index
        %get3A_378 = tpu.vector_load %arg7[%get3A_376, %get3A_377] {strides = array<i32>} : memref<96x384xf32, #tpu.memory_space<vmem>>, vector<1x16xf32>,
        %get3A_379 = vector.shape_cast %get3A_378 : vector<1x16xf32> to vector<16xf32>
        %add3A_380 = arith.addf %scan3A_290, %get3A_379 : vector<16xf32>
        %get3A_381 = arith.index_cast %scan3A_272 : i32 to index
        %get3A_382 = arith.constant 284 : index
        %get3A_383 = tpu.vector_load %arg7[%get3A_381, %get3A_382] {strides = array<i32>} : memref<96x384xf32, #tpu.memory_space<vmem>>, vector<1x16xf32>,
        %get3A_384 = vector.shape_cast %get3A_383 : vector<1x16xf32> to vector<16xf32>
        %add3A_385 = arith.addf %scan3A_291, %get3A_384 : vector<16xf32>
        scf.yield %add3A_295, %add3A_300, %add3A_305, %add3A_310, %add3A_315, %add3A_320, %add3A_325, %add3A_330, %add3A_335, %add3A_340, %add3A_345, %add3A_350, %add3A_355, %add3A_360, %add3A_365, %add3A_370, %add3A_375, %add3A_380, %add3A_385 : vector<16xf32>, vector<16xf32>, vector<16xf32>, vector<16xf32>, vector<16xf32>, vector<16xf32>, vector<16xf32>, vector<16xf32>, vector<16xf32>, vector<16xf32>, vector<16xf32>, vector<16xf32>, vector<16xf32>, vector<16xf32>, vector<16xf32>, vector<16xf32>, vector<16xf32>, vector<16xf32>, vector<16xf32>
      }
      %scan3A_129 = arith.constant 96 : i32
      %add3A_130 = arith.constant 1 : i32
      %add3A_131 = arith.addi %add3A_59, %add3A_130 : i32
      %mul3A_132 = arith.constant 200 : i32
      %mul3A_133 = arith.muli %add3A_131, %mul3A_132 : i32
      %add3A_134 = arith.constant 104 : i32
      %add3A_135 = arith.addi %mul3A_133, %add3A_134 : i32
      %dma_start3A_136 = tpu.memref_slice %arg5[%add3A_135] : memref<25600xi32, #tpu.memory_space<vmem>> -> memref<96xi32, #tpu.memory_space<vmem>>
      %dma_start3A_137 = arith.constant 0 : i32
      %dma_start3A_138 = arith.constant 0 : i32
      %dma_start3A_139 = tpu.memref_slice %arg3[%dma_start3A_137, %dma_start3A_138] : memref<100000x384xf32, #tpu.memory_space<hbm>> -> memref<100000x384xf32, #tpu.memory_space<hbm>>
      tpu.enqueue_indirect_dma source(%dma_start3A_139 : memref<100000x384xf32, #tpu.memory_space<hbm>>) target(%arg7 : memref<96x384xf32, #tpu.memory_space<vmem>>) offsets(%dma_start3A_136 : memref<96xi32, #tpu.memory_space<vmem>>) semaphore(%arg10 : memref<!tpu.dma_semaphore, #tpu.memory_space<semaphore_mem>>)
      %mul3A_140 = vector.broadcast %scan3A_25 : f32 to vector<16xf32>
      %mul3A_141 = arith.mulf %scan3A_128#0, %mul3A_140 : vector<16xf32>
      %swap3A = arith.index_cast %scan3A_57 : i32 to index
      %swap3A_142 = arith.constant 0 : index
      %swap3A_143 = tpu.vector_load %arg8[%swap3A, %swap3A_142] {strides = array<i32>} : memref<32x300xf32, #tpu.memory_space<vmem>>, vector<1x16xf32>,
      %swap3A_144 = vector.shape_cast %swap3A_143 : vector<1x16xf32> to vector<16xf32>
      %swap3A_145 = vector.shape_cast %mul3A_141 : vector<16xf32> to vector<1x16xf32>
      tpu.vector_store %arg8[%swap3A, %swap3A_142], %swap3A_145 {strides = array<i32>} : memref<32x300xf32, #tpu.memory_space<vmem>>, vector<1x16xf32>,
      %mul3A_146 = vector.broadcast %scan3A_25 : f32 to vector<16xf32>
      %mul3A_147 = arith.mulf %scan3A_128#1, %mul3A_146 : vector<16xf32>
      %swap3A_148 = arith.index_cast %scan3A_57 : i32 to index
      %swap3A_149 = arith.constant 16 : index
      %swap3A_150 = tpu.vector_load %arg8[%swap3A_148, %swap3A_149] {strides = array<i32>} : memref<32x300xf32, #tpu.memory_space<vmem>>, vector<1x16xf32>,
      %swap3A_151 = vector.shape_cast %swap3A_150 : vector<1x16xf32> to vector<16xf32>
      %swap3A_152 = vector.shape_cast %mul3A_147 : vector<16xf32> to vector<1x16xf32>
      tpu.vector_store %arg8[%swap3A_148, %swap3A_149], %swap3A_152 {strides = array<i32>} : memref<32x300xf32, #tpu.memory_space<vmem>>, vector<1x16xf32>,
      %mul3A_153 = vector.broadcast %scan3A_25 : f32 to vector<16xf32>
      %mul3A_154 = arith.mulf %scan3A_128#2, %mul3A_153 : vector<16xf32>
      %swap3A_155 = arith.index_cast %scan3A_57 : i32 to index
      %swap3A_156 = arith.constant 32 : index
      %swap3A_157 = tpu.vector_load %arg8[%swap3A_155, %swap3A_156] {strides = array<i32>} : memref<32x300xf32, #tpu.memory_space<vmem>>, vector<1x16xf32>,
      %swap3A_158 = vector.shape_cast %swap3A_157 : vector<1x16xf32> to vector<16xf32>
      %swap3A_159 = vector.shape_cast %mul3A_154 : vector<16xf32> to vector<1x16xf32>
      tpu.vector_store %arg8[%swap3A_155, %swap3A_156], %swap3A_159 {strides = array<i32>} : memref<32x300xf32, #tpu.memory_space<vmem>>, vector<1x16xf32>,
      %mul3A_160 = vector.broadcast %scan3A_25 : f32 to vector<16xf32>
      %mul3A_161 = arith.mulf %scan3A_128#3, %mul3A_160 : vector<16xf32>
      %swap3A_162 = arith.index_cast %scan3A_57 : i32 to index
      %swap3A_163 = arith.constant 48 : index
      %swap3A_164 = tpu.vector_load %arg8[%swap3A_162, %swap3A_163] {strides = array<i32>} : memref<32x300xf32, #tpu.memory_space<vmem>>, vector<1x16xf32>,
      %swap3A_165 = vector.shape_cast %swap3A_164 : vector<1x16xf32> to vector<16xf32>
      %swap3A_166 = vector.shape_cast %mul3A_161 : vector<16xf32> to vector<1x16xf32>
      tpu.vector_store %arg8[%swap3A_162, %swap3A_163], %swap3A_166 {strides = array<i32>} : memref<32x300xf32, #tpu.memory_space<vmem>>, vector<1x16xf32>,
      %mul3A_167 = vector.broadcast %scan3A_25 : f32 to vector<16xf32>
      %mul3A_168 = arith.mulf %scan3A_128#4, %mul3A_167 : vector<16xf32>
      %swap3A_169 = arith.index_cast %scan3A_57 : i32 to index
      %swap3A_170 = arith.constant 64 : index
      %swap3A_171 = tpu.vector_load %arg8[%swap3A_169, %swap3A_170] {strides = array<i32>} : memref<32x300xf32, #tpu.memory_space<vmem>>, vector<1x16xf32>,
      %swap3A_172 = vector.shape_cast %swap3A_171 : vector<1x16xf32> to vector<16xf32>
      %swap3A_173 = vector.shape_cast %mul3A_168 : vector<16xf32> to vector<1x16xf32>
      tpu.vector_store %arg8[%swap3A_169, %swap3A_170], %swap3A_173 {strides = array<i32>} : memref<32x300xf32, #tpu.memory_space<vmem>>, vector<1x16xf32>,
      %mul3A_174 = vector.broadcast %scan3A_25 : f32 to vector<16xf32>
      %mul3A_175 = arith.mulf %scan3A_128#5, %mul3A_174 : vector<16xf32>
      %swap3A_176 = arith.index_cast %scan3A_57 : i32 to index
      %swap3A_177 = arith.constant 80 : index
      %swap3A_178 = tpu.vector_load %arg8[%swap3A_176, %swap3A_177] {strides = array<i32>} : memref<32x300xf32, #tpu.memory_space<vmem>>, vector<1x16xf32>,
      %swap3A_179 = vector.shape_cast %swap3A_178 : vector<1x16xf32> to vector<16xf32>
      %swap3A_180 = vector.shape_cast %mul3A_175 : vector<16xf32> to vector<1x16xf32>
      tpu.vector_store %arg8[%swap3A_176, %swap3A_177], %swap3A_180 {strides = array<i32>} : memref<32x300xf32, #tpu.memory_space<vmem>>, vector<1x16xf32>,
      %mul3A_181 = vector.broadcast %scan3A_25 : f32 to vector<16xf32>
      %mul3A_182 = arith.mulf %scan3A_128#6, %mul3A_181 : vector<16xf32>
      %swap3A_183 = arith.index_cast %scan3A_57 : i32 to index
      %swap3A_184 = arith.constant 96 : index
      %swap3A_185 = tpu.vector_load %arg8[%swap3A_183, %swap3A_184] {strides = array<i32>} : memref<32x300xf32, #tpu.memory_space<vmem>>, vector<1x16xf32>,
      %swap3A_186 = vector.shape_cast %swap3A_185 : vector<1x16xf32> to vector<16xf32>
      %swap3A_187 = vector.shape_cast %mul3A_182 : vector<16xf32> to vector<1x16xf32>
      tpu.vector_store %arg8[%swap3A_183, %swap3A_184], %swap3A_187 {strides = array<i32>} : memref<32x300xf32, #tpu.memory_space<vmem>>, vector<1x16xf32>,
      %mul3A_188 = vector.broadcast %scan3A_25 : f32 to vector<16xf32>
      %mul3A_189 = arith.mulf %scan3A_128#7, %mul3A_188 : vector<16xf32>
      %swap3A_190 = arith.index_cast %scan3A_57 : i32 to index
      %swap3A_191 = arith.constant 112 : index
      %swap3A_192 = tpu.vector_load %arg8[%swap3A_190, %swap3A_191] {strides = array<i32>} : memref<32x300xf32, #tpu.memory_space<vmem>>, vector<1x16xf32>,
      %swap3A_193 = vector.shape_cast %swap3A_192 : vector<1x16xf32> to vector<16xf32>
      %swap3A_194 = vector.shape_cast %mul3A_189 : vector<16xf32> to vector<1x16xf32>
      tpu.vector_store %arg8[%swap3A_190, %swap3A_191], %swap3A_194 {strides = array<i32>} : memref<32x300xf32, #tpu.memory_space<vmem>>, vector<1x16xf32>,
      %mul3A_195 = vector.broadcast %scan3A_25 : f32 to vector<16xf32>
      %mul3A_196 = arith.mulf %scan3A_128#8, %mul3A_195 : vector<16xf32>
      %swap3A_197 = arith.index_cast %scan3A_57 : i32 to index
      %swap3A_198 = arith.constant 128 : index
      %swap3A_199 = tpu.vector_load %arg8[%swap3A_197, %swap3A_198] {strides = array<i32>} : memref<32x300xf32, #tpu.memory_space<vmem>>, vector<1x16xf32>,
      %swap3A_200 = vector.shape_cast %swap3A_199 : vector<1x16xf32> to vector<16xf32>
      %swap3A_201 = vector.shape_cast %mul3A_196 : vector<16xf32> to vector<1x16xf32>
      tpu.vector_store %arg8[%swap3A_197, %swap3A_198], %swap3A_201 {strides = array<i32>} : memref<32x300xf32, #tpu.memory_space<vmem>>, vector<1x16xf32>,
      %mul3A_202 = vector.broadcast %scan3A_25 : f32 to vector<16xf32>
      %mul3A_203 = arith.mulf %scan3A_128#9, %mul3A_202 : vector<16xf32>
      %swap3A_204 = arith.index_cast %scan3A_57 : i32 to index
      %swap3A_205 = arith.constant 144 : index
      %swap3A_206 = tpu.vector_load %arg8[%swap3A_204, %swap3A_205] {strides = array<i32>} : memref<32x300xf32, #tpu.memory_space<vmem>>, vector<1x16xf32>,
      %swap3A_207 = vector.shape_cast %swap3A_206 : vector<1x16xf32> to vector<16xf32>
      %swap3A_208 = vector.shape_cast %mul3A_203 : vector<16xf32> to vector<1x16xf32>
      tpu.vector_store %arg8[%swap3A_204, %swap3A_205], %swap3A_208 {strides = array<i32>} : memref<32x300xf32, #tpu.memory_space<vmem>>, vector<1x16xf32>,
      %mul3A_209 = vector.broadcast %scan3A_25 : f32 to vector<16xf32>
      %mul3A_210 = arith.mulf %scan3A_128#10, %mul3A_209 : vector<16xf32>
      %swap3A_211 = arith.index_cast %scan3A_57 : i32 to index
      %swap3A_212 = arith.constant 160 : index
      %swap3A_213 = tpu.vector_load %arg8[%swap3A_211, %swap3A_212] {strides = array<i32>} : memref<32x300xf32, #tpu.memory_space<vmem>>, vector<1x16xf32>,
      %swap3A_214 = vector.shape_cast %swap3A_213 : vector<1x16xf32> to vector<16xf32>
      %swap3A_215 = vector.shape_cast %mul3A_210 : vector<16xf32> to vector<1x16xf32>
      tpu.vector_store %arg8[%swap3A_211, %swap3A_212], %swap3A_215 {strides = array<i32>} : memref<32x300xf32, #tpu.memory_space<vmem>>, vector<1x16xf32>,
      %mul3A_216 = vector.broadcast %scan3A_25 : f32 to vector<16xf32>
      %mul3A_217 = arith.mulf %scan3A_128#11, %mul3A_216 : vector<16xf32>
      %swap3A_218 = arith.index_cast %scan3A_57 : i32 to index
      %swap3A_219 = arith.constant 176 : index
      %swap3A_220 = tpu.vector_load %arg8[%swap3A_218, %swap3A_219] {strides = array<i32>} : memref<32x300xf32, #tpu.memory_space<vmem>>, vector<1x16xf32>,
      %swap3A_221 = vector.shape_cast %swap3A_220 : vector<1x16xf32> to vector<16xf32>
      %swap3A_222 = vector.shape_cast %mul3A_217 : vector<16xf32> to vector<1x16xf32>
      tpu.vector_store %arg8[%swap3A_218, %swap3A_219], %swap3A_222 {strides = array<i32>} : memref<32x300xf32, #tpu.memory_space<vmem>>, vector<1x16xf32>,
      %mul3A_223 = vector.broadcast %scan3A_25 : f32 to vector<16xf32>
      %mul3A_224 = arith.mulf %scan3A_128#12, %mul3A_223 : vector<16xf32>
      %swap3A_225 = arith.index_cast %scan3A_57 : i32 to index
      %swap3A_226 = arith.constant 192 : index
      %swap3A_227 = tpu.vector_load %arg8[%swap3A_225, %swap3A_226] {strides = array<i32>} : memref<32x300xf32, #tpu.memory_space<vmem>>, vector<1x16xf32>,
      %swap3A_228 = vector.shape_cast %swap3A_227 : vector<1x16xf32> to vector<16xf32>
      %swap3A_229 = vector.shape_cast %mul3A_224 : vector<16xf32> to vector<1x16xf32>
      tpu.vector_store %arg8[%swap3A_225, %swap3A_226], %swap3A_229 {strides = array<i32>} : memref<32x300xf32, #tpu.memory_space<vmem>>, vector<1x16xf32>,
      %mul3A_230 = vector.broadcast %scan3A_25 : f32 to vector<16xf32>
      %mul3A_231 = arith.mulf %scan3A_128#13, %mul3A_230 : vector<16xf32>
      %swap3A_232 = arith.index_cast %scan3A_57 : i32 to index
      %swap3A_233 = arith.constant 208 : index
      %swap3A_234 = tpu.vector_load %arg8[%swap3A_232, %swap3A_233] {strides = array<i32>} : memref<32x300xf32, #tpu.memory_space<vmem>>, vector<1x16xf32>,
      %swap3A_235 = vector.shape_cast %swap3A_234 : vector<1x16xf32> to vector<16xf32>
      %swap3A_236 = vector.shape_cast %mul3A_231 : vector<16xf32> to vector<1x16xf32>
      tpu.vector_store %arg8[%swap3A_232, %swap3A_233], %swap3A_236 {strides = array<i32>} : memref<32x300xf32, #tpu.memory_space<vmem>>, vector<1x16xf32>,
      %mul3A_237 = vector.broadcast %scan3A_25 : f32 to vector<16xf32>
      %mul3A_238 = arith.mulf %scan3A_128#14, %mul3A_237 : vector<16xf32>
      %swap3A_239 = arith.index_cast %scan3A_57 : i32 to index
      %swap3A_240 = arith.constant 224 : index
      %swap3A_241 = tpu.vector_load %arg8[%swap3A_239, %swap3A_240] {strides = array<i32>} : memref<32x300xf32, #tpu.memory_space<vmem>>, vector<1x16xf32>,
      %swap3A_242 = vector.shape_cast %swap3A_241 : vector<1x16xf32> to vector<16xf32>
      %swap3A_243 = vector.shape_cast %mul3A_238 : vector<16xf32> to vector<1x16xf32>
      tpu.vector_store %arg8[%swap3A_239, %swap3A_240], %swap3A_243 {strides = array<i32>} : memref<32x300xf32, #tpu.memory_space<vmem>>, vector<1x16xf32>,
      %mul3A_244 = vector.broadcast %scan3A_25 : f32 to vector<16xf32>
      %mul3A_245 = arith.mulf %scan3A_128#15, %mul3A_244 : vector<16xf32>
      %swap3A_246 = arith.index_cast %scan3A_57 : i32 to index
      %swap3A_247 = arith.constant 240 : index
      %swap3A_248 = tpu.vector_load %arg8[%swap3A_246, %swap3A_247] {strides = array<i32>} : memref<32x300xf32, #tpu.memory_space<vmem>>, vector<1x16xf32>,
      %swap3A_249 = vector.shape_cast %swap3A_248 : vector<1x16xf32> to vector<16xf32>
      %swap3A_250 = vector.shape_cast %mul3A_245 : vector<16xf32> to vector<1x16xf32>
      tpu.vector_store %arg8[%swap3A_246, %swap3A_247], %swap3A_250 {strides = array<i32>} : memref<32x300xf32, #tpu.memory_space<vmem>>, vector<1x16xf32>,
      %mul3A_251 = vector.broadcast %scan3A_25 : f32 to vector<16xf32>
      %mul3A_252 = arith.mulf %scan3A_128#16, %mul3A_251 : vector<16xf32>
      %swap3A_253 = arith.index_cast %scan3A_57 : i32 to index
      %swap3A_254 = arith.constant 256 : index
      %swap3A_255 = tpu.vector_load %arg8[%swap3A_253, %swap3A_254] {strides = array<i32>} : memref<32x300xf32, #tpu.memory_space<vmem>>, vector<1x16xf32>,
      %swap3A_256 = vector.shape_cast %swap3A_255 : vector<1x16xf32> to vector<16xf32>
      %swap3A_257 = vector.shape_cast %mul3A_252 : vector<16xf32> to vector<1x16xf32>
      tpu.vector_store %arg8[%swap3A_253, %swap3A_254], %swap3A_257 {strides = array<i32>} : memref<32x300xf32, #tpu.memory_space<vmem>>, vector<1x16xf32>,
      %mul3A_258 = vector.broadcast %scan3A_25 : f32 to vector<16xf32>
      %mul3A_259 = arith.mulf %scan3A_128#17, %mul3A_258 : vector<16xf32>
      %swap3A_260 = arith.index_cast %scan3A_57 : i32 to index
      %swap3A_261 = arith.constant 272 : index
      %swap3A_262 = tpu.vector_load %arg8[%swap3A_260, %swap3A_261] {strides = array<i32>} : memref<32x300xf32, #tpu.memory_space<vmem>>, vector<1x16xf32>,
      %swap3A_263 = vector.shape_cast %swap3A_262 : vector<1x16xf32> to vector<16xf32>
      %swap3A_264 = vector.shape_cast %mul3A_259 : vector<16xf32> to vector<1x16xf32>
      tpu.vector_store %arg8[%swap3A_260, %swap3A_261], %swap3A_264 {strides = array<i32>} : memref<32x300xf32, #tpu.memory_space<vmem>>, vector<1x16xf32>,
      %mul3A_265 = vector.broadcast %scan3A_25 : f32 to vector<16xf32>
      %mul3A_266 = arith.mulf %scan3A_128#18, %mul3A_265 : vector<16xf32>
      %swap3A_267 = arith.index_cast %scan3A_57 : i32 to index
      %swap3A_268 = arith.constant 284 : index
      %swap3A_269 = tpu.vector_load %arg8[%swap3A_267, %swap3A_268] {strides = array<i32>} : memref<32x300xf32, #tpu.memory_space<vmem>>, vector<1x16xf32>,
      %swap3A_270 = vector.shape_cast %swap3A_269 : vector<1x16xf32> to vector<16xf32>
      %swap3A_271 = vector.shape_cast %mul3A_266 : vector<16xf32> to vector<1x16xf32>
      tpu.vector_store %arg8[%swap3A_267, %swap3A_268], %swap3A_271 {strides = array<i32>} : memref<32x300xf32, #tpu.memory_space<vmem>>, vector<1x16xf32>,
    }
    %scan3A_30 = arith.constant 32 : i32
    %mul3A_31 = arith.constant 128 : i32
    %mul3A_32 = arith.muli %add3A, %mul3A_31 : i32
    %add3A_33 = arith.constant 32 : i32
    %add3A_34 = arith.addi %mul3A_32, %add3A_33 : i32
    "tpu.region"() ({
      %run_scoped3A = tpu.sem_alloc : memref<!tpu.dma_semaphore, #tpu.memory_space<semaphore_mem>>
      %dma_start3A_57 = arith.constant 0 : i32
      %dma_start3A_58 = tpu.memref_slice %arg4[%add3A_34, %dma_start3A_57] : memref<4096x300xf32, #tpu.memory_space<hbm>> -> memref<32x300xf32, #tpu.memory_space<hbm>>
      %dma_start3A_59 = arith.constant 0 : i32
      %dma_start3A_60 = tpu.memref_slice %arg4[%add3A_34, %dma_start3A_59] : memref<4096x300xf32, #tpu.memory_space<hbm>> -> memref<32x300xf32, #tpu.memory_space<hbm>>
      tpu.enqueue_dma source(%arg8 : memref<32x300xf32, #tpu.memory_space<vmem>>) target(%dma_start3A_60 : memref<32x300xf32, #tpu.memory_space<hbm>>) target_semaphore(%run_scoped3A : memref<!tpu.dma_semaphore, #tpu.memory_space<semaphore_mem>>)
      %dma_wait3A = arith.constant 0 : i32
      %dma_wait3A_61 = tpu.memref_slice %arg4[%add3A_34, %dma_wait3A] : memref<4096x300xf32, #tpu.memory_space<hbm>> -> memref<32x300xf32, #tpu.memory_space<hbm>>
      %dma_wait3A_62 = arith.constant 0 : i32
      %dma_wait3A_63 = tpu.memref_slice %arg4[%add3A_34, %dma_wait3A_62] : memref<4096x300xf32, #tpu.memory_space<hbm>> -> memref<32x300xf32, #tpu.memory_space<hbm>>
      tpu.wait_dma2 semaphore(%run_scoped3A : memref<!tpu.dma_semaphore, #tpu.memory_space<semaphore_mem>>) src(%arg8 : memref<32x300xf32, #tpu.memory_space<vmem>>) dst(%dma_wait3A_63 : memref<32x300xf32, #tpu.memory_space<hbm>>)
      tpu.yield
    }) : () -> ()
    %scan3A_35 = arith.constant 0 : i32
    %scan3A_36 = arith.constant 5.000000e-03 : f32
    %scan3A_37 = arith.constant 0 : i32
    %scan3A_38 = arith.constant 32 : i32
    %scan3A_39 = arith.addi %scan3A_37, %scan3A_38 : i32
    %scan3A_40 = arith.constant 1 : i32
    scf.for %scan3A_57 = %scan3A_37 to %scan3A_39 step %scan3A_40  : i32 {
      %add3A_58 = arith.constant 64 : i32
      %add3A_59 = arith.addi %add3A_58, %scan3A_57 : i32
      %broadcast_in_dim3A = arith.constant 0.000000e+00 : f32
      %broadcast_in_dim3A_60 = vector.broadcast %broadcast_in_dim3A : f32 to vector<16xf32>
      %broadcast_in_dim3A_61 = arith.constant 0.000000e+00 : f32
      %broadcast_in_dim3A_62 = vector.broadcast %broadcast_in_dim3A_61 : f32 to vector<16xf32>
      %broadcast_in_dim3A_63 = arith.constant 0.000000e+00 : f32
      %broadcast_in_dim3A_64 = vector.broadcast %broadcast_in_dim3A_63 : f32 to vector<16xf32>
      %broadcast_in_dim3A_65 = arith.constant 0.000000e+00 : f32
      %broadcast_in_dim3A_66 = vector.broadcast %broadcast_in_dim3A_65 : f32 to vector<16xf32>
      %broadcast_in_dim3A_67 = arith.constant 0.000000e+00 : f32
      %broadcast_in_dim3A_68 = vector.broadcast %broadcast_in_dim3A_67 : f32 to vector<16xf32>
      %broadcast_in_dim3A_69 = arith.constant 0.000000e+00 : f32
      %broadcast_in_dim3A_70 = vector.broadcast %broadcast_in_dim3A_69 : f32 to vector<16xf32>
      %broadcast_in_dim3A_71 = arith.constant 0.000000e+00 : f32
      %broadcast_in_dim3A_72 = vector.broadcast %broadcast_in_dim3A_71 : f32 to vector<16xf32>
      %broadcast_in_dim3A_73 = arith.constant 0.000000e+00 : f32
      %broadcast_in_dim3A_74 = vector.broadcast %broadcast_in_dim3A_73 : f32 to vector<16xf32>
      %broadcast_in_dim3A_75 = arith.constant 0.000000e+00 : f32
      %broadcast_in_dim3A_76 = vector.broadcast %broadcast_in_dim3A_75 : f32 to vector<16xf32>
      %broadcast_in_dim3A_77 = arith.constant 0.000000e+00 : f32
      %broadcast_in_dim3A_78 = vector.broadcast %broadcast_in_dim3A_77 : f32 to vector<16xf32>
      %broadcast_in_dim3A_79 = arith.constant 0.000000e+00 : f32
      %broadcast_in_dim3A_80 = vector.broadcast %broadcast_in_dim3A_79 : f32 to vector<16xf32>
      %broadcast_in_dim3A_81 = arith.constant 0.000000e+00 : f32
      %broadcast_in_dim3A_82 = vector.broadcast %broadcast_in_dim3A_81 : f32 to vector<16xf32>
      %broadcast_in_dim3A_83 = arith.constant 0.000000e+00 : f32
      %broadcast_in_dim3A_84 = vector.broadcast %broadcast_in_dim3A_83 : f32 to vector<16xf32>
      %broadcast_in_dim3A_85 = arith.constant 0.000000e+00 : f32
      %broadcast_in_dim3A_86 = vector.broadcast %broadcast_in_dim3A_85 : f32 to vector<16xf32>
      %broadcast_in_dim3A_87 = arith.constant 0.000000e+00 : f32
      %broadcast_in_dim3A_88 = vector.broadcast %broadcast_in_dim3A_87 : f32 to vector<16xf32>
      %broadcast_in_dim3A_89 = arith.constant 0.000000e+00 : f32
      %broadcast_in_dim3A_90 = vector.broadcast %broadcast_in_dim3A_89 : f32 to vector<16xf32>
      %broadcast_in_dim3A_91 = arith.constant 0.000000e+00 : f32
      %broadcast_in_dim3A_92 = vector.broadcast %broadcast_in_dim3A_91 : f32 to vector<16xf32>
      %broadcast_in_dim3A_93 = arith.constant 0.000000e+00 : f32
      %broadcast_in_dim3A_94 = vector.broadcast %broadcast_in_dim3A_93 : f32 to vector<16xf32>
      %broadcast_in_dim3A_95 = arith.constant 0.000000e+00 : f32
      %broadcast_in_dim3A_96 = vector.broadcast %broadcast_in_dim3A_95 : f32 to vector<16xf32>
      %mul3A_97 = arith.constant 200 : i32
      %mul3A_98 = arith.muli %add3A_59, %mul3A_97 : i32
      %dma_wait3A = tpu.memref_slice %arg5[%mul3A_98] : memref<25600xi32, #tpu.memory_space<vmem>> -> memref<104xi32, #tpu.memory_space<vmem>>
      %dma_wait3A_99 = arith.constant 0 : i32
      %dma_wait3A_100 = arith.constant 0 : i32
      %dma_wait3A_101 = tpu.memref_slice %arg3[%dma_wait3A_99, %dma_wait3A_100] : memref<100000x384xf32, #tpu.memory_space<hbm>> -> memref<100000x384xf32, #tpu.memory_space<hbm>>
      tpu.wait_indirect_dma semaphore(%arg9 : memref<!tpu.dma_semaphore, #tpu.memory_space<semaphore_mem>>) src(%dma_wait3A_101 : memref<100000x384xf32, #tpu.memory_space<hbm>>) dst(%arg6 : memref<104x384xf32, #tpu.memory_space<vmem>>)
      %scan3A_102 = arith.constant 0 : i32
      %scan3A_103 = arith.constant 104 : i32
      %scan3A_104 = arith.addi %scan3A_102, %scan3A_103 : i32
      %scan3A_105 = arith.constant 1 : i32
      %scan3A_106:19 = scf.for %scan3A_272 = %scan3A_102 to %scan3A_104 step %scan3A_105 iter_args(%scan3A_273 = %broadcast_in_dim3A_60, %scan3A_274 = %broadcast_in_dim3A_62, %scan3A_275 = %broadcast_in_dim3A_64, %scan3A_276 = %broadcast_in_dim3A_66, %scan3A_277 = %broadcast_in_dim3A_68, %scan3A_278 = %broadcast_in_dim3A_70, %scan3A_279 = %broadcast_in_dim3A_72, %scan3A_280 = %broadcast_in_dim3A_74, %scan3A_281 = %broadcast_in_dim3A_76, %scan3A_282 = %broadcast_in_dim3A_78, %scan3A_283 = %broadcast_in_dim3A_80, %scan3A_284 = %broadcast_in_dim3A_82, %scan3A_285 = %broadcast_in_dim3A_84, %scan3A_286 = %broadcast_in_dim3A_86, %scan3A_287 = %broadcast_in_dim3A_88, %scan3A_288 = %broadcast_in_dim3A_90, %scan3A_289 = %broadcast_in_dim3A_92, %scan3A_290 = %broadcast_in_dim3A_94, %scan3A_291 = %broadcast_in_dim3A_96) -> (vector<16xf32>, vector<16xf32>, vector<16xf32>, vector<16xf32>, vector<16xf32>, vector<16xf32>, vector<16xf32>, vector<16xf32>, vector<16xf32>, vector<16xf32>, vector<16xf32>, vector<16xf32>, vector<16xf32>, vector<16xf32>, vector<16xf32>, vector<16xf32>, vector<16xf32>, vector<16xf32>, vector<16xf32>)  : i32 {
        %get3A = arith.index_cast %scan3A_272 : i32 to index
        %get3A_292 = arith.constant 0 : index
        %get3A_293 = tpu.vector_load %arg6[%get3A, %get3A_292] {strides = array<i32>} : memref<104x384xf32, #tpu.memory_space<vmem>>, vector<1x16xf32>,
        %get3A_294 = vector.shape_cast %get3A_293 : vector<1x16xf32> to vector<16xf32>
        %add3A_295 = arith.addf %scan3A_273, %get3A_294 : vector<16xf32>
        %get3A_296 = arith.index_cast %scan3A_272 : i32 to index
        %get3A_297 = arith.constant 16 : index
        %get3A_298 = tpu.vector_load %arg6[%get3A_296, %get3A_297] {strides = array<i32>} : memref<104x384xf32, #tpu.memory_space<vmem>>, vector<1x16xf32>,
        %get3A_299 = vector.shape_cast %get3A_298 : vector<1x16xf32> to vector<16xf32>
        %add3A_300 = arith.addf %scan3A_274, %get3A_299 : vector<16xf32>
        %get3A_301 = arith.index_cast %scan3A_272 : i32 to index
        %get3A_302 = arith.constant 32 : index
        %get3A_303 = tpu.vector_load %arg6[%get3A_301, %get3A_302] {strides = array<i32>} : memref<104x384xf32, #tpu.memory_space<vmem>>, vector<1x16xf32>,
        %get3A_304 = vector.shape_cast %get3A_303 : vector<1x16xf32> to vector<16xf32>
        %add3A_305 = arith.addf %scan3A_275, %get3A_304 : vector<16xf32>
        %get3A_306 = arith.index_cast %scan3A_272 : i32 to index
        %get3A_307 = arith.constant 48 : index
        %get3A_308 = tpu.vector_load %arg6[%get3A_306, %get3A_307] {strides = array<i32>} : memref<104x384xf32, #tpu.memory_space<vmem>>, vector<1x16xf32>,
        %get3A_309 = vector.shape_cast %get3A_308 : vector<1x16xf32> to vector<16xf32>
        %add3A_310 = arith.addf %scan3A_276, %get3A_309 : vector<16xf32>
        %get3A_311 = arith.index_cast %scan3A_272 : i32 to index
        %get3A_312 = arith.constant 64 : index
        %get3A_313 = tpu.vector_load %arg6[%get3A_311, %get3A_312] {strides = array<i32>} : memref<104x384xf32, #tpu.memory_space<vmem>>, vector<1x16xf32>,
        %get3A_314 = vector.shape_cast %get3A_313 : vector<1x16xf32> to vector<16xf32>
        %add3A_315 = arith.addf %scan3A_277, %get3A_314 : vector<16xf32>
        %get3A_316 = arith.index_cast %scan3A_272 : i32 to index
        %get3A_317 = arith.constant 80 : index
        %get3A_318 = tpu.vector_load %arg6[%get3A_316, %get3A_317] {strides = array<i32>} : memref<104x384xf32, #tpu.memory_space<vmem>>, vector<1x16xf32>,
        %get3A_319 = vector.shape_cast %get3A_318 : vector<1x16xf32> to vector<16xf32>
        %add3A_320 = arith.addf %scan3A_278, %get3A_319 : vector<16xf32>
        %get3A_321 = arith.index_cast %scan3A_272 : i32 to index
        %get3A_322 = arith.constant 96 : index
        %get3A_323 = tpu.vector_load %arg6[%get3A_321, %get3A_322] {strides = array<i32>} : memref<104x384xf32, #tpu.memory_space<vmem>>, vector<1x16xf32>,
        %get3A_324 = vector.shape_cast %get3A_323 : vector<1x16xf32> to vector<16xf32>
        %add3A_325 = arith.addf %scan3A_279, %get3A_324 : vector<16xf32>
        %get3A_326 = arith.index_cast %scan3A_272 : i32 to index
        %get3A_327 = arith.constant 112 : index
        %get3A_328 = tpu.vector_load %arg6[%get3A_326, %get3A_327] {strides = array<i32>} : memref<104x384xf32, #tpu.memory_space<vmem>>, vector<1x16xf32>,
        %get3A_329 = vector.shape_cast %get3A_328 : vector<1x16xf32> to vector<16xf32>
        %add3A_330 = arith.addf %scan3A_280, %get3A_329 : vector<16xf32>
        %get3A_331 = arith.index_cast %scan3A_272 : i32 to index
        %get3A_332 = arith.constant 128 : index
        %get3A_333 = tpu.vector_load %arg6[%get3A_331, %get3A_332] {strides = array<i32>} : memref<104x384xf32, #tpu.memory_space<vmem>>, vector<1x16xf32>,
        %get3A_334 = vector.shape_cast %get3A_333 : vector<1x16xf32> to vector<16xf32>
        %add3A_335 = arith.addf %scan3A_281, %get3A_334 : vector<16xf32>
        %get3A_336 = arith.index_cast %scan3A_272 : i32 to index
        %get3A_337 = arith.constant 144 : index
        %get3A_338 = tpu.vector_load %arg6[%get3A_336, %get3A_337] {strides = array<i32>} : memref<104x384xf32, #tpu.memory_space<vmem>>, vector<1x16xf32>,
        %get3A_339 = vector.shape_cast %get3A_338 : vector<1x16xf32> to vector<16xf32>
        %add3A_340 = arith.addf %scan3A_282, %get3A_339 : vector<16xf32>
        %get3A_341 = arith.index_cast %scan3A_272 : i32 to index
        %get3A_342 = arith.constant 160 : index
        %get3A_343 = tpu.vector_load %arg6[%get3A_341, %get3A_342] {strides = array<i32>} : memref<104x384xf32, #tpu.memory_space<vmem>>, vector<1x16xf32>,
        %get3A_344 = vector.shape_cast %get3A_343 : vector<1x16xf32> to vector<16xf32>
        %add3A_345 = arith.addf %scan3A_283, %get3A_344 : vector<16xf32>
        %get3A_346 = arith.index_cast %scan3A_272 : i32 to index
        %get3A_347 = arith.constant 176 : index
        %get3A_348 = tpu.vector_load %arg6[%get3A_346, %get3A_347] {strides = array<i32>} : memref<104x384xf32, #tpu.memory_space<vmem>>, vector<1x16xf32>,
        %get3A_349 = vector.shape_cast %get3A_348 : vector<1x16xf32> to vector<16xf32>
        %add3A_350 = arith.addf %scan3A_284, %get3A_349 : vector<16xf32>
        %get3A_351 = arith.index_cast %scan3A_272 : i32 to index
        %get3A_352 = arith.constant 192 : index
        %get3A_353 = tpu.vector_load %arg6[%get3A_351, %get3A_352] {strides = array<i32>} : memref<104x384xf32, #tpu.memory_space<vmem>>, vector<1x16xf32>,
        %get3A_354 = vector.shape_cast %get3A_353 : vector<1x16xf32> to vector<16xf32>
        %add3A_355 = arith.addf %scan3A_285, %get3A_354 : vector<16xf32>
        %get3A_356 = arith.index_cast %scan3A_272 : i32 to index
        %get3A_357 = arith.constant 208 : index
        %get3A_358 = tpu.vector_load %arg6[%get3A_356, %get3A_357] {strides = array<i32>} : memref<104x384xf32, #tpu.memory_space<vmem>>, vector<1x16xf32>,
        %get3A_359 = vector.shape_cast %get3A_358 : vector<1x16xf32> to vector<16xf32>
        %add3A_360 = arith.addf %scan3A_286, %get3A_359 : vector<16xf32>
        %get3A_361 = arith.index_cast %scan3A_272 : i32 to index
        %get3A_362 = arith.constant 224 : index
        %get3A_363 = tpu.vector_load %arg6[%get3A_361, %get3A_362] {strides = array<i32>} : memref<104x384xf32, #tpu.memory_space<vmem>>, vector<1x16xf32>,
        %get3A_364 = vector.shape_cast %get3A_363 : vector<1x16xf32> to vector<16xf32>
        %add3A_365 = arith.addf %scan3A_287, %get3A_364 : vector<16xf32>
        %get3A_366 = arith.index_cast %scan3A_272 : i32 to index
        %get3A_367 = arith.constant 240 : index
        %get3A_368 = tpu.vector_load %arg6[%get3A_366, %get3A_367] {strides = array<i32>} : memref<104x384xf32, #tpu.memory_space<vmem>>, vector<1x16xf32>,
        %get3A_369 = vector.shape_cast %get3A_368 : vector<1x16xf32> to vector<16xf32>
        %add3A_370 = arith.addf %scan3A_288, %get3A_369 : vector<16xf32>
        %get3A_371 = arith.index_cast %scan3A_272 : i32 to index
        %get3A_372 = arith.constant 256 : index
        %get3A_373 = tpu.vector_load %arg6[%get3A_371, %get3A_372] {strides = array<i32>} : memref<104x384xf32, #tpu.memory_space<vmem>>, vector<1x16xf32>,
        %get3A_374 = vector.shape_cast %get3A_373 : vector<1x16xf32> to vector<16xf32>
        %add3A_375 = arith.addf %scan3A_289, %get3A_374 : vector<16xf32>
        %get3A_376 = arith.index_cast %scan3A_272 : i32 to index
        %get3A_377 = arith.constant 272 : index
        %get3A_378 = tpu.vector_load %arg6[%get3A_376, %get3A_377] {strides = array<i32>} : memref<104x384xf32, #tpu.memory_space<vmem>>, vector<1x16xf32>,
        %get3A_379 = vector.shape_cast %get3A_378 : vector<1x16xf32> to vector<16xf32>
        %add3A_380 = arith.addf %scan3A_290, %get3A_379 : vector<16xf32>
        %get3A_381 = arith.index_cast %scan3A_272 : i32 to index
        %get3A_382 = arith.constant 284 : index
        %get3A_383 = tpu.vector_load %arg6[%get3A_381, %get3A_382] {strides = array<i32>} : memref<104x384xf32, #tpu.memory_space<vmem>>, vector<1x16xf32>,
        %get3A_384 = vector.shape_cast %get3A_383 : vector<1x16xf32> to vector<16xf32>
        %add3A_385 = arith.addf %scan3A_291, %get3A_384 : vector<16xf32>
        scf.yield %add3A_295, %add3A_300, %add3A_305, %add3A_310, %add3A_315, %add3A_320, %add3A_325, %add3A_330, %add3A_335, %add3A_340, %add3A_345, %add3A_350, %add3A_355, %add3A_360, %add3A_365, %add3A_370, %add3A_375, %add3A_380, %add3A_385 : vector<16xf32>, vector<16xf32>, vector<16xf32>, vector<16xf32>, vector<16xf32>, vector<16xf32>, vector<16xf32>, vector<16xf32>, vector<16xf32>, vector<16xf32>, vector<16xf32>, vector<16xf32>, vector<16xf32>, vector<16xf32>, vector<16xf32>, vector<16xf32>, vector<16xf32>, vector<16xf32>, vector<16xf32>
      }
      %scan3A_107 = arith.constant 104 : i32
      %add3A_108 = arith.constant 1 : i32
      %add3A_109 = arith.addi %add3A_59, %add3A_108 : i32
      %mul3A_110 = arith.constant 200 : i32
      %mul3A_111 = arith.muli %add3A_109, %mul3A_110 : i32
      %dma_start3A_112 = tpu.memref_slice %arg5[%mul3A_111] : memref<25600xi32, #tpu.memory_space<vmem>> -> memref<104xi32, #tpu.memory_space<vmem>>
      %dma_start3A_113 = arith.constant 0 : i32
      %dma_start3A_114 = arith.constant 0 : i32
      %dma_start3A_115 = tpu.memref_slice %arg3[%dma_start3A_113, %dma_start3A_114] : memref<100000x384xf32, #tpu.memory_space<hbm>> -> memref<100000x384xf32, #tpu.memory_space<hbm>>
      tpu.enqueue_indirect_dma source(%dma_start3A_115 : memref<100000x384xf32, #tpu.memory_space<hbm>>) target(%arg6 : memref<104x384xf32, #tpu.memory_space<vmem>>) offsets(%dma_start3A_112 : memref<104xi32, #tpu.memory_space<vmem>>) semaphore(%arg9 : memref<!tpu.dma_semaphore, #tpu.memory_space<semaphore_mem>>)
      %mul3A_116 = arith.constant 200 : i32
      %mul3A_117 = arith.muli %add3A_59, %mul3A_116 : i32
      %add3A_118 = arith.constant 104 : i32
      %add3A_119 = arith.addi %mul3A_117, %add3A_118 : i32
      %dma_wait3A_120 = tpu.memref_slice %arg5[%add3A_119] : memref<25600xi32, #tpu.memory_space<vmem>> -> memref<96xi32, #tpu.memory_space<vmem>>
      %dma_wait3A_121 = arith.constant 0 : i32
      %dma_wait3A_122 = arith.constant 0 : i32
      %dma_wait3A_123 = tpu.memref_slice %arg3[%dma_wait3A_121, %dma_wait3A_122] : memref<100000x384xf32, #tpu.memory_space<hbm>> -> memref<100000x384xf32, #tpu.memory_space<hbm>>
      tpu.wait_indirect_dma semaphore(%arg10 : memref<!tpu.dma_semaphore, #tpu.memory_space<semaphore_mem>>) src(%dma_wait3A_123 : memref<100000x384xf32, #tpu.memory_space<hbm>>) dst(%arg7 : memref<96x384xf32, #tpu.memory_space<vmem>>)
      %scan3A_124 = arith.constant 0 : i32
      %scan3A_125 = arith.constant 96 : i32
      %scan3A_126 = arith.addi %scan3A_124, %scan3A_125 : i32
      %scan3A_127 = arith.constant 1 : i32
      %scan3A_128:19 = scf.for %scan3A_272 = %scan3A_124 to %scan3A_126 step %scan3A_127 iter_args(%scan3A_273 = %scan3A_106#0, %scan3A_274 = %scan3A_106#1, %scan3A_275 = %scan3A_106#2, %scan3A_276 = %scan3A_106#3, %scan3A_277 = %scan3A_106#4, %scan3A_278 = %scan3A_106#5, %scan3A_279 = %scan3A_106#6, %scan3A_280 = %scan3A_106#7, %scan3A_281 = %scan3A_106#8, %scan3A_282 = %scan3A_106#9, %scan3A_283 = %scan3A_106#10, %scan3A_284 = %scan3A_106#11, %scan3A_285 = %scan3A_106#12, %scan3A_286 = %scan3A_106#13, %scan3A_287 = %scan3A_106#14, %scan3A_288 = %scan3A_106#15, %scan3A_289 = %scan3A_106#16, %scan3A_290 = %scan3A_106#17, %scan3A_291 = %scan3A_106#18) -> (vector<16xf32>, vector<16xf32>, vector<16xf32>, vector<16xf32>, vector<16xf32>, vector<16xf32>, vector<16xf32>, vector<16xf32>, vector<16xf32>, vector<16xf32>, vector<16xf32>, vector<16xf32>, vector<16xf32>, vector<16xf32>, vector<16xf32>, vector<16xf32>, vector<16xf32>, vector<16xf32>, vector<16xf32>)  : i32 {
        %get3A = arith.index_cast %scan3A_272 : i32 to index
        %get3A_292 = arith.constant 0 : index
        %get3A_293 = tpu.vector_load %arg7[%get3A, %get3A_292] {strides = array<i32>} : memref<96x384xf32, #tpu.memory_space<vmem>>, vector<1x16xf32>,
        %get3A_294 = vector.shape_cast %get3A_293 : vector<1x16xf32> to vector<16xf32>
        %add3A_295 = arith.addf %scan3A_273, %get3A_294 : vector<16xf32>
        %get3A_296 = arith.index_cast %scan3A_272 : i32 to index
        %get3A_297 = arith.constant 16 : index
        %get3A_298 = tpu.vector_load %arg7[%get3A_296, %get3A_297] {strides = array<i32>} : memref<96x384xf32, #tpu.memory_space<vmem>>, vector<1x16xf32>,
        %get3A_299 = vector.shape_cast %get3A_298 : vector<1x16xf32> to vector<16xf32>
        %add3A_300 = arith.addf %scan3A_274, %get3A_299 : vector<16xf32>
        %get3A_301 = arith.index_cast %scan3A_272 : i32 to index
        %get3A_302 = arith.constant 32 : index
        %get3A_303 = tpu.vector_load %arg7[%get3A_301, %get3A_302] {strides = array<i32>} : memref<96x384xf32, #tpu.memory_space<vmem>>, vector<1x16xf32>,
        %get3A_304 = vector.shape_cast %get3A_303 : vector<1x16xf32> to vector<16xf32>
        %add3A_305 = arith.addf %scan3A_275, %get3A_304 : vector<16xf32>
        %get3A_306 = arith.index_cast %scan3A_272 : i32 to index
        %get3A_307 = arith.constant 48 : index
        %get3A_308 = tpu.vector_load %arg7[%get3A_306, %get3A_307] {strides = array<i32>} : memref<96x384xf32, #tpu.memory_space<vmem>>, vector<1x16xf32>,
        %get3A_309 = vector.shape_cast %get3A_308 : vector<1x16xf32> to vector<16xf32>
        %add3A_310 = arith.addf %scan3A_276, %get3A_309 : vector<16xf32>
        %get3A_311 = arith.index_cast %scan3A_272 : i32 to index
        %get3A_312 = arith.constant 64 : index
        %get3A_313 = tpu.vector_load %arg7[%get3A_311, %get3A_312] {strides = array<i32>} : memref<96x384xf32, #tpu.memory_space<vmem>>, vector<1x16xf32>,
        %get3A_314 = vector.shape_cast %get3A_313 : vector<1x16xf32> to vector<16xf32>
        %add3A_315 = arith.addf %scan3A_277, %get3A_314 : vector<16xf32>
        %get3A_316 = arith.index_cast %scan3A_272 : i32 to index
        %get3A_317 = arith.constant 80 : index
        %get3A_318 = tpu.vector_load %arg7[%get3A_316, %get3A_317] {strides = array<i32>} : memref<96x384xf32, #tpu.memory_space<vmem>>, vector<1x16xf32>,
        %get3A_319 = vector.shape_cast %get3A_318 : vector<1x16xf32> to vector<16xf32>
        %add3A_320 = arith.addf %scan3A_278, %get3A_319 : vector<16xf32>
        %get3A_321 = arith.index_cast %scan3A_272 : i32 to index
        %get3A_322 = arith.constant 96 : index
        %get3A_323 = tpu.vector_load %arg7[%get3A_321, %get3A_322] {strides = array<i32>} : memref<96x384xf32, #tpu.memory_space<vmem>>, vector<1x16xf32>,
        %get3A_324 = vector.shape_cast %get3A_323 : vector<1x16xf32> to vector<16xf32>
        %add3A_325 = arith.addf %scan3A_279, %get3A_324 : vector<16xf32>
        %get3A_326 = arith.index_cast %scan3A_272 : i32 to index
        %get3A_327 = arith.constant 112 : index
        %get3A_328 = tpu.vector_load %arg7[%get3A_326, %get3A_327] {strides = array<i32>} : memref<96x384xf32, #tpu.memory_space<vmem>>, vector<1x16xf32>,
        %get3A_329 = vector.shape_cast %get3A_328 : vector<1x16xf32> to vector<16xf32>
        %add3A_330 = arith.addf %scan3A_280, %get3A_329 : vector<16xf32>
        %get3A_331 = arith.index_cast %scan3A_272 : i32 to index
        %get3A_332 = arith.constant 128 : index
        %get3A_333 = tpu.vector_load %arg7[%get3A_331, %get3A_332] {strides = array<i32>} : memref<96x384xf32, #tpu.memory_space<vmem>>, vector<1x16xf32>,
        %get3A_334 = vector.shape_cast %get3A_333 : vector<1x16xf32> to vector<16xf32>
        %add3A_335 = arith.addf %scan3A_281, %get3A_334 : vector<16xf32>
        %get3A_336 = arith.index_cast %scan3A_272 : i32 to index
        %get3A_337 = arith.constant 144 : index
        %get3A_338 = tpu.vector_load %arg7[%get3A_336, %get3A_337] {strides = array<i32>} : memref<96x384xf32, #tpu.memory_space<vmem>>, vector<1x16xf32>,
        %get3A_339 = vector.shape_cast %get3A_338 : vector<1x16xf32> to vector<16xf32>
        %add3A_340 = arith.addf %scan3A_282, %get3A_339 : vector<16xf32>
        %get3A_341 = arith.index_cast %scan3A_272 : i32 to index
        %get3A_342 = arith.constant 160 : index
        %get3A_343 = tpu.vector_load %arg7[%get3A_341, %get3A_342] {strides = array<i32>} : memref<96x384xf32, #tpu.memory_space<vmem>>, vector<1x16xf32>,
        %get3A_344 = vector.shape_cast %get3A_343 : vector<1x16xf32> to vector<16xf32>
        %add3A_345 = arith.addf %scan3A_283, %get3A_344 : vector<16xf32>
        %get3A_346 = arith.index_cast %scan3A_272 : i32 to index
        %get3A_347 = arith.constant 176 : index
        %get3A_348 = tpu.vector_load %arg7[%get3A_346, %get3A_347] {strides = array<i32>} : memref<96x384xf32, #tpu.memory_space<vmem>>, vector<1x16xf32>,
        %get3A_349 = vector.shape_cast %get3A_348 : vector<1x16xf32> to vector<16xf32>
        %add3A_350 = arith.addf %scan3A_284, %get3A_349 : vector<16xf32>
        %get3A_351 = arith.index_cast %scan3A_272 : i32 to index
        %get3A_352 = arith.constant 192 : index
        %get3A_353 = tpu.vector_load %arg7[%get3A_351, %get3A_352] {strides = array<i32>} : memref<96x384xf32, #tpu.memory_space<vmem>>, vector<1x16xf32>,
        %get3A_354 = vector.shape_cast %get3A_353 : vector<1x16xf32> to vector<16xf32>
        %add3A_355 = arith.addf %scan3A_285, %get3A_354 : vector<16xf32>
        %get3A_356 = arith.index_cast %scan3A_272 : i32 to index
        %get3A_357 = arith.constant 208 : index
        %get3A_358 = tpu.vector_load %arg7[%get3A_356, %get3A_357] {strides = array<i32>} : memref<96x384xf32, #tpu.memory_space<vmem>>, vector<1x16xf32>,
        %get3A_359 = vector.shape_cast %get3A_358 : vector<1x16xf32> to vector<16xf32>
        %add3A_360 = arith.addf %scan3A_286, %get3A_359 : vector<16xf32>
        %get3A_361 = arith.index_cast %scan3A_272 : i32 to index
        %get3A_362 = arith.constant 224 : index
        %get3A_363 = tpu.vector_load %arg7[%get3A_361, %get3A_362] {strides = array<i32>} : memref<96x384xf32, #tpu.memory_space<vmem>>, vector<1x16xf32>,
        %get3A_364 = vector.shape_cast %get3A_363 : vector<1x16xf32> to vector<16xf32>
        %add3A_365 = arith.addf %scan3A_287, %get3A_364 : vector<16xf32>
        %get3A_366 = arith.index_cast %scan3A_272 : i32 to index
        %get3A_367 = arith.constant 240 : index
        %get3A_368 = tpu.vector_load %arg7[%get3A_366, %get3A_367] {strides = array<i32>} : memref<96x384xf32, #tpu.memory_space<vmem>>, vector<1x16xf32>,
        %get3A_369 = vector.shape_cast %get3A_368 : vector<1x16xf32> to vector<16xf32>
        %add3A_370 = arith.addf %scan3A_288, %get3A_369 : vector<16xf32>
        %get3A_371 = arith.index_cast %scan3A_272 : i32 to index
        %get3A_372 = arith.constant 256 : index
        %get3A_373 = tpu.vector_load %arg7[%get3A_371, %get3A_372] {strides = array<i32>} : memref<96x384xf32, #tpu.memory_space<vmem>>, vector<1x16xf32>,
        %get3A_374 = vector.shape_cast %get3A_373 : vector<1x16xf32> to vector<16xf32>
        %add3A_375 = arith.addf %scan3A_289, %get3A_374 : vector<16xf32>
        %get3A_376 = arith.index_cast %scan3A_272 : i32 to index
        %get3A_377 = arith.constant 272 : index
        %get3A_378 = tpu.vector_load %arg7[%get3A_376, %get3A_377] {strides = array<i32>} : memref<96x384xf32, #tpu.memory_space<vmem>>, vector<1x16xf32>,
        %get3A_379 = vector.shape_cast %get3A_378 : vector<1x16xf32> to vector<16xf32>
        %add3A_380 = arith.addf %scan3A_290, %get3A_379 : vector<16xf32>
        %get3A_381 = arith.index_cast %scan3A_272 : i32 to index
        %get3A_382 = arith.constant 284 : index
        %get3A_383 = tpu.vector_load %arg7[%get3A_381, %get3A_382] {strides = array<i32>} : memref<96x384xf32, #tpu.memory_space<vmem>>, vector<1x16xf32>,
        %get3A_384 = vector.shape_cast %get3A_383 : vector<1x16xf32> to vector<16xf32>
        %add3A_385 = arith.addf %scan3A_291, %get3A_384 : vector<16xf32>
        scf.yield %add3A_295, %add3A_300, %add3A_305, %add3A_310, %add3A_315, %add3A_320, %add3A_325, %add3A_330, %add3A_335, %add3A_340, %add3A_345, %add3A_350, %add3A_355, %add3A_360, %add3A_365, %add3A_370, %add3A_375, %add3A_380, %add3A_385 : vector<16xf32>, vector<16xf32>, vector<16xf32>, vector<16xf32>, vector<16xf32>, vector<16xf32>, vector<16xf32>, vector<16xf32>, vector<16xf32>, vector<16xf32>, vector<16xf32>, vector<16xf32>, vector<16xf32>, vector<16xf32>, vector<16xf32>, vector<16xf32>, vector<16xf32>, vector<16xf32>, vector<16xf32>
      }
      %scan3A_129 = arith.constant 96 : i32
      %add3A_130 = arith.constant 1 : i32
      %add3A_131 = arith.addi %add3A_59, %add3A_130 : i32
      %mul3A_132 = arith.constant 200 : i32
      %mul3A_133 = arith.muli %add3A_131, %mul3A_132 : i32
      %add3A_134 = arith.constant 104 : i32
      %add3A_135 = arith.addi %mul3A_133, %add3A_134 : i32
      %dma_start3A_136 = tpu.memref_slice %arg5[%add3A_135] : memref<25600xi32, #tpu.memory_space<vmem>> -> memref<96xi32, #tpu.memory_space<vmem>>
      %dma_start3A_137 = arith.constant 0 : i32
      %dma_start3A_138 = arith.constant 0 : i32
      %dma_start3A_139 = tpu.memref_slice %arg3[%dma_start3A_137, %dma_start3A_138] : memref<100000x384xf32, #tpu.memory_space<hbm>> -> memref<100000x384xf32, #tpu.memory_space<hbm>>
      tpu.enqueue_indirect_dma source(%dma_start3A_139 : memref<100000x384xf32, #tpu.memory_space<hbm>>) target(%arg7 : memref<96x384xf32, #tpu.memory_space<vmem>>) offsets(%dma_start3A_136 : memref<96xi32, #tpu.memory_space<vmem>>) semaphore(%arg10 : memref<!tpu.dma_semaphore, #tpu.memory_space<semaphore_mem>>)
      %mul3A_140 = vector.broadcast %scan3A_36 : f32 to vector<16xf32>
      %mul3A_141 = arith.mulf %scan3A_128#0, %mul3A_140 : vector<16xf32>
      %swap3A = arith.index_cast %scan3A_57 : i32 to index
      %swap3A_142 = arith.constant 0 : index
      %swap3A_143 = tpu.vector_load %arg8[%swap3A, %swap3A_142] {strides = array<i32>} : memref<32x300xf32, #tpu.memory_space<vmem>>, vector<1x16xf32>,
      %swap3A_144 = vector.shape_cast %swap3A_143 : vector<1x16xf32> to vector<16xf32>
      %swap3A_145 = vector.shape_cast %mul3A_141 : vector<16xf32> to vector<1x16xf32>
      tpu.vector_store %arg8[%swap3A, %swap3A_142], %swap3A_145 {strides = array<i32>} : memref<32x300xf32, #tpu.memory_space<vmem>>, vector<1x16xf32>,
      %mul3A_146 = vector.broadcast %scan3A_36 : f32 to vector<16xf32>
      %mul3A_147 = arith.mulf %scan3A_128#1, %mul3A_146 : vector<16xf32>
      %swap3A_148 = arith.index_cast %scan3A_57 : i32 to index
      %swap3A_149 = arith.constant 16 : index
      %swap3A_150 = tpu.vector_load %arg8[%swap3A_148, %swap3A_149] {strides = array<i32>} : memref<32x300xf32, #tpu.memory_space<vmem>>, vector<1x16xf32>,
      %swap3A_151 = vector.shape_cast %swap3A_150 : vector<1x16xf32> to vector<16xf32>
      %swap3A_152 = vector.shape_cast %mul3A_147 : vector<16xf32> to vector<1x16xf32>
      tpu.vector_store %arg8[%swap3A_148, %swap3A_149], %swap3A_152 {strides = array<i32>} : memref<32x300xf32, #tpu.memory_space<vmem>>, vector<1x16xf32>,
      %mul3A_153 = vector.broadcast %scan3A_36 : f32 to vector<16xf32>
      %mul3A_154 = arith.mulf %scan3A_128#2, %mul3A_153 : vector<16xf32>
      %swap3A_155 = arith.index_cast %scan3A_57 : i32 to index
      %swap3A_156 = arith.constant 32 : index
      %swap3A_157 = tpu.vector_load %arg8[%swap3A_155, %swap3A_156] {strides = array<i32>} : memref<32x300xf32, #tpu.memory_space<vmem>>, vector<1x16xf32>,
      %swap3A_158 = vector.shape_cast %swap3A_157 : vector<1x16xf32> to vector<16xf32>
      %swap3A_159 = vector.shape_cast %mul3A_154 : vector<16xf32> to vector<1x16xf32>
      tpu.vector_store %arg8[%swap3A_155, %swap3A_156], %swap3A_159 {strides = array<i32>} : memref<32x300xf32, #tpu.memory_space<vmem>>, vector<1x16xf32>,
      %mul3A_160 = vector.broadcast %scan3A_36 : f32 to vector<16xf32>
      %mul3A_161 = arith.mulf %scan3A_128#3, %mul3A_160 : vector<16xf32>
      %swap3A_162 = arith.index_cast %scan3A_57 : i32 to index
      %swap3A_163 = arith.constant 48 : index
      %swap3A_164 = tpu.vector_load %arg8[%swap3A_162, %swap3A_163] {strides = array<i32>} : memref<32x300xf32, #tpu.memory_space<vmem>>, vector<1x16xf32>,
      %swap3A_165 = vector.shape_cast %swap3A_164 : vector<1x16xf32> to vector<16xf32>
      %swap3A_166 = vector.shape_cast %mul3A_161 : vector<16xf32> to vector<1x16xf32>
      tpu.vector_store %arg8[%swap3A_162, %swap3A_163], %swap3A_166 {strides = array<i32>} : memref<32x300xf32, #tpu.memory_space<vmem>>, vector<1x16xf32>,
      %mul3A_167 = vector.broadcast %scan3A_36 : f32 to vector<16xf32>
      %mul3A_168 = arith.mulf %scan3A_128#4, %mul3A_167 : vector<16xf32>
      %swap3A_169 = arith.index_cast %scan3A_57 : i32 to index
      %swap3A_170 = arith.constant 64 : index
      %swap3A_171 = tpu.vector_load %arg8[%swap3A_169, %swap3A_170] {strides = array<i32>} : memref<32x300xf32, #tpu.memory_space<vmem>>, vector<1x16xf32>,
      %swap3A_172 = vector.shape_cast %swap3A_171 : vector<1x16xf32> to vector<16xf32>
      %swap3A_173 = vector.shape_cast %mul3A_168 : vector<16xf32> to vector<1x16xf32>
      tpu.vector_store %arg8[%swap3A_169, %swap3A_170], %swap3A_173 {strides = array<i32>} : memref<32x300xf32, #tpu.memory_space<vmem>>, vector<1x16xf32>,
      %mul3A_174 = vector.broadcast %scan3A_36 : f32 to vector<16xf32>
      %mul3A_175 = arith.mulf %scan3A_128#5, %mul3A_174 : vector<16xf32>
      %swap3A_176 = arith.index_cast %scan3A_57 : i32 to index
      %swap3A_177 = arith.constant 80 : index
      %swap3A_178 = tpu.vector_load %arg8[%swap3A_176, %swap3A_177] {strides = array<i32>} : memref<32x300xf32, #tpu.memory_space<vmem>>, vector<1x16xf32>,
      %swap3A_179 = vector.shape_cast %swap3A_178 : vector<1x16xf32> to vector<16xf32>
      %swap3A_180 = vector.shape_cast %mul3A_175 : vector<16xf32> to vector<1x16xf32>
      tpu.vector_store %arg8[%swap3A_176, %swap3A_177], %swap3A_180 {strides = array<i32>} : memref<32x300xf32, #tpu.memory_space<vmem>>, vector<1x16xf32>,
      %mul3A_181 = vector.broadcast %scan3A_36 : f32 to vector<16xf32>
      %mul3A_182 = arith.mulf %scan3A_128#6, %mul3A_181 : vector<16xf32>
      %swap3A_183 = arith.index_cast %scan3A_57 : i32 to index
      %swap3A_184 = arith.constant 96 : index
      %swap3A_185 = tpu.vector_load %arg8[%swap3A_183, %swap3A_184] {strides = array<i32>} : memref<32x300xf32, #tpu.memory_space<vmem>>, vector<1x16xf32>,
      %swap3A_186 = vector.shape_cast %swap3A_185 : vector<1x16xf32> to vector<16xf32>
      %swap3A_187 = vector.shape_cast %mul3A_182 : vector<16xf32> to vector<1x16xf32>
      tpu.vector_store %arg8[%swap3A_183, %swap3A_184], %swap3A_187 {strides = array<i32>} : memref<32x300xf32, #tpu.memory_space<vmem>>, vector<1x16xf32>,
      %mul3A_188 = vector.broadcast %scan3A_36 : f32 to vector<16xf32>
      %mul3A_189 = arith.mulf %scan3A_128#7, %mul3A_188 : vector<16xf32>
      %swap3A_190 = arith.index_cast %scan3A_57 : i32 to index
      %swap3A_191 = arith.constant 112 : index
      %swap3A_192 = tpu.vector_load %arg8[%swap3A_190, %swap3A_191] {strides = array<i32>} : memref<32x300xf32, #tpu.memory_space<vmem>>, vector<1x16xf32>,
      %swap3A_193 = vector.shape_cast %swap3A_192 : vector<1x16xf32> to vector<16xf32>
      %swap3A_194 = vector.shape_cast %mul3A_189 : vector<16xf32> to vector<1x16xf32>
      tpu.vector_store %arg8[%swap3A_190, %swap3A_191], %swap3A_194 {strides = array<i32>} : memref<32x300xf32, #tpu.memory_space<vmem>>, vector<1x16xf32>,
      %mul3A_195 = vector.broadcast %scan3A_36 : f32 to vector<16xf32>
      %mul3A_196 = arith.mulf %scan3A_128#8, %mul3A_195 : vector<16xf32>
      %swap3A_197 = arith.index_cast %scan3A_57 : i32 to index
      %swap3A_198 = arith.constant 128 : index
      %swap3A_199 = tpu.vector_load %arg8[%swap3A_197, %swap3A_198] {strides = array<i32>} : memref<32x300xf32, #tpu.memory_space<vmem>>, vector<1x16xf32>,
      %swap3A_200 = vector.shape_cast %swap3A_199 : vector<1x16xf32> to vector<16xf32>
      %swap3A_201 = vector.shape_cast %mul3A_196 : vector<16xf32> to vector<1x16xf32>
      tpu.vector_store %arg8[%swap3A_197, %swap3A_198], %swap3A_201 {strides = array<i32>} : memref<32x300xf32, #tpu.memory_space<vmem>>, vector<1x16xf32>,
      %mul3A_202 = vector.broadcast %scan3A_36 : f32 to vector<16xf32>
      %mul3A_203 = arith.mulf %scan3A_128#9, %mul3A_202 : vector<16xf32>
      %swap3A_204 = arith.index_cast %scan3A_57 : i32 to index
      %swap3A_205 = arith.constant 144 : index
      %swap3A_206 = tpu.vector_load %arg8[%swap3A_204, %swap3A_205] {strides = array<i32>} : memref<32x300xf32, #tpu.memory_space<vmem>>, vector<1x16xf32>,
      %swap3A_207 = vector.shape_cast %swap3A_206 : vector<1x16xf32> to vector<16xf32>
      %swap3A_208 = vector.shape_cast %mul3A_203 : vector<16xf32> to vector<1x16xf32>
      tpu.vector_store %arg8[%swap3A_204, %swap3A_205], %swap3A_208 {strides = array<i32>} : memref<32x300xf32, #tpu.memory_space<vmem>>, vector<1x16xf32>,
      %mul3A_209 = vector.broadcast %scan3A_36 : f32 to vector<16xf32>
      %mul3A_210 = arith.mulf %scan3A_128#10, %mul3A_209 : vector<16xf32>
      %swap3A_211 = arith.index_cast %scan3A_57 : i32 to index
      %swap3A_212 = arith.constant 160 : index
      %swap3A_213 = tpu.vector_load %arg8[%swap3A_211, %swap3A_212] {strides = array<i32>} : memref<32x300xf32, #tpu.memory_space<vmem>>, vector<1x16xf32>,
      %swap3A_214 = vector.shape_cast %swap3A_213 : vector<1x16xf32> to vector<16xf32>
      %swap3A_215 = vector.shape_cast %mul3A_210 : vector<16xf32> to vector<1x16xf32>
      tpu.vector_store %arg8[%swap3A_211, %swap3A_212], %swap3A_215 {strides = array<i32>} : memref<32x300xf32, #tpu.memory_space<vmem>>, vector<1x16xf32>,
      %mul3A_216 = vector.broadcast %scan3A_36 : f32 to vector<16xf32>
      %mul3A_217 = arith.mulf %scan3A_128#11, %mul3A_216 : vector<16xf32>
      %swap3A_218 = arith.index_cast %scan3A_57 : i32 to index
      %swap3A_219 = arith.constant 176 : index
      %swap3A_220 = tpu.vector_load %arg8[%swap3A_218, %swap3A_219] {strides = array<i32>} : memref<32x300xf32, #tpu.memory_space<vmem>>, vector<1x16xf32>,
      %swap3A_221 = vector.shape_cast %swap3A_220 : vector<1x16xf32> to vector<16xf32>
      %swap3A_222 = vector.shape_cast %mul3A_217 : vector<16xf32> to vector<1x16xf32>
      tpu.vector_store %arg8[%swap3A_218, %swap3A_219], %swap3A_222 {strides = array<i32>} : memref<32x300xf32, #tpu.memory_space<vmem>>, vector<1x16xf32>,
      %mul3A_223 = vector.broadcast %scan3A_36 : f32 to vector<16xf32>
      %mul3A_224 = arith.mulf %scan3A_128#12, %mul3A_223 : vector<16xf32>
      %swap3A_225 = arith.index_cast %scan3A_57 : i32 to index
      %swap3A_226 = arith.constant 192 : index
      %swap3A_227 = tpu.vector_load %arg8[%swap3A_225, %swap3A_226] {strides = array<i32>} : memref<32x300xf32, #tpu.memory_space<vmem>>, vector<1x16xf32>,
      %swap3A_228 = vector.shape_cast %swap3A_227 : vector<1x16xf32> to vector<16xf32>
      %swap3A_229 = vector.shape_cast %mul3A_224 : vector<16xf32> to vector<1x16xf32>
      tpu.vector_store %arg8[%swap3A_225, %swap3A_226], %swap3A_229 {strides = array<i32>} : memref<32x300xf32, #tpu.memory_space<vmem>>, vector<1x16xf32>,
      %mul3A_230 = vector.broadcast %scan3A_36 : f32 to vector<16xf32>
      %mul3A_231 = arith.mulf %scan3A_128#13, %mul3A_230 : vector<16xf32>
      %swap3A_232 = arith.index_cast %scan3A_57 : i32 to index
      %swap3A_233 = arith.constant 208 : index
      %swap3A_234 = tpu.vector_load %arg8[%swap3A_232, %swap3A_233] {strides = array<i32>} : memref<32x300xf32, #tpu.memory_space<vmem>>, vector<1x16xf32>,
      %swap3A_235 = vector.shape_cast %swap3A_234 : vector<1x16xf32> to vector<16xf32>
      %swap3A_236 = vector.shape_cast %mul3A_231 : vector<16xf32> to vector<1x16xf32>
      tpu.vector_store %arg8[%swap3A_232, %swap3A_233], %swap3A_236 {strides = array<i32>} : memref<32x300xf32, #tpu.memory_space<vmem>>, vector<1x16xf32>,
      %mul3A_237 = vector.broadcast %scan3A_36 : f32 to vector<16xf32>
      %mul3A_238 = arith.mulf %scan3A_128#14, %mul3A_237 : vector<16xf32>
      %swap3A_239 = arith.index_cast %scan3A_57 : i32 to index
      %swap3A_240 = arith.constant 224 : index
      %swap3A_241 = tpu.vector_load %arg8[%swap3A_239, %swap3A_240] {strides = array<i32>} : memref<32x300xf32, #tpu.memory_space<vmem>>, vector<1x16xf32>,
      %swap3A_242 = vector.shape_cast %swap3A_241 : vector<1x16xf32> to vector<16xf32>
      %swap3A_243 = vector.shape_cast %mul3A_238 : vector<16xf32> to vector<1x16xf32>
      tpu.vector_store %arg8[%swap3A_239, %swap3A_240], %swap3A_243 {strides = array<i32>} : memref<32x300xf32, #tpu.memory_space<vmem>>, vector<1x16xf32>,
      %mul3A_244 = vector.broadcast %scan3A_36 : f32 to vector<16xf32>
      %mul3A_245 = arith.mulf %scan3A_128#15, %mul3A_244 : vector<16xf32>
      %swap3A_246 = arith.index_cast %scan3A_57 : i32 to index
      %swap3A_247 = arith.constant 240 : index
      %swap3A_248 = tpu.vector_load %arg8[%swap3A_246, %swap3A_247] {strides = array<i32>} : memref<32x300xf32, #tpu.memory_space<vmem>>, vector<1x16xf32>,
      %swap3A_249 = vector.shape_cast %swap3A_248 : vector<1x16xf32> to vector<16xf32>
      %swap3A_250 = vector.shape_cast %mul3A_245 : vector<16xf32> to vector<1x16xf32>
      tpu.vector_store %arg8[%swap3A_246, %swap3A_247], %swap3A_250 {strides = array<i32>} : memref<32x300xf32, #tpu.memory_space<vmem>>, vector<1x16xf32>,
      %mul3A_251 = vector.broadcast %scan3A_36 : f32 to vector<16xf32>
      %mul3A_252 = arith.mulf %scan3A_128#16, %mul3A_251 : vector<16xf32>
      %swap3A_253 = arith.index_cast %scan3A_57 : i32 to index
      %swap3A_254 = arith.constant 256 : index
      %swap3A_255 = tpu.vector_load %arg8[%swap3A_253, %swap3A_254] {strides = array<i32>} : memref<32x300xf32, #tpu.memory_space<vmem>>, vector<1x16xf32>,
      %swap3A_256 = vector.shape_cast %swap3A_255 : vector<1x16xf32> to vector<16xf32>
      %swap3A_257 = vector.shape_cast %mul3A_252 : vector<16xf32> to vector<1x16xf32>
      tpu.vector_store %arg8[%swap3A_253, %swap3A_254], %swap3A_257 {strides = array<i32>} : memref<32x300xf32, #tpu.memory_space<vmem>>, vector<1x16xf32>,
      %mul3A_258 = vector.broadcast %scan3A_36 : f32 to vector<16xf32>
      %mul3A_259 = arith.mulf %scan3A_128#17, %mul3A_258 : vector<16xf32>
      %swap3A_260 = arith.index_cast %scan3A_57 : i32 to index
      %swap3A_261 = arith.constant 272 : index
      %swap3A_262 = tpu.vector_load %arg8[%swap3A_260, %swap3A_261] {strides = array<i32>} : memref<32x300xf32, #tpu.memory_space<vmem>>, vector<1x16xf32>,
      %swap3A_263 = vector.shape_cast %swap3A_262 : vector<1x16xf32> to vector<16xf32>
      %swap3A_264 = vector.shape_cast %mul3A_259 : vector<16xf32> to vector<1x16xf32>
      tpu.vector_store %arg8[%swap3A_260, %swap3A_261], %swap3A_264 {strides = array<i32>} : memref<32x300xf32, #tpu.memory_space<vmem>>, vector<1x16xf32>,
      %mul3A_265 = vector.broadcast %scan3A_36 : f32 to vector<16xf32>
      %mul3A_266 = arith.mulf %scan3A_128#18, %mul3A_265 : vector<16xf32>
      %swap3A_267 = arith.index_cast %scan3A_57 : i32 to index
      %swap3A_268 = arith.constant 284 : index
      %swap3A_269 = tpu.vector_load %arg8[%swap3A_267, %swap3A_268] {strides = array<i32>} : memref<32x300xf32, #tpu.memory_space<vmem>>, vector<1x16xf32>,
      %swap3A_270 = vector.shape_cast %swap3A_269 : vector<1x16xf32> to vector<16xf32>
      %swap3A_271 = vector.shape_cast %mul3A_266 : vector<16xf32> to vector<1x16xf32>
      tpu.vector_store %arg8[%swap3A_267, %swap3A_268], %swap3A_271 {strides = array<i32>} : memref<32x300xf32, #tpu.memory_space<vmem>>, vector<1x16xf32>,
    }
    %scan3A_41 = arith.constant 32 : i32
    %mul3A_42 = arith.constant 128 : i32
    %mul3A_43 = arith.muli %add3A, %mul3A_42 : i32
    %add3A_44 = arith.constant 64 : i32
    %add3A_45 = arith.addi %mul3A_43, %add3A_44 : i32
    "tpu.region"() ({
      %run_scoped3A = tpu.sem_alloc : memref<!tpu.dma_semaphore, #tpu.memory_space<semaphore_mem>>
      %dma_start3A_57 = arith.constant 0 : i32
      %dma_start3A_58 = tpu.memref_slice %arg4[%add3A_45, %dma_start3A_57] : memref<4096x300xf32, #tpu.memory_space<hbm>> -> memref<32x300xf32, #tpu.memory_space<hbm>>
      %dma_start3A_59 = arith.constant 0 : i32
      %dma_start3A_60 = tpu.memref_slice %arg4[%add3A_45, %dma_start3A_59] : memref<4096x300xf32, #tpu.memory_space<hbm>> -> memref<32x300xf32, #tpu.memory_space<hbm>>
      tpu.enqueue_dma source(%arg8 : memref<32x300xf32, #tpu.memory_space<vmem>>) target(%dma_start3A_60 : memref<32x300xf32, #tpu.memory_space<hbm>>) target_semaphore(%run_scoped3A : memref<!tpu.dma_semaphore, #tpu.memory_space<semaphore_mem>>)
      %dma_wait3A = arith.constant 0 : i32
      %dma_wait3A_61 = tpu.memref_slice %arg4[%add3A_45, %dma_wait3A] : memref<4096x300xf32, #tpu.memory_space<hbm>> -> memref<32x300xf32, #tpu.memory_space<hbm>>
      %dma_wait3A_62 = arith.constant 0 : i32
      %dma_wait3A_63 = tpu.memref_slice %arg4[%add3A_45, %dma_wait3A_62] : memref<4096x300xf32, #tpu.memory_space<hbm>> -> memref<32x300xf32, #tpu.memory_space<hbm>>
      tpu.wait_dma2 semaphore(%run_scoped3A : memref<!tpu.dma_semaphore, #tpu.memory_space<semaphore_mem>>) src(%arg8 : memref<32x300xf32, #tpu.memory_space<vmem>>) dst(%dma_wait3A_63 : memref<32x300xf32, #tpu.memory_space<hbm>>)
      tpu.yield
    }) : () -> ()
    %scan3A_46 = arith.constant 0 : i32
    %scan3A_47 = arith.constant 5.000000e-03 : f32
    %scan3A_48 = arith.constant 0 : i32
    %scan3A_49 = arith.constant 32 : i32
    %scan3A_50 = arith.addi %scan3A_48, %scan3A_49 : i32
    %scan3A_51 = arith.constant 1 : i32
    scf.for %scan3A_57 = %scan3A_48 to %scan3A_50 step %scan3A_51  : i32 {
      %add3A_58 = arith.constant 96 : i32
      %add3A_59 = arith.addi %add3A_58, %scan3A_57 : i32
      %broadcast_in_dim3A = arith.constant 0.000000e+00 : f32
      %broadcast_in_dim3A_60 = vector.broadcast %broadcast_in_dim3A : f32 to vector<16xf32>
      %broadcast_in_dim3A_61 = arith.constant 0.000000e+00 : f32
      %broadcast_in_dim3A_62 = vector.broadcast %broadcast_in_dim3A_61 : f32 to vector<16xf32>
      %broadcast_in_dim3A_63 = arith.constant 0.000000e+00 : f32
      %broadcast_in_dim3A_64 = vector.broadcast %broadcast_in_dim3A_63 : f32 to vector<16xf32>
      %broadcast_in_dim3A_65 = arith.constant 0.000000e+00 : f32
      %broadcast_in_dim3A_66 = vector.broadcast %broadcast_in_dim3A_65 : f32 to vector<16xf32>
      %broadcast_in_dim3A_67 = arith.constant 0.000000e+00 : f32
      %broadcast_in_dim3A_68 = vector.broadcast %broadcast_in_dim3A_67 : f32 to vector<16xf32>
      %broadcast_in_dim3A_69 = arith.constant 0.000000e+00 : f32
      %broadcast_in_dim3A_70 = vector.broadcast %broadcast_in_dim3A_69 : f32 to vector<16xf32>
      %broadcast_in_dim3A_71 = arith.constant 0.000000e+00 : f32
      %broadcast_in_dim3A_72 = vector.broadcast %broadcast_in_dim3A_71 : f32 to vector<16xf32>
      %broadcast_in_dim3A_73 = arith.constant 0.000000e+00 : f32
      %broadcast_in_dim3A_74 = vector.broadcast %broadcast_in_dim3A_73 : f32 to vector<16xf32>
      %broadcast_in_dim3A_75 = arith.constant 0.000000e+00 : f32
      %broadcast_in_dim3A_76 = vector.broadcast %broadcast_in_dim3A_75 : f32 to vector<16xf32>
      %broadcast_in_dim3A_77 = arith.constant 0.000000e+00 : f32
      %broadcast_in_dim3A_78 = vector.broadcast %broadcast_in_dim3A_77 : f32 to vector<16xf32>
      %broadcast_in_dim3A_79 = arith.constant 0.000000e+00 : f32
      %broadcast_in_dim3A_80 = vector.broadcast %broadcast_in_dim3A_79 : f32 to vector<16xf32>
      %broadcast_in_dim3A_81 = arith.constant 0.000000e+00 : f32
      %broadcast_in_dim3A_82 = vector.broadcast %broadcast_in_dim3A_81 : f32 to vector<16xf32>
      %broadcast_in_dim3A_83 = arith.constant 0.000000e+00 : f32
      %broadcast_in_dim3A_84 = vector.broadcast %broadcast_in_dim3A_83 : f32 to vector<16xf32>
      %broadcast_in_dim3A_85 = arith.constant 0.000000e+00 : f32
      %broadcast_in_dim3A_86 = vector.broadcast %broadcast_in_dim3A_85 : f32 to vector<16xf32>
      %broadcast_in_dim3A_87 = arith.constant 0.000000e+00 : f32
      %broadcast_in_dim3A_88 = vector.broadcast %broadcast_in_dim3A_87 : f32 to vector<16xf32>
      %broadcast_in_dim3A_89 = arith.constant 0.000000e+00 : f32
      %broadcast_in_dim3A_90 = vector.broadcast %broadcast_in_dim3A_89 : f32 to vector<16xf32>
      %broadcast_in_dim3A_91 = arith.constant 0.000000e+00 : f32
      %broadcast_in_dim3A_92 = vector.broadcast %broadcast_in_dim3A_91 : f32 to vector<16xf32>
      %broadcast_in_dim3A_93 = arith.constant 0.000000e+00 : f32
      %broadcast_in_dim3A_94 = vector.broadcast %broadcast_in_dim3A_93 : f32 to vector<16xf32>
      %broadcast_in_dim3A_95 = arith.constant 0.000000e+00 : f32
      %broadcast_in_dim3A_96 = vector.broadcast %broadcast_in_dim3A_95 : f32 to vector<16xf32>
      %mul3A_97 = arith.constant 200 : i32
      %mul3A_98 = arith.muli %add3A_59, %mul3A_97 : i32
      %dma_wait3A = tpu.memref_slice %arg5[%mul3A_98] : memref<25600xi32, #tpu.memory_space<vmem>> -> memref<104xi32, #tpu.memory_space<vmem>>
      %dma_wait3A_99 = arith.constant 0 : i32
      %dma_wait3A_100 = arith.constant 0 : i32
      %dma_wait3A_101 = tpu.memref_slice %arg3[%dma_wait3A_99, %dma_wait3A_100] : memref<100000x384xf32, #tpu.memory_space<hbm>> -> memref<100000x384xf32, #tpu.memory_space<hbm>>
      tpu.wait_indirect_dma semaphore(%arg9 : memref<!tpu.dma_semaphore, #tpu.memory_space<semaphore_mem>>) src(%dma_wait3A_101 : memref<100000x384xf32, #tpu.memory_space<hbm>>) dst(%arg6 : memref<104x384xf32, #tpu.memory_space<vmem>>)
      %scan3A_102 = arith.constant 0 : i32
      %scan3A_103 = arith.constant 104 : i32
      %scan3A_104 = arith.addi %scan3A_102, %scan3A_103 : i32
      %scan3A_105 = arith.constant 1 : i32
      %scan3A_106:19 = scf.for %scan3A_261 = %scan3A_102 to %scan3A_104 step %scan3A_105 iter_args(%scan3A_262 = %broadcast_in_dim3A_60, %scan3A_263 = %broadcast_in_dim3A_62, %scan3A_264 = %broadcast_in_dim3A_64, %scan3A_265 = %broadcast_in_dim3A_66, %scan3A_266 = %broadcast_in_dim3A_68, %scan3A_267 = %broadcast_in_dim3A_70, %scan3A_268 = %broadcast_in_dim3A_72, %scan3A_269 = %broadcast_in_dim3A_74, %scan3A_270 = %broadcast_in_dim3A_76, %scan3A_271 = %broadcast_in_dim3A_78, %scan3A_272 = %broadcast_in_dim3A_80, %scan3A_273 = %broadcast_in_dim3A_82, %scan3A_274 = %broadcast_in_dim3A_84, %scan3A_275 = %broadcast_in_dim3A_86, %scan3A_276 = %broadcast_in_dim3A_88, %scan3A_277 = %broadcast_in_dim3A_90, %scan3A_278 = %broadcast_in_dim3A_92, %scan3A_279 = %broadcast_in_dim3A_94, %scan3A_280 = %broadcast_in_dim3A_96) -> (vector<16xf32>, vector<16xf32>, vector<16xf32>, vector<16xf32>, vector<16xf32>, vector<16xf32>, vector<16xf32>, vector<16xf32>, vector<16xf32>, vector<16xf32>, vector<16xf32>, vector<16xf32>, vector<16xf32>, vector<16xf32>, vector<16xf32>, vector<16xf32>, vector<16xf32>, vector<16xf32>, vector<16xf32>)  : i32 {
        %get3A = arith.index_cast %scan3A_261 : i32 to index
        %get3A_281 = arith.constant 0 : index
        %get3A_282 = tpu.vector_load %arg6[%get3A, %get3A_281] {strides = array<i32>} : memref<104x384xf32, #tpu.memory_space<vmem>>, vector<1x16xf32>,
        %get3A_283 = vector.shape_cast %get3A_282 : vector<1x16xf32> to vector<16xf32>
        %add3A_284 = arith.addf %scan3A_262, %get3A_283 : vector<16xf32>
        %get3A_285 = arith.index_cast %scan3A_261 : i32 to index
        %get3A_286 = arith.constant 16 : index
        %get3A_287 = tpu.vector_load %arg6[%get3A_285, %get3A_286] {strides = array<i32>} : memref<104x384xf32, #tpu.memory_space<vmem>>, vector<1x16xf32>,
        %get3A_288 = vector.shape_cast %get3A_287 : vector<1x16xf32> to vector<16xf32>
        %add3A_289 = arith.addf %scan3A_263, %get3A_288 : vector<16xf32>
        %get3A_290 = arith.index_cast %scan3A_261 : i32 to index
        %get3A_291 = arith.constant 32 : index
        %get3A_292 = tpu.vector_load %arg6[%get3A_290, %get3A_291] {strides = array<i32>} : memref<104x384xf32, #tpu.memory_space<vmem>>, vector<1x16xf32>,
        %get3A_293 = vector.shape_cast %get3A_292 : vector<1x16xf32> to vector<16xf32>
        %add3A_294 = arith.addf %scan3A_264, %get3A_293 : vector<16xf32>
        %get3A_295 = arith.index_cast %scan3A_261 : i32 to index
        %get3A_296 = arith.constant 48 : index
        %get3A_297 = tpu.vector_load %arg6[%get3A_295, %get3A_296] {strides = array<i32>} : memref<104x384xf32, #tpu.memory_space<vmem>>, vector<1x16xf32>,
        %get3A_298 = vector.shape_cast %get3A_297 : vector<1x16xf32> to vector<16xf32>
        %add3A_299 = arith.addf %scan3A_265, %get3A_298 : vector<16xf32>
        %get3A_300 = arith.index_cast %scan3A_261 : i32 to index
        %get3A_301 = arith.constant 64 : index
        %get3A_302 = tpu.vector_load %arg6[%get3A_300, %get3A_301] {strides = array<i32>} : memref<104x384xf32, #tpu.memory_space<vmem>>, vector<1x16xf32>,
        %get3A_303 = vector.shape_cast %get3A_302 : vector<1x16xf32> to vector<16xf32>
        %add3A_304 = arith.addf %scan3A_266, %get3A_303 : vector<16xf32>
        %get3A_305 = arith.index_cast %scan3A_261 : i32 to index
        %get3A_306 = arith.constant 80 : index
        %get3A_307 = tpu.vector_load %arg6[%get3A_305, %get3A_306] {strides = array<i32>} : memref<104x384xf32, #tpu.memory_space<vmem>>, vector<1x16xf32>,
        %get3A_308 = vector.shape_cast %get3A_307 : vector<1x16xf32> to vector<16xf32>
        %add3A_309 = arith.addf %scan3A_267, %get3A_308 : vector<16xf32>
        %get3A_310 = arith.index_cast %scan3A_261 : i32 to index
        %get3A_311 = arith.constant 96 : index
        %get3A_312 = tpu.vector_load %arg6[%get3A_310, %get3A_311] {strides = array<i32>} : memref<104x384xf32, #tpu.memory_space<vmem>>, vector<1x16xf32>,
        %get3A_313 = vector.shape_cast %get3A_312 : vector<1x16xf32> to vector<16xf32>
        %add3A_314 = arith.addf %scan3A_268, %get3A_313 : vector<16xf32>
        %get3A_315 = arith.index_cast %scan3A_261 : i32 to index
        %get3A_316 = arith.constant 112 : index
        %get3A_317 = tpu.vector_load %arg6[%get3A_315, %get3A_316] {strides = array<i32>} : memref<104x384xf32, #tpu.memory_space<vmem>>, vector<1x16xf32>,
        %get3A_318 = vector.shape_cast %get3A_317 : vector<1x16xf32> to vector<16xf32>
        %add3A_319 = arith.addf %scan3A_269, %get3A_318 : vector<16xf32>
        %get3A_320 = arith.index_cast %scan3A_261 : i32 to index
        %get3A_321 = arith.constant 128 : index
        %get3A_322 = tpu.vector_load %arg6[%get3A_320, %get3A_321] {strides = array<i32>} : memref<104x384xf32, #tpu.memory_space<vmem>>, vector<1x16xf32>,
        %get3A_323 = vector.shape_cast %get3A_322 : vector<1x16xf32> to vector<16xf32>
        %add3A_324 = arith.addf %scan3A_270, %get3A_323 : vector<16xf32>
        %get3A_325 = arith.index_cast %scan3A_261 : i32 to index
        %get3A_326 = arith.constant 144 : index
        %get3A_327 = tpu.vector_load %arg6[%get3A_325, %get3A_326] {strides = array<i32>} : memref<104x384xf32, #tpu.memory_space<vmem>>, vector<1x16xf32>,
        %get3A_328 = vector.shape_cast %get3A_327 : vector<1x16xf32> to vector<16xf32>
        %add3A_329 = arith.addf %scan3A_271, %get3A_328 : vector<16xf32>
        %get3A_330 = arith.index_cast %scan3A_261 : i32 to index
        %get3A_331 = arith.constant 160 : index
        %get3A_332 = tpu.vector_load %arg6[%get3A_330, %get3A_331] {strides = array<i32>} : memref<104x384xf32, #tpu.memory_space<vmem>>, vector<1x16xf32>,
        %get3A_333 = vector.shape_cast %get3A_332 : vector<1x16xf32> to vector<16xf32>
        %add3A_334 = arith.addf %scan3A_272, %get3A_333 : vector<16xf32>
        %get3A_335 = arith.index_cast %scan3A_261 : i32 to index
        %get3A_336 = arith.constant 176 : index
        %get3A_337 = tpu.vector_load %arg6[%get3A_335, %get3A_336] {strides = array<i32>} : memref<104x384xf32, #tpu.memory_space<vmem>>, vector<1x16xf32>,
        %get3A_338 = vector.shape_cast %get3A_337 : vector<1x16xf32> to vector<16xf32>
        %add3A_339 = arith.addf %scan3A_273, %get3A_338 : vector<16xf32>
        %get3A_340 = arith.index_cast %scan3A_261 : i32 to index
        %get3A_341 = arith.constant 192 : index
        %get3A_342 = tpu.vector_load %arg6[%get3A_340, %get3A_341] {strides = array<i32>} : memref<104x384xf32, #tpu.memory_space<vmem>>, vector<1x16xf32>,
        %get3A_343 = vector.shape_cast %get3A_342 : vector<1x16xf32> to vector<16xf32>
        %add3A_344 = arith.addf %scan3A_274, %get3A_343 : vector<16xf32>
        %get3A_345 = arith.index_cast %scan3A_261 : i32 to index
        %get3A_346 = arith.constant 208 : index
        %get3A_347 = tpu.vector_load %arg6[%get3A_345, %get3A_346] {strides = array<i32>} : memref<104x384xf32, #tpu.memory_space<vmem>>, vector<1x16xf32>,
        %get3A_348 = vector.shape_cast %get3A_347 : vector<1x16xf32> to vector<16xf32>
        %add3A_349 = arith.addf %scan3A_275, %get3A_348 : vector<16xf32>
        %get3A_350 = arith.index_cast %scan3A_261 : i32 to index
        %get3A_351 = arith.constant 224 : index
        %get3A_352 = tpu.vector_load %arg6[%get3A_350, %get3A_351] {strides = array<i32>} : memref<104x384xf32, #tpu.memory_space<vmem>>, vector<1x16xf32>,
        %get3A_353 = vector.shape_cast %get3A_352 : vector<1x16xf32> to vector<16xf32>
        %add3A_354 = arith.addf %scan3A_276, %get3A_353 : vector<16xf32>
        %get3A_355 = arith.index_cast %scan3A_261 : i32 to index
        %get3A_356 = arith.constant 240 : index
        %get3A_357 = tpu.vector_load %arg6[%get3A_355, %get3A_356] {strides = array<i32>} : memref<104x384xf32, #tpu.memory_space<vmem>>, vector<1x16xf32>,
        %get3A_358 = vector.shape_cast %get3A_357 : vector<1x16xf32> to vector<16xf32>
        %add3A_359 = arith.addf %scan3A_277, %get3A_358 : vector<16xf32>
        %get3A_360 = arith.index_cast %scan3A_261 : i32 to index
        %get3A_361 = arith.constant 256 : index
        %get3A_362 = tpu.vector_load %arg6[%get3A_360, %get3A_361] {strides = array<i32>} : memref<104x384xf32, #tpu.memory_space<vmem>>, vector<1x16xf32>,
        %get3A_363 = vector.shape_cast %get3A_362 : vector<1x16xf32> to vector<16xf32>
        %add3A_364 = arith.addf %scan3A_278, %get3A_363 : vector<16xf32>
        %get3A_365 = arith.index_cast %scan3A_261 : i32 to index
        %get3A_366 = arith.constant 272 : index
        %get3A_367 = tpu.vector_load %arg6[%get3A_365, %get3A_366] {strides = array<i32>} : memref<104x384xf32, #tpu.memory_space<vmem>>, vector<1x16xf32>,
        %get3A_368 = vector.shape_cast %get3A_367 : vector<1x16xf32> to vector<16xf32>
        %add3A_369 = arith.addf %scan3A_279, %get3A_368 : vector<16xf32>
        %get3A_370 = arith.index_cast %scan3A_261 : i32 to index
        %get3A_371 = arith.constant 284 : index
        %get3A_372 = tpu.vector_load %arg6[%get3A_370, %get3A_371] {strides = array<i32>} : memref<104x384xf32, #tpu.memory_space<vmem>>, vector<1x16xf32>,
        %get3A_373 = vector.shape_cast %get3A_372 : vector<1x16xf32> to vector<16xf32>
        %add3A_374 = arith.addf %scan3A_280, %get3A_373 : vector<16xf32>
        scf.yield %add3A_284, %add3A_289, %add3A_294, %add3A_299, %add3A_304, %add3A_309, %add3A_314, %add3A_319, %add3A_324, %add3A_329, %add3A_334, %add3A_339, %add3A_344, %add3A_349, %add3A_354, %add3A_359, %add3A_364, %add3A_369, %add3A_374 : vector<16xf32>, vector<16xf32>, vector<16xf32>, vector<16xf32>, vector<16xf32>, vector<16xf32>, vector<16xf32>, vector<16xf32>, vector<16xf32>, vector<16xf32>, vector<16xf32>, vector<16xf32>, vector<16xf32>, vector<16xf32>, vector<16xf32>, vector<16xf32>, vector<16xf32>, vector<16xf32>, vector<16xf32>
      }
      %scan3A_107 = arith.constant 104 : i32
      %lt3A = arith.constant 31 : i32
      %lt3A_108 = arith.cmpi slt, %scan3A_57, %lt3A : i32
      %convert_element_type3A = arith.extui %lt3A_108 : i1 to i32
      %cond3A = arith.constant 0 : i32
      %cond3A_109 = arith.cmpi ne, %convert_element_type3A, %cond3A : i32
      scf.if %cond3A_109 {
        %add3A_261 = arith.constant 1 : i32
        %add3A_262 = arith.addi %add3A_59, %add3A_261 : i32
        %mul3A_263 = arith.constant 200 : i32
        %mul3A_264 = arith.muli %add3A_262, %mul3A_263 : i32
        %dma_start3A_265 = tpu.memref_slice %arg5[%mul3A_264] : memref<25600xi32, #tpu.memory_space<vmem>> -> memref<104xi32, #tpu.memory_space<vmem>>
        %dma_start3A_266 = arith.constant 0 : i32
        %dma_start3A_267 = arith.constant 0 : i32
        %dma_start3A_268 = tpu.memref_slice %arg3[%dma_start3A_266, %dma_start3A_267] : memref<100000x384xf32, #tpu.memory_space<hbm>> -> memref<100000x384xf32, #tpu.memory_space<hbm>>
        tpu.enqueue_indirect_dma source(%dma_start3A_268 : memref<100000x384xf32, #tpu.memory_space<hbm>>) target(%arg6 : memref<104x384xf32, #tpu.memory_space<vmem>>) offsets(%dma_start3A_265 : memref<104xi32, #tpu.memory_space<vmem>>) semaphore(%arg9 : memref<!tpu.dma_semaphore, #tpu.memory_space<semaphore_mem>>)
      } else {
      }
      %mul3A_110 = arith.constant 200 : i32
      %mul3A_111 = arith.muli %add3A_59, %mul3A_110 : i32
      %add3A_112 = arith.constant 104 : i32
      %add3A_113 = arith.addi %mul3A_111, %add3A_112 : i32
      %dma_wait3A_114 = tpu.memref_slice %arg5[%add3A_113] : memref<25600xi32, #tpu.memory_space<vmem>> -> memref<96xi32, #tpu.memory_space<vmem>>
      %dma_wait3A_115 = arith.constant 0 : i32
      %dma_wait3A_116 = arith.constant 0 : i32
      %dma_wait3A_117 = tpu.memref_slice %arg3[%dma_wait3A_115, %dma_wait3A_116] : memref<100000x384xf32, #tpu.memory_space<hbm>> -> memref<100000x384xf32, #tpu.memory_space<hbm>>
      tpu.wait_indirect_dma semaphore(%arg10 : memref<!tpu.dma_semaphore, #tpu.memory_space<semaphore_mem>>) src(%dma_wait3A_117 : memref<100000x384xf32, #tpu.memory_space<hbm>>) dst(%arg7 : memref<96x384xf32, #tpu.memory_space<vmem>>)
      %scan3A_118 = arith.constant 0 : i32
      %scan3A_119 = arith.constant 96 : i32
      %scan3A_120 = arith.addi %scan3A_118, %scan3A_119 : i32
      %scan3A_121 = arith.constant 1 : i32
      %scan3A_122:19 = scf.for %scan3A_261 = %scan3A_118 to %scan3A_120 step %scan3A_121 iter_args(%scan3A_262 = %scan3A_106#0, %scan3A_263 = %scan3A_106#1, %scan3A_264 = %scan3A_106#2, %scan3A_265 = %scan3A_106#3, %scan3A_266 = %scan3A_106#4, %scan3A_267 = %scan3A_106#5, %scan3A_268 = %scan3A_106#6, %scan3A_269 = %scan3A_106#7, %scan3A_270 = %scan3A_106#8, %scan3A_271 = %scan3A_106#9, %scan3A_272 = %scan3A_106#10, %scan3A_273 = %scan3A_106#11, %scan3A_274 = %scan3A_106#12, %scan3A_275 = %scan3A_106#13, %scan3A_276 = %scan3A_106#14, %scan3A_277 = %scan3A_106#15, %scan3A_278 = %scan3A_106#16, %scan3A_279 = %scan3A_106#17, %scan3A_280 = %scan3A_106#18) -> (vector<16xf32>, vector<16xf32>, vector<16xf32>, vector<16xf32>, vector<16xf32>, vector<16xf32>, vector<16xf32>, vector<16xf32>, vector<16xf32>, vector<16xf32>, vector<16xf32>, vector<16xf32>, vector<16xf32>, vector<16xf32>, vector<16xf32>, vector<16xf32>, vector<16xf32>, vector<16xf32>, vector<16xf32>)  : i32 {
        %get3A = arith.index_cast %scan3A_261 : i32 to index
        %get3A_281 = arith.constant 0 : index
        %get3A_282 = tpu.vector_load %arg7[%get3A, %get3A_281] {strides = array<i32>} : memref<96x384xf32, #tpu.memory_space<vmem>>, vector<1x16xf32>,
        %get3A_283 = vector.shape_cast %get3A_282 : vector<1x16xf32> to vector<16xf32>
        %add3A_284 = arith.addf %scan3A_262, %get3A_283 : vector<16xf32>
        %get3A_285 = arith.index_cast %scan3A_261 : i32 to index
        %get3A_286 = arith.constant 16 : index
        %get3A_287 = tpu.vector_load %arg7[%get3A_285, %get3A_286] {strides = array<i32>} : memref<96x384xf32, #tpu.memory_space<vmem>>, vector<1x16xf32>,
        %get3A_288 = vector.shape_cast %get3A_287 : vector<1x16xf32> to vector<16xf32>
        %add3A_289 = arith.addf %scan3A_263, %get3A_288 : vector<16xf32>
        %get3A_290 = arith.index_cast %scan3A_261 : i32 to index
        %get3A_291 = arith.constant 32 : index
        %get3A_292 = tpu.vector_load %arg7[%get3A_290, %get3A_291] {strides = array<i32>} : memref<96x384xf32, #tpu.memory_space<vmem>>, vector<1x16xf32>,
        %get3A_293 = vector.shape_cast %get3A_292 : vector<1x16xf32> to vector<16xf32>
        %add3A_294 = arith.addf %scan3A_264, %get3A_293 : vector<16xf32>
        %get3A_295 = arith.index_cast %scan3A_261 : i32 to index
        %get3A_296 = arith.constant 48 : index
        %get3A_297 = tpu.vector_load %arg7[%get3A_295, %get3A_296] {strides = array<i32>} : memref<96x384xf32, #tpu.memory_space<vmem>>, vector<1x16xf32>,
        %get3A_298 = vector.shape_cast %get3A_297 : vector<1x16xf32> to vector<16xf32>
        %add3A_299 = arith.addf %scan3A_265, %get3A_298 : vector<16xf32>
        %get3A_300 = arith.index_cast %scan3A_261 : i32 to index
        %get3A_301 = arith.constant 64 : index
        %get3A_302 = tpu.vector_load %arg7[%get3A_300, %get3A_301] {strides = array<i32>} : memref<96x384xf32, #tpu.memory_space<vmem>>, vector<1x16xf32>,
        %get3A_303 = vector.shape_cast %get3A_302 : vector<1x16xf32> to vector<16xf32>
        %add3A_304 = arith.addf %scan3A_266, %get3A_303 : vector<16xf32>
        %get3A_305 = arith.index_cast %scan3A_261 : i32 to index
        %get3A_306 = arith.constant 80 : index
        %get3A_307 = tpu.vector_load %arg7[%get3A_305, %get3A_306] {strides = array<i32>} : memref<96x384xf32, #tpu.memory_space<vmem>>, vector<1x16xf32>,
        %get3A_308 = vector.shape_cast %get3A_307 : vector<1x16xf32> to vector<16xf32>
        %add3A_309 = arith.addf %scan3A_267, %get3A_308 : vector<16xf32>
        %get3A_310 = arith.index_cast %scan3A_261 : i32 to index
        %get3A_311 = arith.constant 96 : index
        %get3A_312 = tpu.vector_load %arg7[%get3A_310, %get3A_311] {strides = array<i32>} : memref<96x384xf32, #tpu.memory_space<vmem>>, vector<1x16xf32>,
        %get3A_313 = vector.shape_cast %get3A_312 : vector<1x16xf32> to vector<16xf32>
        %add3A_314 = arith.addf %scan3A_268, %get3A_313 : vector<16xf32>
        %get3A_315 = arith.index_cast %scan3A_261 : i32 to index
        %get3A_316 = arith.constant 112 : index
        %get3A_317 = tpu.vector_load %arg7[%get3A_315, %get3A_316] {strides = array<i32>} : memref<96x384xf32, #tpu.memory_space<vmem>>, vector<1x16xf32>,
        %get3A_318 = vector.shape_cast %get3A_317 : vector<1x16xf32> to vector<16xf32>
        %add3A_319 = arith.addf %scan3A_269, %get3A_318 : vector<16xf32>
        %get3A_320 = arith.index_cast %scan3A_261 : i32 to index
        %get3A_321 = arith.constant 128 : index
        %get3A_322 = tpu.vector_load %arg7[%get3A_320, %get3A_321] {strides = array<i32>} : memref<96x384xf32, #tpu.memory_space<vmem>>, vector<1x16xf32>,
        %get3A_323 = vector.shape_cast %get3A_322 : vector<1x16xf32> to vector<16xf32>
        %add3A_324 = arith.addf %scan3A_270, %get3A_323 : vector<16xf32>
        %get3A_325 = arith.index_cast %scan3A_261 : i32 to index
        %get3A_326 = arith.constant 144 : index
        %get3A_327 = tpu.vector_load %arg7[%get3A_325, %get3A_326] {strides = array<i32>} : memref<96x384xf32, #tpu.memory_space<vmem>>, vector<1x16xf32>,
        %get3A_328 = vector.shape_cast %get3A_327 : vector<1x16xf32> to vector<16xf32>
        %add3A_329 = arith.addf %scan3A_271, %get3A_328 : vector<16xf32>
        %get3A_330 = arith.index_cast %scan3A_261 : i32 to index
        %get3A_331 = arith.constant 160 : index
        %get3A_332 = tpu.vector_load %arg7[%get3A_330, %get3A_331] {strides = array<i32>} : memref<96x384xf32, #tpu.memory_space<vmem>>, vector<1x16xf32>,
        %get3A_333 = vector.shape_cast %get3A_332 : vector<1x16xf32> to vector<16xf32>
        %add3A_334 = arith.addf %scan3A_272, %get3A_333 : vector<16xf32>
        %get3A_335 = arith.index_cast %scan3A_261 : i32 to index
        %get3A_336 = arith.constant 176 : index
        %get3A_337 = tpu.vector_load %arg7[%get3A_335, %get3A_336] {strides = array<i32>} : memref<96x384xf32, #tpu.memory_space<vmem>>, vector<1x16xf32>,
        %get3A_338 = vector.shape_cast %get3A_337 : vector<1x16xf32> to vector<16xf32>
        %add3A_339 = arith.addf %scan3A_273, %get3A_338 : vector<16xf32>
        %get3A_340 = arith.index_cast %scan3A_261 : i32 to index
        %get3A_341 = arith.constant 192 : index
        %get3A_342 = tpu.vector_load %arg7[%get3A_340, %get3A_341] {strides = array<i32>} : memref<96x384xf32, #tpu.memory_space<vmem>>, vector<1x16xf32>,
        %get3A_343 = vector.shape_cast %get3A_342 : vector<1x16xf32> to vector<16xf32>
        %add3A_344 = arith.addf %scan3A_274, %get3A_343 : vector<16xf32>
        %get3A_345 = arith.index_cast %scan3A_261 : i32 to index
        %get3A_346 = arith.constant 208 : index
        %get3A_347 = tpu.vector_load %arg7[%get3A_345, %get3A_346] {strides = array<i32>} : memref<96x384xf32, #tpu.memory_space<vmem>>, vector<1x16xf32>,
        %get3A_348 = vector.shape_cast %get3A_347 : vector<1x16xf32> to vector<16xf32>
        %add3A_349 = arith.addf %scan3A_275, %get3A_348 : vector<16xf32>
        %get3A_350 = arith.index_cast %scan3A_261 : i32 to index
        %get3A_351 = arith.constant 224 : index
        %get3A_352 = tpu.vector_load %arg7[%get3A_350, %get3A_351] {strides = array<i32>} : memref<96x384xf32, #tpu.memory_space<vmem>>, vector<1x16xf32>,
        %get3A_353 = vector.shape_cast %get3A_352 : vector<1x16xf32> to vector<16xf32>
        %add3A_354 = arith.addf %scan3A_276, %get3A_353 : vector<16xf32>
        %get3A_355 = arith.index_cast %scan3A_261 : i32 to index
        %get3A_356 = arith.constant 240 : index
        %get3A_357 = tpu.vector_load %arg7[%get3A_355, %get3A_356] {strides = array<i32>} : memref<96x384xf32, #tpu.memory_space<vmem>>, vector<1x16xf32>,
        %get3A_358 = vector.shape_cast %get3A_357 : vector<1x16xf32> to vector<16xf32>
        %add3A_359 = arith.addf %scan3A_277, %get3A_358 : vector<16xf32>
        %get3A_360 = arith.index_cast %scan3A_261 : i32 to index
        %get3A_361 = arith.constant 256 : index
        %get3A_362 = tpu.vector_load %arg7[%get3A_360, %get3A_361] {strides = array<i32>} : memref<96x384xf32, #tpu.memory_space<vmem>>, vector<1x16xf32>,
        %get3A_363 = vector.shape_cast %get3A_362 : vector<1x16xf32> to vector<16xf32>
        %add3A_364 = arith.addf %scan3A_278, %get3A_363 : vector<16xf32>
        %get3A_365 = arith.index_cast %scan3A_261 : i32 to index
        %get3A_366 = arith.constant 272 : index
        %get3A_367 = tpu.vector_load %arg7[%get3A_365, %get3A_366] {strides = array<i32>} : memref<96x384xf32, #tpu.memory_space<vmem>>, vector<1x16xf32>,
        %get3A_368 = vector.shape_cast %get3A_367 : vector<1x16xf32> to vector<16xf32>
        %add3A_369 = arith.addf %scan3A_279, %get3A_368 : vector<16xf32>
        %get3A_370 = arith.index_cast %scan3A_261 : i32 to index
        %get3A_371 = arith.constant 284 : index
        %get3A_372 = tpu.vector_load %arg7[%get3A_370, %get3A_371] {strides = array<i32>} : memref<96x384xf32, #tpu.memory_space<vmem>>, vector<1x16xf32>,
        %get3A_373 = vector.shape_cast %get3A_372 : vector<1x16xf32> to vector<16xf32>
        %add3A_374 = arith.addf %scan3A_280, %get3A_373 : vector<16xf32>
        scf.yield %add3A_284, %add3A_289, %add3A_294, %add3A_299, %add3A_304, %add3A_309, %add3A_314, %add3A_319, %add3A_324, %add3A_329, %add3A_334, %add3A_339, %add3A_344, %add3A_349, %add3A_354, %add3A_359, %add3A_364, %add3A_369, %add3A_374 : vector<16xf32>, vector<16xf32>, vector<16xf32>, vector<16xf32>, vector<16xf32>, vector<16xf32>, vector<16xf32>, vector<16xf32>, vector<16xf32>, vector<16xf32>, vector<16xf32>, vector<16xf32>, vector<16xf32>, vector<16xf32>, vector<16xf32>, vector<16xf32>, vector<16xf32>, vector<16xf32>, vector<16xf32>
      }
      %scan3A_123 = arith.constant 96 : i32
      %lt3A_124 = arith.constant 31 : i32
      %lt3A_125 = arith.cmpi slt, %scan3A_57, %lt3A_124 : i32
      %convert_element_type3A_126 = arith.extui %lt3A_125 : i1 to i32
      %cond3A_127 = arith.constant 0 : i32
      %cond3A_128 = arith.cmpi ne, %convert_element_type3A_126, %cond3A_127 : i32
      scf.if %cond3A_128 {
        %add3A_261 = arith.constant 1 : i32
        %add3A_262 = arith.addi %add3A_59, %add3A_261 : i32
        %mul3A_263 = arith.constant 200 : i32
        %mul3A_264 = arith.muli %add3A_262, %mul3A_263 : i32
        %add3A_265 = arith.constant 104 : i32
        %add3A_266 = arith.addi %mul3A_264, %add3A_265 : i32
        %dma_start3A_267 = tpu.memref_slice %arg5[%add3A_266] : memref<25600xi32, #tpu.memory_space<vmem>> -> memref<96xi32, #tpu.memory_space<vmem>>
        %dma_start3A_268 = arith.constant 0 : i32
        %dma_start3A_269 = arith.constant 0 : i32
        %dma_start3A_270 = tpu.memref_slice %arg3[%dma_start3A_268, %dma_start3A_269] : memref<100000x384xf32, #tpu.memory_space<hbm>> -> memref<100000x384xf32, #tpu.memory_space<hbm>>
        tpu.enqueue_indirect_dma source(%dma_start3A_270 : memref<100000x384xf32, #tpu.memory_space<hbm>>) target(%arg7 : memref<96x384xf32, #tpu.memory_space<vmem>>) offsets(%dma_start3A_267 : memref<96xi32, #tpu.memory_space<vmem>>) semaphore(%arg10 : memref<!tpu.dma_semaphore, #tpu.memory_space<semaphore_mem>>)
      } else {
      }
      %mul3A_129 = vector.broadcast %scan3A_47 : f32 to vector<16xf32>
      %mul3A_130 = arith.mulf %scan3A_122#0, %mul3A_129 : vector<16xf32>
      %swap3A = arith.index_cast %scan3A_57 : i32 to index
      %swap3A_131 = arith.constant 0 : index
      %swap3A_132 = tpu.vector_load %arg8[%swap3A, %swap3A_131] {strides = array<i32>} : memref<32x300xf32, #tpu.memory_space<vmem>>, vector<1x16xf32>,
      %swap3A_133 = vector.shape_cast %swap3A_132 : vector<1x16xf32> to vector<16xf32>
      %swap3A_134 = vector.shape_cast %mul3A_130 : vector<16xf32> to vector<1x16xf32>
      tpu.vector_store %arg8[%swap3A, %swap3A_131], %swap3A_134 {strides = array<i32>} : memref<32x300xf32, #tpu.memory_space<vmem>>, vector<1x16xf32>,
      %mul3A_135 = vector.broadcast %scan3A_47 : f32 to vector<16xf32>
      %mul3A_136 = arith.mulf %scan3A_122#1, %mul3A_135 : vector<16xf32>
      %swap3A_137 = arith.index_cast %scan3A_57 : i32 to index
      %swap3A_138 = arith.constant 16 : index
      %swap3A_139 = tpu.vector_load %arg8[%swap3A_137, %swap3A_138] {strides = array<i32>} : memref<32x300xf32, #tpu.memory_space<vmem>>, vector<1x16xf32>,
      %swap3A_140 = vector.shape_cast %swap3A_139 : vector<1x16xf32> to vector<16xf32>
      %swap3A_141 = vector.shape_cast %mul3A_136 : vector<16xf32> to vector<1x16xf32>
      tpu.vector_store %arg8[%swap3A_137, %swap3A_138], %swap3A_141 {strides = array<i32>} : memref<32x300xf32, #tpu.memory_space<vmem>>, vector<1x16xf32>,
      %mul3A_142 = vector.broadcast %scan3A_47 : f32 to vector<16xf32>
      %mul3A_143 = arith.mulf %scan3A_122#2, %mul3A_142 : vector<16xf32>
      %swap3A_144 = arith.index_cast %scan3A_57 : i32 to index
      %swap3A_145 = arith.constant 32 : index
      %swap3A_146 = tpu.vector_load %arg8[%swap3A_144, %swap3A_145] {strides = array<i32>} : memref<32x300xf32, #tpu.memory_space<vmem>>, vector<1x16xf32>,
      %swap3A_147 = vector.shape_cast %swap3A_146 : vector<1x16xf32> to vector<16xf32>
      %swap3A_148 = vector.shape_cast %mul3A_143 : vector<16xf32> to vector<1x16xf32>
      tpu.vector_store %arg8[%swap3A_144, %swap3A_145], %swap3A_148 {strides = array<i32>} : memref<32x300xf32, #tpu.memory_space<vmem>>, vector<1x16xf32>,
      %mul3A_149 = vector.broadcast %scan3A_47 : f32 to vector<16xf32>
      %mul3A_150 = arith.mulf %scan3A_122#3, %mul3A_149 : vector<16xf32>
      %swap3A_151 = arith.index_cast %scan3A_57 : i32 to index
      %swap3A_152 = arith.constant 48 : index
      %swap3A_153 = tpu.vector_load %arg8[%swap3A_151, %swap3A_152] {strides = array<i32>} : memref<32x300xf32, #tpu.memory_space<vmem>>, vector<1x16xf32>,
      %swap3A_154 = vector.shape_cast %swap3A_153 : vector<1x16xf32> to vector<16xf32>
      %swap3A_155 = vector.shape_cast %mul3A_150 : vector<16xf32> to vector<1x16xf32>
      tpu.vector_store %arg8[%swap3A_151, %swap3A_152], %swap3A_155 {strides = array<i32>} : memref<32x300xf32, #tpu.memory_space<vmem>>, vector<1x16xf32>,
      %mul3A_156 = vector.broadcast %scan3A_47 : f32 to vector<16xf32>
      %mul3A_157 = arith.mulf %scan3A_122#4, %mul3A_156 : vector<16xf32>
      %swap3A_158 = arith.index_cast %scan3A_57 : i32 to index
      %swap3A_159 = arith.constant 64 : index
      %swap3A_160 = tpu.vector_load %arg8[%swap3A_158, %swap3A_159] {strides = array<i32>} : memref<32x300xf32, #tpu.memory_space<vmem>>, vector<1x16xf32>,
      %swap3A_161 = vector.shape_cast %swap3A_160 : vector<1x16xf32> to vector<16xf32>
      %swap3A_162 = vector.shape_cast %mul3A_157 : vector<16xf32> to vector<1x16xf32>
      tpu.vector_store %arg8[%swap3A_158, %swap3A_159], %swap3A_162 {strides = array<i32>} : memref<32x300xf32, #tpu.memory_space<vmem>>, vector<1x16xf32>,
      %mul3A_163 = vector.broadcast %scan3A_47 : f32 to vector<16xf32>
      %mul3A_164 = arith.mulf %scan3A_122#5, %mul3A_163 : vector<16xf32>
      %swap3A_165 = arith.index_cast %scan3A_57 : i32 to index
      %swap3A_166 = arith.constant 80 : index
      %swap3A_167 = tpu.vector_load %arg8[%swap3A_165, %swap3A_166] {strides = array<i32>} : memref<32x300xf32, #tpu.memory_space<vmem>>, vector<1x16xf32>,
      %swap3A_168 = vector.shape_cast %swap3A_167 : vector<1x16xf32> to vector<16xf32>
      %swap3A_169 = vector.shape_cast %mul3A_164 : vector<16xf32> to vector<1x16xf32>
      tpu.vector_store %arg8[%swap3A_165, %swap3A_166], %swap3A_169 {strides = array<i32>} : memref<32x300xf32, #tpu.memory_space<vmem>>, vector<1x16xf32>,
      %mul3A_170 = vector.broadcast %scan3A_47 : f32 to vector<16xf32>
      %mul3A_171 = arith.mulf %scan3A_122#6, %mul3A_170 : vector<16xf32>
      %swap3A_172 = arith.index_cast %scan3A_57 : i32 to index
      %swap3A_173 = arith.constant 96 : index
      %swap3A_174 = tpu.vector_load %arg8[%swap3A_172, %swap3A_173] {strides = array<i32>} : memref<32x300xf32, #tpu.memory_space<vmem>>, vector<1x16xf32>,
      %swap3A_175 = vector.shape_cast %swap3A_174 : vector<1x16xf32> to vector<16xf32>
      %swap3A_176 = vector.shape_cast %mul3A_171 : vector<16xf32> to vector<1x16xf32>
      tpu.vector_store %arg8[%swap3A_172, %swap3A_173], %swap3A_176 {strides = array<i32>} : memref<32x300xf32, #tpu.memory_space<vmem>>, vector<1x16xf32>,
      %mul3A_177 = vector.broadcast %scan3A_47 : f32 to vector<16xf32>
      %mul3A_178 = arith.mulf %scan3A_122#7, %mul3A_177 : vector<16xf32>
      %swap3A_179 = arith.index_cast %scan3A_57 : i32 to index
      %swap3A_180 = arith.constant 112 : index
      %swap3A_181 = tpu.vector_load %arg8[%swap3A_179, %swap3A_180] {strides = array<i32>} : memref<32x300xf32, #tpu.memory_space<vmem>>, vector<1x16xf32>,
      %swap3A_182 = vector.shape_cast %swap3A_181 : vector<1x16xf32> to vector<16xf32>
      %swap3A_183 = vector.shape_cast %mul3A_178 : vector<16xf32> to vector<1x16xf32>
      tpu.vector_store %arg8[%swap3A_179, %swap3A_180], %swap3A_183 {strides = array<i32>} : memref<32x300xf32, #tpu.memory_space<vmem>>, vector<1x16xf32>,
      %mul3A_184 = vector.broadcast %scan3A_47 : f32 to vector<16xf32>
      %mul3A_185 = arith.mulf %scan3A_122#8, %mul3A_184 : vector<16xf32>
      %swap3A_186 = arith.index_cast %scan3A_57 : i32 to index
      %swap3A_187 = arith.constant 128 : index
      %swap3A_188 = tpu.vector_load %arg8[%swap3A_186, %swap3A_187] {strides = array<i32>} : memref<32x300xf32, #tpu.memory_space<vmem>>, vector<1x16xf32>,
      %swap3A_189 = vector.shape_cast %swap3A_188 : vector<1x16xf32> to vector<16xf32>
      %swap3A_190 = vector.shape_cast %mul3A_185 : vector<16xf32> to vector<1x16xf32>
      tpu.vector_store %arg8[%swap3A_186, %swap3A_187], %swap3A_190 {strides = array<i32>} : memref<32x300xf32, #tpu.memory_space<vmem>>, vector<1x16xf32>,
      %mul3A_191 = vector.broadcast %scan3A_47 : f32 to vector<16xf32>
      %mul3A_192 = arith.mulf %scan3A_122#9, %mul3A_191 : vector<16xf32>
      %swap3A_193 = arith.index_cast %scan3A_57 : i32 to index
      %swap3A_194 = arith.constant 144 : index
      %swap3A_195 = tpu.vector_load %arg8[%swap3A_193, %swap3A_194] {strides = array<i32>} : memref<32x300xf32, #tpu.memory_space<vmem>>, vector<1x16xf32>,
      %swap3A_196 = vector.shape_cast %swap3A_195 : vector<1x16xf32> to vector<16xf32>
      %swap3A_197 = vector.shape_cast %mul3A_192 : vector<16xf32> to vector<1x16xf32>
      tpu.vector_store %arg8[%swap3A_193, %swap3A_194], %swap3A_197 {strides = array<i32>} : memref<32x300xf32, #tpu.memory_space<vmem>>, vector<1x16xf32>,
      %mul3A_198 = vector.broadcast %scan3A_47 : f32 to vector<16xf32>
      %mul3A_199 = arith.mulf %scan3A_122#10, %mul3A_198 : vector<16xf32>
      %swap3A_200 = arith.index_cast %scan3A_57 : i32 to index
      %swap3A_201 = arith.constant 160 : index
      %swap3A_202 = tpu.vector_load %arg8[%swap3A_200, %swap3A_201] {strides = array<i32>} : memref<32x300xf32, #tpu.memory_space<vmem>>, vector<1x16xf32>,
      %swap3A_203 = vector.shape_cast %swap3A_202 : vector<1x16xf32> to vector<16xf32>
      %swap3A_204 = vector.shape_cast %mul3A_199 : vector<16xf32> to vector<1x16xf32>
      tpu.vector_store %arg8[%swap3A_200, %swap3A_201], %swap3A_204 {strides = array<i32>} : memref<32x300xf32, #tpu.memory_space<vmem>>, vector<1x16xf32>,
      %mul3A_205 = vector.broadcast %scan3A_47 : f32 to vector<16xf32>
      %mul3A_206 = arith.mulf %scan3A_122#11, %mul3A_205 : vector<16xf32>
      %swap3A_207 = arith.index_cast %scan3A_57 : i32 to index
      %swap3A_208 = arith.constant 176 : index
      %swap3A_209 = tpu.vector_load %arg8[%swap3A_207, %swap3A_208] {strides = array<i32>} : memref<32x300xf32, #tpu.memory_space<vmem>>, vector<1x16xf32>,
      %swap3A_210 = vector.shape_cast %swap3A_209 : vector<1x16xf32> to vector<16xf32>
      %swap3A_211 = vector.shape_cast %mul3A_206 : vector<16xf32> to vector<1x16xf32>
      tpu.vector_store %arg8[%swap3A_207, %swap3A_208], %swap3A_211 {strides = array<i32>} : memref<32x300xf32, #tpu.memory_space<vmem>>, vector<1x16xf32>,
      %mul3A_212 = vector.broadcast %scan3A_47 : f32 to vector<16xf32>
      %mul3A_213 = arith.mulf %scan3A_122#12, %mul3A_212 : vector<16xf32>
      %swap3A_214 = arith.index_cast %scan3A_57 : i32 to index
      %swap3A_215 = arith.constant 192 : index
      %swap3A_216 = tpu.vector_load %arg8[%swap3A_214, %swap3A_215] {strides = array<i32>} : memref<32x300xf32, #tpu.memory_space<vmem>>, vector<1x16xf32>,
      %swap3A_217 = vector.shape_cast %swap3A_216 : vector<1x16xf32> to vector<16xf32>
      %swap3A_218 = vector.shape_cast %mul3A_213 : vector<16xf32> to vector<1x16xf32>
      tpu.vector_store %arg8[%swap3A_214, %swap3A_215], %swap3A_218 {strides = array<i32>} : memref<32x300xf32, #tpu.memory_space<vmem>>, vector<1x16xf32>,
      %mul3A_219 = vector.broadcast %scan3A_47 : f32 to vector<16xf32>
      %mul3A_220 = arith.mulf %scan3A_122#13, %mul3A_219 : vector<16xf32>
      %swap3A_221 = arith.index_cast %scan3A_57 : i32 to index
      %swap3A_222 = arith.constant 208 : index
      %swap3A_223 = tpu.vector_load %arg8[%swap3A_221, %swap3A_222] {strides = array<i32>} : memref<32x300xf32, #tpu.memory_space<vmem>>, vector<1x16xf32>,
      %swap3A_224 = vector.shape_cast %swap3A_223 : vector<1x16xf32> to vector<16xf32>
      %swap3A_225 = vector.shape_cast %mul3A_220 : vector<16xf32> to vector<1x16xf32>
      tpu.vector_store %arg8[%swap3A_221, %swap3A_222], %swap3A_225 {strides = array<i32>} : memref<32x300xf32, #tpu.memory_space<vmem>>, vector<1x16xf32>,
      %mul3A_226 = vector.broadcast %scan3A_47 : f32 to vector<16xf32>
      %mul3A_227 = arith.mulf %scan3A_122#14, %mul3A_226 : vector<16xf32>
      %swap3A_228 = arith.index_cast %scan3A_57 : i32 to index
      %swap3A_229 = arith.constant 224 : index
      %swap3A_230 = tpu.vector_load %arg8[%swap3A_228, %swap3A_229] {strides = array<i32>} : memref<32x300xf32, #tpu.memory_space<vmem>>, vector<1x16xf32>,
      %swap3A_231 = vector.shape_cast %swap3A_230 : vector<1x16xf32> to vector<16xf32>
      %swap3A_232 = vector.shape_cast %mul3A_227 : vector<16xf32> to vector<1x16xf32>
      tpu.vector_store %arg8[%swap3A_228, %swap3A_229], %swap3A_232 {strides = array<i32>} : memref<32x300xf32, #tpu.memory_space<vmem>>, vector<1x16xf32>,
      %mul3A_233 = vector.broadcast %scan3A_47 : f32 to vector<16xf32>
      %mul3A_234 = arith.mulf %scan3A_122#15, %mul3A_233 : vector<16xf32>
      %swap3A_235 = arith.index_cast %scan3A_57 : i32 to index
      %swap3A_236 = arith.constant 240 : index
      %swap3A_237 = tpu.vector_load %arg8[%swap3A_235, %swap3A_236] {strides = array<i32>} : memref<32x300xf32, #tpu.memory_space<vmem>>, vector<1x16xf32>,
      %swap3A_238 = vector.shape_cast %swap3A_237 : vector<1x16xf32> to vector<16xf32>
      %swap3A_239 = vector.shape_cast %mul3A_234 : vector<16xf32> to vector<1x16xf32>
      tpu.vector_store %arg8[%swap3A_235, %swap3A_236], %swap3A_239 {strides = array<i32>} : memref<32x300xf32, #tpu.memory_space<vmem>>, vector<1x16xf32>,
      %mul3A_240 = vector.broadcast %scan3A_47 : f32 to vector<16xf32>
      %mul3A_241 = arith.mulf %scan3A_122#16, %mul3A_240 : vector<16xf32>
      %swap3A_242 = arith.index_cast %scan3A_57 : i32 to index
      %swap3A_243 = arith.constant 256 : index
      %swap3A_244 = tpu.vector_load %arg8[%swap3A_242, %swap3A_243] {strides = array<i32>} : memref<32x300xf32, #tpu.memory_space<vmem>>, vector<1x16xf32>,
      %swap3A_245 = vector.shape_cast %swap3A_244 : vector<1x16xf32> to vector<16xf32>
      %swap3A_246 = vector.shape_cast %mul3A_241 : vector<16xf32> to vector<1x16xf32>
      tpu.vector_store %arg8[%swap3A_242, %swap3A_243], %swap3A_246 {strides = array<i32>} : memref<32x300xf32, #tpu.memory_space<vmem>>, vector<1x16xf32>,
      %mul3A_247 = vector.broadcast %scan3A_47 : f32 to vector<16xf32>
      %mul3A_248 = arith.mulf %scan3A_122#17, %mul3A_247 : vector<16xf32>
      %swap3A_249 = arith.index_cast %scan3A_57 : i32 to index
      %swap3A_250 = arith.constant 272 : index
      %swap3A_251 = tpu.vector_load %arg8[%swap3A_249, %swap3A_250] {strides = array<i32>} : memref<32x300xf32, #tpu.memory_space<vmem>>, vector<1x16xf32>,
      %swap3A_252 = vector.shape_cast %swap3A_251 : vector<1x16xf32> to vector<16xf32>
      %swap3A_253 = vector.shape_cast %mul3A_248 : vector<16xf32> to vector<1x16xf32>
      tpu.vector_store %arg8[%swap3A_249, %swap3A_250], %swap3A_253 {strides = array<i32>} : memref<32x300xf32, #tpu.memory_space<vmem>>, vector<1x16xf32>,
      %mul3A_254 = vector.broadcast %scan3A_47 : f32 to vector<16xf32>
      %mul3A_255 = arith.mulf %scan3A_122#18, %mul3A_254 : vector<16xf32>
      %swap3A_256 = arith.index_cast %scan3A_57 : i32 to index
      %swap3A_257 = arith.constant 284 : index
      %swap3A_258 = tpu.vector_load %arg8[%swap3A_256, %swap3A_257] {strides = array<i32>} : memref<32x300xf32, #tpu.memory_space<vmem>>, vector<1x16xf32>,
      %swap3A_259 = vector.shape_cast %swap3A_258 : vector<1x16xf32> to vector<16xf32>
      %swap3A_260 = vector.shape_cast %mul3A_255 : vector<16xf32> to vector<1x16xf32>
      tpu.vector_store %arg8[%swap3A_256, %swap3A_257], %swap3A_260 {strides = array<i32>} : memref<32x300xf32, #tpu.memory_space<vmem>>, vector<1x16xf32>,
    }
    %scan3A_52 = arith.constant 32 : i32
    %mul3A_53 = arith.constant 128 : i32
    %mul3A_54 = arith.muli %add3A, %mul3A_53 : i32
    %add3A_55 = arith.constant 96 : i32
    %add3A_56 = arith.addi %mul3A_54, %add3A_55 : i32
    "tpu.region"() ({
      %run_scoped3A = tpu.sem_alloc : memref<!tpu.dma_semaphore, #tpu.memory_space<semaphore_mem>>
      %dma_start3A_57 = arith.constant 0 : i32
      %dma_start3A_58 = tpu.memref_slice %arg4[%add3A_56, %dma_start3A_57] : memref<4096x300xf32, #tpu.memory_space<hbm>> -> memref<32x300xf32, #tpu.memory_space<hbm>>
      %dma_start3A_59 = arith.constant 0 : i32
      %dma_start3A_60 = tpu.memref_slice %arg4[%add3A_56, %dma_start3A_59] : memref<4096x300xf32, #tpu.memory_space<hbm>> -> memref<32x300xf32, #tpu.memory_space<hbm>>
      tpu.enqueue_dma source(%arg8 : memref<32x300xf32, #tpu.memory_space<vmem>>) target(%dma_start3A_60 : memref<32x300xf32, #tpu.memory_space<hbm>>) target_semaphore(%run_scoped3A : memref<!tpu.dma_semaphore, #tpu.memory_space<semaphore_mem>>)
      %dma_wait3A = arith.constant 0 : i32
      %dma_wait3A_61 = tpu.memref_slice %arg4[%add3A_56, %dma_wait3A] : memref<4096x300xf32, #tpu.memory_space<hbm>> -> memref<32x300xf32, #tpu.memory_space<hbm>>
      %dma_wait3A_62 = arith.constant 0 : i32
      %dma_wait3A_63 = tpu.memref_slice %arg4[%add3A_56, %dma_wait3A_62] : memref<4096x300xf32, #tpu.memory_space<hbm>> -> memref<32x300xf32, #tpu.memory_space<hbm>>
      tpu.wait_dma2 semaphore(%run_scoped3A : memref<!tpu.dma_semaphore, #tpu.memory_space<semaphore_mem>>) src(%arg8 : memref<32x300xf32, #tpu.memory_space<vmem>>) dst(%dma_wait3A_63 : memref<32x300xf32, #tpu.memory_space<hbm>>)
      tpu.yield
    }) : () -> ()
    return
  }
}

module attributes {stable_mosaic.version = 14 : i64} {
  func.func @_pad_body(%arg0: i32, %arg1: memref<2000x300xf32, #tpu.memory_space<vmem>>, %arg2: memref<2000x384xf32, #tpu.memory_space<vmem>>) attributes {dimension_semantics = [#tpu.dimension_semantics<arbitrary>], iteration_bounds = array<i64: 50>, scalar_prefetch = 0 : i64, scratch_operands = 0 : i64, tpu.core_type = #tpu.core_type<tc>, window_params = [{transform_indices = @transform_0, window_bounds = array<i64: 2000, 300>}, {transform_indices = @transform_1, window_bounds = array<i64: 2000, 384>}]} {
    %get3A = arith.constant 0 : index
    %get3A_0 = arith.constant 0 : index
    %get3A_1 = vector.load %arg1[%get3A, %get3A_0] : memref<2000x300xf32, #tpu.memory_space<vmem>>, vector<2000x300xf32>
    %swap3A = arith.constant 0 : index
    %swap3A_2 = arith.constant 0 : index
    %swap3A_3 = vector.load %arg2[%swap3A, %swap3A_2] : memref<2000x384xf32, #tpu.memory_space<vmem>>, vector<2000x300xf32>
    tpu.vector_store %arg2[%swap3A, %swap3A_2], %get3A_1 {strides = array<i32>} : memref<2000x384xf32, #tpu.memory_space<vmem>>, vector<2000x300xf32>,
    %broadcast_in_dim3A = arith.constant 0.000000e+00 : f32
    %broadcast_in_dim3A_4 = vector.broadcast %broadcast_in_dim3A : f32 to vector<2000x84xf32>
    %swap3A_5 = arith.constant 0 : index
    %swap3A_6 = arith.constant 300 : index
    %swap3A_7 = vector.load %arg2[%swap3A_5, %swap3A_6] : memref<2000x384xf32, #tpu.memory_space<vmem>>, vector<2000x84xf32>
    tpu.vector_store %arg2[%swap3A_5, %swap3A_6], %broadcast_in_dim3A_4 {strides = array<i32>} : memref<2000x384xf32, #tpu.memory_space<vmem>>, vector<2000x84xf32>,
    return
  }
  func.func @transform_0(%arg0: i32) -> (i32, i32) {
    %c0_i32 = arith.constant 0 : i32
    %c0_i32_0 = arith.constant 0 : i32
    return %arg0, %c0_i32 : i32, i32
  }
  func.func @transform_1(%arg0: i32) -> (i32, i32) {
    %c0_i32 = arith.constant 0 : i32
    %c0_i32_0 = arith.constant 0 : i32
    return %arg0, %c0_i32 : i32, i32
  }
}

</mosaic_0001>

<sc_bundles>
// kernel: _mean_embedding.4.cloned.1.call-start
scs
__scs_entry_jumppad:
0x0: {  	(pc) =	sbr.rel $0x88, $3  }
0x1: {  	(tag) =	ssettag $0x0;
	lr =	simm.s32 $0x1  }
0x2: {  	[smem:$0x3F9F] =	sst lr;
	_ =	strace $0xD0000000  }
0x3: {  	_ = 	snop  }
0x4: {  	_ = 	snop  }
0x5: {  	_ = 	snop  }
0x6: {  	_ = 	snop  }
0x7: {  	_ = 	snop  }
__scs_overlays_trampoline_lowered:
0x8: {  	[smem:$0x3FAE] =	sst s0  }
0x9: {  	[smem:$0x3FAF] =	sst s1  }
0xa: {  	[smem:$0x3FB0] =	sst s2  }
0xb: {  	[smem:$0x3FB1] =	sst s3  }
0xc: {  	[smem:$0x3FB2] =	sst s4  }
0xd: {  	[smem:$0x3FB3] =	sst s5  }
0xe: {  	[smem:$0x3FB4] =	sst s6  }
0xf: {  	[smem:$0x3FB5] =	sst s7  }
0x10: {  	[smem:$0x3FB6] =	sst s8  }
0x11: {  	[smem:$0x3FB7] =	sst s9;
	s0 =	simm.s32 @!p0 $0x0  }
0x12: {  	s1 =	sld [smem:$0x3F9D];
	s0 =	simm.s32 @p0 $0x1  }
0x13: {  	[smem:$0x3FB8] =	sst s0;
	s0 =	simm.s32 @!p1 $0x0  }
0x14: {  	s2 =	sld [smem:$0x3F9C];
	s0 =	simm.s32 @p1 $0x1  }
0x15: {  	[smem:$0x3FB9] =	sst s0;
	s0 =	simm.s32 @!p2 $0x0  }
0x16: {  	s3 =	sld [smem:$0x3FDB];
	s0 =	simm.s32 @p2 $0x1  }
0x17: {  	s4 =	simm.s32 $0x1BF5;
	[smem:$0x3FBB] =	sst s0  }
0x18: {  	s0 =	sld [smem:$0x3F9E];
	_ =	swait.ge [sflag:s4], $0x0  }
0x19: {  	s7 =	sld [smem:$0x3F9F]  }
0x1a: {  	s8 =	sadd.s32 $0xFFFFE003, lr  }
0x1b: {  	s9 =	sadd.s32 $0xFFFFFEF7, lr;
	s5 =	simm.s32 $0xFFFFFFFF;
	p2 =	slt.u32 s8, $0xFFFFF086  }
0x1c: {  	p1 =	slt.u32 s9, $0xF7A;
	s5 =	simm.s32 @!p2 $0x0  }
0x1d: {  	s5 =	simm.s32 @p1 $0x1;
	p0 =	seq.s32 s7, s2  }
0x1e: {  	s7 =	smul.u32 @!p0 $0xF7A, s2;
	p2 =	seq.s32 @!p0 s5, $0x0  }
0x1f: {  	s9 =	smul.u32 $0xF7A, s1;
	s8 =	simm.s32 @!p0 $0x1BF5;
	p2 =	por !p2, p0  }
0x20: {  	[sflag:s8] =	ssyncset.s32 @!p0 $0xFFFFF086;
	s6 =	sadd.s32 @!p0 s3, s7;
	s7 =	simm.s32 @!p0 $0x108  }
0x21: {  	s3 =	sadd.s32 s3, s9;
	s6 =	sadd.s32 @!p0 $0x88, s6;
	s7 =	simm.s32 @p2 $0x1082  }
0x22: {  	[simem:s7], [sflag:s8] =	dma.local @!p0 [hbm:s6], $0xF7A  }
0x23: {  	s9 =	sor.u32 $0xD0000000, s2;
	s6 =	simm.s32 $0x108;
	_ =	swait.ge @!p0 [sflag:s8], $0x0  }
0x24: {  	s3 =	sadd.s32 $0x88, s3;
	s6 =	simm.s32 @!p1 $0x1082;
	[sflag:s4] =	ssyncset.s32 $0xFFFFF086  }
0x25: {  	[simem:s6], [sflag:s4] =	dma.local [hbm:s3], $0xF7A  }
0x26: {  	[smem:$0x3F9F] =	sst s1;
	(tag) =	ssettag s2;
	_ =	strace s9  }
0x27: {  	s1 =	sld [smem:$0x3FAF]  }
0x28: {  	s2 =	sld [smem:$0x3FB0]  }
0x29: {  	s4 =	sld [smem:$0x3FB2]  }
0x2a: {  	p0 =	seq.s32 s5, $0x0;
	s5 =	sld [smem:$0x3FB3]  }
0x2b: {  	s6 =	sld [smem:$0x3FB4]  }
0x2c: {  	s7 =	sld [smem:$0x3FB5]  }
0x2d: {  	s3 =	simm.s32 $0x108;
	s8 =	sld [smem:$0x3FB6]  }
0x2e: {  	s3 =	simm.s32 @!p0 $0x1082;
	s9 =	sld [smem:$0x3FB7]  }
0x2f: {  	lr =	sadd.s32 s0, s3;
	s0 =	sld [smem:$0x3FAE]  }
0x30: {  	s3 =	sld [smem:$0x3FB1]  }
0x31: {  	[smem:$0x3FBA] =	sst s10  }
0x32: {  	s10 =	sld [smem:$0x3FB8];
	_ =	sdelay $0x3  }
0x33: {  	p0 =	seq.s32 s10, $0x1;
	s10 =	sld [smem:$0x3FBA];
	_ =	sdelay $0x3  }
0x34: {  	[smem:$0x3FBA] =	sst s10  }
0x35: {  	s10 =	sld [smem:$0x3FB9];
	_ =	sdelay $0x3  }
0x36: {  	p1 =	seq.s32 s10, $0x1;
	s10 =	sld [smem:$0x3FBA];
	_ =	sdelay $0x3  }
0x37: {  	[smem:$0x3FBA] =	sst s10  }
0x38: {  	s10 =	sld [smem:$0x3FBB]  }
0x39: {  	_ = 	snop;
	(pc) =	sbr.ind lr, $3  }
0x3a: {  	_ = 	snop  }
0x3b: {  	_ = 	snop  }
0x3c: {  	p2 =	seq.s32 s10, $0x1;
	s10 =	sld [smem:$0x3FBA]  }
0x3d: {  	_ =	shalt  }
0x3e: {  	_ =	shalt  }
0x3f: {  	_ =	shalt  }
0x40: {  	_ =	shalt  }
0x41: {  	_ =	shalt  }
0x42: {  	_ =	shalt  }
0x43: {  	_ =	shalt  }
0x44: {  	_ =	shalt  }
0x45: {  	_ =	shalt  }
0x46: {  	_ =	shalt  }
0x47: {  	_ =	shalt  }
0x48: {  	_ =	shalt  }
0x49: {  	_ =	shalt  }
0x4a: {  	_ =	shalt  }
0x4b: {  	_ =	shalt  }
0x4c: {  	_ =	shalt  }
0x4d: {  	_ =	shalt  }
0x4e: {  	_ =	shalt  }
0x4f: {  	_ =	shalt  }
0x50: {  	_ =	shalt  }
0x51: {  	_ =	shalt  }
0x52: {  	_ =	shalt  }
0x53: {  	_ =	shalt  }
0x54: {  	_ =	shalt  }
0x55: {  	_ =	shalt  }
0x56: {  	_ =	shalt  }
0x57: {  	_ =	shalt  }
0x58: {  	_ =	shalt  }
0x59: {  	_ =	shalt  }
0x5a: {  	_ =	shalt  }
0x5b: {  	_ =	shalt  }
0x5c: {  	_ =	shalt  }
0x5d: {  	_ =	shalt  }
0x5e: {  	_ =	shalt  }
0x5f: {  	_ =	shalt  }
0x60: {  	_ =	shalt  }
0x61: {  	_ =	shalt  }
0x62: {  	_ =	shalt  }
0x63: {  	_ =	shalt  }
0x64: {  	_ =	shalt  }
0x65: {  	_ =	shalt  }
0x66: {  	_ =	shalt  }
0x67: {  	_ =	shalt  }
0x68: {  	_ =	shalt  }
0x69: {  	_ =	shalt  }
0x6a: {  	_ =	shalt  }
0x6b: {  	_ =	shalt  }
0x6c: {  	_ =	shalt  }
0x6d: {  	_ =	shalt  }
0x6e: {  	_ =	shalt  }
0x6f: {  	_ =	shalt  }
0x70: {  	_ =	shalt  }
0x71: {  	_ =	shalt  }
0x72: {  	_ =	shalt  }
0x73: {  	_ =	shalt  }
0x74: {  	_ =	shalt  }
0x75: {  	_ =	shalt  }
0x76: {  	_ =	shalt  }
0x77: {  	_ =	shalt  }
0x78: {  	_ =	shalt  }
0x79: {  	_ =	shalt  }
0x7a: {  	_ =	shalt  }
0x7b: {  	_ =	shalt  }
0x7c: {  	_ =	shalt  }
0x7d: {  	_ =	shalt  }
0x7e: {  	_ =	shalt  }
0x7f: {  	_ =	shalt  }
0x80: {  	_ =	shalt  }
0x81: {  	_ =	shalt  }
0x82: {  	_ =	shalt  }
0x83: {  	_ =	shalt  }
0x84: {  	_ =	shalt  }
0x85: {  	_ =	shalt  }
0x86: {  	_ =	shalt  }
0x87: {  	_ =	shalt  }
.Lfunc_end0:
.L_simem_size_0:
called_computation_lowered:
.L_overlay_start_0:
0x88: {  	s2 =	sld [smem:$0x3FD9]  }
0x89: {  	s3 =	sld [smem:$0x3FFE];
	_ =	sdelay $0x1  }
0x8a: {  	s1 =	srdreg.scid  }
0x8b: {  	s0 =	sand.u32 $0x1, s1  }
0x8c: {  	s17 =	sshll.u32 s0, $0xA;
	s2 =	sadd.s32 s3, s2  }
0x8d: {  	s2 =	sadd.s32 s2, s17  }
0x8e: {  	[smem:$0x3FC6] =	sst s2  }
0x8f: {  	_ = 	snop  }
0x90: {  	s2 =	sld [smem:$0x3FD0];
	(tm) =	ssettm $0x1  }
0x91: {  	s18 =	sld [smem:$0x3FFB];
	_ =	sdelay $0x3  }
0x92: {  	_ =	strace s18  }
0x93: {  	s3 =	sld [smem:$0x3FFC];
	_ =	sdelay $0x3  }
0x94: {  	_ =	strace s3  }
0x95: {  	s3 =	sld [smem:$0x3FFD];
	_ =	sdelay $0x3  }
0x96: {  	_ =	strace s3  }
0x97: {  	_ =	strace $0x8FFFFFFF  }
0x98: {  	s19 =	sld [smem:$0x3FDB];
	_ =	sdelay $0x1  }
0x99: {  	s4 =	simm.s32 $_scs_section_size  }
0x9a: {  	s5 =	simm.s32 $_size__tile_overlayer_lowered;
	s6 =	simm.s32 $_tile_overlayer_lowered  }
0x9b: {  	s22 =	simm.s32 $0x1BFF;
	s21 =	sshll.u32 s6, $0x1;
	s3 =	sadd.s32 s4, s19  }
0x9c: {  	s7 =	simm.s32 $0x0;
	s20 =	sshll.u32 s5, $0x1;
	s5 =	sadd.s32 s21, s3  }
0x9d: {  	[timem:s7], [sflag:s22] =	dma.local [hbm:s5], s20  }
0x9e: {  	_ =	swait.ge [sflag:s22], s20  }
0x9f: {  	s4 =	ssub.s32 $0x0, s20;
	[sflag:s22] =	ssyncset.done $0x0  }
0xa0: {  	[sflag:s22] =	ssyncadd.s32 s4;
	_ =	sdelay $0x1  }
0xa1: {  	s23 =	simm.s32 $0x1B8B  }
0xa2: {  	_ =	swait.ge [sflag:s23], $0x1  }
0xa3: {  	[sflag:s23] =	ssyncset.done $0x0  }
0xa4: {  	s25 =	simm.s32 $0x1B8E;
	s24 =	sld [smem:$0x3FFE];
	[sflag:s23] =	ssyncadd.s32 $0xFFFFFFFF  }
0xa5: {  	s26 =	simm.s32 $execute0_lowered;
	[smem:$0x3FD2] =	sst s25  }
0xa6: {  	s5 =	sshll.u32 s26, $0x1;
	_ =	strace $0x80000046;
	[dreg:$0x1] =	wrdreg $0xFFFFFFFF  }
0xa7: {  	s28 =	simm.s32 $_size_execute0_lowered;
	s3 =	sadd.s32 s3, s5;
	[dreg:$0x0] =	wrdreg $0x0  }
0xa8: {  	s5 =	sshll.u32 s28, $0x1;
	[dreg:$0x2] =	wrdreg s3  }
0xa9: {  	[dreg:$0x3] =	wrdreg s5  }
0xaa: {  	[dreg:$0x4] =	wrdreg $0xC0  }
0xab: {  	_ =	task [dreg:s7], $0x5FFFF  }
0xac: {  	[dreg:$0x1] =	wrdreg $0xFFFFFFFF  }
0xad: {  	[dreg:$0x0] =	wrdreg $0x60  }
0xae: {  	[dreg:$0x2] =	wrdreg s2  }
0xaf: {  	[dreg:$0x3] =	wrdreg s24  }
0xb0: {  	[dreg:$0x4] =	wrdreg $0x9  }
0xb1: {  	_ =	task.clear_ibuf [dreg:s7], $0x5FFFF;
	_ =	strace $0x90000046  }
0xb2: {  	s29 =	simm.s32 $0x9;
	_ =	strace $0x80000048  }
0xb3: {  	_ =	swait.ge [sflag:s29], $0x1  }
0xb4: {  	[sflag:s29] =	ssyncadd.s32 $0xFFFFFFFF  }
0xb5: {  	_ =	strace $0x90000048  }
0xb6: {  	_ =	sfence  }
0xb7: {  	s30 =	sld [smem:$0x0];
	_ =	sdelay $0x2  }
0xb8: {  	s31 =	sshll.u32 s1, $0xD;
	s1 =	sshrl.u32 s1, $0x2  }
0xb9: {  	s3 =	sand.u32 $0x4000, s31;
	s1 =	sadd.s32 s1, s30  }
0xba: {  	s0 =	sor.u32 s3, s0;
	s1 =	sshll.u32 s1, $0x11  }
0xbb: {  	s0 =	sor.u32 s1, s0  }
0xbc: {  	s0 =	sadd.s32 $0x8F2B, s0  }
0xbd: {  	[sflag:s0] =	ssyncadd.remote.s32 $0x1  }
0xbe: {  	_ =	sfence.sel $0xFFFF  }
0xbf: {  	[dreg:$0x0] =	wrdreg $0xFFFFFFFF;
	(pc) =	sbr.abs _section_cstart, $3  }
0xc0: {  	[dreg:$0x1] =	wrdreg $0xFFFFFFFF  }
0xc1: {  	_ =	task.clear_ibuf [dreg:s7], $0x2FFFF;
	_ =	strace $0x9FFFFFFF  }
0xc2: {  	(tm) =	ssettm $0x7FFFFFFF  }
0xc3: {  	_ =	shalt  }
tec
execute0_lowered:
.L_overlay_start_1:
0x0: {  	(tag) =	ssettag $0x1  }
0x1: {  	s0 =	rddreg [dreg:$0x0]  }
0x2: {  	s1 =	srdreg.scid;
	s2 =	stileid.u32  }
0x3: {  	s4 =	rddreg [dreg:$0x1];
	s17 =	simm.s32 $0x3;
	s18 =	simm.s32 $0x13000  }
0x4: {  	s19 =	simm.s32 $0x13800;
	s20 =	simm.s32 $0x13C00;
	s21 =	simm.s32 $0x14400  }
0x5: {  	s22 =	simm.s32 $0x14800;
	s28 =	simm.s32 $0x16800;
	s29 =	simm.s32 $0x16C00  }
0x6: {  	s30 =	simm.s32 $0x17400;
	s1 =	sand.u32 $0x1, s1;
	s3 =	sshll.u32 s2, $0x1  }
0x7: {  	s31 =	simm.s32 $0x17800;
	s2 =	simm.s32 $0x0;
	s5 =	sor.u32 s1, s3  }
0x8: {  	s9 =	sadd.s32 $0x600, s4;
	[smem:$0x7FF] =	sst s2;
	s6 =	smul.u32 $0xC80, s5  }
0x9: {  	s1 =	ssub.s32 $0x2, s1;
	s3 =	sadd.s32 $0x494400, s4;
	s7 =	smul.u32 $0xC000, s5  }
0xa: {  	_ =	strace $0x80000047;
	s8 =	sshrl.u32 s1, $0x1;
	s5 =	smul.u32 $0x1800, s5  }
0xb: {  	s1 =	ssub.s32 s1, s8;
	s8 =	simm.s32 $0x2;
	s7 =	sshrl.u32 s7, $0x3  }
0xc: {  	s0 =	sadd.s32 s0, s6;
	s5 =	sadd.s32 s9, s5;
	s6 =	sadd.s32 $0x494500, s4  }
0xd: {  	s26 =	smax.u32 s1, $0x1;
	s1 =	simm.s32 $0x18000;
	[dreg:$0x3] =	wrdreg s0  }
0xe: {  	s4 =	simm.s32 $0x18C00;
	s23 =	sadd.s32 s9, s7;
	[dreg:$0x4] =	wrdreg s5  }
.Ltmp0:
0xf: {  	s24 =	sadd.s32 $0x600, s5;
	[dreg:$0x8] =	wrdreg s26;
	(pc) =	sbr.rel .LBB2_1-.Ltmp0, $4  }
0x10: {  	s26 =	simm.s32 $0x16000;
	s7 =	simm.s32 $0x1;
	s9 =	simm.s32 $0x0  }
0x11: {  	v2 =	vlaneseq.u32;
	[dreg:$0x5] =	wrdreg s24;
	s25 =	sadd.s32 $0xC00, s23;
	s0 =	sadd.s32 $0x1200, s23  }
0x12: {  	vm0 =	vmmov $0xffff;
	vm1 =	vmmov $0xff;
	v1 =	vshrl.u32 v2, $0x3;
	s23 =	simm.s32 $0x15000;
	s24 =	simm.s32 $0x15400;
	[dreg:$0x6] =	wrdreg s25  }
0x13: {  	v0 =	vand.u32 $0x7, v2;
	v2 =	vor.u32 $0x8, v2;
	v1 =	vmul.u32 $0x8, v1;
	[dreg:$0x7] =	wrdreg s0;
	s25 =	simm.s32 $0x15C00;
	s0 =	simm.s32 $0x18400  }
.LBB2_29:
0x14: {  	s5 =	rddreg [dreg:$0x7];
	s9 =	simm.s32 $0x19000  }
0x15: {  	[hbm4b:s5+s2] =	stream.linear.scatter [tilespmem:s9], [sflag:$0x3], $0x3000, $0x38;
	[tilespmem:$0x1C000] =	vst v63  }
0x16: {  	_ =	swait.ge [sflag:s17], $0x3000  }
0x17: {  	s15 =	rddreg [dreg:$0x9]  }
0x18: {  	s16 =	rddreg [dreg:$0x8];
	s9 =	sadd.s32 $0x1, s15  }
0x19: {  	p0 =	sne.s32 s9, s16  }
.Ltmp1:
0x1a: {  	_ = 	snop;
	(pc) =	sbr.rel @!p0 .LBB2_30-.Ltmp1, $3  }
0x1b: {  	_ =	sdelay $0x1  }
0x1c: {  	[sflag:s17] =	ssyncset.done $0x0  }
0x1d: {  	[sflag:s17] =	ssyncadd.s32 $0xFFFFD000  }
.LBB2_1:
0x1e: {  	[dreg:$0x9] =	wrdreg s9  }
0x1f: {  	s5 =	rddreg [dreg:$0x3]  }
0x20: {  	[tilespmem:s2], [sflag:$0x3] =	stream.linear.gather [hbm4b:s5+s2], $0x6400, $0x38;
	[tilespmem:$0x1C000] =	vst v63  }
0x21: {  	_ =	swait.ge [sflag:s17], $0x6400  }
0x22: {  	[sflag:s17] =	ssyncset.done $0x0  }
0x23: {  	[sflag:s17] =	ssyncadd.s32 $0xFFFF9C00  }
0x24: {  	v3 =	vld [tilespmem:$0x0];
	_ =	sdelay $0x4  }
0x25: {  	v4 =	vshrl.u32 v3, $0x3  }
0x26: {  	v4 =	vmul.u32 $0x18, v4  }
0x27: {  	v3 =	vand.u32 $0x7, v3  }
0x28: {  	v3 =	vor.u32 v3, v4  }
0x29: {  	v4 =	vperm.xlane v3, v0;
	_ =	sdelay $0x1  }
0x2a: {  	v4 =	vadd.s32 v1, v4;
	_ =	sdelay $0x1  }
0x2b: {  	v3 =	vperm.xlane v3, v2;
	_ =	sdelay $0x1  }
0x2c: {  	s11 =	simm.s32 $0x6400;
	v3 =	vadd.s32 v1, v3  }
0x2d: {  	[tilespmem:s11], [sflag:$0x1] =	stream.indirect_vreg.gather [hbm4b:s3+s2], $0x80, v4, vm0, $0xb8;
	[tilespmem:$0x1C000] =	vst v63  }
0x2e: {  	s12 =	simm.s32 $0x6C00  }
0x2f: {  	[tilespmem:s12], [sflag:$0x1] =	stream.indirect_vreg.gather [hbm4b:s6+s2], $0x80, v4, vm1, $0xb8;
	[tilespmem:$0x1C000] =	vst v63  }
0x30: {  	s13 =	simm.s32 $0x7000  }
0x31: {  	[tilespmem:s13], [sflag:$0x1] =	stream.indirect_vreg.gather [hbm4b:s3+s2], $0x80, v3, vm0, $0xb8;
	[tilespmem:$0x1C000] =	vst v63  }
0x32: {  	s14 =	simm.s32 $0x7800  }
0x33: {  	[tilespmem:s14], [sflag:$0x1] =	stream.indirect_vreg.gather [hbm4b:s6+s2], $0x80, v3, vm1, $0xb8;
	[tilespmem:$0x1C000] =	vst v63  }
0x34: {  	v3 =	vld [tilespmem:$0x10];
	_ =	sdelay $0x4  }
0x35: {  	v52 =	vshrl.u32 v3, $0x3  }
0x36: {  	v4 =	vmul.u32 $0x18, v52  }
0x37: {  	v3 =	vand.u32 $0x7, v3  }
0x38: {  	v3 =	vor.u32 v3, v4  }
0x39: {  	v4 =	vperm.xlane v3, v0;
	_ =	sdelay $0x1  }
0x3a: {  	v4 =	vadd.s32 v1, v4;
	_ =	sdelay $0x1  }
0x3b: {  	v3 =	vperm.xlane v3, v2;
	_ =	sdelay $0x1  }
0x3c: {  	s15 =	simm.s32 $0x7C00;
	v3 =	vadd.s32 v1, v3  }
0x3d: {  	[tilespmem:s15], [sflag:$0x1] =	stream.indirect_vreg.gather [hbm4b:s3+s2], $0x80, v4, vm0, $0xb8;
	[tilespmem:$0x1C000] =	vst v63  }
0x3e: {  	s16 =	simm.s32 $0x8400  }
0x3f: {  	[tilespmem:s16], [sflag:$0x1] =	stream.indirect_vreg.gather [hbm4b:s6+s2], $0x80, v4, vm1, $0xb8;
	[tilespmem:$0x1C000] =	vst v63  }
0x40: {  	s17 =	simm.s32 $0x8800  }
0x41: {  	[tilespmem:s17], [sflag:$0x1] =	stream.indirect_vreg.gather [hbm4b:s3+s2], $0x80, v3, vm0, $0xb8;
	[tilespmem:$0x1C000] =	vst v63  }
0x42: {  	s9 =	simm.s32 $0x9000  }
0x43: {  	[tilespmem:s9], [sflag:$0x1] =	stream.indirect_vreg.gather [hbm4b:s6+s2], $0x80, v3, vm1, $0xb8;
	[tilespmem:$0x1C000] =	vst v63  }
0x44: {  	v3 =	vld [tilespmem:$0x20];
	_ =	sdelay $0x4  }
0x45: {  	v53 =	vshrl.u32 v3, $0x3  }
0x46: {  	v4 =	vmul.u32 $0x18, v53  }
0x47: {  	v3 =	vand.u32 $0x7, v3  }
0x48: {  	v3 =	vor.u32 v3, v4  }
0x49: {  	v4 =	vperm.xlane v3, v0;
	_ =	sdelay $0x1  }
0x4a: {  	v4 =	vadd.s32 v1, v4;
	_ =	sdelay $0x1  }
0x4b: {  	v3 =	vperm.xlane v3, v2;
	_ =	sdelay $0x1  }
0x4c: {  	s10 =	simm.s32 $0x9400;
	v3 =	vadd.s32 v1, v3  }
0x4d: {  	[tilespmem:s10], [sflag:$0x1] =	stream.indirect_vreg.gather [hbm4b:s3+s2], $0x80, v4, vm0, $0xb8;
	[tilespmem:$0x1C000] =	vst v63  }
0x4e: {  	s11 =	simm.s32 $0x9C00  }
0x4f: {  	[tilespmem:s11], [sflag:$0x1] =	stream.indirect_vreg.gather [hbm4b:s6+s2], $0x80, v4, vm1, $0xb8;
	[tilespmem:$0x1C000] =	vst v63  }
0x50: {  	s12 =	simm.s32 $0xA000  }
0x51: {  	[tilespmem:s12], [sflag:$0x1] =	stream.indirect_vreg.gather [hbm4b:s3+s2], $0x80, v3, vm0, $0xb8;
	[tilespmem:$0x1C000] =	vst v63  }
0x52: {  	s13 =	simm.s32 $0xA800  }
0x53: {  	[tilespmem:s13], [sflag:$0x1] =	stream.indirect_vreg.gather [hbm4b:s6+s2], $0x80, v3, vm1, $0xb8;
	[tilespmem:$0x1C000] =	vst v63  }
0x54: {  	v3 =	vld [tilespmem:$0x30];
	_ =	sdelay $0x4  }
0x55: {  	v54 =	vshrl.u32 v3, $0x3  }
0x56: {  	v4 =	vmul.u32 $0x18, v54  }
0x57: {  	v3 =	vand.u32 $0x7, v3  }
0x58: {  	v3 =	vor.u32 v3, v4  }
0x59: {  	v4 =	vperm.xlane v3, v0;
	_ =	sdelay $0x1  }
0x5a: {  	v4 =	vadd.s32 v1, v4;
	_ =	sdelay $0x1  }
0x5b: {  	v3 =	vperm.xlane v3, v2;
	_ =	sdelay $0x1  }
0x5c: {  	s14 =	simm.s32 $0xAC00;
	v3 =	vadd.s32 v1, v3  }
0x5d: {  	[tilespmem:s14], [sflag:$0x1] =	stream.indirect_vreg.gather [hbm4b:s3+s2], $0x80, v4, vm0, $0xb8;
	[tilespmem:$0x1C000] =	vst v63  }
0x5e: {  	s15 =	simm.s32 $0xB400  }
0x5f: {  	[tilespmem:s15], [sflag:$0x1] =	stream.indirect_vreg.gather [hbm4b:s6+s2], $0x80, v4, vm1, $0xb8;
	[tilespmem:$0x1C000] =	vst v63  }
0x60: {  	s16 =	simm.s32 $0xB800  }
0x61: {  	[tilespmem:s16], [sflag:$0x1] =	stream.indirect_vreg.gather [hbm4b:s3+s2], $0x80, v3, vm0, $0xb8;
	[tilespmem:$0x1C000] =	vst v63  }
0x62: {  	s17 =	simm.s32 $0xC000  }
0x63: {  	[tilespmem:s17], [sflag:$0x1] =	stream.indirect_vreg.gather [hbm4b:s6+s2], $0x80, v3, vm1, $0xb8;
	[tilespmem:$0x1C000] =	vst v63  }
0x64: {  	v3 =	vld [tilespmem:$0x40];
	_ =	sdelay $0x4  }
0x65: {  	v55 =	vshrl.u32 v3, $0x3  }
0x66: {  	v4 =	vmul.u32 $0x18, v55  }
0x67: {  	v3 =	vand.u32 $0x7, v3  }
0x68: {  	v3 =	vor.u32 v3, v4  }
0x69: {  	v4 =	vperm.xlane v3, v0;
	_ =	sdelay $0x1  }
0x6a: {  	v4 =	vadd.s32 v1, v4;
	_ =	sdelay $0x1  }
0x6b: {  	v3 =	vperm.xlane v3, v2;
	_ =	sdelay $0x1  }
0x6c: {  	s9 =	simm.s32 $0xC400;
	v3 =	vadd.s32 v1, v3  }
0x6d: {  	[tilespmem:s9], [sflag:$0x1] =	stream.indirect_vreg.gather [hbm4b:s3+s2], $0x80, v4, vm0, $0xb8;
	[tilespmem:$0x1C000] =	vst v63  }
0x6e: {  	s10 =	simm.s32 $0xCC00  }
0x6f: {  	[tilespmem:s10], [sflag:$0x1] =	stream.indirect_vreg.gather [hbm4b:s6+s2], $0x80, v4, vm1, $0xb8;
	[tilespmem:$0x1C000] =	vst v63  }
0x70: {  	s11 =	simm.s32 $0xD000  }
0x71: {  	[tilespmem:s11], [sflag:$0x1] =	stream.indirect_vreg.gather [hbm4b:s3+s2], $0x80, v3, vm0, $0xb8;
	[tilespmem:$0x1C000] =	vst v63  }
0x72: {  	s12 =	simm.s32 $0xD800  }
0x73: {  	[tilespmem:s12], [sflag:$0x1] =	stream.indirect_vreg.gather [hbm4b:s6+s2], $0x80, v3, vm1, $0xb8;
	[tilespmem:$0x1C000] =	vst v63  }
0x74: {  	v3 =	vld [tilespmem:$0x50];
	_ =	sdelay $0x4  }
0x75: {  	v56 =	vshrl.u32 v3, $0x3  }
0x76: {  	v4 =	vmul.u32 $0x18, v56  }
0x77: {  	v3 =	vand.u32 $0x7, v3  }
0x78: {  	v3 =	vor.u32 v3, v4  }
0x79: {  	v4 =	vperm.xlane v3, v0;
	_ =	sdelay $0x1  }
0x7a: {  	v4 =	vadd.s32 v1, v4;
	_ =	sdelay $0x1  }
0x7b: {  	v3 =	vperm.xlane v3, v2;
	_ =	sdelay $0x1  }
0x7c: {  	s13 =	simm.s32 $0xDC00;
	v3 =	vadd.s32 v1, v3  }
0x7d: {  	[tilespmem:s13], [sflag:$0x1] =	stream.indirect_vreg.gather [hbm4b:s3+s2], $0x80, v4, vm0, $0xb8;
	[tilespmem:$0x1C000] =	vst v63  }
0x7e: {  	s14 =	simm.s32 $0xE400  }
0x7f: {  	[tilespmem:s14], [sflag:$0x1] =	stream.indirect_vreg.gather [hbm4b:s6+s2], $0x80, v4, vm1, $0xb8;
	[tilespmem:$0x1C000] =	vst v63  }
0x80: {  	s15 =	simm.s32 $0xE800  }
0x81: {  	[tilespmem:s15], [sflag:$0x1] =	stream.indirect_vreg.gather [hbm4b:s3+s2], $0x80, v3, vm0, $0xb8;
	[tilespmem:$0x1C000] =	vst v63  }
0x82: {  	s16 =	simm.s32 $0xF000  }
0x83: {  	[tilespmem:s16], [sflag:$0x1] =	stream.indirect_vreg.gather [hbm4b:s6+s2], $0x80, v3, vm1, $0xb8;
	[tilespmem:$0x1C000] =	vst v63  }
0x84: {  	v3 =	vld.msk [tilespmem:$0x60], $0xff;
	_ =	sdelay $0x4  }
0x85: {  	v57 =	vshrl.u32 v3, $0x3  }
0x86: {  	v4 =	vmul.u32 $0x18, v57  }
0x87: {  	v3 =	vand.u32 $0x7, v3  }
0x88: {  	v3 =	vor.u32 v3, v4  }
0x89: {  	v3 =	vperm.xlane v3, v0;
	_ =	sdelay $0x1  }
0x8a: {  	v3 =	vadd.s32 v1, v3;
	_ =	sdelay $0x3  }
0x8b: {  	s17 =	simm.s32 $0xF400  }
0x8c: {  	[tilespmem:s17], [sflag:$0x1] =	stream.indirect_vreg.gather [hbm4b:s3+s2], $0x80, v3, vm0, $0xb8;
	[tilespmem:$0x1C000] =	vst v63  }
0x8d: {  	s9 =	simm.s32 $0xFC00  }
0x8e: {  	[tilespmem:s9], [sflag:$0x1] =	stream.indirect_vreg.gather [hbm4b:s6+s2], $0x80, v3, vm1, $0xb8;
	[tilespmem:$0x1C000] =	vst v63  }
0x8f: {  	v3 =	vld [tilespmem:$0x68];
	_ =	sdelay $0x4  }
0x90: {  	v58 =	vshrl.u32 v3, $0x3  }
0x91: {  	v4 =	vmul.u32 $0x18, v58  }
0x92: {  	v3 =	vand.u32 $0x7, v3  }
0x93: {  	v3 =	vor.u32 v3, v4  }
0x94: {  	v4 =	vperm.xlane v3, v0;
	_ =	sdelay $0x1  }
0x95: {  	v4 =	vadd.s32 v1, v4;
	_ =	sdelay $0x1  }
0x96: {  	v3 =	vperm.xlane v3, v2;
	_ =	sdelay $0x1  }
0x97: {  	s10 =	simm.s32 $0x10000;
	v3 =	vadd.s32 v1, v3  }
0x98: {  	[tilespmem:s10], [sflag:$0x2] =	stream.indirect_vreg.gather [hbm4b:s3+s2], $0x80, v4, vm0, $0xb8;
	[tilespmem:$0x1C000] =	vst v63  }
0x99: {  	s11 =	simm.s32 $0x10800  }
0x9a: {  	[tilespmem:s11], [sflag:$0x2] =	stream.indirect_vreg.gather [hbm4b:s6+s2], $0x80, v4, vm1, $0xb8;
	[tilespmem:$0x1C000] =	vst v63  }
0x9b: {  	s12 =	simm.s32 $0x10C00  }
0x9c: {  	[tilespmem:s12], [sflag:$0x2] =	stream.indirect_vreg.gather [hbm4b:s3+s2], $0x80, v3, vm0, $0xb8;
	[tilespmem:$0x1C000] =	vst v63  }
0x9d: {  	s13 =	simm.s32 $0x11400  }
0x9e: {  	[tilespmem:s13], [sflag:$0x2] =	stream.indirect_vreg.gather [hbm4b:s6+s2], $0x80, v3, vm1, $0xb8;
	[tilespmem:$0x1C000] =	vst v63  }
0x9f: {  	v3 =	vld [tilespmem:$0x78];
	_ =	sdelay $0x4  }
0xa0: {  	v59 =	vshrl.u32 v3, $0x3  }
0xa1: {  	v4 =	vmul.u32 $0x18, v59  }
0xa2: {  	v3 =	vand.u32 $0x7, v3  }
0xa3: {  	v3 =	vor.u32 v3, v4  }
0xa4: {  	v4 =	vperm.xlane v3, v0;
	_ =	sdelay $0x1  }
0xa5: {  	v4 =	vadd.s32 v1, v4;
	_ =	sdelay $0x1  }
0xa6: {  	v3 =	vperm.xlane v3, v2;
	_ =	sdelay $0x1  }
0xa7: {  	s14 =	simm.s32 $0x11800;
	v3 =	vadd.s32 v1, v3  }
0xa8: {  	[tilespmem:s14], [sflag:$0x2] =	stream.indirect_vreg.gather [hbm4b:s3+s2], $0x80, v4, vm0, $0xb8;
	[tilespmem:$0x1C000] =	vst v63  }
0xa9: {  	s15 =	simm.s32 $0x12000  }
0xaa: {  	[tilespmem:s15], [sflag:$0x2] =	stream.indirect_vreg.gather [hbm4b:s6+s2], $0x80, v4, vm1, $0xb8;
	[tilespmem:$0x1C000] =	vst v63  }
0xab: {  	s16 =	simm.s32 $0x12400  }
0xac: {  	[tilespmem:s16], [sflag:$0x2] =	stream.indirect_vreg.gather [hbm4b:s3+s2], $0x80, v3, vm0, $0xb8;
	[tilespmem:$0x1C000] =	vst v63  }
0xad: {  	s17 =	simm.s32 $0x12C00  }
0xae: {  	[tilespmem:s17], [sflag:$0x2] =	stream.indirect_vreg.gather [hbm4b:s6+s2], $0x80, v3, vm1, $0xb8;
	[tilespmem:$0x1C000] =	vst v63  }
0xaf: {  	v3 =	vld [tilespmem:$0x88];
	_ =	sdelay $0x4  }
0xb0: {  	v60 =	vshrl.u32 v3, $0x3  }
0xb1: {  	v4 =	vmul.u32 $0x18, v60  }
0xb2: {  	v3 =	vand.u32 $0x7, v3  }
0xb3: {  	v3 =	vor.u32 v3, v4  }
0xb4: {  	v4 =	vperm.xlane v3, v0;
	_ =	sdelay $0x1  }
0xb5: {  	v4 =	vadd.s32 v1, v4;
	_ =	sdelay $0x1  }
0xb6: {  	v3 =	vperm.xlane v3, v2;
	_ =	sdelay $0x1  }
0xb7: {  	v3 =	vadd.s32 v1, v3  }
0xb8: {  	[tilespmem:s18], [sflag:$0x2] =	stream.indirect_vreg.gather [hbm4b:s3+s2], $0x80, v4, vm0, $0xb8;
	[tilespmem:$0x1C000] =	vst v63  }
0xb9: {  	_ = 	snop  }
0xba: {  	[tilespmem:s19], [sflag:$0x2] =	stream.indirect_vreg.gather [hbm4b:s6+s2], $0x80, v4, vm1, $0xb8;
	[tilespmem:$0x1C000] =	vst v63  }
0xbb: {  	_ = 	snop  }
0xbc: {  	[tilespmem:s20], [sflag:$0x2] =	stream.indirect_vreg.gather [hbm4b:s3+s2], $0x80, v3, vm0, $0xb8;
	[tilespmem:$0x1C000] =	vst v63  }
0xbd: {  	_ = 	snop  }
0xbe: {  	[tilespmem:s21], [sflag:$0x2] =	stream.indirect_vreg.gather [hbm4b:s6+s2], $0x80, v3, vm1, $0xb8;
	[tilespmem:$0x1C000] =	vst v63  }
0xbf: {  	v3 =	vld [tilespmem:$0x98];
	_ =	sdelay $0x4  }
0xc0: {  	v61 =	vshrl.u32 v3, $0x3  }
0xc1: {  	v4 =	vmul.u32 $0x18, v61  }
0xc2: {  	v3 =	vand.u32 $0x7, v3  }
0xc3: {  	v3 =	vor.u32 v3, v4  }
0xc4: {  	v4 =	vperm.xlane v3, v0;
	_ =	sdelay $0x1  }
0xc5: {  	v4 =	vadd.s32 v1, v4;
	_ =	sdelay $0x1  }
0xc6: {  	v3 =	vperm.xlane v3, v2;
	_ =	sdelay $0x1  }
0xc7: {  	v3 =	vadd.s32 v1, v3  }
0xc8: {  	[tilespmem:s22], [sflag:$0x2] =	stream.indirect_vreg.gather [hbm4b:s3+s2], $0x80, v4, vm0, $0xb8;
	[tilespmem:$0x1C000] =	vst v63  }
0xc9: {  	_ = 	snop  }
0xca: {  	[tilespmem:s23], [sflag:$0x2] =	stream.indirect_vreg.gather [hbm4b:s6+s2], $0x80, v4, vm1, $0xb8;
	[tilespmem:$0x1C000] =	vst v63  }
0xcb: {  	_ = 	snop  }
0xcc: {  	[tilespmem:s24], [sflag:$0x2] =	stream.indirect_vreg.gather [hbm4b:s3+s2], $0x80, v3, vm0, $0xb8;
	[tilespmem:$0x1C000] =	vst v63  }
0xcd: {  	_ = 	snop  }
0xce: {  	[tilespmem:s25], [sflag:$0x2] =	stream.indirect_vreg.gather [hbm4b:s6+s2], $0x80, v3, vm1, $0xb8;
	[tilespmem:$0x1C000] =	vst v63  }
0xcf: {  	v3 =	vld [tilespmem:$0xA8];
	_ =	sdelay $0x4  }
0xd0: {  	v62 =	vshrl.u32 v3, $0x3  }
0xd1: {  	v4 =	vmul.u32 $0x18, v62  }
0xd2: {  	v3 =	vand.u32 $0x7, v3  }
0xd3: {  	v3 =	vor.u32 v3, v4  }
0xd4: {  	v4 =	vperm.xlane v3, v0;
	_ =	sdelay $0x1  }
0xd5: {  	v4 =	vadd.s32 v1, v4;
	_ =	sdelay $0x1  }
0xd6: {  	v3 =	vperm.xlane v3, v2;
	_ =	sdelay $0x1  }
0xd7: {  	v3 =	vadd.s32 v1, v3  }
0xd8: {  	[tilespmem:s26], [sflag:$0x2] =	stream.indirect_vreg.gather [hbm4b:s3+s2], $0x80, v4, vm0, $0xb8;
	[tilespmem:$0x1C000] =	vst v63  }
0xd9: {  	_ = 	snop  }
0xda: {  	[tilespmem:s28], [sflag:$0x2] =	stream.indirect_vreg.gather [hbm4b:s6+s2], $0x80, v4, vm1, $0xb8;
	[tilespmem:$0x1C000] =	vst v63  }
0xdb: {  	_ = 	snop  }
0xdc: {  	[tilespmem:s29], [sflag:$0x2] =	stream.indirect_vreg.gather [hbm4b:s3+s2], $0x80, v3, vm0, $0xb8;
	[tilespmem:$0x1C000] =	vst v63  }
0xdd: {  	_ = 	snop  }
0xde: {  	[tilespmem:s30], [sflag:$0x2] =	stream.indirect_vreg.gather [hbm4b:s6+s2], $0x80, v3, vm1, $0xb8;
	[tilespmem:$0x1C000] =	vst v63  }
0xdf: {  	v3 =	vld [tilespmem:$0xB8];
	_ =	sdelay $0x4  }
0xe0: {  	v63 =	vshrl.u32 v3, $0x3  }
0xe1: {  	v4 =	vmul.u32 $0x18, v63  }
0xe2: {  	v3 =	vand.u32 $0x7, v3  }
0xe3: {  	v3 =	vor.u32 v3, v4  }
0xe4: {  	v4 =	vperm.xlane v3, v0;
	_ =	sdelay $0x1  }
0xe5: {  	v4 =	vadd.s32 v1, v4;
	_ =	sdelay $0x1  }
0xe6: {  	v3 =	vperm.xlane v3, v2;
	_ =	sdelay $0x1  }
0xe7: {  	v3 =	vadd.s32 v1, v3  }
0xe8: {  	[tilespmem:s31], [sflag:$0x2] =	stream.indirect_vreg.gather [hbm4b:s3+s2], $0x80, v4, vm0, $0xb8;
	[tilespmem:$0x1C000] =	vst v63  }
0xe9: {  	_ = 	snop  }
0xea: {  	[tilespmem:s1], [sflag:$0x2] =	stream.indirect_vreg.gather [hbm4b:s6+s2], $0x80, v4, vm1, $0xb8;
	[tilespmem:$0x1C000] =	vst v63  }
0xeb: {  	_ = 	snop  }
0xec: {  	[tilespmem:s0], [sflag:$0x2] =	stream.indirect_vreg.gather [hbm4b:s3+s2], $0x80, v3, vm0, $0xb8;
	[tilespmem:$0x1C000] =	vst v63  }
0xed: {  	s9 =	simm.s32 $0x0  }
0xee: {  	[tilespmem:s4], [sflag:$0x2] =	stream.indirect_vreg.gather [hbm4b:s6+s2], $0x80, v3, vm1, $0xb8;
	[tilespmem:$0x1C000] =	vst v63  }
.LBB2_2:
0xef: {  	s5 =	simm.s32 $0x0  }
0xf0: {  	s10 =	smul.u32 $0x3000, s5  }
0xf1: {  	_ =	swait.ge [sflag:s7], $0x9C00;
	s5 =	simm.s32 $0x0  }
0xf2: {  	[sflag:s7] =	ssyncset.done $0x0;
	s11 =	sand.u32 $0x380, s5;
	s10 =	sshra.s32 s10, $0x2  }
0xf3: {  	[sflag:s7] =	ssyncadd.s32 $0xFFFF6400;
	s10 =	sor.u32 s11, s10  }
0xf4: {  	v3 =	vld.msk [tilespmem:s10+$0x6C20], $0xfff  }
0xf5: {  	v4 =	vld [tilespmem:s10+$0x6400]  }
0xf6: {  	v5 =	vld [tilespmem:s10+$0x6410]  }
0xf7: {  	v6 =	vld [tilespmem:s10+$0x6420]  }
0xf8: {  	v7 =	vld [tilespmem:s10+$0x6430]  }
0xf9: {  	v8 =	vld [tilespmem:s10+$0x6440]  }
0xfa: {  	v9 =	vld [tilespmem:s10+$0x6450]  }
0xfb: {  	v14 =	vld [tilespmem:s10+$0x6460]  }
0xfc: {  	v15 =	vld [tilespmem:s10+$0x6470]  }
0xfd: {  	v13 =	vimm.f32 $0.0e+00;
	v16 =	vld [tilespmem:s10+$0x6800]  }
0xfe: {  	v20 =	vimm.f32 $0.0e+00;
	v12 =	vadd.f32 v3, v13;
	v10 =	vadd.f32 v4, v13  }
0xff: {  	v21 =	vimm.f32 $0.0e+00;
	v23 =	vld [tilespmem:s10+$0x6810];
	v11 =	vadd.f32 v5, v13;
	v4 =	vadd.f32 v6, v13  }
0x100: {  	v17 =	vimm.f32 $0.0e+00;
	v24 =	vld [tilespmem:s10+$0x6820];
	v5 =	vadd.f32 v7, v13;
	v3 =	vadd.f32 v8, v13  }
0x101: {  	v18 =	vimm.f32 $0.0e+00;
	v22 =	vld [tilespmem:s10+$0x6830];
	v6 =	vadd.f32 v9, v13;
	v7 =	vadd.f32 v14, v13  }
0x102: {  	v19 =	vimm.f32 $0.0e+00;
	v25 =	vld [tilespmem:s10+$0x6840];
	v8 =	vadd.f32 v15, v13;
	v9 =	vadd.f32 v16, v13  }
0x103: {  	s12 =	simm.s32 $0x0;
	s11 =	simm.s32 $0x2;
	v26 =	vld [tilespmem:s10+$0x6850];
	v15 =	vimm.f32 $0.0e+00;
	v16 =	vimm.f32 $0.0e+00;
	v14 =	vimm.f32 $0.0e+00  }
.LBB2_3:
0x104: {  	p0 =	sne.s32 s11, $0x67;
	s12 =	smul.u32 $0x3000, s12;
	v13 =	vadd.f32 v23, v13;
	v23 =	vld [tilespmem:s10+$0x6860]  }
0x105: {  	s5 =	sadd.s32 $0x80, s5;
	v20 =	vadd.f32 v24, v20;
	v24 =	vld [tilespmem:s10+$0x6870]  }
0x106: {  	s13 =	sand.u32 $0x380, s5;
	s12 =	sshra.s32 s12, $0x2;
	v15 =	vadd.f32 v22, v15;
	v22 =	vld [tilespmem:s10+$0x6C00]  }
0x107: {  	v21 =	vadd.f32 v25, v21;
	v25 =	vld [tilespmem:s10+$0x6C10];
	s10 =	sor.u32 s13, s12  }
0x108: {  	v27 =	vld.msk [tilespmem:s10+$0x6C20], $0xfff;
	v16 =	vadd.f32 v26, v16  }
0x109: {  	v26 =	vld [tilespmem:s10+$0x6400];
	v17 =	vadd.f32 v23, v17  }
0x10a: {  	v23 =	vld [tilespmem:s10+$0x6410];
	v18 =	vadd.f32 v24, v18  }
0x10b: {  	v24 =	vld [tilespmem:s10+$0x6420];
	v19 =	vadd.f32 v22, v19  }
0x10c: {  	v22 =	vld [tilespmem:s10+$0x6430];
	v14 =	vadd.f32 v25, v14  }
0x10d: {  	v25 =	vld [tilespmem:s10+$0x6440];
	v12 =	vadd.f32 v27, v12  }
0x10e: {  	v10 =	vadd.f32 v26, v10;
	v26 =	vld [tilespmem:s10+$0x6450]  }
0x10f: {  	v11 =	vadd.f32 v23, v11;
	v27 =	vld [tilespmem:s10+$0x6460]  }
0x110: {  	v4 =	vadd.f32 v24, v4;
	v28 =	vld [tilespmem:s10+$0x6470]  }
0x111: {  	v5 =	vadd.f32 v22, v5;
	v29 =	vld [tilespmem:s10+$0x6800]  }
.Ltmp2:
0x112: {  	v3 =	vadd.f32 v25, v3;
	v23 =	vld [tilespmem:s10+$0x6810];
	(pc) =	sbr.rel @p0 .LBB2_3-.Ltmp2, $4  }
0x113: {  	v6 =	vadd.f32 v26, v6;
	v24 =	vld [tilespmem:s10+$0x6820]  }
0x114: {  	v7 =	vadd.f32 v27, v7;
	v22 =	vld [tilespmem:s10+$0x6830]  }
0x115: {  	v8 =	vadd.f32 v28, v8;
	v25 =	vld [tilespmem:s10+$0x6840]  }
0x116: {  	s12 =	sshrl.u32 s11, $0x3;
	s11 =	sadd.s32 $0x1, s11;
	v9 =	vadd.f32 v29, v9;
	v26 =	vld [tilespmem:s10+$0x6850]  }
0x117: {  	s11 =	smul.u32 $0x3000, s12;
	v39 =	vld [tilespmem:s10+$0x6860]  }
0x118: {  	v33 =	vld [tilespmem:s10+$0x6870];
	s5 =	sadd.s32 $0x80, s5  }
0x119: {  	v40 =	vld [tilespmem:s10+$0x6C00];
	s5 =	sand.u32 $0x380, s5;
	s11 =	sshra.s32 s11, $0x2  }
0x11a: {  	v41 =	vld [tilespmem:s10+$0x6C10];
	s11 =	sor.u32 s5, s11  }
0x11b: {  	s10 =	sadd.s32 $0x1, s9;
	v42 =	vld.msk [tilespmem:s11+$0x6C20], $0xfff  }
0x11c: {  	s15 =	smul.u32 $0x320, s10;
	v34 =	vld [tilespmem:s11+$0x6400]  }
0x11d: {  	v43 =	vld [tilespmem:s11+$0x6410]  }
0x11e: {  	s5 =	sshra.s32 s15, $0x2;
	v27 =	vld [tilespmem:s11+$0x6420]  }
0x11f: {  	v31 =	vld [tilespmem:s5+$0x0]  }
0x120: {  	v44 =	vld [tilespmem:s11+$0x6430]  }
0x121: {  	v35 =	vld [tilespmem:s11+$0x6440]  }
0x122: {  	v36 =	vld [tilespmem:s11+$0x6450]  }
0x123: {  	v28 =	vld [tilespmem:s11+$0x6460]  }
0x124: {  	v29 =	vld [tilespmem:s11+$0x6470];
	v32 =	vshrl.u32 v31, $0x3  }
0x125: {  	v30 =	vld [tilespmem:s11+$0x6800];
	v32 =	vmul.u32 $0x18, v32  }
0x126: {  	v37 =	vld [tilespmem:s11+$0x6810];
	v31 =	vand.u32 $0x7, v31  }
0x127: {  	v38 =	vld [tilespmem:s11+$0x6820];
	v31 =	vor.u32 v31, v32  }
0x128: {  	v45 =	vld [tilespmem:s11+$0x6830];
	v32 =	vperm.xlane v31, v0  }
0x129: {  	v46 =	vld [tilespmem:s11+$0x6840]  }
0x12a: {  	v47 =	vld [tilespmem:s11+$0x6850];
	v48 =	vadd.s32 v1, v32  }
0x12b: {  	v49 =	vld [tilespmem:s11+$0x6860]  }
0x12c: {  	v50 =	vld [tilespmem:s11+$0x6870];
	v51 =	vperm.xlane v31, v2  }
0x12d: {  	v31 =	vld [tilespmem:s11+$0x6C00]  }
0x12e: {  	s16 =	simm.s32 $0x6400;
	v32 =	vld [tilespmem:s11+$0x6C10];
	s11 =	simm.s32 $0x0;
	v51 =	vadd.s32 v1, v51  }
0x12f: {  	[tilespmem:s16], [sflag:$0x1] =	stream.indirect_vreg.gather [hbm4b:s3+s11], $0x80, v48, vm0, $0xb8;
	[tilespmem:$0x1C000] =	vst v63  }
0x130: {  	s17 =	simm.s32 $0x6C00  }
0x131: {  	[tilespmem:s17], [sflag:$0x1] =	stream.indirect_vreg.gather [hbm4b:s6+s11], $0x80, v48, vm1, $0xb8;
	[tilespmem:$0x1C000] =	vst v63  }
0x132: {  	s13 =	simm.s32 $0x7000  }
0x133: {  	[tilespmem:s13], [sflag:$0x1] =	stream.indirect_vreg.gather [hbm4b:s3+s11], $0x80, v51, vm0, $0xb8;
	[tilespmem:$0x1C000] =	vst v63  }
0x134: {  	s14 =	simm.s32 $0x7800  }
0x135: {  	[tilespmem:s14], [sflag:$0x1] =	stream.indirect_vreg.gather [hbm4b:s6+s11], $0x80, v51, vm1, $0xb8;
	[tilespmem:$0x1C000] =	vst v63  }
0x136: {  	v48 =	vld [tilespmem:s5+$0x10];
	_ =	sdelay $0x4  }
0x137: {  	v60 =	vshrl.u32 v48, $0x3  }
0x138: {  	v51 =	vmul.u32 $0x18, v60  }
0x139: {  	v48 =	vand.u32 $0x7, v48  }
0x13a: {  	v48 =	vor.u32 v48, v51  }
0x13b: {  	v51 =	vperm.xlane v48, v0;
	_ =	sdelay $0x1  }
0x13c: {  	v51 =	vadd.s32 v1, v51;
	_ =	sdelay $0x1  }
0x13d: {  	v48 =	vperm.xlane v48, v2;
	_ =	sdelay $0x1  }
0x13e: {  	s15 =	simm.s32 $0x7C00;
	v48 =	vadd.s32 v1, v48  }
0x13f: {  	[tilespmem:s15], [sflag:$0x1] =	stream.indirect_vreg.gather [hbm4b:s3+s11], $0x80, v51, vm0, $0xb8;
	[tilespmem:$0x1C000] =	vst v63  }
0x140: {  	s16 =	simm.s32 $0x8400  }
0x141: {  	[tilespmem:s16], [sflag:$0x1] =	stream.indirect_vreg.gather [hbm4b:s6+s11], $0x80, v51, vm1, $0xb8;
	[tilespmem:$0x1C000] =	vst v63  }
0x142: {  	s17 =	simm.s32 $0x8800  }
0x143: {  	[tilespmem:s17], [sflag:$0x1] =	stream.indirect_vreg.gather [hbm4b:s3+s11], $0x80, v48, vm0, $0xb8;
	[tilespmem:$0x1C000] =	vst v63  }
0x144: {  	s13 =	simm.s32 $0x9000  }
0x145: {  	[tilespmem:s13], [sflag:$0x1] =	stream.indirect_vreg.gather [hbm4b:s6+s11], $0x80, v48, vm1, $0xb8;
	[tilespmem:$0x1C000] =	vst v63  }
0x146: {  	v48 =	vld [tilespmem:s5+$0x20];
	_ =	sdelay $0x4  }
0x147: {  	v61 =	vshrl.u32 v48, $0x3  }
0x148: {  	v51 =	vmul.u32 $0x18, v61  }
0x149: {  	v48 =	vand.u32 $0x7, v48  }
0x14a: {  	v48 =	vor.u32 v48, v51  }
0x14b: {  	v51 =	vperm.xlane v48, v0;
	_ =	sdelay $0x1  }
0x14c: {  	v51 =	vadd.s32 v1, v51;
	_ =	sdelay $0x1  }
0x14d: {  	v48 =	vperm.xlane v48, v2;
	_ =	sdelay $0x1  }
0x14e: {  	s14 =	simm.s32 $0x9400;
	v48 =	vadd.s32 v1, v48  }
0x14f: {  	[tilespmem:s14], [sflag:$0x1] =	stream.indirect_vreg.gather [hbm4b:s3+s11], $0x80, v51, vm0, $0xb8;
	[tilespmem:$0x1C000] =	vst v63  }
0x150: {  	s15 =	simm.s32 $0x9C00  }
0x151: {  	[tilespmem:s15], [sflag:$0x1] =	stream.indirect_vreg.gather [hbm4b:s6+s11], $0x80, v51, vm1, $0xb8;
	[tilespmem:$0x1C000] =	vst v63  }
0x152: {  	s16 =	simm.s32 $0xA000  }
0x153: {  	[tilespmem:s16], [sflag:$0x1] =	stream.indirect_vreg.gather [hbm4b:s3+s11], $0x80, v48, vm0, $0xb8;
	[tilespmem:$0x1C000] =	vst v63  }
0x154: {  	s17 =	simm.s32 $0xA800  }
0x155: {  	[tilespmem:s17], [sflag:$0x1] =	stream.indirect_vreg.gather [hbm4b:s6+s11], $0x80, v48, vm1, $0xb8;
	[tilespmem:$0x1C000] =	vst v63  }
0x156: {  	v48 =	vld [tilespmem:s5+$0x30];
	_ =	sdelay $0x4  }
0x157: {  	v62 =	vshrl.u32 v48, $0x3  }
0x158: {  	v51 =	vmul.u32 $0x18, v62  }
0x159: {  	v48 =	vand.u32 $0x7, v48  }
0x15a: {  	v48 =	vor.u32 v48, v51  }
0x15b: {  	v51 =	vperm.xlane v48, v0;
	_ =	sdelay $0x1  }
0x15c: {  	v51 =	vadd.s32 v1, v51;
	_ =	sdelay $0x1  }
0x15d: {  	v48 =	vperm.xlane v48, v2;
	_ =	sdelay $0x1  }
0x15e: {  	s13 =	simm.s32 $0xAC00;
	v48 =	vadd.s32 v1, v48  }
0x15f: {  	[tilespmem:s13], [sflag:$0x1] =	stream.indirect_vreg.gather [hbm4b:s3+s11], $0x80, v51, vm0, $0xb8;
	[tilespmem:$0x1C000] =	vst v63  }
0x160: {  	s14 =	simm.s32 $0xB400  }
0x161: {  	[tilespmem:s14], [sflag:$0x1] =	stream.indirect_vreg.gather [hbm4b:s6+s11], $0x80, v51, vm1, $0xb8;
	[tilespmem:$0x1C000] =	vst v63  }
0x162: {  	s15 =	simm.s32 $0xB800  }
0x163: {  	[tilespmem:s15], [sflag:$0x1] =	stream.indirect_vreg.gather [hbm4b:s3+s11], $0x80, v48, vm0, $0xb8;
	[tilespmem:$0x1C000] =	vst v63  }
0x164: {  	s16 =	simm.s32 $0xC000  }
0x165: {  	[tilespmem:s16], [sflag:$0x1] =	stream.indirect_vreg.gather [hbm4b:s6+s11], $0x80, v48, vm1, $0xb8;
	[tilespmem:$0x1C000] =	vst v63  }
0x166: {  	v48 =	vld [tilespmem:s5+$0x40];
	_ =	sdelay $0x4  }
0x167: {  	v63 =	vshrl.u32 v48, $0x3  }
0x168: {  	v51 =	vmul.u32 $0x18, v63  }
0x169: {  	v48 =	vand.u32 $0x7, v48  }
0x16a: {  	v48 =	vor.u32 v48, v51  }
0x16b: {  	v51 =	vperm.xlane v48, v0;
	_ =	sdelay $0x1  }
0x16c: {  	v51 =	vadd.s32 v1, v51;
	_ =	sdelay $0x1  }
0x16d: {  	v48 =	vperm.xlane v48, v2;
	_ =	sdelay $0x1  }
0x16e: {  	s17 =	simm.s32 $0xC400;
	v48 =	vadd.s32 v1, v48  }
0x16f: {  	[tilespmem:s17], [sflag:$0x1] =	stream.indirect_vreg.gather [hbm4b:s3+s11], $0x80, v51, vm0, $0xb8;
	[tilespmem:$0x1C000] =	vst v63  }
0x170: {  	s13 =	simm.s32 $0xCC00  }
0x171: {  	[tilespmem:s13], [sflag:$0x1] =	stream.indirect_vreg.gather [hbm4b:s6+s11], $0x80, v51, vm1, $0xb8;
	[tilespmem:$0x1C000] =	vst v63  }
0x172: {  	s14 =	simm.s32 $0xD000  }
0x173: {  	[tilespmem:s14], [sflag:$0x1] =	stream.indirect_vreg.gather [hbm4b:s3+s11], $0x80, v48, vm0, $0xb8;
	[tilespmem:$0x1C000] =	vst v63  }
0x174: {  	s15 =	simm.s32 $0xD800  }
0x175: {  	[tilespmem:s15], [sflag:$0x1] =	stream.indirect_vreg.gather [hbm4b:s6+s11], $0x80, v48, vm1, $0xb8;
	[tilespmem:$0x1C000] =	vst v63  }
0x176: {  	v48 =	vld [tilespmem:s5+$0x50];
	_ =	sdelay $0x4  }
0x177: {  	v54 =	vshrl.u32 v48, $0x3  }
0x178: {  	v51 =	vmul.u32 $0x18, v54  }
0x179: {  	v48 =	vand.u32 $0x7, v48  }
0x17a: {  	v48 =	vor.u32 v48, v51  }
0x17b: {  	v51 =	vperm.xlane v48, v0;
	_ =	sdelay $0x1  }
0x17c: {  	v51 =	vadd.s32 v1, v51;
	_ =	sdelay $0x1  }
0x17d: {  	v48 =	vperm.xlane v48, v2;
	_ =	sdelay $0x1  }
0x17e: {  	s16 =	simm.s32 $0xDC00;
	v48 =	vadd.s32 v1, v48  }
0x17f: {  	[tilespmem:s16], [sflag:$0x1] =	stream.indirect_vreg.gather [hbm4b:s3+s11], $0x80, v51, vm0, $0xb8;
	[tilespmem:$0x1C000] =	vst v63  }
0x180: {  	s17 =	simm.s32 $0xE400  }
0x181: {  	[tilespmem:s17], [sflag:$0x1] =	stream.indirect_vreg.gather [hbm4b:s6+s11], $0x80, v51, vm1, $0xb8;
	[tilespmem:$0x1C000] =	vst v63  }
0x182: {  	s13 =	simm.s32 $0xE800  }
0x183: {  	[tilespmem:s13], [sflag:$0x1] =	stream.indirect_vreg.gather [hbm4b:s3+s11], $0x80, v48, vm0, $0xb8;
	[tilespmem:$0x1C000] =	vst v63  }
0x184: {  	s14 =	simm.s32 $0xF000  }
0x185: {  	[tilespmem:s14], [sflag:$0x1] =	stream.indirect_vreg.gather [hbm4b:s6+s11], $0x80, v48, vm1, $0xb8;
	[tilespmem:$0x1C000] =	vst v63  }
0x186: {  	v48 =	vld.msk [tilespmem:s5+$0x60], $0xff;
	_ =	sdelay $0x4  }
0x187: {  	v55 =	vshrl.u32 v48, $0x3  }
0x188: {  	v51 =	vmul.u32 $0x18, v55  }
0x189: {  	v48 =	vand.u32 $0x7, v48  }
0x18a: {  	v48 =	vor.u32 v48, v51  }
0x18b: {  	v48 =	vperm.xlane v48, v0;
	_ =	sdelay $0x1  }
0x18c: {  	v48 =	vadd.s32 v1, v48;
	_ =	sdelay $0x3  }
0x18d: {  	s15 =	simm.s32 $0xF400;
	s17 =	simm.s32 $0x0  }
0x18e: {  	[tilespmem:s15], [sflag:$0x1] =	stream.indirect_vreg.gather [hbm4b:s3+s11], $0x80, v48, vm0, $0xb8;
	[tilespmem:$0x1C000] =	vst v63  }
0x18f: {  	s16 =	simm.s32 $0xFC00;
	s12 =	smul.u32 $0x3000, s17  }
0x190: {  	v13 =	vadd.f32 v23, v13;
	v20 =	vadd.f32 v24, v20;
	[tilespmem:s16], [sflag:$0x1] =	stream.indirect_vreg.gather [hbm4b:s6+s11], $0x80, v48, vm1, $0xb8;
	[tilespmem:$0x1C000] =	vst v63  }
0x191: {  	v15 =	vadd.f32 v22, v15;
	v21 =	vadd.f32 v25, v21;
	_ =	swait.ge [sflag:s8], $0x9000  }
0x192: {  	v16 =	vadd.f32 v26, v16;
	v17 =	vadd.f32 v39, v17;
	s13 =	sand.u32 $0x380, s11;
	s12 =	sshra.s32 s12, $0x2;
	[sflag:s8] =	ssyncset.done $0x0  }
0x193: {  	v18 =	vadd.f32 v33, v18;
	v19 =	vadd.f32 v40, v19;
	s12 =	sor.u32 s13, s12;
	[sflag:s8] =	ssyncadd.s32 $0xFFFF7000  }
0x194: {  	v14 =	vadd.f32 v41, v14;
	v22 =	vadd.f32 v42, v12;
	s13 =	sadd.s32 $0x10800, s12;
	s15 =	sadd.s32 $0x10000, s12;
	v23 =	vld [tilespmem:s12+$0x10000]  }
0x195: {  	v24 =	vadd.f32 v34, v10;
	v25 =	vadd.f32 v43, v11;
	s14 =	sor.u32 $0x20, s13;
	v26 =	vld [tilespmem:s15+$0x10]  }
0x196: {  	v27 =	vadd.f32 v27, v4;
	v56 =	vadd.f32 v44, v5;
	v57 =	vld.msk [tilespmem:s14+$0x0], $0xfff  }
0x197: {  	v35 =	vadd.f32 v35, v3;
	v36 =	vadd.f32 v36, v6;
	v58 =	vld [tilespmem:s15+$0x20]  }
0x198: {  	v28 =	vadd.f32 v28, v7;
	v29 =	vadd.f32 v29, v8;
	v59 =	vld [tilespmem:s15+$0x30]  }
0x199: {  	v12 =	vadd.f32 v30, v9;
	v13 =	vadd.f32 v37, v13;
	v60 =	vld [tilespmem:s15+$0x40]  }
0x19a: {  	v11 =	vadd.f32 v38, v20;
	v10 =	vadd.f32 v45, v15;
	v15 =	vld [tilespmem:s15+$0x50]  }
0x19b: {  	v9 =	vadd.f32 v46, v21;
	v8 =	vadd.f32 v47, v16;
	v61 =	vld [tilespmem:s15+$0x60]  }
0x19c: {  	v7 =	vadd.f32 v49, v17;
	v6 =	vadd.f32 v50, v18;
	s14 =	sadd.s32 $0x10400, s12;
	v62 =	vld [tilespmem:s15+$0x70]  }
0x19d: {  	v5 =	vadd.f32 v31, v19;
	v4 =	vadd.f32 v32, v14;
	v63 =	vld [tilespmem:s14+$0x10]  }
0x19e: {  	v20 =	vadd.f32 v23, v24;
	v19 =	vadd.f32 v26, v25;
	v26 =	vld [tilespmem:s14+$0x20]  }
0x19f: {  	v3 =	vadd.f32 v57, v22;
	v21 =	vadd.f32 v58, v27;
	v25 =	vld [tilespmem:s14+$0x30]  }
0x1a0: {  	v18 =	vadd.f32 v59, v56;
	v17 =	vadd.f32 v60, v35;
	v23 =	vld [tilespmem:s14+$0x40]  }
0x1a1: {  	v16 =	vadd.f32 v15, v36;
	v15 =	vadd.f32 v61, v28;
	v24 =	vld [tilespmem:s14+$0x50]  }
0x1a2: {  	s16 =	simm.s32 $0x0;
	s15 =	simm.s32 $0x2;
	v14 =	vadd.f32 v62, v29;
	v22 =	vld [tilespmem:s14+$0x60];
	v13 =	vadd.f32 v63, v13  }
.LBB2_5:
0x1a3: {  	p0 =	sne.s32 s15, $0x5F;
	s16 =	smul.u32 $0x3000, s16;
	v11 =	vadd.f32 v26, v11;
	v26 =	vld [tilespmem:s14+$0x70]  }
0x1a4: {  	s11 =	sadd.s32 $0x80, s11;
	v10 =	vadd.f32 v25, v10;
	v25 =	vld [tilespmem:s13+$0x10]  }
0x1a5: {  	s13 =	sand.u32 $0x380, s11;
	s14 =	sshra.s32 s16, $0x2;
	v27 =	vld [tilespmem:s12+$0x10400];
	v9 =	vadd.f32 v23, v9  }
0x1a6: {  	v8 =	vadd.f32 v24, v8;
	v23 =	vld [tilespmem:s12+$0x10800];
	s12 =	sor.u32 s13, s14  }
0x1a7: {  	s16 =	sadd.s32 $0x10000, s12;
	v24 =	vld [tilespmem:s12+$0x10000];
	s14 =	sadd.s32 $0x10400, s12;
	s13 =	sadd.s32 $0x10800, s12;
	v7 =	vadd.f32 v22, v7  }
0x1a8: {  	v22 =	vld [tilespmem:s16+$0x10];
	s17 =	sor.u32 $0x20, s13;
	v6 =	vadd.f32 v26, v6  }
0x1a9: {  	v26 =	vld.msk [tilespmem:s17+$0x0], $0xfff;
	v4 =	vadd.f32 v25, v4  }
0x1aa: {  	v25 =	vld [tilespmem:s16+$0x20];
	v12 =	vadd.f32 v27, v12  }
0x1ab: {  	v27 =	vld [tilespmem:s16+$0x30];
	v5 =	vadd.f32 v23, v5  }
0x1ac: {  	v20 =	vadd.f32 v24, v20;
	v23 =	vld [tilespmem:s16+$0x40]  }
0x1ad: {  	v19 =	vadd.f32 v22, v19;
	v22 =	vld [tilespmem:s16+$0x50]  }
0x1ae: {  	v24 =	vld [tilespmem:s16+$0x60];
	v3 =	vadd.f32 v26, v3  }
0x1af: {  	v21 =	vadd.f32 v25, v21;
	v28 =	vld [tilespmem:s16+$0x70]  }
0x1b0: {  	v18 =	vadd.f32 v27, v18;
	v27 =	vld [tilespmem:s14+$0x10]  }
.Ltmp3:
0x1b1: {  	v17 =	vadd.f32 v23, v17;
	v26 =	vld [tilespmem:s14+$0x20];
	(pc) =	sbr.rel @p0 .LBB2_5-.Ltmp3, $4  }
0x1b2: {  	v16 =	vadd.f32 v22, v16;
	v25 =	vld [tilespmem:s14+$0x30]  }
0x1b3: {  	v15 =	vadd.f32 v24, v15;
	v23 =	vld [tilespmem:s14+$0x40]  }
0x1b4: {  	v14 =	vadd.f32 v28, v14;
	v24 =	vld [tilespmem:s14+$0x50]  }
0x1b5: {  	s16 =	sshrl.u32 s15, $0x3;
	s15 =	sadd.s32 $0x1, s15;
	v13 =	vadd.f32 v27, v13;
	v22 =	vld [tilespmem:s14+$0x60]  }
0x1b6: {  	v29 =	vld [tilespmem:s14+$0x70]  }
0x1b7: {  	s15 =	smul.u32 $0x3000, s16;
	v28 =	vld [tilespmem:s13+$0x10]  }
0x1b8: {  	s11 =	sadd.s32 $0x80, s11;
	v35 =	vld [tilespmem:s12+$0x10400]  }
0x1b9: {  	v30 =	vld [tilespmem:s12+$0x10800];
	s11 =	sand.u32 $0x380, s11;
	s17 =	sshra.s32 s15, $0x2  }
0x1ba: {  	v31 =	vld [tilespmem:s5+$0x68];
	s11 =	sor.u32 s11, s17  }
0x1bb: {  	v49 =	vld [tilespmem:s11+$0x10000]  }
0x1bc: {  	v51 =	vld [tilespmem:s11+$0x10400]  }
0x1bd: {  	s16 =	sadd.s32 $0x10000, s11;
	v57 =	vld [tilespmem:s11+$0x10800]  }
0x1be: {  	v36 =	vld [tilespmem:s16+$0x10]  }
0x1bf: {  	v37 =	vld [tilespmem:s16+$0x20]  }
0x1c0: {  	v38 =	vld [tilespmem:s16+$0x30]  }
0x1c1: {  	v39 =	vld [tilespmem:s16+$0x40]  }
0x1c2: {  	v40 =	vld [tilespmem:s16+$0x50];
	v32 =	vshrl.u32 v31, $0x3  }
0x1c3: {  	v41 =	vld [tilespmem:s16+$0x60];
	v32 =	vmul.u32 $0x18, v32  }
0x1c4: {  	s17 =	sadd.s32 $0x10400, s11;
	v42 =	vld [tilespmem:s16+$0x70];
	v31 =	vand.u32 $0x7, v31  }
0x1c5: {  	v43 =	vld [tilespmem:s17+$0x10];
	v33 =	vor.u32 v31, v32  }
0x1c6: {  	v44 =	vld [tilespmem:s17+$0x20];
	v31 =	vperm.xlane v33, v0  }
0x1c7: {  	v45 =	vld [tilespmem:s17+$0x30]  }
0x1c8: {  	v46 =	vld [tilespmem:s17+$0x40];
	v48 =	vadd.s32 v1, v31  }
0x1c9: {  	v47 =	vld [tilespmem:s17+$0x50]  }
0x1ca: {  	v34 =	vld [tilespmem:s17+$0x60];
	v50 =	vperm.xlane v33, v2  }
0x1cb: {  	s14 =	sadd.s32 $0x10800, s11;
	v55 =	vld [tilespmem:s17+$0x70]  }
0x1cc: {  	s13 =	simm.s32 $0x10000;
	s15 =	sor.u32 $0x20, s14;
	v56 =	vld [tilespmem:s14+$0x10];
	v50 =	vadd.s32 v1, v50  }
0x1cd: {  	v27 =	vld.msk [tilespmem:s15+$0x0], $0xfff;
	[tilespmem:s13], [sflag:$0x2] =	stream.indirect_vreg.gather [hbm4b:s3+s2], $0x80, v48, vm0, $0xb8  }
0x1ce: {  	s14 =	simm.s32 $0x10800  }
0x1cf: {  	[tilespmem:s14], [sflag:$0x2] =	stream.indirect_vreg.gather [hbm4b:s6+s2], $0x80, v48, vm1, $0xb8;
	[tilespmem:$0x1C000] =	vst v63  }
0x1d0: {  	s15 =	simm.s32 $0x10C00  }
0x1d1: {  	[tilespmem:s15], [sflag:$0x2] =	stream.indirect_vreg.gather [hbm4b:s3+s2], $0x80, v50, vm0, $0xb8;
	[tilespmem:$0x1C000] =	vst v63  }
0x1d2: {  	s16 =	simm.s32 $0x11400  }
0x1d3: {  	[tilespmem:s16], [sflag:$0x2] =	stream.indirect_vreg.gather [hbm4b:s6+s2], $0x80, v50, vm1, $0xb8;
	[tilespmem:$0x1C000] =	vst v63  }
0x1d4: {  	v48 =	vld [tilespmem:s5+$0x78];
	_ =	sdelay $0x4  }
0x1d5: {  	v58 =	vshrl.u32 v48, $0x3  }
0x1d6: {  	v50 =	vmul.u32 $0x18, v58  }
0x1d7: {  	v48 =	vand.u32 $0x7, v48  }
0x1d8: {  	v48 =	vor.u32 v48, v50  }
0x1d9: {  	v50 =	vperm.xlane v48, v0;
	_ =	sdelay $0x1  }
0x1da: {  	v50 =	vadd.s32 v1, v50;
	_ =	sdelay $0x1  }
0x1db: {  	v48 =	vperm.xlane v48, v2;
	_ =	sdelay $0x1  }
0x1dc: {  	s17 =	simm.s32 $0x11800;
	v48 =	vadd.s32 v1, v48  }
0x1dd: {  	[tilespmem:s17], [sflag:$0x2] =	stream.indirect_vreg.gather [hbm4b:s3+s2], $0x80, v50, vm0, $0xb8;
	[tilespmem:$0x1C000] =	vst v63  }
0x1de: {  	s12 =	simm.s32 $0x12000  }
0x1df: {  	[tilespmem:s12], [sflag:$0x2] =	stream.indirect_vreg.gather [hbm4b:s6+s2], $0x80, v50, vm1, $0xb8;
	[tilespmem:$0x1C000] =	vst v63  }
0x1e0: {  	s13 =	simm.s32 $0x12400  }
0x1e1: {  	[tilespmem:s13], [sflag:$0x2] =	stream.indirect_vreg.gather [hbm4b:s3+s2], $0x80, v48, vm0, $0xb8;
	[tilespmem:$0x1C000] =	vst v63  }
0x1e2: {  	s14 =	simm.s32 $0x12C00  }
0x1e3: {  	[tilespmem:s14], [sflag:$0x2] =	stream.indirect_vreg.gather [hbm4b:s6+s2], $0x80, v48, vm1, $0xb8;
	[tilespmem:$0x1C000] =	vst v63  }
0x1e4: {  	v48 =	vld [tilespmem:s5+$0x88];
	_ =	sdelay $0x4  }
0x1e5: {  	v59 =	vshrl.u32 v48, $0x3  }
0x1e6: {  	v50 =	vmul.u32 $0x18, v59  }
0x1e7: {  	v48 =	vand.u32 $0x7, v48  }
0x1e8: {  	v48 =	vor.u32 v48, v50  }
0x1e9: {  	v50 =	vperm.xlane v48, v0;
	_ =	sdelay $0x1  }
0x1ea: {  	v50 =	vadd.s32 v1, v50;
	_ =	sdelay $0x1  }
0x1eb: {  	v48 =	vperm.xlane v48, v2;
	_ =	sdelay $0x1  }
0x1ec: {  	v48 =	vadd.s32 v1, v48  }
0x1ed: {  	[tilespmem:s18], [sflag:$0x2] =	stream.indirect_vreg.gather [hbm4b:s3+s2], $0x80, v50, vm0, $0xb8;
	[tilespmem:$0x1C000] =	vst v63  }
0x1ee: {  	_ = 	snop  }
0x1ef: {  	[tilespmem:s19], [sflag:$0x2] =	stream.indirect_vreg.gather [hbm4b:s6+s2], $0x80, v50, vm1, $0xb8;
	[tilespmem:$0x1C000] =	vst v63  }
0x1f0: {  	_ = 	snop  }
0x1f1: {  	[tilespmem:s20], [sflag:$0x2] =	stream.indirect_vreg.gather [hbm4b:s3+s2], $0x80, v48, vm0, $0xb8;
	[tilespmem:$0x1C000] =	vst v63  }
0x1f2: {  	_ = 	snop  }
0x1f3: {  	[tilespmem:s21], [sflag:$0x2] =	stream.indirect_vreg.gather [hbm4b:s6+s2], $0x80, v48, vm1, $0xb8;
	[tilespmem:$0x1C000] =	vst v63  }
0x1f4: {  	v48 =	vld [tilespmem:s5+$0x98];
	_ =	sdelay $0x4  }
0x1f5: {  	v60 =	vshrl.u32 v48, $0x3  }
0x1f6: {  	v50 =	vmul.u32 $0x18, v60  }
0x1f7: {  	v48 =	vand.u32 $0x7, v48  }
0x1f8: {  	v48 =	vor.u32 v48, v50  }
0x1f9: {  	v50 =	vperm.xlane v48, v0;
	_ =	sdelay $0x1  }
0x1fa: {  	v50 =	vadd.s32 v1, v50;
	_ =	sdelay $0x1  }
0x1fb: {  	v48 =	vperm.xlane v48, v2;
	_ =	sdelay $0x1  }
0x1fc: {  	v48 =	vadd.s32 v1, v48  }
0x1fd: {  	[tilespmem:s22], [sflag:$0x2] =	stream.indirect_vreg.gather [hbm4b:s3+s2], $0x80, v50, vm0, $0xb8;
	[tilespmem:$0x1C000] =	vst v63  }
0x1fe: {  	_ = 	snop  }
0x1ff: {  	[tilespmem:s23], [sflag:$0x2] =	stream.indirect_vreg.gather [hbm4b:s6+s2], $0x80, v50, vm1, $0xb8;
	[tilespmem:$0x1C000] =	vst v63  }
0x200: {  	_ = 	snop  }
0x201: {  	[tilespmem:s24], [sflag:$0x2] =	stream.indirect_vreg.gather [hbm4b:s3+s2], $0x80, v48, vm0, $0xb8;
	[tilespmem:$0x1C000] =	vst v63  }
0x202: {  	_ = 	snop  }
0x203: {  	[tilespmem:s25], [sflag:$0x2] =	stream.indirect_vreg.gather [hbm4b:s6+s2], $0x80, v48, vm1, $0xb8;
	[tilespmem:$0x1C000] =	vst v63  }
0x204: {  	v48 =	vld [tilespmem:s5+$0xA8];
	_ =	sdelay $0x4  }
0x205: {  	v61 =	vshrl.u32 v48, $0x3  }
0x206: {  	v50 =	vmul.u32 $0x18, v61  }
0x207: {  	v48 =	vand.u32 $0x7, v48  }
0x208: {  	v48 =	vor.u32 v48, v50  }
0x209: {  	v50 =	vperm.xlane v48, v0;
	_ =	sdelay $0x1  }
0x20a: {  	v50 =	vadd.s32 v1, v50;
	_ =	sdelay $0x1  }
0x20b: {  	v48 =	vperm.xlane v48, v2;
	_ =	sdelay $0x1  }
0x20c: {  	v48 =	vadd.s32 v1, v48  }
0x20d: {  	[tilespmem:s26], [sflag:$0x2] =	stream.indirect_vreg.gather [hbm4b:s3+s2], $0x80, v50, vm0, $0xb8;
	[tilespmem:$0x1C000] =	vst v63  }
0x20e: {  	_ = 	snop  }
0x20f: {  	[tilespmem:s28], [sflag:$0x2] =	stream.indirect_vreg.gather [hbm4b:s6+s2], $0x80, v50, vm1, $0xb8;
	[tilespmem:$0x1C000] =	vst v63  }
0x210: {  	_ = 	snop  }
0x211: {  	[tilespmem:s29], [sflag:$0x2] =	stream.indirect_vreg.gather [hbm4b:s3+s2], $0x80, v48, vm0, $0xb8;
	[tilespmem:$0x1C000] =	vst v63  }
0x212: {  	_ = 	snop  }
0x213: {  	[tilespmem:s30], [sflag:$0x2] =	stream.indirect_vreg.gather [hbm4b:s6+s2], $0x80, v48, vm1, $0xb8;
	[tilespmem:$0x1C000] =	vst v63  }
0x214: {  	v48 =	vld [tilespmem:s5+$0xB8];
	_ =	sdelay $0x4  }
0x215: {  	v62 =	vshrl.u32 v48, $0x3  }
0x216: {  	v50 =	vmul.u32 $0x18, v62  }
0x217: {  	v48 =	vand.u32 $0x7, v48  }
0x218: {  	v48 =	vor.u32 v48, v50  }
0x219: {  	v50 =	vperm.xlane v48, v0;
	_ =	sdelay $0x1  }
0x21a: {  	v50 =	vadd.s32 v1, v50;
	_ =	sdelay $0x1  }
0x21b: {  	v48 =	vperm.xlane v48, v2;
	_ =	sdelay $0x1  }
0x21c: {  	s15 =	sshrl.u32 s9, $0x3;
	v48 =	vadd.s32 v1, v48  }
0x21d: {  	[tilespmem:s31], [sflag:$0x2] =	stream.indirect_vreg.gather [hbm4b:s3+s2], $0x80, v50, vm0, $0xb8;
	[tilespmem:$0x1C000] =	vst v63  }
0x21e: {  	s16 =	sshll.u32 s9, $0x7;
	s5 =	smul.u32 $0x3000, s15  }
0x21f: {  	[tilespmem:s1], [sflag:$0x2] =	stream.indirect_vreg.gather [hbm4b:s6+s2], $0x80, v50, vm1, $0xb8;
	[tilespmem:$0x1C000] =	vst v63  }
0x220: {  	v20 =	vadd.f32 v49, v20;
	s9 =	sand.u32 $0x380, s16;
	s5 =	sshra.s32 s5, $0x2  }
0x221: {  	v17 =	vadd.f32 v39, v17;
	[tilespmem:s0], [sflag:$0x2] =	stream.indirect_vreg.gather [hbm4b:s3+s2], $0x80, v48, vm0, $0xb8;
	[tilespmem:$0x1C000] =	vst v63  }
0x222: {  	v16 =	vadd.f32 v40, v16;
	v20 =	vmul.f32 $4.999999890e-03, v20;
	s5 =	sor.u32 s9, s5  }
0x223: {  	v15 =	vadd.f32 v41, v15;
	v17 =	vmul.f32 $4.999999890e-03, v17;
	[tilespmem:s4], [sflag:$0x2] =	stream.indirect_vreg.gather [hbm4b:s6+s2], $0x80, v48, vm1, $0xb8;
	[tilespmem:$0x1C000] =	vst v63  }
0x224: {  	v14 =	vadd.f32 v42, v14;
	v16 =	vmul.f32 $4.999999890e-03, v16;
	s9 =	sadd.s32 $0x19000, s5;
	[tilespmem:s5+$0x19000] =	vst v20  }
0x225: {  	v19 =	vadd.f32 v36, v19;
	v15 =	vmul.f32 $4.999999890e-03, v15;
	[tilespmem:s9+$0x40] =	vst v17  }
0x226: {  	v12 =	vadd.f32 v35, v12;
	v21 =	vadd.f32 v37, v21;
	v14 =	vmul.f32 $4.999999890e-03, v14;
	[tilespmem:s9+$0x50] =	vst v16  }
0x227: {  	v9 =	vadd.f32 v23, v9;
	v18 =	vadd.f32 v38, v18;
	v19 =	vmul.f32 $4.999999890e-03, v19;
	[tilespmem:s9+$0x60] =	vst v15  }
0x228: {  	v8 =	vadd.f32 v24, v8;
	v12 =	vadd.f32 v51, v12;
	v63 =	vmul.f32 $4.999999890e-03, v21;
	[tilespmem:s9+$0x70] =	vst v14  }
0x229: {  	v7 =	vadd.f32 v22, v7;
	v9 =	vadd.f32 v46, v9;
	v18 =	vmul.f32 $4.999999890e-03, v18;
	[tilespmem:s9+$0x10] =	vst v19  }
0x22a: {  	v6 =	vadd.f32 v29, v6;
	v8 =	vadd.f32 v47, v8;
	v12 =	vmul.f32 $4.999999890e-03, v12;
	[tilespmem:s9+$0x20] =	vst v63  }
0x22b: {  	v7 =	vadd.f32 v34, v7;
	v9 =	vmul.f32 $4.999999890e-03, v9;
	[tilespmem:s9+$0x30] =	vst v18  }
0x22c: {  	v11 =	vadd.f32 v26, v11;
	v6 =	vadd.f32 v55, v6;
	v8 =	vmul.f32 $4.999999890e-03, v8;
	s17 =	sadd.s32 $0x19400, s5;
	[tilespmem:s5+$0x19400] =	vst v12  }
0x22d: {  	v10 =	vadd.f32 v25, v10;
	v13 =	vadd.f32 v43, v13;
	v7 =	vmul.f32 $4.999999890e-03, v7;
	[tilespmem:s17+$0x40] =	vst v9  }
0x22e: {  	v5 =	vadd.f32 v30, v5;
	v11 =	vadd.f32 v44, v11;
	v6 =	vmul.f32 $4.999999890e-03, v6;
	[tilespmem:s17+$0x50] =	vst v8  }
0x22f: {  	v4 =	vadd.f32 v28, v4;
	v10 =	vadd.f32 v45, v10;
	v13 =	vmul.f32 $4.999999890e-03, v13;
	[tilespmem:s17+$0x60] =	vst v7  }
0x230: {  	v5 =	vadd.f32 v57, v5;
	v11 =	vmul.f32 $4.999999890e-03, v11;
	[tilespmem:s17+$0x70] =	vst v6  }
0x231: {  	p0 =	sne.s32 s10, $0x20;
	v4 =	vadd.f32 v56, v4;
	v10 =	vmul.f32 $4.999999890e-03, v10;
	[tilespmem:s17+$0x10] =	vst v13  }
.Ltmp4:
0x232: {  	v3 =	vadd.f32 v27, v3;
	v5 =	vmul.f32 $4.999999890e-03, v5;
	[tilespmem:s17+$0x20] =	vst v11;
	(pc) =	sbr.rel @p0 .LBB2_2-.Ltmp4, $4  }
0x233: {  	v4 =	vmul.f32 $4.999999890e-03, v4;
	[tilespmem:s17+$0x30] =	vst v10  }
0x234: {  	v3 =	vmul.f32 $4.999999890e-03, v3;
	[tilespmem:s5+$0x19800] =	vst v5;
	s5 =	sadd.s32 $0x19800, s5  }
0x235: {  	[tilespmem:s5+$0x10] =	vst v4;
	s5 =	sor.u32 $0x20, s5  }
0x236: {  	s9 =	smov.u32 s10;
	[tilespmem:s5+$0x0] =	vst.msk $0xfff, v3  }
0x237: {  	s9 =	simm.s32 $0x0  }
0x238: {  	s5 =	rddreg [dreg:$0x4];
	s10 =	simm.s32 $0x19000;
	s17 =	simm.s32 $0x3  }
0x239: {  	[hbm4b:s5+s9] =	stream.linear.scatter [tilespmem:s10], [sflag:$0x3], $0x3000, $0x38;
	[tilespmem:$0x1C000] =	vst v63  }
0x23a: {  	_ =	swait.ge [sflag:s17], $0x3000  }
0x23b: {  	[sflag:s17] =	ssyncset.done $0x0  }
0x23c: {  	s10 =	simm.s32 $0x0;
	[sflag:s17] =	ssyncadd.s32 $0xFFFFD000  }
.LBB2_8:
0x23d: {  	s5 =	simm.s32 $0x0  }
0x23e: {  	s5 =	smul.u32 $0x3000, s5  }
0x23f: {  	_ =	swait.ge [sflag:s7], $0x9C00  }
0x240: {  	s11 =	sand.u32 $0x380, s9;
	[sflag:s7] =	ssyncset.done $0x0;
	s5 =	sshra.s32 s5, $0x2  }
0x241: {  	[sflag:s7] =	ssyncadd.s32 $0xFFFF6400;
	s5 =	sor.u32 s11, s5  }
0x242: {  	v3 =	vld.msk [tilespmem:s5+$0x6C20], $0xfff  }
0x243: {  	v4 =	vld [tilespmem:s5+$0x6400]  }
0x244: {  	v5 =	vld [tilespmem:s5+$0x6410]  }
0x245: {  	v6 =	vld [tilespmem:s5+$0x6420]  }
0x246: {  	v7 =	vld [tilespmem:s5+$0x6430]  }
0x247: {  	v8 =	vld [tilespmem:s5+$0x6440]  }
0x248: {  	v9 =	vld [tilespmem:s5+$0x6450]  }
0x249: {  	v14 =	vld [tilespmem:s5+$0x6460]  }
0x24a: {  	v15 =	vld [tilespmem:s5+$0x6470]  }
0x24b: {  	v13 =	vimm.f32 $0.0e+00;
	v16 =	vld [tilespmem:s5+$0x6800]  }
0x24c: {  	v18 =	vimm.f32 $0.0e+00;
	v12 =	vadd.f32 v3, v13;
	v10 =	vadd.f32 v4, v13  }
0x24d: {  	v19 =	vimm.f32 $0.0e+00;
	v23 =	vld [tilespmem:s5+$0x6810];
	v11 =	vadd.f32 v5, v13;
	v4 =	vadd.f32 v6, v13  }
0x24e: {  	v17 =	vimm.f32 $0.0e+00;
	v24 =	vld [tilespmem:s5+$0x6820];
	v5 =	vadd.f32 v7, v13;
	v3 =	vadd.f32 v8, v13  }
0x24f: {  	v20 =	vimm.f32 $0.0e+00;
	v22 =	vld [tilespmem:s5+$0x6830];
	v6 =	vadd.f32 v9, v13;
	v7 =	vadd.f32 v14, v13  }
0x250: {  	v21 =	vimm.f32 $0.0e+00;
	v25 =	vld [tilespmem:s5+$0x6840];
	v8 =	vadd.f32 v15, v13;
	v9 =	vadd.f32 v16, v13  }
0x251: {  	s13 =	simm.s32 $0x0;
	s12 =	simm.s32 $0x2;
	s11 =	simm.s32 $0x0;
	v26 =	vld [tilespmem:s5+$0x6850];
	v15 =	vimm.f32 $0.0e+00;
	v16 =	vimm.f32 $0.0e+00;
	v14 =	vimm.f32 $0.0e+00  }
.LBB2_9:
0x252: {  	p0 =	sne.s32 s12, $0x67;
	s13 =	smul.u32 $0x3000, s13;
	v13 =	vadd.f32 v23, v13;
	v23 =	vld [tilespmem:s5+$0x6860]  }
0x253: {  	s11 =	sadd.s32 $0x80, s11;
	v18 =	vadd.f32 v24, v18;
	v24 =	vld [tilespmem:s5+$0x6870]  }
0x254: {  	s14 =	sand.u32 $0x380, s11;
	s13 =	sshra.s32 s13, $0x2;
	v15 =	vadd.f32 v22, v15;
	v22 =	vld [tilespmem:s5+$0x6C00]  }
0x255: {  	v19 =	vadd.f32 v25, v19;
	v25 =	vld [tilespmem:s5+$0x6C10];
	s5 =	sor.u32 s14, s13  }
0x256: {  	v27 =	vld.msk [tilespmem:s5+$0x6C20], $0xfff;
	v16 =	vadd.f32 v26, v16  }
0x257: {  	v26 =	vld [tilespmem:s5+$0x6400];
	v17 =	vadd.f32 v23, v17  }
0x258: {  	v23 =	vld [tilespmem:s5+$0x6410];
	v20 =	vadd.f32 v24, v20  }
0x259: {  	v24 =	vld [tilespmem:s5+$0x6420];
	v21 =	vadd.f32 v22, v21  }
0x25a: {  	v22 =	vld [tilespmem:s5+$0x6430];
	v14 =	vadd.f32 v25, v14  }
0x25b: {  	v25 =	vld [tilespmem:s5+$0x6440];
	v12 =	vadd.f32 v27, v12  }
0x25c: {  	v10 =	vadd.f32 v26, v10;
	v26 =	vld [tilespmem:s5+$0x6450]  }
0x25d: {  	v11 =	vadd.f32 v23, v11;
	v27 =	vld [tilespmem:s5+$0x6460]  }
0x25e: {  	v4 =	vadd.f32 v24, v4;
	v28 =	vld [tilespmem:s5+$0x6470]  }
0x25f: {  	v5 =	vadd.f32 v22, v5;
	v29 =	vld [tilespmem:s5+$0x6800]  }
.Ltmp5:
0x260: {  	v3 =	vadd.f32 v25, v3;
	v23 =	vld [tilespmem:s5+$0x6810];
	(pc) =	sbr.rel @p0 .LBB2_9-.Ltmp5, $4  }
0x261: {  	v6 =	vadd.f32 v26, v6;
	v24 =	vld [tilespmem:s5+$0x6820]  }
0x262: {  	v7 =	vadd.f32 v27, v7;
	v22 =	vld [tilespmem:s5+$0x6830]  }
0x263: {  	v8 =	vadd.f32 v28, v8;
	v25 =	vld [tilespmem:s5+$0x6840]  }
0x264: {  	s13 =	sshrl.u32 s12, $0x3;
	s12 =	sadd.s32 $0x1, s12;
	v9 =	vadd.f32 v29, v9;
	v26 =	vld [tilespmem:s5+$0x6850]  }
0x265: {  	s12 =	smul.u32 $0x3000, s13;
	v38 =	vld [tilespmem:s5+$0x6860]  }
0x266: {  	v39 =	vld [tilespmem:s5+$0x6870];
	s14 =	smul.u32 $0x320, s10  }
0x267: {  	s11 =	sadd.s32 $0x80, s11;
	v40 =	vld [tilespmem:s5+$0x6C00]  }
0x268: {  	v41 =	vld [tilespmem:s5+$0x6C10];
	s11 =	sand.u32 $0x380, s11;
	s12 =	sshra.s32 s12, $0x2;
	s5 =	sshra.s32 s14, $0x2  }
0x269: {  	s11 =	sor.u32 s11, s12;
	v31 =	vld [tilespmem:s5+$0x19C8]  }
0x26a: {  	v42 =	vld.msk [tilespmem:s11+$0x6C20], $0xfff  }
0x26b: {  	v33 =	vld [tilespmem:s11+$0x6400]  }
0x26c: {  	v43 =	vld [tilespmem:s11+$0x6410]  }
0x26d: {  	v27 =	vld [tilespmem:s11+$0x6420]  }
0x26e: {  	v44 =	vld [tilespmem:s11+$0x6430]  }
0x26f: {  	v34 =	vld [tilespmem:s11+$0x6440]  }
0x270: {  	v35 =	vld [tilespmem:s11+$0x6450]  }
0x271: {  	v28 =	vld [tilespmem:s11+$0x6460]  }
0x272: {  	v29 =	vld [tilespmem:s11+$0x6470];
	v32 =	vshrl.u32 v31, $0x3  }
0x273: {  	v30 =	vld [tilespmem:s11+$0x6800];
	v32 =	vmul.u32 $0x18, v32  }
0x274: {  	v36 =	vld [tilespmem:s11+$0x6810];
	v31 =	vand.u32 $0x7, v31  }
0x275: {  	v37 =	vld [tilespmem:s11+$0x6820];
	v31 =	vor.u32 v31, v32  }
0x276: {  	v45 =	vld [tilespmem:s11+$0x6830];
	v32 =	vperm.xlane v31, v0  }
0x277: {  	v46 =	vld [tilespmem:s11+$0x6840]  }
0x278: {  	v47 =	vld [tilespmem:s11+$0x6850];
	v48 =	vadd.s32 v1, v32  }
0x279: {  	v49 =	vld [tilespmem:s11+$0x6860]  }
0x27a: {  	v50 =	vld [tilespmem:s11+$0x6870];
	v51 =	vperm.xlane v31, v2  }
0x27b: {  	v31 =	vld [tilespmem:s11+$0x6C00]  }
0x27c: {  	s15 =	simm.s32 $0x6400;
	v32 =	vld [tilespmem:s11+$0x6C10];
	s11 =	simm.s32 $0x0;
	v51 =	vadd.s32 v1, v51  }
0x27d: {  	[tilespmem:s15], [sflag:$0x1] =	stream.indirect_vreg.gather [hbm4b:s3+s11], $0x80, v48, vm0, $0xb8;
	[tilespmem:$0x1C000] =	vst v63  }
0x27e: {  	s16 =	simm.s32 $0x6C00  }
0x27f: {  	[tilespmem:s16], [sflag:$0x1] =	stream.indirect_vreg.gather [hbm4b:s6+s11], $0x80, v48, vm1, $0xb8;
	[tilespmem:$0x1C000] =	vst v63  }
0x280: {  	s17 =	simm.s32 $0x7000  }
0x281: {  	[tilespmem:s17], [sflag:$0x1] =	stream.indirect_vreg.gather [hbm4b:s3+s11], $0x80, v51, vm0, $0xb8;
	[tilespmem:$0x1C000] =	vst v63  }
0x282: {  	s13 =	simm.s32 $0x7800  }
0x283: {  	[tilespmem:s13], [sflag:$0x1] =	stream.indirect_vreg.gather [hbm4b:s6+s11], $0x80, v51, vm1, $0xb8;
	[tilespmem:$0x1C000] =	vst v63  }
0x284: {  	v48 =	vld [tilespmem:s5+$0x19D8];
	_ =	sdelay $0x4  }
0x285: {  	v60 =	vshrl.u32 v48, $0x3  }
0x286: {  	v51 =	vmul.u32 $0x18, v60  }
0x287: {  	v48 =	vand.u32 $0x7, v48  }
0x288: {  	v48 =	vor.u32 v48, v51  }
0x289: {  	v51 =	vperm.xlane v48, v0;
	_ =	sdelay $0x1  }
0x28a: {  	v51 =	vadd.s32 v1, v51;
	_ =	sdelay $0x1  }
0x28b: {  	v48 =	vperm.xlane v48, v2;
	_ =	sdelay $0x1  }
0x28c: {  	s14 =	simm.s32 $0x7C00;
	v48 =	vadd.s32 v1, v48  }
0x28d: {  	[tilespmem:s14], [sflag:$0x1] =	stream.indirect_vreg.gather [hbm4b:s3+s11], $0x80, v51, vm0, $0xb8;
	[tilespmem:$0x1C000] =	vst v63  }
0x28e: {  	s15 =	simm.s32 $0x8400  }
0x28f: {  	[tilespmem:s15], [sflag:$0x1] =	stream.indirect_vreg.gather [hbm4b:s6+s11], $0x80, v51, vm1, $0xb8;
	[tilespmem:$0x1C000] =	vst v63  }
0x290: {  	s16 =	simm.s32 $0x8800  }
0x291: {  	[tilespmem:s16], [sflag:$0x1] =	stream.indirect_vreg.gather [hbm4b:s3+s11], $0x80, v48, vm0, $0xb8;
	[tilespmem:$0x1C000] =	vst v63  }
0x292: {  	s17 =	simm.s32 $0x9000  }
0x293: {  	[tilespmem:s17], [sflag:$0x1] =	stream.indirect_vreg.gather [hbm4b:s6+s11], $0x80, v48, vm1, $0xb8;
	[tilespmem:$0x1C000] =	vst v63  }
0x294: {  	v48 =	vld [tilespmem:s5+$0x19E8];
	_ =	sdelay $0x4  }
0x295: {  	v61 =	vshrl.u32 v48, $0x3  }
0x296: {  	v51 =	vmul.u32 $0x18, v61  }
0x297: {  	v48 =	vand.u32 $0x7, v48  }
0x298: {  	v48 =	vor.u32 v48, v51  }
0x299: {  	v51 =	vperm.xlane v48, v0;
	_ =	sdelay $0x1  }
0x29a: {  	v51 =	vadd.s32 v1, v51;
	_ =	sdelay $0x1  }
0x29b: {  	v48 =	vperm.xlane v48, v2;
	_ =	sdelay $0x1  }
0x29c: {  	s13 =	simm.s32 $0x9400;
	v48 =	vadd.s32 v1, v48  }
0x29d: {  	[tilespmem:s13], [sflag:$0x1] =	stream.indirect_vreg.gather [hbm4b:s3+s11], $0x80, v51, vm0, $0xb8;
	[tilespmem:$0x1C000] =	vst v63  }
0x29e: {  	s14 =	simm.s32 $0x9C00  }
0x29f: {  	[tilespmem:s14], [sflag:$0x1] =	stream.indirect_vreg.gather [hbm4b:s6+s11], $0x80, v51, vm1, $0xb8;
	[tilespmem:$0x1C000] =	vst v63  }
0x2a0: {  	s15 =	simm.s32 $0xA000  }
0x2a1: {  	[tilespmem:s15], [sflag:$0x1] =	stream.indirect_vreg.gather [hbm4b:s3+s11], $0x80, v48, vm0, $0xb8;
	[tilespmem:$0x1C000] =	vst v63  }
0x2a2: {  	s16 =	simm.s32 $0xA800  }
0x2a3: {  	[tilespmem:s16], [sflag:$0x1] =	stream.indirect_vreg.gather [hbm4b:s6+s11], $0x80, v48, vm1, $0xb8;
	[tilespmem:$0x1C000] =	vst v63  }
0x2a4: {  	v48 =	vld [tilespmem:s5+$0x19F8];
	_ =	sdelay $0x4  }
0x2a5: {  	v62 =	vshrl.u32 v48, $0x3  }
0x2a6: {  	v51 =	vmul.u32 $0x18, v62  }
0x2a7: {  	v48 =	vand.u32 $0x7, v48  }
0x2a8: {  	v48 =	vor.u32 v48, v51  }
0x2a9: {  	v51 =	vperm.xlane v48, v0;
	_ =	sdelay $0x1  }
0x2aa: {  	v51 =	vadd.s32 v1, v51;
	_ =	sdelay $0x1  }
0x2ab: {  	v48 =	vperm.xlane v48, v2;
	_ =	sdelay $0x1  }
0x2ac: {  	s17 =	simm.s32 $0xAC00;
	v48 =	vadd.s32 v1, v48  }
0x2ad: {  	[tilespmem:s17], [sflag:$0x1] =	stream.indirect_vreg.gather [hbm4b:s3+s11], $0x80, v51, vm0, $0xb8;
	[tilespmem:$0x1C000] =	vst v63  }
0x2ae: {  	s13 =	simm.s32 $0xB400  }
0x2af: {  	[tilespmem:s13], [sflag:$0x1] =	stream.indirect_vreg.gather [hbm4b:s6+s11], $0x80, v51, vm1, $0xb8;
	[tilespmem:$0x1C000] =	vst v63  }
0x2b0: {  	s14 =	simm.s32 $0xB800  }
0x2b1: {  	[tilespmem:s14], [sflag:$0x1] =	stream.indirect_vreg.gather [hbm4b:s3+s11], $0x80, v48, vm0, $0xb8;
	[tilespmem:$0x1C000] =	vst v63  }
0x2b2: {  	s15 =	simm.s32 $0xC000  }
0x2b3: {  	[tilespmem:s15], [sflag:$0x1] =	stream.indirect_vreg.gather [hbm4b:s6+s11], $0x80, v48, vm1, $0xb8;
	[tilespmem:$0x1C000] =	vst v63  }
0x2b4: {  	v48 =	vld [tilespmem:s5+$0x1A08];
	_ =	sdelay $0x4  }
0x2b5: {  	v63 =	vshrl.u32 v48, $0x3  }
0x2b6: {  	v51 =	vmul.u32 $0x18, v63  }
0x2b7: {  	v48 =	vand.u32 $0x7, v48  }
0x2b8: {  	v48 =	vor.u32 v48, v51  }
0x2b9: {  	v51 =	vperm.xlane v48, v0;
	_ =	sdelay $0x1  }
0x2ba: {  	v51 =	vadd.s32 v1, v51;
	_ =	sdelay $0x1  }
0x2bb: {  	v48 =	vperm.xlane v48, v2;
	_ =	sdelay $0x1  }
0x2bc: {  	s16 =	simm.s32 $0xC400;
	v48 =	vadd.s32 v1, v48  }
0x2bd: {  	[tilespmem:s16], [sflag:$0x1] =	stream.indirect_vreg.gather [hbm4b:s3+s11], $0x80, v51, vm0, $0xb8;
	[tilespmem:$0x1C000] =	vst v63  }
0x2be: {  	s17 =	simm.s32 $0xCC00  }
0x2bf: {  	[tilespmem:s17], [sflag:$0x1] =	stream.indirect_vreg.gather [hbm4b:s6+s11], $0x80, v51, vm1, $0xb8;
	[tilespmem:$0x1C000] =	vst v63  }
0x2c0: {  	s13 =	simm.s32 $0xD000  }
0x2c1: {  	[tilespmem:s13], [sflag:$0x1] =	stream.indirect_vreg.gather [hbm4b:s3+s11], $0x80, v48, vm0, $0xb8;
	[tilespmem:$0x1C000] =	vst v63  }
0x2c2: {  	s14 =	simm.s32 $0xD800  }
0x2c3: {  	[tilespmem:s14], [sflag:$0x1] =	stream.indirect_vreg.gather [hbm4b:s6+s11], $0x80, v48, vm1, $0xb8;
	[tilespmem:$0x1C000] =	vst v63  }
0x2c4: {  	v48 =	vld [tilespmem:s5+$0x1A18];
	_ =	sdelay $0x4  }
0x2c5: {  	v54 =	vshrl.u32 v48, $0x3  }
0x2c6: {  	v51 =	vmul.u32 $0x18, v54  }
0x2c7: {  	v48 =	vand.u32 $0x7, v48  }
0x2c8: {  	v48 =	vor.u32 v48, v51  }
0x2c9: {  	v51 =	vperm.xlane v48, v0;
	_ =	sdelay $0x1  }
0x2ca: {  	v51 =	vadd.s32 v1, v51;
	_ =	sdelay $0x1  }
0x2cb: {  	v48 =	vperm.xlane v48, v2;
	_ =	sdelay $0x1  }
0x2cc: {  	s15 =	simm.s32 $0xDC00;
	v48 =	vadd.s32 v1, v48  }
0x2cd: {  	[tilespmem:s15], [sflag:$0x1] =	stream.indirect_vreg.gather [hbm4b:s3+s11], $0x80, v51, vm0, $0xb8;
	[tilespmem:$0x1C000] =	vst v63  }
0x2ce: {  	s16 =	simm.s32 $0xE400  }
0x2cf: {  	[tilespmem:s16], [sflag:$0x1] =	stream.indirect_vreg.gather [hbm4b:s6+s11], $0x80, v51, vm1, $0xb8;
	[tilespmem:$0x1C000] =	vst v63  }
0x2d0: {  	s17 =	simm.s32 $0xE800  }
0x2d1: {  	[tilespmem:s17], [sflag:$0x1] =	stream.indirect_vreg.gather [hbm4b:s3+s11], $0x80, v48, vm0, $0xb8;
	[tilespmem:$0x1C000] =	vst v63  }
0x2d2: {  	s13 =	simm.s32 $0xF000  }
0x2d3: {  	[tilespmem:s13], [sflag:$0x1] =	stream.indirect_vreg.gather [hbm4b:s6+s11], $0x80, v48, vm1, $0xb8;
	[tilespmem:$0x1C000] =	vst v63  }
0x2d4: {  	v48 =	vld.msk [tilespmem:s5+$0x1A28], $0xff;
	_ =	sdelay $0x4  }
0x2d5: {  	v55 =	vshrl.u32 v48, $0x3  }
0x2d6: {  	v51 =	vmul.u32 $0x18, v55  }
0x2d7: {  	v48 =	vand.u32 $0x7, v48  }
0x2d8: {  	v48 =	vor.u32 v48, v51  }
0x2d9: {  	v48 =	vperm.xlane v48, v0;
	_ =	sdelay $0x1  }
0x2da: {  	v48 =	vadd.s32 v1, v48;
	_ =	sdelay $0x3  }
0x2db: {  	s14 =	simm.s32 $0xF400;
	s16 =	simm.s32 $0x0  }
0x2dc: {  	[tilespmem:s14], [sflag:$0x1] =	stream.indirect_vreg.gather [hbm4b:s3+s11], $0x80, v48, vm0, $0xb8;
	[tilespmem:$0x1C000] =	vst v63  }
0x2dd: {  	s15 =	simm.s32 $0xFC00;
	s12 =	smul.u32 $0x3000, s16  }
0x2de: {  	v13 =	vadd.f32 v23, v13;
	v18 =	vadd.f32 v24, v18;
	[tilespmem:s15], [sflag:$0x1] =	stream.indirect_vreg.gather [hbm4b:s6+s11], $0x80, v48, vm1, $0xb8;
	[tilespmem:$0x1C000] =	vst v63  }
0x2df: {  	v15 =	vadd.f32 v22, v15;
	v19 =	vadd.f32 v25, v19;
	_ =	swait.ge [sflag:s8], $0x9000  }
0x2e0: {  	v16 =	vadd.f32 v26, v16;
	v17 =	vadd.f32 v38, v17;
	s17 =	sand.u32 $0x380, s11;
	s12 =	sshra.s32 s12, $0x2;
	[sflag:s8] =	ssyncset.done $0x0  }
0x2e1: {  	v20 =	vadd.f32 v39, v20;
	v21 =	vadd.f32 v40, v21;
	s12 =	sor.u32 s17, s12;
	[sflag:s8] =	ssyncadd.s32 $0xFFFF7000  }
0x2e2: {  	v14 =	vadd.f32 v41, v14;
	v22 =	vadd.f32 v42, v12;
	s13 =	sadd.s32 $0x10800, s12;
	s15 =	sadd.s32 $0x10000, s12;
	v23 =	vld [tilespmem:s12+$0x10000]  }
0x2e3: {  	v24 =	vadd.f32 v33, v10;
	v25 =	vadd.f32 v43, v11;
	s14 =	sor.u32 $0x20, s13;
	v26 =	vld [tilespmem:s15+$0x10]  }
0x2e4: {  	v27 =	vadd.f32 v27, v4;
	v56 =	vadd.f32 v44, v5;
	v57 =	vld.msk [tilespmem:s14+$0x0], $0xfff  }
0x2e5: {  	v34 =	vadd.f32 v34, v3;
	v35 =	vadd.f32 v35, v6;
	v58 =	vld [tilespmem:s15+$0x20]  }
0x2e6: {  	v28 =	vadd.f32 v28, v7;
	v29 =	vadd.f32 v29, v8;
	v59 =	vld [tilespmem:s15+$0x30]  }
0x2e7: {  	v12 =	vadd.f32 v30, v9;
	v13 =	vadd.f32 v36, v13;
	v60 =	vld [tilespmem:s15+$0x40]  }
0x2e8: {  	v11 =	vadd.f32 v37, v18;
	v10 =	vadd.f32 v45, v15;
	v15 =	vld [tilespmem:s15+$0x50]  }
0x2e9: {  	v9 =	vadd.f32 v46, v19;
	v8 =	vadd.f32 v47, v16;
	v61 =	vld [tilespmem:s15+$0x60]  }
0x2ea: {  	v7 =	vadd.f32 v49, v17;
	v6 =	vadd.f32 v50, v20;
	s14 =	sadd.s32 $0x10400, s12;
	v62 =	vld [tilespmem:s15+$0x70]  }
0x2eb: {  	v5 =	vadd.f32 v31, v21;
	v4 =	vadd.f32 v32, v14;
	v63 =	vld [tilespmem:s14+$0x10]  }
0x2ec: {  	v20 =	vadd.f32 v23, v24;
	v19 =	vadd.f32 v26, v25;
	v26 =	vld [tilespmem:s14+$0x20]  }
0x2ed: {  	v3 =	vadd.f32 v57, v22;
	v21 =	vadd.f32 v58, v27;
	v25 =	vld [tilespmem:s14+$0x30]  }
0x2ee: {  	v18 =	vadd.f32 v59, v56;
	v17 =	vadd.f32 v60, v34;
	v23 =	vld [tilespmem:s14+$0x40]  }
0x2ef: {  	v16 =	vadd.f32 v15, v35;
	v15 =	vadd.f32 v61, v28;
	v24 =	vld [tilespmem:s14+$0x50]  }
0x2f0: {  	s16 =	simm.s32 $0x0;
	s15 =	simm.s32 $0x2;
	v14 =	vadd.f32 v62, v29;
	v22 =	vld [tilespmem:s14+$0x60];
	v13 =	vadd.f32 v63, v13  }
.LBB2_11:
0x2f1: {  	p0 =	sne.s32 s15, $0x5F;
	s16 =	smul.u32 $0x3000, s16;
	v11 =	vadd.f32 v26, v11;
	v26 =	vld [tilespmem:s14+$0x70]  }
0x2f2: {  	s11 =	sadd.s32 $0x80, s11;
	v10 =	vadd.f32 v25, v10;
	v25 =	vld [tilespmem:s13+$0x10]  }
0x2f3: {  	s13 =	sand.u32 $0x380, s11;
	s14 =	sshra.s32 s16, $0x2;
	v27 =	vld [tilespmem:s12+$0x10400];
	v9 =	vadd.f32 v23, v9  }
0x2f4: {  	v8 =	vadd.f32 v24, v8;
	v23 =	vld [tilespmem:s12+$0x10800];
	s12 =	sor.u32 s13, s14  }
0x2f5: {  	s16 =	sadd.s32 $0x10000, s12;
	v24 =	vld [tilespmem:s12+$0x10000];
	s14 =	sadd.s32 $0x10400, s12;
	s13 =	sadd.s32 $0x10800, s12;
	v7 =	vadd.f32 v22, v7  }
0x2f6: {  	v22 =	vld [tilespmem:s16+$0x10];
	s17 =	sor.u32 $0x20, s13;
	v6 =	vadd.f32 v26, v6  }
0x2f7: {  	v26 =	vld.msk [tilespmem:s17+$0x0], $0xfff;
	v4 =	vadd.f32 v25, v4  }
0x2f8: {  	v25 =	vld [tilespmem:s16+$0x20];
	v12 =	vadd.f32 v27, v12  }
0x2f9: {  	v27 =	vld [tilespmem:s16+$0x30];
	v5 =	vadd.f32 v23, v5  }
0x2fa: {  	v20 =	vadd.f32 v24, v20;
	v23 =	vld [tilespmem:s16+$0x40]  }
0x2fb: {  	v19 =	vadd.f32 v22, v19;
	v22 =	vld [tilespmem:s16+$0x50]  }
0x2fc: {  	v24 =	vld [tilespmem:s16+$0x60];
	v3 =	vadd.f32 v26, v3  }
0x2fd: {  	v21 =	vadd.f32 v25, v21;
	v28 =	vld [tilespmem:s16+$0x70]  }
0x2fe: {  	v18 =	vadd.f32 v27, v18;
	v27 =	vld [tilespmem:s14+$0x10]  }
.Ltmp6:
0x2ff: {  	v17 =	vadd.f32 v23, v17;
	v26 =	vld [tilespmem:s14+$0x20];
	(pc) =	sbr.rel @p0 .LBB2_11-.Ltmp6, $4  }
0x300: {  	v16 =	vadd.f32 v22, v16;
	v25 =	vld [tilespmem:s14+$0x30]  }
0x301: {  	v15 =	vadd.f32 v24, v15;
	v23 =	vld [tilespmem:s14+$0x40]  }
0x302: {  	v14 =	vadd.f32 v28, v14;
	v24 =	vld [tilespmem:s14+$0x50]  }
0x303: {  	s16 =	sshrl.u32 s15, $0x3;
	s15 =	sadd.s32 $0x1, s15;
	v13 =	vadd.f32 v27, v13;
	v22 =	vld [tilespmem:s14+$0x60]  }
0x304: {  	v29 =	vld [tilespmem:s14+$0x70]  }
0x305: {  	s15 =	smul.u32 $0x3000, s16;
	v28 =	vld [tilespmem:s13+$0x10]  }
0x306: {  	s11 =	sadd.s32 $0x80, s11;
	v35 =	vld [tilespmem:s12+$0x10400]  }
0x307: {  	v30 =	vld [tilespmem:s12+$0x10800];
	s11 =	sand.u32 $0x380, s11;
	s17 =	sshra.s32 s15, $0x2  }
0x308: {  	v31 =	vld [tilespmem:s5+$0x1A30];
	s11 =	sor.u32 s11, s17  }
0x309: {  	v49 =	vld [tilespmem:s11+$0x10000]  }
0x30a: {  	v51 =	vld [tilespmem:s11+$0x10400]  }
0x30b: {  	s16 =	sadd.s32 $0x10000, s11;
	v57 =	vld [tilespmem:s11+$0x10800]  }
0x30c: {  	v36 =	vld [tilespmem:s16+$0x10]  }
0x30d: {  	v37 =	vld [tilespmem:s16+$0x20]  }
0x30e: {  	v38 =	vld [tilespmem:s16+$0x30]  }
0x30f: {  	v39 =	vld [tilespmem:s16+$0x40]  }
0x310: {  	v40 =	vld [tilespmem:s16+$0x50];
	v32 =	vshrl.u32 v31, $0x3  }
0x311: {  	v41 =	vld [tilespmem:s16+$0x60];
	v32 =	vmul.u32 $0x18, v32  }
0x312: {  	s17 =	sadd.s32 $0x10400, s11;
	v42 =	vld [tilespmem:s16+$0x70];
	v31 =	vand.u32 $0x7, v31  }
0x313: {  	v43 =	vld [tilespmem:s17+$0x10];
	v33 =	vor.u32 v31, v32  }
0x314: {  	v44 =	vld [tilespmem:s17+$0x20];
	v31 =	vperm.xlane v33, v0  }
0x315: {  	v45 =	vld [tilespmem:s17+$0x30]  }
0x316: {  	v46 =	vld [tilespmem:s17+$0x40];
	v48 =	vadd.s32 v1, v31  }
0x317: {  	v47 =	vld [tilespmem:s17+$0x50]  }
0x318: {  	v34 =	vld [tilespmem:s17+$0x60];
	v50 =	vperm.xlane v33, v2  }
0x319: {  	s14 =	sadd.s32 $0x10800, s11;
	v55 =	vld [tilespmem:s17+$0x70]  }
0x31a: {  	s13 =	simm.s32 $0x10000;
	s15 =	sor.u32 $0x20, s14;
	v56 =	vld [tilespmem:s14+$0x10];
	v50 =	vadd.s32 v1, v50  }
0x31b: {  	v27 =	vld.msk [tilespmem:s15+$0x0], $0xfff;
	[tilespmem:s13], [sflag:$0x2] =	stream.indirect_vreg.gather [hbm4b:s3+s2], $0x80, v48, vm0, $0xb8  }
0x31c: {  	s14 =	simm.s32 $0x10800  }
0x31d: {  	[tilespmem:s14], [sflag:$0x2] =	stream.indirect_vreg.gather [hbm4b:s6+s2], $0x80, v48, vm1, $0xb8;
	[tilespmem:$0x1C000] =	vst v63  }
0x31e: {  	s15 =	simm.s32 $0x10C00  }
0x31f: {  	[tilespmem:s15], [sflag:$0x2] =	stream.indirect_vreg.gather [hbm4b:s3+s2], $0x80, v50, vm0, $0xb8;
	[tilespmem:$0x1C000] =	vst v63  }
0x320: {  	s16 =	simm.s32 $0x11400  }
0x321: {  	[tilespmem:s16], [sflag:$0x2] =	stream.indirect_vreg.gather [hbm4b:s6+s2], $0x80, v50, vm1, $0xb8;
	[tilespmem:$0x1C000] =	vst v63  }
0x322: {  	v48 =	vld [tilespmem:s5+$0x1A40];
	_ =	sdelay $0x4  }
0x323: {  	v58 =	vshrl.u32 v48, $0x3  }
0x324: {  	v50 =	vmul.u32 $0x18, v58  }
0x325: {  	v48 =	vand.u32 $0x7, v48  }
0x326: {  	v48 =	vor.u32 v48, v50  }
0x327: {  	v50 =	vperm.xlane v48, v0;
	_ =	sdelay $0x1  }
0x328: {  	v50 =	vadd.s32 v1, v50;
	_ =	sdelay $0x1  }
0x329: {  	v48 =	vperm.xlane v48, v2;
	_ =	sdelay $0x1  }
0x32a: {  	s17 =	simm.s32 $0x11800;
	v48 =	vadd.s32 v1, v48  }
0x32b: {  	[tilespmem:s17], [sflag:$0x2] =	stream.indirect_vreg.gather [hbm4b:s3+s2], $0x80, v50, vm0, $0xb8;
	[tilespmem:$0x1C000] =	vst v63  }
0x32c: {  	s12 =	simm.s32 $0x12000  }
0x32d: {  	[tilespmem:s12], [sflag:$0x2] =	stream.indirect_vreg.gather [hbm4b:s6+s2], $0x80, v50, vm1, $0xb8;
	[tilespmem:$0x1C000] =	vst v63  }
0x32e: {  	s13 =	simm.s32 $0x12400  }
0x32f: {  	[tilespmem:s13], [sflag:$0x2] =	stream.indirect_vreg.gather [hbm4b:s3+s2], $0x80, v48, vm0, $0xb8;
	[tilespmem:$0x1C000] =	vst v63  }
0x330: {  	s14 =	simm.s32 $0x12C00  }
0x331: {  	[tilespmem:s14], [sflag:$0x2] =	stream.indirect_vreg.gather [hbm4b:s6+s2], $0x80, v48, vm1, $0xb8;
	[tilespmem:$0x1C000] =	vst v63  }
0x332: {  	v48 =	vld [tilespmem:s5+$0x1A50];
	_ =	sdelay $0x4  }
0x333: {  	v59 =	vshrl.u32 v48, $0x3  }
0x334: {  	v50 =	vmul.u32 $0x18, v59  }
0x335: {  	v48 =	vand.u32 $0x7, v48  }
0x336: {  	v48 =	vor.u32 v48, v50  }
0x337: {  	v50 =	vperm.xlane v48, v0;
	_ =	sdelay $0x1  }
0x338: {  	v50 =	vadd.s32 v1, v50;
	_ =	sdelay $0x1  }
0x339: {  	v48 =	vperm.xlane v48, v2;
	_ =	sdelay $0x1  }
0x33a: {  	v48 =	vadd.s32 v1, v48  }
0x33b: {  	[tilespmem:s18], [sflag:$0x2] =	stream.indirect_vreg.gather [hbm4b:s3+s2], $0x80, v50, vm0, $0xb8;
	[tilespmem:$0x1C000] =	vst v63  }
0x33c: {  	_ = 	snop  }
0x33d: {  	[tilespmem:s19], [sflag:$0x2] =	stream.indirect_vreg.gather [hbm4b:s6+s2], $0x80, v50, vm1, $0xb8;
	[tilespmem:$0x1C000] =	vst v63  }
0x33e: {  	_ = 	snop  }
0x33f: {  	[tilespmem:s20], [sflag:$0x2] =	stream.indirect_vreg.gather [hbm4b:s3+s2], $0x80, v48, vm0, $0xb8;
	[tilespmem:$0x1C000] =	vst v63  }
0x340: {  	_ = 	snop  }
0x341: {  	[tilespmem:s21], [sflag:$0x2] =	stream.indirect_vreg.gather [hbm4b:s6+s2], $0x80, v48, vm1, $0xb8;
	[tilespmem:$0x1C000] =	vst v63  }
0x342: {  	v48 =	vld [tilespmem:s5+$0x1A60];
	_ =	sdelay $0x4  }
0x343: {  	v60 =	vshrl.u32 v48, $0x3  }
0x344: {  	v50 =	vmul.u32 $0x18, v60  }
0x345: {  	v48 =	vand.u32 $0x7, v48  }
0x346: {  	v48 =	vor.u32 v48, v50  }
0x347: {  	v50 =	vperm.xlane v48, v0;
	_ =	sdelay $0x1  }
0x348: {  	v50 =	vadd.s32 v1, v50;
	_ =	sdelay $0x1  }
0x349: {  	v48 =	vperm.xlane v48, v2;
	_ =	sdelay $0x1  }
0x34a: {  	v48 =	vadd.s32 v1, v48  }
0x34b: {  	[tilespmem:s22], [sflag:$0x2] =	stream.indirect_vreg.gather [hbm4b:s3+s2], $0x80, v50, vm0, $0xb8;
	[tilespmem:$0x1C000] =	vst v63  }
0x34c: {  	_ = 	snop  }
0x34d: {  	[tilespmem:s23], [sflag:$0x2] =	stream.indirect_vreg.gather [hbm4b:s6+s2], $0x80, v50, vm1, $0xb8;
	[tilespmem:$0x1C000] =	vst v63  }
0x34e: {  	_ = 	snop  }
0x34f: {  	[tilespmem:s24], [sflag:$0x2] =	stream.indirect_vreg.gather [hbm4b:s3+s2], $0x80, v48, vm0, $0xb8;
	[tilespmem:$0x1C000] =	vst v63  }
0x350: {  	_ = 	snop  }
0x351: {  	[tilespmem:s25], [sflag:$0x2] =	stream.indirect_vreg.gather [hbm4b:s6+s2], $0x80, v48, vm1, $0xb8;
	[tilespmem:$0x1C000] =	vst v63  }
0x352: {  	v48 =	vld [tilespmem:s5+$0x1A70];
	_ =	sdelay $0x4  }
0x353: {  	v61 =	vshrl.u32 v48, $0x3  }
0x354: {  	v50 =	vmul.u32 $0x18, v61  }
0x355: {  	v48 =	vand.u32 $0x7, v48  }
0x356: {  	v48 =	vor.u32 v48, v50  }
0x357: {  	v50 =	vperm.xlane v48, v0;
	_ =	sdelay $0x1  }
0x358: {  	v50 =	vadd.s32 v1, v50;
	_ =	sdelay $0x1  }
0x359: {  	v48 =	vperm.xlane v48, v2;
	_ =	sdelay $0x1  }
0x35a: {  	v48 =	vadd.s32 v1, v48  }
0x35b: {  	[tilespmem:s26], [sflag:$0x2] =	stream.indirect_vreg.gather [hbm4b:s3+s2], $0x80, v50, vm0, $0xb8;
	[tilespmem:$0x1C000] =	vst v63  }
0x35c: {  	_ = 	snop  }
0x35d: {  	[tilespmem:s28], [sflag:$0x2] =	stream.indirect_vreg.gather [hbm4b:s6+s2], $0x80, v50, vm1, $0xb8;
	[tilespmem:$0x1C000] =	vst v63  }
0x35e: {  	_ = 	snop  }
0x35f: {  	[tilespmem:s29], [sflag:$0x2] =	stream.indirect_vreg.gather [hbm4b:s3+s2], $0x80, v48, vm0, $0xb8;
	[tilespmem:$0x1C000] =	vst v63  }
0x360: {  	_ = 	snop  }
0x361: {  	[tilespmem:s30], [sflag:$0x2] =	stream.indirect_vreg.gather [hbm4b:s6+s2], $0x80, v48, vm1, $0xb8;
	[tilespmem:$0x1C000] =	vst v63  }
0x362: {  	v48 =	vld [tilespmem:s5+$0x1A80];
	_ =	sdelay $0x4  }
0x363: {  	v62 =	vshrl.u32 v48, $0x3  }
0x364: {  	v50 =	vmul.u32 $0x18, v62  }
0x365: {  	v48 =	vand.u32 $0x7, v48  }
0x366: {  	v48 =	vor.u32 v48, v50  }
0x367: {  	v50 =	vperm.xlane v48, v0;
	_ =	sdelay $0x1  }
0x368: {  	v50 =	vadd.s32 v1, v50;
	_ =	sdelay $0x1  }
0x369: {  	v48 =	vperm.xlane v48, v2;
	_ =	sdelay $0x1  }
0x36a: {  	s15 =	sshrl.u32 s10, $0x3;
	v48 =	vadd.s32 v1, v48  }
0x36b: {  	[tilespmem:s31], [sflag:$0x2] =	stream.indirect_vreg.gather [hbm4b:s3+s2], $0x80, v50, vm0, $0xb8;
	[tilespmem:$0x1C000] =	vst v63  }
0x36c: {  	s16 =	sshll.u32 s10, $0x7;
	s5 =	smul.u32 $0x3000, s15  }
0x36d: {  	[tilespmem:s1], [sflag:$0x2] =	stream.indirect_vreg.gather [hbm4b:s6+s2], $0x80, v50, vm1, $0xb8;
	[tilespmem:$0x1C000] =	vst v63  }
0x36e: {  	v20 =	vadd.f32 v49, v20;
	s11 =	sand.u32 $0x380, s16;
	s5 =	sshra.s32 s5, $0x2  }
0x36f: {  	v17 =	vadd.f32 v39, v17;
	[tilespmem:s0], [sflag:$0x2] =	stream.indirect_vreg.gather [hbm4b:s3+s2], $0x80, v48, vm0, $0xb8;
	[tilespmem:$0x1C000] =	vst v63  }
0x370: {  	v16 =	vadd.f32 v40, v16;
	v20 =	vmul.f32 $4.999999890e-03, v20;
	s5 =	sor.u32 s11, s5  }
0x371: {  	v15 =	vadd.f32 v41, v15;
	v17 =	vmul.f32 $4.999999890e-03, v17;
	[tilespmem:s4], [sflag:$0x2] =	stream.indirect_vreg.gather [hbm4b:s6+s2], $0x80, v48, vm1, $0xb8;
	[tilespmem:$0x1C000] =	vst v63  }
0x372: {  	v14 =	vadd.f32 v42, v14;
	v16 =	vmul.f32 $4.999999890e-03, v16;
	s11 =	sadd.s32 $0x19000, s5;
	[tilespmem:s5+$0x19000] =	vst v20  }
0x373: {  	v19 =	vadd.f32 v36, v19;
	v15 =	vmul.f32 $4.999999890e-03, v15;
	[tilespmem:s11+$0x40] =	vst v17  }
0x374: {  	v12 =	vadd.f32 v35, v12;
	v21 =	vadd.f32 v37, v21;
	v14 =	vmul.f32 $4.999999890e-03, v14;
	[tilespmem:s11+$0x50] =	vst v16  }
0x375: {  	v9 =	vadd.f32 v23, v9;
	v18 =	vadd.f32 v38, v18;
	v19 =	vmul.f32 $4.999999890e-03, v19;
	[tilespmem:s11+$0x60] =	vst v15  }
0x376: {  	v8 =	vadd.f32 v24, v8;
	v12 =	vadd.f32 v51, v12;
	v63 =	vmul.f32 $4.999999890e-03, v21;
	[tilespmem:s11+$0x70] =	vst v14  }
0x377: {  	v7 =	vadd.f32 v22, v7;
	v9 =	vadd.f32 v46, v9;
	v18 =	vmul.f32 $4.999999890e-03, v18;
	[tilespmem:s11+$0x10] =	vst v19  }
0x378: {  	v6 =	vadd.f32 v29, v6;
	v8 =	vadd.f32 v47, v8;
	v12 =	vmul.f32 $4.999999890e-03, v12;
	[tilespmem:s11+$0x20] =	vst v63  }
0x379: {  	v7 =	vadd.f32 v34, v7;
	v9 =	vmul.f32 $4.999999890e-03, v9;
	[tilespmem:s11+$0x30] =	vst v18  }
0x37a: {  	v11 =	vadd.f32 v26, v11;
	v6 =	vadd.f32 v55, v6;
	v8 =	vmul.f32 $4.999999890e-03, v8;
	s17 =	sadd.s32 $0x19400, s5;
	[tilespmem:s5+$0x19400] =	vst v12  }
0x37b: {  	v10 =	vadd.f32 v25, v10;
	v13 =	vadd.f32 v43, v13;
	v7 =	vmul.f32 $4.999999890e-03, v7;
	[tilespmem:s17+$0x40] =	vst v9  }
0x37c: {  	v5 =	vadd.f32 v30, v5;
	v11 =	vadd.f32 v44, v11;
	v6 =	vmul.f32 $4.999999890e-03, v6;
	[tilespmem:s17+$0x50] =	vst v8  }
0x37d: {  	v4 =	vadd.f32 v28, v4;
	v10 =	vadd.f32 v45, v10;
	v13 =	vmul.f32 $4.999999890e-03, v13;
	[tilespmem:s17+$0x60] =	vst v7  }
0x37e: {  	v5 =	vadd.f32 v57, v5;
	v11 =	vmul.f32 $4.999999890e-03, v11;
	s10 =	sadd.s32 $0x1, s10;
	[tilespmem:s17+$0x70] =	vst v6  }
0x37f: {  	v4 =	vadd.f32 v56, v4;
	v10 =	vmul.f32 $4.999999890e-03, v10;
	p0 =	sne.s32 s10, $0x20;
	[tilespmem:s17+$0x10] =	vst v13  }
.Ltmp7:
0x380: {  	v3 =	vadd.f32 v27, v3;
	v5 =	vmul.f32 $4.999999890e-03, v5;
	[tilespmem:s17+$0x20] =	vst v11;
	(pc) =	sbr.rel @p0 .LBB2_8-.Ltmp7, $4  }
0x381: {  	v4 =	vmul.f32 $4.999999890e-03, v4;
	[tilespmem:s17+$0x30] =	vst v10  }
0x382: {  	v3 =	vmul.f32 $4.999999890e-03, v3;
	[tilespmem:s5+$0x19800] =	vst v5;
	s5 =	sadd.s32 $0x19800, s5  }
0x383: {  	[tilespmem:s5+$0x10] =	vst v4;
	s5 =	sor.u32 $0x20, s5  }
0x384: {  	[tilespmem:s5+$0x0] =	vst.msk $0xfff, v3  }
0x385: {  	s9 =	simm.s32 $0x0  }
0x386: {  	s5 =	rddreg [dreg:$0x5];
	s10 =	simm.s32 $0x19000;
	s17 =	simm.s32 $0x3  }
0x387: {  	[hbm4b:s5+s9] =	stream.linear.scatter [tilespmem:s10], [sflag:$0x3], $0x3000, $0x38;
	[tilespmem:$0x1C000] =	vst v63  }
0x388: {  	_ =	swait.ge [sflag:s17], $0x3000  }
0x389: {  	[sflag:s17] =	ssyncset.done $0x0  }
0x38a: {  	s10 =	simm.s32 $0x0;
	[sflag:s17] =	ssyncadd.s32 $0xFFFFD000  }
.LBB2_14:
0x38b: {  	s5 =	simm.s32 $0x0  }
0x38c: {  	s5 =	smul.u32 $0x3000, s5  }
0x38d: {  	_ =	swait.ge [sflag:s7], $0x9C00  }
0x38e: {  	s11 =	sand.u32 $0x380, s9;
	[sflag:s7] =	ssyncset.done $0x0;
	s5 =	sshra.s32 s5, $0x2  }
0x38f: {  	[sflag:s7] =	ssyncadd.s32 $0xFFFF6400;
	s5 =	sor.u32 s11, s5  }
0x390: {  	v3 =	vld.msk [tilespmem:s5+$0x6C20], $0xfff  }
0x391: {  	v4 =	vld [tilespmem:s5+$0x6400]  }
0x392: {  	v5 =	vld [tilespmem:s5+$0x6410]  }
0x393: {  	v6 =	vld [tilespmem:s5+$0x6420]  }
0x394: {  	v7 =	vld [tilespmem:s5+$0x6430]  }
0x395: {  	v8 =	vld [tilespmem:s5+$0x6440]  }
0x396: {  	v9 =	vld [tilespmem:s5+$0x6450]  }
0x397: {  	v14 =	vld [tilespmem:s5+$0x6460]  }
0x398: {  	v15 =	vld [tilespmem:s5+$0x6470]  }
0x399: {  	v13 =	vimm.f32 $0.0e+00;
	v16 =	vld [tilespmem:s5+$0x6800]  }
0x39a: {  	v18 =	vimm.f32 $0.0e+00;
	v12 =	vadd.f32 v3, v13;
	v10 =	vadd.f32 v4, v13  }
0x39b: {  	v19 =	vimm.f32 $0.0e+00;
	v23 =	vld [tilespmem:s5+$0x6810];
	v11 =	vadd.f32 v5, v13;
	v4 =	vadd.f32 v6, v13  }
0x39c: {  	v17 =	vimm.f32 $0.0e+00;
	v24 =	vld [tilespmem:s5+$0x6820];
	v5 =	vadd.f32 v7, v13;
	v3 =	vadd.f32 v8, v13  }
0x39d: {  	v20 =	vimm.f32 $0.0e+00;
	v22 =	vld [tilespmem:s5+$0x6830];
	v6 =	vadd.f32 v9, v13;
	v7 =	vadd.f32 v14, v13  }
0x39e: {  	v21 =	vimm.f32 $0.0e+00;
	v25 =	vld [tilespmem:s5+$0x6840];
	v8 =	vadd.f32 v15, v13;
	v9 =	vadd.f32 v16, v13  }
0x39f: {  	s13 =	simm.s32 $0x0;
	s12 =	simm.s32 $0x2;
	s11 =	simm.s32 $0x0;
	v26 =	vld [tilespmem:s5+$0x6850];
	v15 =	vimm.f32 $0.0e+00;
	v16 =	vimm.f32 $0.0e+00;
	v14 =	vimm.f32 $0.0e+00  }
.LBB2_15:
0x3a0: {  	p0 =	sne.s32 s12, $0x67;
	s13 =	smul.u32 $0x3000, s13;
	v13 =	vadd.f32 v23, v13;
	v23 =	vld [tilespmem:s5+$0x6860]  }
0x3a1: {  	s11 =	sadd.s32 $0x80, s11;
	v18 =	vadd.f32 v24, v18;
	v24 =	vld [tilespmem:s5+$0x6870]  }
0x3a2: {  	s14 =	sand.u32 $0x380, s11;
	s13 =	sshra.s32 s13, $0x2;
	v15 =	vadd.f32 v22, v15;
	v22 =	vld [tilespmem:s5+$0x6C00]  }
0x3a3: {  	v19 =	vadd.f32 v25, v19;
	v25 =	vld [tilespmem:s5+$0x6C10];
	s5 =	sor.u32 s14, s13  }
0x3a4: {  	v27 =	vld.msk [tilespmem:s5+$0x6C20], $0xfff;
	v16 =	vadd.f32 v26, v16  }
0x3a5: {  	v26 =	vld [tilespmem:s5+$0x6400];
	v17 =	vadd.f32 v23, v17  }
0x3a6: {  	v23 =	vld [tilespmem:s5+$0x6410];
	v20 =	vadd.f32 v24, v20  }
0x3a7: {  	v24 =	vld [tilespmem:s5+$0x6420];
	v21 =	vadd.f32 v22, v21  }
0x3a8: {  	v22 =	vld [tilespmem:s5+$0x6430];
	v14 =	vadd.f32 v25, v14  }
0x3a9: {  	v25 =	vld [tilespmem:s5+$0x6440];
	v12 =	vadd.f32 v27, v12  }
0x3aa: {  	v10 =	vadd.f32 v26, v10;
	v26 =	vld [tilespmem:s5+$0x6450]  }
0x3ab: {  	v11 =	vadd.f32 v23, v11;
	v27 =	vld [tilespmem:s5+$0x6460]  }
0x3ac: {  	v4 =	vadd.f32 v24, v4;
	v28 =	vld [tilespmem:s5+$0x6470]  }
0x3ad: {  	v5 =	vadd.f32 v22, v5;
	v29 =	vld [tilespmem:s5+$0x6800]  }
.Ltmp8:
0x3ae: {  	v3 =	vadd.f32 v25, v3;
	v23 =	vld [tilespmem:s5+$0x6810];
	(pc) =	sbr.rel @p0 .LBB2_15-.Ltmp8, $4  }
0x3af: {  	v6 =	vadd.f32 v26, v6;
	v24 =	vld [tilespmem:s5+$0x6820]  }
0x3b0: {  	v7 =	vadd.f32 v27, v7;
	v22 =	vld [tilespmem:s5+$0x6830]  }
0x3b1: {  	v8 =	vadd.f32 v28, v8;
	v25 =	vld [tilespmem:s5+$0x6840]  }
0x3b2: {  	s13 =	sshrl.u32 s12, $0x3;
	s12 =	sadd.s32 $0x1, s12;
	v9 =	vadd.f32 v29, v9;
	v26 =	vld [tilespmem:s5+$0x6850]  }
0x3b3: {  	s12 =	smul.u32 $0x3000, s13;
	v38 =	vld [tilespmem:s5+$0x6860]  }
0x3b4: {  	v39 =	vld [tilespmem:s5+$0x6870];
	s14 =	smul.u32 $0x320, s10  }
0x3b5: {  	s11 =	sadd.s32 $0x80, s11;
	v40 =	vld [tilespmem:s5+$0x6C00]  }
0x3b6: {  	v41 =	vld [tilespmem:s5+$0x6C10];
	s11 =	sand.u32 $0x380, s11;
	s12 =	sshra.s32 s12, $0x2;
	s5 =	sshra.s32 s14, $0x2  }
0x3b7: {  	s11 =	sor.u32 s11, s12;
	v31 =	vld [tilespmem:s5+$0x32C8]  }
0x3b8: {  	v42 =	vld.msk [tilespmem:s11+$0x6C20], $0xfff  }
0x3b9: {  	v33 =	vld [tilespmem:s11+$0x6400]  }
0x3ba: {  	v43 =	vld [tilespmem:s11+$0x6410]  }
0x3bb: {  	v27 =	vld [tilespmem:s11+$0x6420]  }
0x3bc: {  	v44 =	vld [tilespmem:s11+$0x6430]  }
0x3bd: {  	v34 =	vld [tilespmem:s11+$0x6440]  }
0x3be: {  	v35 =	vld [tilespmem:s11+$0x6450]  }
0x3bf: {  	v28 =	vld [tilespmem:s11+$0x6460]  }
0x3c0: {  	v29 =	vld [tilespmem:s11+$0x6470];
	v32 =	vshrl.u32 v31, $0x3  }
0x3c1: {  	v30 =	vld [tilespmem:s11+$0x6800];
	v32 =	vmul.u32 $0x18, v32  }
0x3c2: {  	v36 =	vld [tilespmem:s11+$0x6810];
	v31 =	vand.u32 $0x7, v31  }
0x3c3: {  	v37 =	vld [tilespmem:s11+$0x6820];
	v31 =	vor.u32 v31, v32  }
0x3c4: {  	v45 =	vld [tilespmem:s11+$0x6830];
	v32 =	vperm.xlane v31, v0  }
0x3c5: {  	v46 =	vld [tilespmem:s11+$0x6840]  }
0x3c6: {  	v47 =	vld [tilespmem:s11+$0x6850];
	v48 =	vadd.s32 v1, v32  }
0x3c7: {  	v49 =	vld [tilespmem:s11+$0x6860]  }
0x3c8: {  	v50 =	vld [tilespmem:s11+$0x6870];
	v51 =	vperm.xlane v31, v2  }
0x3c9: {  	v31 =	vld [tilespmem:s11+$0x6C00]  }
0x3ca: {  	s15 =	simm.s32 $0x6400;
	v32 =	vld [tilespmem:s11+$0x6C10];
	s11 =	simm.s32 $0x0;
	v51 =	vadd.s32 v1, v51  }
0x3cb: {  	[tilespmem:s15], [sflag:$0x1] =	stream.indirect_vreg.gather [hbm4b:s3+s11], $0x80, v48, vm0, $0xb8;
	[tilespmem:$0x1C000] =	vst v63  }
0x3cc: {  	s16 =	simm.s32 $0x6C00  }
0x3cd: {  	[tilespmem:s16], [sflag:$0x1] =	stream.indirect_vreg.gather [hbm4b:s6+s11], $0x80, v48, vm1, $0xb8;
	[tilespmem:$0x1C000] =	vst v63  }
0x3ce: {  	s17 =	simm.s32 $0x7000  }
0x3cf: {  	[tilespmem:s17], [sflag:$0x1] =	stream.indirect_vreg.gather [hbm4b:s3+s11], $0x80, v51, vm0, $0xb8;
	[tilespmem:$0x1C000] =	vst v63  }
0x3d0: {  	s13 =	simm.s32 $0x7800  }
0x3d1: {  	[tilespmem:s13], [sflag:$0x1] =	stream.indirect_vreg.gather [hbm4b:s6+s11], $0x80, v51, vm1, $0xb8;
	[tilespmem:$0x1C000] =	vst v63  }
0x3d2: {  	v48 =	vld [tilespmem:s5+$0x32D8];
	_ =	sdelay $0x4  }
0x3d3: {  	v60 =	vshrl.u32 v48, $0x3  }
0x3d4: {  	v51 =	vmul.u32 $0x18, v60  }
0x3d5: {  	v48 =	vand.u32 $0x7, v48  }
0x3d6: {  	v48 =	vor.u32 v48, v51  }
0x3d7: {  	v51 =	vperm.xlane v48, v0;
	_ =	sdelay $0x1  }
0x3d8: {  	v51 =	vadd.s32 v1, v51;
	_ =	sdelay $0x1  }
0x3d9: {  	v48 =	vperm.xlane v48, v2;
	_ =	sdelay $0x1  }
0x3da: {  	s14 =	simm.s32 $0x7C00;
	v48 =	vadd.s32 v1, v48  }
0x3db: {  	[tilespmem:s14], [sflag:$0x1] =	stream.indirect_vreg.gather [hbm4b:s3+s11], $0x80, v51, vm0, $0xb8;
	[tilespmem:$0x1C000] =	vst v63  }
0x3dc: {  	s15 =	simm.s32 $0x8400  }
0x3dd: {  	[tilespmem:s15], [sflag:$0x1] =	stream.indirect_vreg.gather [hbm4b:s6+s11], $0x80, v51, vm1, $0xb8;
	[tilespmem:$0x1C000] =	vst v63  }
0x3de: {  	s16 =	simm.s32 $0x8800  }
0x3df: {  	[tilespmem:s16], [sflag:$0x1] =	stream.indirect_vreg.gather [hbm4b:s3+s11], $0x80, v48, vm0, $0xb8;
	[tilespmem:$0x1C000] =	vst v63  }
0x3e0: {  	s17 =	simm.s32 $0x9000  }
0x3e1: {  	[tilespmem:s17], [sflag:$0x1] =	stream.indirect_vreg.gather [hbm4b:s6+s11], $0x80, v48, vm1, $0xb8;
	[tilespmem:$0x1C000] =	vst v63  }
0x3e2: {  	v48 =	vld [tilespmem:s5+$0x32E8];
	_ =	sdelay $0x4  }
0x3e3: {  	v61 =	vshrl.u32 v48, $0x3  }
0x3e4: {  	v51 =	vmul.u32 $0x18, v61  }
0x3e5: {  	v48 =	vand.u32 $0x7, v48  }
0x3e6: {  	v48 =	vor.u32 v48, v51  }
0x3e7: {  	v51 =	vperm.xlane v48, v0;
	_ =	sdelay $0x1  }
0x3e8: {  	v51 =	vadd.s32 v1, v51;
	_ =	sdelay $0x1  }
0x3e9: {  	v48 =	vperm.xlane v48, v2;
	_ =	sdelay $0x1  }
0x3ea: {  	s13 =	simm.s32 $0x9400;
	v48 =	vadd.s32 v1, v48  }
0x3eb: {  	[tilespmem:s13], [sflag:$0x1] =	stream.indirect_vreg.gather [hbm4b:s3+s11], $0x80, v51, vm0, $0xb8;
	[tilespmem:$0x1C000] =	vst v63  }
0x3ec: {  	s14 =	simm.s32 $0x9C00  }
0x3ed: {  	[tilespmem:s14], [sflag:$0x1] =	stream.indirect_vreg.gather [hbm4b:s6+s11], $0x80, v51, vm1, $0xb8;
	[tilespmem:$0x1C000] =	vst v63  }
0x3ee: {  	s15 =	simm.s32 $0xA000  }
0x3ef: {  	[tilespmem:s15], [sflag:$0x1] =	stream.indirect_vreg.gather [hbm4b:s3+s11], $0x80, v48, vm0, $0xb8;
	[tilespmem:$0x1C000] =	vst v63  }
0x3f0: {  	s16 =	simm.s32 $0xA800  }
0x3f1: {  	[tilespmem:s16], [sflag:$0x1] =	stream.indirect_vreg.gather [hbm4b:s6+s11], $0x80, v48, vm1, $0xb8;
	[tilespmem:$0x1C000] =	vst v63  }
0x3f2: {  	v48 =	vld [tilespmem:s5+$0x32F8];
	_ =	sdelay $0x4  }
0x3f3: {  	v62 =	vshrl.u32 v48, $0x3  }
0x3f4: {  	v51 =	vmul.u32 $0x18, v62  }
0x3f5: {  	v48 =	vand.u32 $0x7, v48  }
0x3f6: {  	v48 =	vor.u32 v48, v51  }
0x3f7: {  	v51 =	vperm.xlane v48, v0;
	_ =	sdelay $0x1  }
0x3f8: {  	v51 =	vadd.s32 v1, v51;
	_ =	sdelay $0x1  }
0x3f9: {  	v48 =	vperm.xlane v48, v2;
	_ =	sdelay $0x1  }
0x3fa: {  	s17 =	simm.s32 $0xAC00;
	v48 =	vadd.s32 v1, v48  }
0x3fb: {  	[tilespmem:s17], [sflag:$0x1] =	stream.indirect_vreg.gather [hbm4b:s3+s11], $0x80, v51, vm0, $0xb8;
	[tilespmem:$0x1C000] =	vst v63  }
0x3fc: {  	s13 =	simm.s32 $0xB400  }
0x3fd: {  	[tilespmem:s13], [sflag:$0x1] =	stream.indirect_vreg.gather [hbm4b:s6+s11], $0x80, v51, vm1, $0xb8;
	[tilespmem:$0x1C000] =	vst v63  }
0x3fe: {  	s14 =	simm.s32 $0xB800  }
0x3ff: {  	[tilespmem:s14], [sflag:$0x1] =	stream.indirect_vreg.gather [hbm4b:s3+s11], $0x80, v48, vm0, $0xb8;
	[tilespmem:$0x1C000] =	vst v63  }
0x400: {  	s15 =	simm.s32 $0xC000  }
0x401: {  	[tilespmem:s15], [sflag:$0x1] =	stream.indirect_vreg.gather [hbm4b:s6+s11], $0x80, v48, vm1, $0xb8;
	[tilespmem:$0x1C000] =	vst v63  }
0x402: {  	v48 =	vld [tilespmem:s5+$0x3308];
	_ =	sdelay $0x4  }
0x403: {  	v63 =	vshrl.u32 v48, $0x3  }
0x404: {  	v51 =	vmul.u32 $0x18, v63  }
0x405: {  	v48 =	vand.u32 $0x7, v48  }
0x406: {  	v48 =	vor.u32 v48, v51  }
0x407: {  	v51 =	vperm.xlane v48, v0;
	_ =	sdelay $0x1  }
0x408: {  	v51 =	vadd.s32 v1, v51;
	_ =	sdelay $0x1  }
0x409: {  	v48 =	vperm.xlane v48, v2;
	_ =	sdelay $0x1  }
0x40a: {  	s16 =	simm.s32 $0xC400;
	v48 =	vadd.s32 v1, v48  }
0x40b: {  	[tilespmem:s16], [sflag:$0x1] =	stream.indirect_vreg.gather [hbm4b:s3+s11], $0x80, v51, vm0, $0xb8;
	[tilespmem:$0x1C000] =	vst v63  }
0x40c: {  	s17 =	simm.s32 $0xCC00  }
0x40d: {  	[tilespmem:s17], [sflag:$0x1] =	stream.indirect_vreg.gather [hbm4b:s6+s11], $0x80, v51, vm1, $0xb8;
	[tilespmem:$0x1C000] =	vst v63  }
0x40e: {  	s13 =	simm.s32 $0xD000  }
0x40f: {  	[tilespmem:s13], [sflag:$0x1] =	stream.indirect_vreg.gather [hbm4b:s3+s11], $0x80, v48, vm0, $0xb8;
	[tilespmem:$0x1C000] =	vst v63  }
0x410: {  	s14 =	simm.s32 $0xD800  }
0x411: {  	[tilespmem:s14], [sflag:$0x1] =	stream.indirect_vreg.gather [hbm4b:s6+s11], $0x80, v48, vm1, $0xb8;
	[tilespmem:$0x1C000] =	vst v63  }
0x412: {  	v48 =	vld [tilespmem:s5+$0x3318];
	_ =	sdelay $0x4  }
0x413: {  	v54 =	vshrl.u32 v48, $0x3  }
0x414: {  	v51 =	vmul.u32 $0x18, v54  }
0x415: {  	v48 =	vand.u32 $0x7, v48  }
0x416: {  	v48 =	vor.u32 v48, v51  }
0x417: {  	v51 =	vperm.xlane v48, v0;
	_ =	sdelay $0x1  }
0x418: {  	v51 =	vadd.s32 v1, v51;
	_ =	sdelay $0x1  }
0x419: {  	v48 =	vperm.xlane v48, v2;
	_ =	sdelay $0x1  }
0x41a: {  	s15 =	simm.s32 $0xDC00;
	v48 =	vadd.s32 v1, v48  }
0x41b: {  	[tilespmem:s15], [sflag:$0x1] =	stream.indirect_vreg.gather [hbm4b:s3+s11], $0x80, v51, vm0, $0xb8;
	[tilespmem:$0x1C000] =	vst v63  }
0x41c: {  	s16 =	simm.s32 $0xE400  }
0x41d: {  	[tilespmem:s16], [sflag:$0x1] =	stream.indirect_vreg.gather [hbm4b:s6+s11], $0x80, v51, vm1, $0xb8;
	[tilespmem:$0x1C000] =	vst v63  }
0x41e: {  	s17 =	simm.s32 $0xE800  }
0x41f: {  	[tilespmem:s17], [sflag:$0x1] =	stream.indirect_vreg.gather [hbm4b:s3+s11], $0x80, v48, vm0, $0xb8;
	[tilespmem:$0x1C000] =	vst v63  }
0x420: {  	s13 =	simm.s32 $0xF000  }
0x421: {  	[tilespmem:s13], [sflag:$0x1] =	stream.indirect_vreg.gather [hbm4b:s6+s11], $0x80, v48, vm1, $0xb8;
	[tilespmem:$0x1C000] =	vst v63  }
0x422: {  	v48 =	vld.msk [tilespmem:s5+$0x3328], $0xff;
	_ =	sdelay $0x4  }
0x423: {  	v55 =	vshrl.u32 v48, $0x3  }
0x424: {  	v51 =	vmul.u32 $0x18, v55  }
0x425: {  	v48 =	vand.u32 $0x7, v48  }
0x426: {  	v48 =	vor.u32 v48, v51  }
0x427: {  	v48 =	vperm.xlane v48, v0;
	_ =	sdelay $0x1  }
0x428: {  	v48 =	vadd.s32 v1, v48;
	_ =	sdelay $0x3  }
0x429: {  	s14 =	simm.s32 $0xF400;
	s16 =	simm.s32 $0x0  }
0x42a: {  	[tilespmem:s14], [sflag:$0x1] =	stream.indirect_vreg.gather [hbm4b:s3+s11], $0x80, v48, vm0, $0xb8;
	[tilespmem:$0x1C000] =	vst v63  }
0x42b: {  	s15 =	simm.s32 $0xFC00;
	s12 =	smul.u32 $0x3000, s16  }
0x42c: {  	v13 =	vadd.f32 v23, v13;
	v18 =	vadd.f32 v24, v18;
	[tilespmem:s15], [sflag:$0x1] =	stream.indirect_vreg.gather [hbm4b:s6+s11], $0x80, v48, vm1, $0xb8;
	[tilespmem:$0x1C000] =	vst v63  }
0x42d: {  	v15 =	vadd.f32 v22, v15;
	v19 =	vadd.f32 v25, v19;
	_ =	swait.ge [sflag:s8], $0x9000  }
0x42e: {  	v16 =	vadd.f32 v26, v16;
	v17 =	vadd.f32 v38, v17;
	s17 =	sand.u32 $0x380, s11;
	s12 =	sshra.s32 s12, $0x2;
	[sflag:s8] =	ssyncset.done $0x0  }
0x42f: {  	v20 =	vadd.f32 v39, v20;
	v21 =	vadd.f32 v40, v21;
	s12 =	sor.u32 s17, s12;
	[sflag:s8] =	ssyncadd.s32 $0xFFFF7000  }
0x430: {  	v14 =	vadd.f32 v41, v14;
	v22 =	vadd.f32 v42, v12;
	s13 =	sadd.s32 $0x10800, s12;
	s15 =	sadd.s32 $0x10000, s12;
	v23 =	vld [tilespmem:s12+$0x10000]  }
0x431: {  	v24 =	vadd.f32 v33, v10;
	v25 =	vadd.f32 v43, v11;
	s14 =	sor.u32 $0x20, s13;
	v26 =	vld [tilespmem:s15+$0x10]  }
0x432: {  	v27 =	vadd.f32 v27, v4;
	v56 =	vadd.f32 v44, v5;
	v57 =	vld.msk [tilespmem:s14+$0x0], $0xfff  }
0x433: {  	v34 =	vadd.f32 v34, v3;
	v35 =	vadd.f32 v35, v6;
	v58 =	vld [tilespmem:s15+$0x20]  }
0x434: {  	v28 =	vadd.f32 v28, v7;
	v29 =	vadd.f32 v29, v8;
	v59 =	vld [tilespmem:s15+$0x30]  }
0x435: {  	v12 =	vadd.f32 v30, v9;
	v13 =	vadd.f32 v36, v13;
	v60 =	vld [tilespmem:s15+$0x40]  }
0x436: {  	v11 =	vadd.f32 v37, v18;
	v10 =	vadd.f32 v45, v15;
	v15 =	vld [tilespmem:s15+$0x50]  }
0x437: {  	v9 =	vadd.f32 v46, v19;
	v8 =	vadd.f32 v47, v16;
	v61 =	vld [tilespmem:s15+$0x60]  }
0x438: {  	v7 =	vadd.f32 v49, v17;
	v6 =	vadd.f32 v50, v20;
	s14 =	sadd.s32 $0x10400, s12;
	v62 =	vld [tilespmem:s15+$0x70]  }
0x439: {  	v5 =	vadd.f32 v31, v21;
	v4 =	vadd.f32 v32, v14;
	v63 =	vld [tilespmem:s14+$0x10]  }
0x43a: {  	v20 =	vadd.f32 v23, v24;
	v19 =	vadd.f32 v26, v25;
	v26 =	vld [tilespmem:s14+$0x20]  }
0x43b: {  	v3 =	vadd.f32 v57, v22;
	v21 =	vadd.f32 v58, v27;
	v25 =	vld [tilespmem:s14+$0x30]  }
0x43c: {  	v18 =	vadd.f32 v59, v56;
	v17 =	vadd.f32 v60, v34;
	v23 =	vld [tilespmem:s14+$0x40]  }
0x43d: {  	v16 =	vadd.f32 v15, v35;
	v15 =	vadd.f32 v61, v28;
	v24 =	vld [tilespmem:s14+$0x50]  }
0x43e: {  	s16 =	simm.s32 $0x0;
	s15 =	simm.s32 $0x2;
	v14 =	vadd.f32 v62, v29;
	v22 =	vld [tilespmem:s14+$0x60];
	v13 =	vadd.f32 v63, v13  }
.LBB2_17:
0x43f: {  	p0 =	sne.s32 s15, $0x5F;
	s16 =	smul.u32 $0x3000, s16;
	v11 =	vadd.f32 v26, v11;
	v26 =	vld [tilespmem:s14+$0x70]  }
0x440: {  	s11 =	sadd.s32 $0x80, s11;
	v10 =	vadd.f32 v25, v10;
	v25 =	vld [tilespmem:s13+$0x10]  }
0x441: {  	s13 =	sand.u32 $0x380, s11;
	s14 =	sshra.s32 s16, $0x2;
	v27 =	vld [tilespmem:s12+$0x10400];
	v9 =	vadd.f32 v23, v9  }
0x442: {  	v8 =	vadd.f32 v24, v8;
	v23 =	vld [tilespmem:s12+$0x10800];
	s12 =	sor.u32 s13, s14  }
0x443: {  	s16 =	sadd.s32 $0x10000, s12;
	v24 =	vld [tilespmem:s12+$0x10000];
	s14 =	sadd.s32 $0x10400, s12;
	s13 =	sadd.s32 $0x10800, s12;
	v7 =	vadd.f32 v22, v7  }
0x444: {  	v22 =	vld [tilespmem:s16+$0x10];
	s17 =	sor.u32 $0x20, s13;
	v6 =	vadd.f32 v26, v6  }
0x445: {  	v26 =	vld.msk [tilespmem:s17+$0x0], $0xfff;
	v4 =	vadd.f32 v25, v4  }
0x446: {  	v25 =	vld [tilespmem:s16+$0x20];
	v12 =	vadd.f32 v27, v12  }
0x447: {  	v27 =	vld [tilespmem:s16+$0x30];
	v5 =	vadd.f32 v23, v5  }
0x448: {  	v20 =	vadd.f32 v24, v20;
	v23 =	vld [tilespmem:s16+$0x40]  }
0x449: {  	v19 =	vadd.f32 v22, v19;
	v22 =	vld [tilespmem:s16+$0x50]  }
0x44a: {  	v24 =	vld [tilespmem:s16+$0x60];
	v3 =	vadd.f32 v26, v3  }
0x44b: {  	v21 =	vadd.f32 v25, v21;
	v28 =	vld [tilespmem:s16+$0x70]  }
0x44c: {  	v18 =	vadd.f32 v27, v18;
	v27 =	vld [tilespmem:s14+$0x10]  }
.Ltmp9:
0x44d: {  	v17 =	vadd.f32 v23, v17;
	v26 =	vld [tilespmem:s14+$0x20];
	(pc) =	sbr.rel @p0 .LBB2_17-.Ltmp9, $4  }
0x44e: {  	v16 =	vadd.f32 v22, v16;
	v25 =	vld [tilespmem:s14+$0x30]  }
0x44f: {  	v15 =	vadd.f32 v24, v15;
	v23 =	vld [tilespmem:s14+$0x40]  }
0x450: {  	v14 =	vadd.f32 v28, v14;
	v24 =	vld [tilespmem:s14+$0x50]  }
0x451: {  	s16 =	sshrl.u32 s15, $0x3;
	s15 =	sadd.s32 $0x1, s15;
	v13 =	vadd.f32 v27, v13;
	v22 =	vld [tilespmem:s14+$0x60]  }
0x452: {  	v29 =	vld [tilespmem:s14+$0x70]  }
0x453: {  	s15 =	smul.u32 $0x3000, s16;
	v28 =	vld [tilespmem:s13+$0x10]  }
0x454: {  	s11 =	sadd.s32 $0x80, s11;
	v35 =	vld [tilespmem:s12+$0x10400]  }
0x455: {  	v30 =	vld [tilespmem:s12+$0x10800];
	s11 =	sand.u32 $0x380, s11;
	s17 =	sshra.s32 s15, $0x2  }
0x456: {  	v31 =	vld [tilespmem:s5+$0x3330];
	s11 =	sor.u32 s11, s17  }
0x457: {  	v49 =	vld [tilespmem:s11+$0x10000]  }
0x458: {  	v51 =	vld [tilespmem:s11+$0x10400]  }
0x459: {  	s16 =	sadd.s32 $0x10000, s11;
	v57 =	vld [tilespmem:s11+$0x10800]  }
0x45a: {  	v36 =	vld [tilespmem:s16+$0x10]  }
0x45b: {  	v37 =	vld [tilespmem:s16+$0x20]  }
0x45c: {  	v38 =	vld [tilespmem:s16+$0x30]  }
0x45d: {  	v39 =	vld [tilespmem:s16+$0x40]  }
0x45e: {  	v40 =	vld [tilespmem:s16+$0x50];
	v32 =	vshrl.u32 v31, $0x3  }
0x45f: {  	v41 =	vld [tilespmem:s16+$0x60];
	v32 =	vmul.u32 $0x18, v32  }
0x460: {  	s17 =	sadd.s32 $0x10400, s11;
	v42 =	vld [tilespmem:s16+$0x70];
	v31 =	vand.u32 $0x7, v31  }
0x461: {  	v43 =	vld [tilespmem:s17+$0x10];
	v33 =	vor.u32 v31, v32  }
0x462: {  	v44 =	vld [tilespmem:s17+$0x20];
	v31 =	vperm.xlane v33, v0  }
0x463: {  	v45 =	vld [tilespmem:s17+$0x30]  }
0x464: {  	v46 =	vld [tilespmem:s17+$0x40];
	v48 =	vadd.s32 v1, v31  }
0x465: {  	v47 =	vld [tilespmem:s17+$0x50]  }
0x466: {  	v34 =	vld [tilespmem:s17+$0x60];
	v50 =	vperm.xlane v33, v2  }
0x467: {  	s14 =	sadd.s32 $0x10800, s11;
	v55 =	vld [tilespmem:s17+$0x70]  }
0x468: {  	s13 =	simm.s32 $0x10000;
	s15 =	sor.u32 $0x20, s14;
	v56 =	vld [tilespmem:s14+$0x10];
	v50 =	vadd.s32 v1, v50  }
0x469: {  	v27 =	vld.msk [tilespmem:s15+$0x0], $0xfff;
	[tilespmem:s13], [sflag:$0x2] =	stream.indirect_vreg.gather [hbm4b:s3+s2], $0x80, v48, vm0, $0xb8  }
0x46a: {  	s14 =	simm.s32 $0x10800  }
0x46b: {  	[tilespmem:s14], [sflag:$0x2] =	stream.indirect_vreg.gather [hbm4b:s6+s2], $0x80, v48, vm1, $0xb8;
	[tilespmem:$0x1C000] =	vst v63  }
0x46c: {  	s15 =	simm.s32 $0x10C00  }
0x46d: {  	[tilespmem:s15], [sflag:$0x2] =	stream.indirect_vreg.gather [hbm4b:s3+s2], $0x80, v50, vm0, $0xb8;
	[tilespmem:$0x1C000] =	vst v63  }
0x46e: {  	s16 =	simm.s32 $0x11400  }
0x46f: {  	[tilespmem:s16], [sflag:$0x2] =	stream.indirect_vreg.gather [hbm4b:s6+s2], $0x80, v50, vm1, $0xb8;
	[tilespmem:$0x1C000] =	vst v63  }
0x470: {  	v48 =	vld [tilespmem:s5+$0x3340];
	_ =	sdelay $0x4  }
0x471: {  	v58 =	vshrl.u32 v48, $0x3  }
0x472: {  	v50 =	vmul.u32 $0x18, v58  }
0x473: {  	v48 =	vand.u32 $0x7, v48  }
0x474: {  	v48 =	vor.u32 v48, v50  }
0x475: {  	v50 =	vperm.xlane v48, v0;
	_ =	sdelay $0x1  }
0x476: {  	v50 =	vadd.s32 v1, v50;
	_ =	sdelay $0x1  }
0x477: {  	v48 =	vperm.xlane v48, v2;
	_ =	sdelay $0x1  }
0x478: {  	s17 =	simm.s32 $0x11800;
	v48 =	vadd.s32 v1, v48  }
0x479: {  	[tilespmem:s17], [sflag:$0x2] =	stream.indirect_vreg.gather [hbm4b:s3+s2], $0x80, v50, vm0, $0xb8;
	[tilespmem:$0x1C000] =	vst v63  }
0x47a: {  	s12 =	simm.s32 $0x12000  }
0x47b: {  	[tilespmem:s12], [sflag:$0x2] =	stream.indirect_vreg.gather [hbm4b:s6+s2], $0x80, v50, vm1, $0xb8;
	[tilespmem:$0x1C000] =	vst v63  }
0x47c: {  	s13 =	simm.s32 $0x12400  }
0x47d: {  	[tilespmem:s13], [sflag:$0x2] =	stream.indirect_vreg.gather [hbm4b:s3+s2], $0x80, v48, vm0, $0xb8;
	[tilespmem:$0x1C000] =	vst v63  }
0x47e: {  	s14 =	simm.s32 $0x12C00  }
0x47f: {  	[tilespmem:s14], [sflag:$0x2] =	stream.indirect_vreg.gather [hbm4b:s6+s2], $0x80, v48, vm1, $0xb8;
	[tilespmem:$0x1C000] =	vst v63  }
0x480: {  	v48 =	vld [tilespmem:s5+$0x3350];
	_ =	sdelay $0x4  }
0x481: {  	v59 =	vshrl.u32 v48, $0x3  }
0x482: {  	v50 =	vmul.u32 $0x18, v59  }
0x483: {  	v48 =	vand.u32 $0x7, v48  }
0x484: {  	v48 =	vor.u32 v48, v50  }
0x485: {  	v50 =	vperm.xlane v48, v0;
	_ =	sdelay $0x1  }
0x486: {  	v50 =	vadd.s32 v1, v50;
	_ =	sdelay $0x1  }
0x487: {  	v48 =	vperm.xlane v48, v2;
	_ =	sdelay $0x1  }
0x488: {  	v48 =	vadd.s32 v1, v48  }
0x489: {  	[tilespmem:s18], [sflag:$0x2] =	stream.indirect_vreg.gather [hbm4b:s3+s2], $0x80, v50, vm0, $0xb8;
	[tilespmem:$0x1C000] =	vst v63  }
0x48a: {  	_ = 	snop  }
0x48b: {  	[tilespmem:s19], [sflag:$0x2] =	stream.indirect_vreg.gather [hbm4b:s6+s2], $0x80, v50, vm1, $0xb8;
	[tilespmem:$0x1C000] =	vst v63  }
0x48c: {  	_ = 	snop  }
0x48d: {  	[tilespmem:s20], [sflag:$0x2] =	stream.indirect_vreg.gather [hbm4b:s3+s2], $0x80, v48, vm0, $0xb8;
	[tilespmem:$0x1C000] =	vst v63  }
0x48e: {  	_ = 	snop  }
0x48f: {  	[tilespmem:s21], [sflag:$0x2] =	stream.indirect_vreg.gather [hbm4b:s6+s2], $0x80, v48, vm1, $0xb8;
	[tilespmem:$0x1C000] =	vst v63  }
0x490: {  	v48 =	vld [tilespmem:s5+$0x3360];
	_ =	sdelay $0x4  }
0x491: {  	v60 =	vshrl.u32 v48, $0x3  }
0x492: {  	v50 =	vmul.u32 $0x18, v60  }
0x493: {  	v48 =	vand.u32 $0x7, v48  }
0x494: {  	v48 =	vor.u32 v48, v50  }
0x495: {  	v50 =	vperm.xlane v48, v0;
	_ =	sdelay $0x1  }
0x496: {  	v50 =	vadd.s32 v1, v50;
	_ =	sdelay $0x1  }
0x497: {  	v48 =	vperm.xlane v48, v2;
	_ =	sdelay $0x1  }
0x498: {  	v48 =	vadd.s32 v1, v48  }
0x499: {  	[tilespmem:s22], [sflag:$0x2] =	stream.indirect_vreg.gather [hbm4b:s3+s2], $0x80, v50, vm0, $0xb8;
	[tilespmem:$0x1C000] =	vst v63  }
0x49a: {  	_ = 	snop  }
0x49b: {  	[tilespmem:s23], [sflag:$0x2] =	stream.indirect_vreg.gather [hbm4b:s6+s2], $0x80, v50, vm1, $0xb8;
	[tilespmem:$0x1C000] =	vst v63  }
0x49c: {  	_ = 	snop  }
0x49d: {  	[tilespmem:s24], [sflag:$0x2] =	stream.indirect_vreg.gather [hbm4b:s3+s2], $0x80, v48, vm0, $0xb8;
	[tilespmem:$0x1C000] =	vst v63  }
0x49e: {  	_ = 	snop  }
0x49f: {  	[tilespmem:s25], [sflag:$0x2] =	stream.indirect_vreg.gather [hbm4b:s6+s2], $0x80, v48, vm1, $0xb8;
	[tilespmem:$0x1C000] =	vst v63  }
0x4a0: {  	v48 =	vld [tilespmem:s5+$0x3370];
	_ =	sdelay $0x4  }
0x4a1: {  	v61 =	vshrl.u32 v48, $0x3  }
0x4a2: {  	v50 =	vmul.u32 $0x18, v61  }
0x4a3: {  	v48 =	vand.u32 $0x7, v48  }
0x4a4: {  	v48 =	vor.u32 v48, v50  }
0x4a5: {  	v50 =	vperm.xlane v48, v0;
	_ =	sdelay $0x1  }
0x4a6: {  	v50 =	vadd.s32 v1, v50;
	_ =	sdelay $0x1  }
0x4a7: {  	v48 =	vperm.xlane v48, v2;
	_ =	sdelay $0x1  }
0x4a8: {  	v48 =	vadd.s32 v1, v48  }
0x4a9: {  	[tilespmem:s26], [sflag:$0x2] =	stream.indirect_vreg.gather [hbm4b:s3+s2], $0x80, v50, vm0, $0xb8;
	[tilespmem:$0x1C000] =	vst v63  }
0x4aa: {  	_ = 	snop  }
0x4ab: {  	[tilespmem:s28], [sflag:$0x2] =	stream.indirect_vreg.gather [hbm4b:s6+s2], $0x80, v50, vm1, $0xb8;
	[tilespmem:$0x1C000] =	vst v63  }
0x4ac: {  	_ = 	snop  }
0x4ad: {  	[tilespmem:s29], [sflag:$0x2] =	stream.indirect_vreg.gather [hbm4b:s3+s2], $0x80, v48, vm0, $0xb8;
	[tilespmem:$0x1C000] =	vst v63  }
0x4ae: {  	_ = 	snop  }
0x4af: {  	[tilespmem:s30], [sflag:$0x2] =	stream.indirect_vreg.gather [hbm4b:s6+s2], $0x80, v48, vm1, $0xb8;
	[tilespmem:$0x1C000] =	vst v63  }
0x4b0: {  	v48 =	vld [tilespmem:s5+$0x3380];
	_ =	sdelay $0x4  }
0x4b1: {  	v62 =	vshrl.u32 v48, $0x3  }
0x4b2: {  	v50 =	vmul.u32 $0x18, v62  }
0x4b3: {  	v48 =	vand.u32 $0x7, v48  }
0x4b4: {  	v48 =	vor.u32 v48, v50  }
0x4b5: {  	v50 =	vperm.xlane v48, v0;
	_ =	sdelay $0x1  }
0x4b6: {  	v50 =	vadd.s32 v1, v50;
	_ =	sdelay $0x1  }
0x4b7: {  	v48 =	vperm.xlane v48, v2;
	_ =	sdelay $0x1  }
0x4b8: {  	s15 =	sshrl.u32 s10, $0x3;
	v48 =	vadd.s32 v1, v48  }
0x4b9: {  	[tilespmem:s31], [sflag:$0x2] =	stream.indirect_vreg.gather [hbm4b:s3+s2], $0x80, v50, vm0, $0xb8;
	[tilespmem:$0x1C000] =	vst v63  }
0x4ba: {  	s16 =	sshll.u32 s10, $0x7;
	s5 =	smul.u32 $0x3000, s15  }
0x4bb: {  	[tilespmem:s1], [sflag:$0x2] =	stream.indirect_vreg.gather [hbm4b:s6+s2], $0x80, v50, vm1, $0xb8;
	[tilespmem:$0x1C000] =	vst v63  }
0x4bc: {  	v20 =	vadd.f32 v49, v20;
	s11 =	sand.u32 $0x380, s16;
	s5 =	sshra.s32 s5, $0x2  }
0x4bd: {  	v17 =	vadd.f32 v39, v17;
	[tilespmem:s0], [sflag:$0x2] =	stream.indirect_vreg.gather [hbm4b:s3+s2], $0x80, v48, vm0, $0xb8;
	[tilespmem:$0x1C000] =	vst v63  }
0x4be: {  	v16 =	vadd.f32 v40, v16;
	v20 =	vmul.f32 $4.999999890e-03, v20;
	s5 =	sor.u32 s11, s5  }
0x4bf: {  	v15 =	vadd.f32 v41, v15;
	v17 =	vmul.f32 $4.999999890e-03, v17;
	[tilespmem:s4], [sflag:$0x2] =	stream.indirect_vreg.gather [hbm4b:s6+s2], $0x80, v48, vm1, $0xb8;
	[tilespmem:$0x1C000] =	vst v63  }
0x4c0: {  	v14 =	vadd.f32 v42, v14;
	v16 =	vmul.f32 $4.999999890e-03, v16;
	s11 =	sadd.s32 $0x19000, s5;
	[tilespmem:s5+$0x19000] =	vst v20  }
0x4c1: {  	v19 =	vadd.f32 v36, v19;
	v15 =	vmul.f32 $4.999999890e-03, v15;
	[tilespmem:s11+$0x40] =	vst v17  }
0x4c2: {  	v12 =	vadd.f32 v35, v12;
	v21 =	vadd.f32 v37, v21;
	v14 =	vmul.f32 $4.999999890e-03, v14;
	[tilespmem:s11+$0x50] =	vst v16  }
0x4c3: {  	v9 =	vadd.f32 v23, v9;
	v18 =	vadd.f32 v38, v18;
	v19 =	vmul.f32 $4.999999890e-03, v19;
	[tilespmem:s11+$0x60] =	vst v15  }
0x4c4: {  	v8 =	vadd.f32 v24, v8;
	v12 =	vadd.f32 v51, v12;
	v63 =	vmul.f32 $4.999999890e-03, v21;
	[tilespmem:s11+$0x70] =	vst v14  }
0x4c5: {  	v7 =	vadd.f32 v22, v7;
	v9 =	vadd.f32 v46, v9;
	v18 =	vmul.f32 $4.999999890e-03, v18;
	[tilespmem:s11+$0x10] =	vst v19  }
0x4c6: {  	v6 =	vadd.f32 v29, v6;
	v8 =	vadd.f32 v47, v8;
	v12 =	vmul.f32 $4.999999890e-03, v12;
	[tilespmem:s11+$0x20] =	vst v63  }
0x4c7: {  	v7 =	vadd.f32 v34, v7;
	v9 =	vmul.f32 $4.999999890e-03, v9;
	[tilespmem:s11+$0x30] =	vst v18  }
0x4c8: {  	v11 =	vadd.f32 v26, v11;
	v6 =	vadd.f32 v55, v6;
	v8 =	vmul.f32 $4.999999890e-03, v8;
	s17 =	sadd.s32 $0x19400, s5;
	[tilespmem:s5+$0x19400] =	vst v12  }
0x4c9: {  	v10 =	vadd.f32 v25, v10;
	v13 =	vadd.f32 v43, v13;
	v7 =	vmul.f32 $4.999999890e-03, v7;
	[tilespmem:s17+$0x40] =	vst v9  }
0x4ca: {  	v5 =	vadd.f32 v30, v5;
	v11 =	vadd.f32 v44, v11;
	v6 =	vmul.f32 $4.999999890e-03, v6;
	[tilespmem:s17+$0x50] =	vst v8  }
0x4cb: {  	v4 =	vadd.f32 v28, v4;
	v10 =	vadd.f32 v45, v10;
	v13 =	vmul.f32 $4.999999890e-03, v13;
	[tilespmem:s17+$0x60] =	vst v7  }
0x4cc: {  	v5 =	vadd.f32 v57, v5;
	v11 =	vmul.f32 $4.999999890e-03, v11;
	s10 =	sadd.s32 $0x1, s10;
	[tilespmem:s17+$0x70] =	vst v6  }
0x4cd: {  	v4 =	vadd.f32 v56, v4;
	v10 =	vmul.f32 $4.999999890e-03, v10;
	p0 =	sne.s32 s10, $0x20;
	[tilespmem:s17+$0x10] =	vst v13  }
.Ltmp10:
0x4ce: {  	v3 =	vadd.f32 v27, v3;
	v5 =	vmul.f32 $4.999999890e-03, v5;
	[tilespmem:s17+$0x20] =	vst v11;
	(pc) =	sbr.rel @p0 .LBB2_14-.Ltmp10, $4  }
0x4cf: {  	v4 =	vmul.f32 $4.999999890e-03, v4;
	[tilespmem:s17+$0x30] =	vst v10  }
0x4d0: {  	v3 =	vmul.f32 $4.999999890e-03, v3;
	[tilespmem:s5+$0x19800] =	vst v5;
	s5 =	sadd.s32 $0x19800, s5  }
0x4d1: {  	[tilespmem:s5+$0x10] =	vst v4;
	s5 =	sor.u32 $0x20, s5  }
0x4d2: {  	[tilespmem:s5+$0x0] =	vst.msk $0xfff, v3  }
0x4d3: {  	s9 =	simm.s32 $0x0;
	s5 =	rddreg [dreg:$0x6]  }
.Ltmp11:
0x4d4: {  	s10 =	simm.s32 $0x19000;
	s17 =	simm.s32 $0x3;
	(pc) =	sbr.rel .LBB2_20-.Ltmp11, $4  }
0x4d5: {  	[hbm4b:s5+s9] =	stream.linear.scatter [tilespmem:s10], [sflag:$0x3], $0x3000, $0x38;
	[tilespmem:$0x1C000] =	vst v63  }
0x4d6: {  	_ =	swait.ge [sflag:s17], $0x3000  }
0x4d7: {  	[sflag:s17] =	ssyncset.done $0x0  }
0x4d8: {  	s10 =	simm.s32 $0x0;
	[sflag:s17] =	ssyncadd.s32 $0xFFFFD000  }
.LBB2_28:
0x4d9: {  	s5 =	sshrl.u32 s10, $0x3  }
0x4da: {  	s5 =	smul.u32 $0x3000, s5  }
0x4db: {  	s11 =	sshll.u32 s10, $0x7  }
0x4dc: {  	v16 =	vmul.f32 $4.999999890e-03, v23;
	s11 =	sand.u32 $0x380, s11;
	s5 =	sshra.s32 s5, $0x2  }
0x4dd: {  	v18 =	vmul.f32 $4.999999890e-03, v22;
	s5 =	sor.u32 s11, s5  }
0x4de: {  	v60 =	vmul.f32 $4.999999890e-03, v21;
	s11 =	sadd.s32 $0x19000, s5;
	[tilespmem:s5+$0x19000] =	vst v16  }
0x4df: {  	v61 =	vmul.f32 $4.999999890e-03, v19;
	[tilespmem:s11+$0x10] =	vst v18  }
0x4e0: {  	v62 =	vmul.f32 $4.999999890e-03, v20;
	[tilespmem:s11+$0x20] =	vst v60  }
0x4e1: {  	v17 =	vmul.f32 $4.999999890e-03, v17;
	[tilespmem:s11+$0x30] =	vst v61  }
0x4e2: {  	v15 =	vmul.f32 $4.999999890e-03, v15;
	[tilespmem:s11+$0x40] =	vst v62  }
0x4e3: {  	v14 =	vmul.f32 $4.999999890e-03, v14;
	[tilespmem:s11+$0x50] =	vst v17  }
0x4e4: {  	v13 =	vmul.f32 $4.999999890e-03, v13;
	[tilespmem:s11+$0x60] =	vst v15  }
0x4e5: {  	v9 =	vmul.f32 $4.999999890e-03, v9;
	[tilespmem:s11+$0x70] =	vst v14  }
0x4e6: {  	v8 =	vmul.f32 $4.999999890e-03, v8;
	s14 =	sadd.s32 $0x19400, s5;
	[tilespmem:s5+$0x19400] =	vst v13  }
0x4e7: {  	v6 =	vmul.f32 $4.999999890e-03, v6;
	[tilespmem:s14+$0x40] =	vst v9  }
0x4e8: {  	v5 =	vmul.f32 $4.999999890e-03, v5;
	[tilespmem:s14+$0x50] =	vst v8  }
0x4e9: {  	v12 =	vmul.f32 $4.999999890e-03, v12;
	[tilespmem:s14+$0x60] =	vst v6  }
0x4ea: {  	v11 =	vmul.f32 $4.999999890e-03, v11;
	s10 =	sadd.s32 $0x1, s10;
	[tilespmem:s14+$0x70] =	vst v5  }
0x4eb: {  	v10 =	vmul.f32 $4.999999890e-03, v10;
	p0 =	sne.s32 s10, $0x20;
	[tilespmem:s14+$0x10] =	vst v12  }
.Ltmp12:
0x4ec: {  	v63 =	vmul.f32 $4.999999890e-03, v7;
	[tilespmem:s14+$0x20] =	vst v11;
	(pc) =	sbr.rel @!p0 .LBB2_29-.Ltmp12, $4  }
0x4ed: {  	v4 =	vmul.f32 $4.999999890e-03, v4;
	[tilespmem:s14+$0x30] =	vst v10  }
0x4ee: {  	v3 =	vmul.f32 $4.999999890e-03, v3;
	s15 =	sadd.s32 $0x19800, s5;
	[tilespmem:s5+$0x19800] =	vst v63  }
0x4ef: {  	s16 =	sor.u32 $0x20, s15;
	[tilespmem:s15+$0x10] =	vst v4  }
0x4f0: {  	[tilespmem:s16+$0x0] =	vst.msk $0xfff, v3  }
.LBB2_20:
0x4f1: {  	s5 =	simm.s32 $0x0  }
0x4f2: {  	s5 =	smul.u32 $0x3000, s5  }
0x4f3: {  	_ =	swait.ge [sflag:s7], $0x9C00  }
0x4f4: {  	s11 =	sand.u32 $0x380, s9;
	[sflag:s7] =	ssyncset.done $0x0;
	s5 =	sshra.s32 s5, $0x2  }
0x4f5: {  	[sflag:s7] =	ssyncadd.s32 $0xFFFF6400;
	s5 =	sor.u32 s11, s5  }
0x4f6: {  	v3 =	vld.msk [tilespmem:s5+$0x6C20], $0xfff  }
0x4f7: {  	v4 =	vld [tilespmem:s5+$0x6400]  }
0x4f8: {  	v5 =	vld [tilespmem:s5+$0x6410]  }
0x4f9: {  	v6 =	vld [tilespmem:s5+$0x6420]  }
0x4fa: {  	v7 =	vld [tilespmem:s5+$0x6430]  }
0x4fb: {  	v8 =	vld [tilespmem:s5+$0x6440]  }
0x4fc: {  	v9 =	vld [tilespmem:s5+$0x6450]  }
0x4fd: {  	v14 =	vld [tilespmem:s5+$0x6460]  }
0x4fe: {  	v15 =	vld [tilespmem:s5+$0x6470]  }
0x4ff: {  	v12 =	vimm.f32 $0.0e+00;
	v16 =	vld [tilespmem:s5+$0x6800]  }
0x500: {  	v17 =	vimm.f32 $0.0e+00;
	v10 =	vadd.f32 v3, v12;
	v11 =	vadd.f32 v4, v12  }
0x501: {  	v18 =	vimm.f32 $0.0e+00;
	v23 =	vld [tilespmem:s5+$0x6810];
	v13 =	vadd.f32 v5, v12;
	v4 =	vadd.f32 v6, v12  }
0x502: {  	v20 =	vimm.f32 $0.0e+00;
	v24 =	vld [tilespmem:s5+$0x6820];
	v5 =	vadd.f32 v7, v12;
	v3 =	vadd.f32 v8, v12  }
0x503: {  	v21 =	vimm.f32 $0.0e+00;
	v22 =	vld [tilespmem:s5+$0x6830];
	v6 =	vadd.f32 v9, v12;
	v7 =	vadd.f32 v14, v12  }
0x504: {  	v19 =	vimm.f32 $0.0e+00;
	v25 =	vld [tilespmem:s5+$0x6840];
	v8 =	vadd.f32 v15, v12;
	v9 =	vadd.f32 v16, v12  }
0x505: {  	s13 =	simm.s32 $0x0;
	s12 =	simm.s32 $0x2;
	s11 =	simm.s32 $0x0;
	v26 =	vld [tilespmem:s5+$0x6850];
	v14 =	vimm.f32 $0.0e+00;
	v15 =	vimm.f32 $0.0e+00;
	v16 =	vimm.f32 $0.0e+00  }
.LBB2_21:
0x506: {  	p0 =	sne.s32 s12, $0x67;
	s13 =	smul.u32 $0x3000, s13;
	v12 =	vadd.f32 v23, v12;
	v23 =	vld [tilespmem:s5+$0x6860]  }
0x507: {  	s11 =	sadd.s32 $0x80, s11;
	v17 =	vadd.f32 v24, v17;
	v24 =	vld [tilespmem:s5+$0x6870]  }
0x508: {  	s14 =	sand.u32 $0x380, s11;
	s13 =	sshra.s32 s13, $0x2;
	v14 =	vadd.f32 v22, v14;
	v22 =	vld [tilespmem:s5+$0x6C00]  }
0x509: {  	v18 =	vadd.f32 v25, v18;
	v25 =	vld [tilespmem:s5+$0x6C10];
	s5 =	sor.u32 s14, s13  }
0x50a: {  	v27 =	vld.msk [tilespmem:s5+$0x6C20], $0xfff;
	v15 =	vadd.f32 v26, v15  }
0x50b: {  	v26 =	vld [tilespmem:s5+$0x6400];
	v16 =	vadd.f32 v23, v16  }
0x50c: {  	v23 =	vld [tilespmem:s5+$0x6410];
	v20 =	vadd.f32 v24, v20  }
0x50d: {  	v24 =	vld [tilespmem:s5+$0x6420];
	v21 =	vadd.f32 v22, v21  }
0x50e: {  	v22 =	vld [tilespmem:s5+$0x6430];
	v19 =	vadd.f32 v25, v19  }
0x50f: {  	v25 =	vld [tilespmem:s5+$0x6440];
	v10 =	vadd.f32 v27, v10  }
0x510: {  	v11 =	vadd.f32 v26, v11;
	v26 =	vld [tilespmem:s5+$0x6450]  }
0x511: {  	v13 =	vadd.f32 v23, v13;
	v27 =	vld [tilespmem:s5+$0x6460]  }
0x512: {  	v4 =	vadd.f32 v24, v4;
	v28 =	vld [tilespmem:s5+$0x6470]  }
0x513: {  	v5 =	vadd.f32 v22, v5;
	v29 =	vld [tilespmem:s5+$0x6800]  }
.Ltmp13:
0x514: {  	v3 =	vadd.f32 v25, v3;
	v23 =	vld [tilespmem:s5+$0x6810];
	(pc) =	sbr.rel @p0 .LBB2_21-.Ltmp13, $4  }
0x515: {  	v6 =	vadd.f32 v26, v6;
	v24 =	vld [tilespmem:s5+$0x6820]  }
0x516: {  	v7 =	vadd.f32 v27, v7;
	v22 =	vld [tilespmem:s5+$0x6830]  }
0x517: {  	v8 =	vadd.f32 v28, v8;
	v25 =	vld [tilespmem:s5+$0x6840]  }
0x518: {  	s13 =	sshrl.u32 s12, $0x3;
	s12 =	sadd.s32 $0x1, s12;
	v9 =	vadd.f32 v29, v9;
	v26 =	vld [tilespmem:s5+$0x6850]  }
0x519: {  	s12 =	smul.u32 $0x3000, s13;
	v27 =	vld [tilespmem:s5+$0x6860]  }
0x51a: {  	v28 =	vld [tilespmem:s5+$0x6870];
	s11 =	sadd.s32 $0x80, s11  }
0x51b: {  	v29 =	vld [tilespmem:s5+$0x6C00];
	s11 =	sand.u32 $0x380, s11;
	s12 =	sshra.s32 s12, $0x2  }
0x51c: {  	v30 =	vld [tilespmem:s5+$0x6C10];
	s11 =	sor.u32 s11, s12  }
0x51d: {  	v31 =	vld.msk [tilespmem:s11+$0x6C20], $0xfff  }
0x51e: {  	v32 =	vld [tilespmem:s11+$0x6400]  }
0x51f: {  	v33 =	vld [tilespmem:s11+$0x6410]  }
0x520: {  	v34 =	vld [tilespmem:s11+$0x6420]  }
0x521: {  	v35 =	vld [tilespmem:s11+$0x6430]  }
0x522: {  	v36 =	vld [tilespmem:s11+$0x6440]  }
0x523: {  	v37 =	vld [tilespmem:s11+$0x6450]  }
0x524: {  	v38 =	vld [tilespmem:s11+$0x6460]  }
0x525: {  	v39 =	vld [tilespmem:s11+$0x6470]  }
0x526: {  	v40 =	vld [tilespmem:s11+$0x6800]  }
0x527: {  	v23 =	vadd.f32 v23, v12;
	v24 =	vadd.f32 v24, v17;
	v41 =	vld [tilespmem:s11+$0x6810]  }
0x528: {  	v22 =	vadd.f32 v22, v14;
	v25 =	vadd.f32 v25, v18;
	v42 =	vld [tilespmem:s11+$0x6820]  }
0x529: {  	v26 =	vadd.f32 v26, v15;
	v43 =	vld [tilespmem:s11+$0x6830];
	v27 =	vadd.f32 v27, v16  }
0x52a: {  	v44 =	vld [tilespmem:s11+$0x6840];
	v28 =	vadd.f32 v28, v20;
	v29 =	vadd.f32 v29, v21  }
0x52b: {  	v60 =	vld [tilespmem:s11+$0x6850];
	v30 =	vadd.f32 v30, v19;
	v12 =	vadd.f32 v31, v10  }
0x52c: {  	v61 =	vld [tilespmem:s11+$0x6860];
	v20 =	vadd.f32 v32, v11;
	v21 =	vadd.f32 v33, v13  }
0x52d: {  	v62 =	vld [tilespmem:s11+$0x6C00];
	v17 =	vadd.f32 v34, v4;
	v14 =	vadd.f32 v35, v5  }
0x52e: {  	v63 =	vld [tilespmem:s11+$0x6C10];
	v18 =	vadd.f32 v36, v3;
	v15 =	vadd.f32 v37, v6  }
0x52f: {  	p0 =	seq.s32 s10, $0x1F;
	v4 =	vld [tilespmem:s11+$0x6870];
	v19 =	vadd.f32 v38, v7;
	v16 =	vadd.f32 v39, v8  }
.Ltmp14:
0x530: {  	v3 =	vadd.f32 v40, v9;
	v13 =	vadd.f32 v41, v23;
	(pc) =	sbr.rel @p0 .LBB2_24-.Ltmp14, $4  }
0x531: {  	v10 =	vadd.f32 v42, v24;
	v11 =	vadd.f32 v43, v22  }
0x532: {  	v7 =	vadd.f32 v44, v25;
	v8 =	vadd.f32 v60, v26  }
0x533: {  	v5 =	vadd.f32 v61, v27;
	v9 =	vadd.f32 v63, v30  }
0x534: {  	v6 =	vadd.f32 v4, v28;
	v4 =	vadd.f32 v62, v29  }
0x535: {  	s5 =	smul.u32 $0x320, s10;
	_ =	sdelay $0x1  }
0x536: {  	s5 =	sshra.s32 s5, $0x2  }
0x537: {  	v22 =	vld [tilespmem:s5+$0x4BC8];
	_ =	sdelay $0x4  }
0x538: {  	v23 =	vshrl.u32 v22, $0x3  }
0x539: {  	v23 =	vmul.u32 $0x18, v23  }
0x53a: {  	v22 =	vand.u32 $0x7, v22  }
0x53b: {  	v22 =	vor.u32 v22, v23  }
0x53c: {  	v23 =	vperm.xlane v22, v0;
	_ =	sdelay $0x1  }
0x53d: {  	v23 =	vadd.s32 v1, v23;
	_ =	sdelay $0x1  }
0x53e: {  	v22 =	vperm.xlane v22, v2;
	_ =	sdelay $0x1  }
0x53f: {  	s11 =	simm.s32 $0x6400;
	v22 =	vadd.s32 v1, v22  }
0x540: {  	[tilespmem:s11], [sflag:$0x1] =	stream.indirect_vreg.gather [hbm4b:s3+s2], $0x80, v23, vm0, $0xb8;
	[tilespmem:$0x1C000] =	vst v63  }
0x541: {  	s12 =	simm.s32 $0x6C00  }
0x542: {  	[tilespmem:s12], [sflag:$0x1] =	stream.indirect_vreg.gather [hbm4b:s6+s2], $0x80, v23, vm1, $0xb8;
	[tilespmem:$0x1C000] =	vst v63  }
0x543: {  	s13 =	simm.s32 $0x7000  }
0x544: {  	[tilespmem:s13], [sflag:$0x1] =	stream.indirect_vreg.gather [hbm4b:s3+s2], $0x80, v22, vm0, $0xb8;
	[tilespmem:$0x1C000] =	vst v63  }
0x545: {  	s14 =	simm.s32 $0x7800  }
0x546: {  	[tilespmem:s14], [sflag:$0x1] =	stream.indirect_vreg.gather [hbm4b:s6+s2], $0x80, v22, vm1, $0xb8;
	[tilespmem:$0x1C000] =	vst v63  }
0x547: {  	v22 =	vld [tilespmem:s5+$0x4BD8];
	_ =	sdelay $0x4  }
0x548: {  	v23 =	vshrl.u32 v22, $0x3  }
0x549: {  	v23 =	vmul.u32 $0x18, v23  }
0x54a: {  	v22 =	vand.u32 $0x7, v22  }
0x54b: {  	v22 =	vor.u32 v22, v23  }
0x54c: {  	v23 =	vperm.xlane v22, v0;
	_ =	sdelay $0x1  }
0x54d: {  	v23 =	vadd.s32 v1, v23;
	_ =	sdelay $0x1  }
0x54e: {  	v22 =	vperm.xlane v22, v2;
	_ =	sdelay $0x1  }
0x54f: {  	s15 =	simm.s32 $0x7C00;
	v22 =	vadd.s32 v1, v22  }
0x550: {  	[tilespmem:s15], [sflag:$0x1] =	stream.indirect_vreg.gather [hbm4b:s3+s2], $0x80, v23, vm0, $0xb8;
	[tilespmem:$0x1C000] =	vst v63  }
0x551: {  	s16 =	simm.s32 $0x8400  }
0x552: {  	[tilespmem:s16], [sflag:$0x1] =	stream.indirect_vreg.gather [hbm4b:s6+s2], $0x80, v23, vm1, $0xb8;
	[tilespmem:$0x1C000] =	vst v63  }
0x553: {  	s12 =	simm.s32 $0x8800  }
0x554: {  	[tilespmem:s12], [sflag:$0x1] =	stream.indirect_vreg.gather [hbm4b:s3+s2], $0x80, v22, vm0, $0xb8;
	[tilespmem:$0x1C000] =	vst v63  }
0x555: {  	s13 =	simm.s32 $0x9000  }
0x556: {  	[tilespmem:s13], [sflag:$0x1] =	stream.indirect_vreg.gather [hbm4b:s6+s2], $0x80, v22, vm1, $0xb8;
	[tilespmem:$0x1C000] =	vst v63  }
0x557: {  	v22 =	vld [tilespmem:s5+$0x4BE8];
	_ =	sdelay $0x4  }
0x558: {  	v23 =	vshrl.u32 v22, $0x3  }
0x559: {  	v23 =	vmul.u32 $0x18, v23  }
0x55a: {  	v22 =	vand.u32 $0x7, v22  }
0x55b: {  	v22 =	vor.u32 v22, v23  }
0x55c: {  	v23 =	vperm.xlane v22, v0;
	_ =	sdelay $0x1  }
0x55d: {  	v23 =	vadd.s32 v1, v23;
	_ =	sdelay $0x1  }
0x55e: {  	v22 =	vperm.xlane v22, v2;
	_ =	sdelay $0x1  }
0x55f: {  	s14 =	simm.s32 $0x9400;
	v22 =	vadd.s32 v1, v22  }
0x560: {  	[tilespmem:s14], [sflag:$0x1] =	stream.indirect_vreg.gather [hbm4b:s3+s2], $0x80, v23, vm0, $0xb8;
	[tilespmem:$0x1C000] =	vst v63  }
0x561: {  	s15 =	simm.s32 $0x9C00  }
0x562: {  	[tilespmem:s15], [sflag:$0x1] =	stream.indirect_vreg.gather [hbm4b:s6+s2], $0x80, v23, vm1, $0xb8;
	[tilespmem:$0x1C000] =	vst v63  }
0x563: {  	s16 =	simm.s32 $0xA000  }
0x564: {  	[tilespmem:s16], [sflag:$0x1] =	stream.indirect_vreg.gather [hbm4b:s3+s2], $0x80, v22, vm0, $0xb8;
	[tilespmem:$0x1C000] =	vst v63  }
0x565: {  	s12 =	simm.s32 $0xA800  }
0x566: {  	[tilespmem:s12], [sflag:$0x1] =	stream.indirect_vreg.gather [hbm4b:s6+s2], $0x80, v22, vm1, $0xb8;
	[tilespmem:$0x1C000] =	vst v63  }
0x567: {  	v22 =	vld [tilespmem:s5+$0x4BF8];
	_ =	sdelay $0x4  }
0x568: {  	v23 =	vshrl.u32 v22, $0x3  }
0x569: {  	v23 =	vmul.u32 $0x18, v23  }
0x56a: {  	v22 =	vand.u32 $0x7, v22  }
0x56b: {  	v22 =	vor.u32 v22, v23  }
0x56c: {  	v23 =	vperm.xlane v22, v0;
	_ =	sdelay $0x1  }
0x56d: {  	v23 =	vadd.s32 v1, v23;
	_ =	sdelay $0x1  }
0x56e: {  	v22 =	vperm.xlane v22, v2;
	_ =	sdelay $0x1  }
0x56f: {  	s13 =	simm.s32 $0xAC00;
	v22 =	vadd.s32 v1, v22  }
0x570: {  	[tilespmem:s13], [sflag:$0x1] =	stream.indirect_vreg.gather [hbm4b:s3+s2], $0x80, v23, vm0, $0xb8;
	[tilespmem:$0x1C000] =	vst v63  }
0x571: {  	s14 =	simm.s32 $0xB400  }
0x572: {  	[tilespmem:s14], [sflag:$0x1] =	stream.indirect_vreg.gather [hbm4b:s6+s2], $0x80, v23, vm1, $0xb8;
	[tilespmem:$0x1C000] =	vst v63  }
0x573: {  	s15 =	simm.s32 $0xB800  }
0x574: {  	[tilespmem:s15], [sflag:$0x1] =	stream.indirect_vreg.gather [hbm4b:s3+s2], $0x80, v22, vm0, $0xb8;
	[tilespmem:$0x1C000] =	vst v63  }
0x575: {  	s16 =	simm.s32 $0xC000  }
0x576: {  	[tilespmem:s16], [sflag:$0x1] =	stream.indirect_vreg.gather [hbm4b:s6+s2], $0x80, v22, vm1, $0xb8;
	[tilespmem:$0x1C000] =	vst v63  }
0x577: {  	v22 =	vld [tilespmem:s5+$0x4C08];
	_ =	sdelay $0x4  }
0x578: {  	v23 =	vshrl.u32 v22, $0x3  }
0x579: {  	v23 =	vmul.u32 $0x18, v23  }
0x57a: {  	v22 =	vand.u32 $0x7, v22  }
0x57b: {  	v22 =	vor.u32 v22, v23  }
0x57c: {  	v23 =	vperm.xlane v22, v0;
	_ =	sdelay $0x1  }
0x57d: {  	v23 =	vadd.s32 v1, v23;
	_ =	sdelay $0x1  }
0x57e: {  	v22 =	vperm.xlane v22, v2;
	_ =	sdelay $0x1  }
0x57f: {  	s12 =	simm.s32 $0xC400;
	v22 =	vadd.s32 v1, v22  }
0x580: {  	[tilespmem:s12], [sflag:$0x1] =	stream.indirect_vreg.gather [hbm4b:s3+s2], $0x80, v23, vm0, $0xb8;
	[tilespmem:$0x1C000] =	vst v63  }
0x581: {  	s13 =	simm.s32 $0xCC00  }
0x582: {  	[tilespmem:s13], [sflag:$0x1] =	stream.indirect_vreg.gather [hbm4b:s6+s2], $0x80, v23, vm1, $0xb8;
	[tilespmem:$0x1C000] =	vst v63  }
0x583: {  	s14 =	simm.s32 $0xD000  }
0x584: {  	[tilespmem:s14], [sflag:$0x1] =	stream.indirect_vreg.gather [hbm4b:s3+s2], $0x80, v22, vm0, $0xb8;
	[tilespmem:$0x1C000] =	vst v63  }
0x585: {  	s15 =	simm.s32 $0xD800  }
0x586: {  	[tilespmem:s15], [sflag:$0x1] =	stream.indirect_vreg.gather [hbm4b:s6+s2], $0x80, v22, vm1, $0xb8;
	[tilespmem:$0x1C000] =	vst v63  }
0x587: {  	v22 =	vld [tilespmem:s5+$0x4C18];
	_ =	sdelay $0x4  }
0x588: {  	v23 =	vshrl.u32 v22, $0x3  }
0x589: {  	v23 =	vmul.u32 $0x18, v23  }
0x58a: {  	v22 =	vand.u32 $0x7, v22  }
0x58b: {  	v22 =	vor.u32 v22, v23  }
0x58c: {  	v23 =	vperm.xlane v22, v0;
	_ =	sdelay $0x1  }
0x58d: {  	v23 =	vadd.s32 v1, v23;
	_ =	sdelay $0x1  }
0x58e: {  	v22 =	vperm.xlane v22, v2;
	_ =	sdelay $0x1  }
0x58f: {  	s16 =	simm.s32 $0xDC00;
	v22 =	vadd.s32 v1, v22  }
0x590: {  	[tilespmem:s16], [sflag:$0x1] =	stream.indirect_vreg.gather [hbm4b:s3+s2], $0x80, v23, vm0, $0xb8;
	[tilespmem:$0x1C000] =	vst v63  }
0x591: {  	s12 =	simm.s32 $0xE400  }
0x592: {  	[tilespmem:s12], [sflag:$0x1] =	stream.indirect_vreg.gather [hbm4b:s6+s2], $0x80, v23, vm1, $0xb8;
	[tilespmem:$0x1C000] =	vst v63  }
0x593: {  	s13 =	simm.s32 $0xE800  }
0x594: {  	[tilespmem:s13], [sflag:$0x1] =	stream.indirect_vreg.gather [hbm4b:s3+s2], $0x80, v22, vm0, $0xb8;
	[tilespmem:$0x1C000] =	vst v63  }
0x595: {  	s14 =	simm.s32 $0xF000  }
0x596: {  	[tilespmem:s14], [sflag:$0x1] =	stream.indirect_vreg.gather [hbm4b:s6+s2], $0x80, v22, vm1, $0xb8;
	[tilespmem:$0x1C000] =	vst v63  }
0x597: {  	v22 =	vld.msk [tilespmem:s5+$0x4C28], $0xff;
	_ =	sdelay $0x4  }
0x598: {  	v23 =	vshrl.u32 v22, $0x3  }
0x599: {  	v23 =	vmul.u32 $0x18, v23  }
0x59a: {  	v22 =	vand.u32 $0x7, v22  }
0x59b: {  	v22 =	vor.u32 v22, v23  }
0x59c: {  	v22 =	vperm.xlane v22, v0;
	_ =	sdelay $0x1  }
0x59d: {  	v22 =	vadd.s32 v1, v22;
	_ =	sdelay $0x3  }
0x59e: {  	s15 =	simm.s32 $0xF400  }
0x59f: {  	[tilespmem:s15], [sflag:$0x1] =	stream.indirect_vreg.gather [hbm4b:s3+s2], $0x80, v22, vm0, $0xb8;
	[tilespmem:$0x1C000] =	vst v63  }
0x5a0: {  	s16 =	simm.s32 $0xFC00  }
0x5a1: {  	[tilespmem:s16], [sflag:$0x1] =	stream.indirect_vreg.gather [hbm4b:s6+s2], $0x80, v22, vm1, $0xb8;
	[tilespmem:$0x1C000] =	vst v63  }
.LBB2_24:
0x5a2: {  	s5 =	simm.s32 $0x0  }
0x5a3: {  	s11 =	smul.u32 $0x3000, s5  }
0x5a4: {  	_ =	swait.ge [sflag:s8], $0x9000;
	s5 =	simm.s32 $0x0  }
0x5a5: {  	[sflag:s8] =	ssyncset.done $0x0;
	s12 =	sand.u32 $0x380, s5;
	s11 =	sshra.s32 s11, $0x2  }
0x5a6: {  	[sflag:s8] =	ssyncadd.s32 $0xFFFF7000;
	s11 =	sor.u32 s12, s11  }
0x5a7: {  	s14 =	sadd.s32 $0x10000, s11;
	v22 =	vld [tilespmem:s11+$0x10000]  }
0x5a8: {  	v23 =	vld [tilespmem:s14+$0x10]  }
0x5a9: {  	v26 =	vld [tilespmem:s14+$0x20]  }
0x5aa: {  	v27 =	vld [tilespmem:s14+$0x30]  }
0x5ab: {  	s12 =	sadd.s32 $0x10800, s11;
	v28 =	vld [tilespmem:s14+$0x40]  }
0x5ac: {  	s13 =	sor.u32 $0x20, s12;
	v29 =	vld [tilespmem:s14+$0x50]  }
0x5ad: {  	v25 =	vld.msk [tilespmem:s13+$0x0], $0xfff  }
0x5ae: {  	v30 =	vld [tilespmem:s14+$0x60]  }
0x5af: {  	v31 =	vld [tilespmem:s14+$0x70];
	s13 =	sadd.s32 $0x10400, s11  }
0x5b0: {  	v32 =	vld [tilespmem:s13+$0x10]  }
0x5b1: {  	v24 =	vld [tilespmem:s13+$0x20];
	v22 =	vadd.f32 v22, v20;
	v20 =	vadd.f32 v23, v21  }
0x5b2: {  	v21 =	vadd.f32 v25, v12;
	v12 =	vadd.f32 v26, v17;
	v25 =	vld [tilespmem:s13+$0x30]  }
0x5b3: {  	v23 =	vld [tilespmem:s13+$0x40];
	v17 =	vadd.f32 v27, v14;
	v14 =	vadd.f32 v28, v18  }
0x5b4: {  	v18 =	vadd.f32 v29, v15;
	v15 =	vadd.f32 v30, v19;
	v19 =	vld [tilespmem:s13+$0x50]  }
0x5b5: {  	s15 =	simm.s32 $0x0;
	s14 =	simm.s32 $0x2;
	v16 =	vadd.f32 v31, v16;
	v26 =	vld [tilespmem:s13+$0x60];
	v13 =	vadd.f32 v32, v13  }
.LBB2_25:
0x5b6: {  	p1 =	sne.s32 s14, $0x5F;
	s15 =	smul.u32 $0x3000, s15;
	v10 =	vadd.f32 v24, v10;
	v24 =	vld [tilespmem:s13+$0x70]  }
0x5b7: {  	s5 =	sadd.s32 $0x80, s5;
	v11 =	vadd.f32 v25, v11;
	v25 =	vld [tilespmem:s12+$0x10]  }
0x5b8: {  	s12 =	sand.u32 $0x380, s5;
	s13 =	sshra.s32 s15, $0x2;
	v27 =	vld [tilespmem:s11+$0x10400];
	v7 =	vadd.f32 v23, v7  }
0x5b9: {  	v8 =	vadd.f32 v19, v8;
	v19 =	vld [tilespmem:s11+$0x10800];
	s11 =	sor.u32 s12, s13  }
0x5ba: {  	s15 =	sadd.s32 $0x10000, s11;
	v23 =	vld [tilespmem:s11+$0x10000];
	s13 =	sadd.s32 $0x10400, s11;
	s12 =	sadd.s32 $0x10800, s11;
	v5 =	vadd.f32 v26, v5  }
0x5bb: {  	v26 =	vld [tilespmem:s15+$0x10];
	s16 =	sor.u32 $0x20, s12;
	v6 =	vadd.f32 v24, v6  }
0x5bc: {  	v24 =	vld.msk [tilespmem:s16+$0x0], $0xfff;
	v9 =	vadd.f32 v25, v9  }
0x5bd: {  	v25 =	vld [tilespmem:s15+$0x20];
	v3 =	vadd.f32 v27, v3  }
0x5be: {  	v27 =	vld [tilespmem:s15+$0x30];
	v4 =	vadd.f32 v19, v4  }
0x5bf: {  	v22 =	vadd.f32 v23, v22;
	v19 =	vld [tilespmem:s15+$0x40]  }
0x5c0: {  	v20 =	vadd.f32 v26, v20;
	v23 =	vld [tilespmem:s15+$0x50]  }
0x5c1: {  	v26 =	vld [tilespmem:s15+$0x60];
	v21 =	vadd.f32 v24, v21  }
0x5c2: {  	v12 =	vadd.f32 v25, v12;
	v28 =	vld [tilespmem:s15+$0x70]  }
0x5c3: {  	v17 =	vadd.f32 v27, v17;
	v27 =	vld [tilespmem:s13+$0x10]  }
.Ltmp15:
0x5c4: {  	v14 =	vadd.f32 v19, v14;
	v24 =	vld [tilespmem:s13+$0x20];
	(pc) =	sbr.rel @p1 .LBB2_25-.Ltmp15, $4  }
0x5c5: {  	v18 =	vadd.f32 v23, v18;
	v25 =	vld [tilespmem:s13+$0x30]  }
0x5c6: {  	v15 =	vadd.f32 v26, v15;
	v23 =	vld [tilespmem:s13+$0x40]  }
0x5c7: {  	v16 =	vadd.f32 v28, v16;
	v19 =	vld [tilespmem:s13+$0x50]  }
0x5c8: {  	s15 =	sshrl.u32 s14, $0x3;
	s14 =	sadd.s32 $0x1, s14;
	v13 =	vadd.f32 v27, v13;
	v26 =	vld [tilespmem:s13+$0x60]  }
0x5c9: {  	s14 =	smul.u32 $0x3000, s15;
	v27 =	vld [tilespmem:s13+$0x70]  }
0x5ca: {  	v28 =	vld [tilespmem:s12+$0x10];
	s5 =	sadd.s32 $0x80, s5  }
0x5cb: {  	v29 =	vld [tilespmem:s11+$0x10400];
	s5 =	sand.u32 $0x380, s5;
	s13 =	sshra.s32 s14, $0x2  }
0x5cc: {  	v30 =	vld [tilespmem:s11+$0x10800];
	s5 =	sor.u32 s5, s13  }
0x5cd: {  	s14 =	sadd.s32 $0x10000, s5;
	v31 =	vld [tilespmem:s5+$0x10000]  }
0x5ce: {  	v32 =	vld [tilespmem:s14+$0x10]  }
0x5cf: {  	v34 =	vld [tilespmem:s14+$0x20]  }
0x5d0: {  	v35 =	vld [tilespmem:s14+$0x30]  }
0x5d1: {  	v36 =	vld [tilespmem:s14+$0x40]  }
0x5d2: {  	v37 =	vld [tilespmem:s14+$0x50]  }
0x5d3: {  	v38 =	vld [tilespmem:s14+$0x60]  }
0x5d4: {  	s16 =	sadd.s32 $0x10400, s5;
	v39 =	vld [tilespmem:s14+$0x70]  }
0x5d5: {  	v40 =	vld [tilespmem:s16+$0x10]  }
0x5d6: {  	v56 =	vadd.f32 v25, v11;
	v11 =	vld [tilespmem:s16+$0x20]  }
0x5d7: {  	v10 =	vadd.f32 v24, v10;
	v57 =	vld [tilespmem:s16+$0x30]  }
0x5d8: {  	v7 =	vadd.f32 v23, v7;
	v58 =	vadd.f32 v27, v6;
	v6 =	vld [tilespmem:s16+$0x40]  }
0x5d9: {  	v8 =	vadd.f32 v19, v8;
	v5 =	vadd.f32 v26, v5;
	v61 =	vld [tilespmem:s16+$0x50]  }
0x5da: {  	v59 =	vadd.f32 v28, v9;
	v30 =	vadd.f32 v30, v4;
	v4 =	vld [tilespmem:s16+$0x60]  }
0x5db: {  	s12 =	sadd.s32 $0x10800, s5;
	v60 =	vadd.f32 v29, v3;
	v62 =	vld [tilespmem:s16+$0x70];
	v23 =	vadd.f32 v31, v22  }
0x5dc: {  	s15 =	sor.u32 $0x20, s12;
	v63 =	vld [tilespmem:s12+$0x10];
	v22 =	vadd.f32 v32, v20;
	v19 =	vadd.f32 v35, v17  }
0x5dd: {  	v33 =	vld.msk [tilespmem:s15+$0x0], $0xfff;
	v20 =	vadd.f32 v36, v14;
	v17 =	vadd.f32 v37, v18  }
0x5de: {  	v18 =	vld [tilespmem:s5+$0x10400];
	v15 =	vadd.f32 v38, v15;
	v14 =	vadd.f32 v39, v16  }
0x5df: {  	v16 =	vld [tilespmem:s5+$0x10800];
	v11 =	vadd.f32 v11, v10;
	v10 =	vadd.f32 v57, v56  }
.Ltmp16:
0x5e0: {  	v9 =	vadd.f32 v6, v7;
	v8 =	vadd.f32 v61, v8;
	(pc) =	sbr.rel @p0 .LBB2_28-.Ltmp16, $4  }
0x5e1: {  	v6 =	vadd.f32 v4, v5;
	v5 =	vadd.f32 v62, v58  }
0x5e2: {  	v4 =	vadd.f32 v63, v59;
	v3 =	vadd.f32 v33, v21  }
0x5e3: {  	v21 =	vadd.f32 v34, v12;
	v12 =	vadd.f32 v40, v13  }
0x5e4: {  	v13 =	vadd.f32 v18, v60;
	v7 =	vadd.f32 v16, v30  }
0x5e5: {  	s5 =	smul.u32 $0x320, s10;
	_ =	sdelay $0x1  }
0x5e6: {  	s5 =	sshra.s32 s5, $0x2  }
0x5e7: {  	v16 =	vld [tilespmem:s5+$0x4C30];
	_ =	sdelay $0x4  }
0x5e8: {  	v18 =	vshrl.u32 v16, $0x3  }
0x5e9: {  	v18 =	vmul.u32 $0x18, v18  }
0x5ea: {  	v16 =	vand.u32 $0x7, v16  }
0x5eb: {  	v16 =	vor.u32 v16, v18  }
0x5ec: {  	v18 =	vperm.xlane v16, v0;
	_ =	sdelay $0x1  }
0x5ed: {  	v18 =	vadd.s32 v1, v18;
	_ =	sdelay $0x1  }
0x5ee: {  	v16 =	vperm.xlane v16, v2;
	_ =	sdelay $0x1  }
0x5ef: {  	s11 =	simm.s32 $0x10000;
	v16 =	vadd.s32 v1, v16  }
0x5f0: {  	[tilespmem:s11], [sflag:$0x2] =	stream.indirect_vreg.gather [hbm4b:s3+s2], $0x80, v18, vm0, $0xb8;
	[tilespmem:$0x1C000] =	vst v63  }
0x5f1: {  	s15 =	simm.s32 $0x10800  }
0x5f2: {  	[tilespmem:s15], [sflag:$0x2] =	stream.indirect_vreg.gather [hbm4b:s6+s2], $0x80, v18, vm1, $0xb8;
	[tilespmem:$0x1C000] =	vst v63  }
0x5f3: {  	s16 =	simm.s32 $0x10C00  }
0x5f4: {  	[tilespmem:s16], [sflag:$0x2] =	stream.indirect_vreg.gather [hbm4b:s3+s2], $0x80, v16, vm0, $0xb8;
	[tilespmem:$0x1C000] =	vst v63  }
0x5f5: {  	s12 =	simm.s32 $0x11400  }
0x5f6: {  	[tilespmem:s12], [sflag:$0x2] =	stream.indirect_vreg.gather [hbm4b:s6+s2], $0x80, v16, vm1, $0xb8;
	[tilespmem:$0x1C000] =	vst v63  }
0x5f7: {  	v16 =	vld [tilespmem:s5+$0x4C40];
	_ =	sdelay $0x4  }
0x5f8: {  	v18 =	vshrl.u32 v16, $0x3  }
0x5f9: {  	v18 =	vmul.u32 $0x18, v18  }
0x5fa: {  	v16 =	vand.u32 $0x7, v16  }
0x5fb: {  	v16 =	vor.u32 v16, v18  }
0x5fc: {  	v18 =	vperm.xlane v16, v0;
	_ =	sdelay $0x1  }
0x5fd: {  	v18 =	vadd.s32 v1, v18;
	_ =	sdelay $0x1  }
0x5fe: {  	v16 =	vperm.xlane v16, v2;
	_ =	sdelay $0x1  }
0x5ff: {  	s13 =	simm.s32 $0x11800;
	v16 =	vadd.s32 v1, v16  }
0x600: {  	[tilespmem:s13], [sflag:$0x2] =	stream.indirect_vreg.gather [hbm4b:s3+s2], $0x80, v18, vm0, $0xb8;
	[tilespmem:$0x1C000] =	vst v63  }
0x601: {  	s14 =	simm.s32 $0x12000  }
0x602: {  	[tilespmem:s14], [sflag:$0x2] =	stream.indirect_vreg.gather [hbm4b:s6+s2], $0x80, v18, vm1, $0xb8;
	[tilespmem:$0x1C000] =	vst v63  }
0x603: {  	s15 =	simm.s32 $0x12400  }
0x604: {  	[tilespmem:s15], [sflag:$0x2] =	stream.indirect_vreg.gather [hbm4b:s3+s2], $0x80, v16, vm0, $0xb8;
	[tilespmem:$0x1C000] =	vst v63  }
0x605: {  	s16 =	simm.s32 $0x12C00  }
0x606: {  	[tilespmem:s16], [sflag:$0x2] =	stream.indirect_vreg.gather [hbm4b:s6+s2], $0x80, v16, vm1, $0xb8;
	[tilespmem:$0x1C000] =	vst v63  }
0x607: {  	v16 =	vld [tilespmem:s5+$0x4C50];
	_ =	sdelay $0x4  }
0x608: {  	v18 =	vshrl.u32 v16, $0x3  }
0x609: {  	v18 =	vmul.u32 $0x18, v18  }
0x60a: {  	v16 =	vand.u32 $0x7, v16  }
0x60b: {  	v16 =	vor.u32 v16, v18  }
0x60c: {  	v18 =	vperm.xlane v16, v0;
	_ =	sdelay $0x1  }
0x60d: {  	v18 =	vadd.s32 v1, v18;
	_ =	sdelay $0x1  }
0x60e: {  	v16 =	vperm.xlane v16, v2;
	_ =	sdelay $0x1  }
0x60f: {  	v16 =	vadd.s32 v1, v16  }
0x610: {  	[tilespmem:s18], [sflag:$0x2] =	stream.indirect_vreg.gather [hbm4b:s3+s2], $0x80, v18, vm0, $0xb8;
	[tilespmem:$0x1C000] =	vst v63  }
0x611: {  	_ = 	snop  }
0x612: {  	[tilespmem:s19], [sflag:$0x2] =	stream.indirect_vreg.gather [hbm4b:s6+s2], $0x80, v18, vm1, $0xb8;
	[tilespmem:$0x1C000] =	vst v63  }
0x613: {  	_ = 	snop  }
0x614: {  	[tilespmem:s20], [sflag:$0x2] =	stream.indirect_vreg.gather [hbm4b:s3+s2], $0x80, v16, vm0, $0xb8;
	[tilespmem:$0x1C000] =	vst v63  }
0x615: {  	_ = 	snop  }
0x616: {  	[tilespmem:s21], [sflag:$0x2] =	stream.indirect_vreg.gather [hbm4b:s6+s2], $0x80, v16, vm1, $0xb8;
	[tilespmem:$0x1C000] =	vst v63  }
0x617: {  	v16 =	vld [tilespmem:s5+$0x4C60];
	_ =	sdelay $0x4  }
0x618: {  	v18 =	vshrl.u32 v16, $0x3  }
0x619: {  	v18 =	vmul.u32 $0x18, v18  }
0x61a: {  	v16 =	vand.u32 $0x7, v16  }
0x61b: {  	v16 =	vor.u32 v16, v18  }
0x61c: {  	v18 =	vperm.xlane v16, v0;
	_ =	sdelay $0x1  }
0x61d: {  	v18 =	vadd.s32 v1, v18;
	_ =	sdelay $0x1  }
0x61e: {  	v16 =	vperm.xlane v16, v2;
	_ =	sdelay $0x1  }
0x61f: {  	v16 =	vadd.s32 v1, v16  }
0x620: {  	[tilespmem:s22], [sflag:$0x2] =	stream.indirect_vreg.gather [hbm4b:s3+s2], $0x80, v18, vm0, $0xb8;
	[tilespmem:$0x1C000] =	vst v63  }
0x621: {  	_ = 	snop  }
0x622: {  	[tilespmem:s23], [sflag:$0x2] =	stream.indirect_vreg.gather [hbm4b:s6+s2], $0x80, v18, vm1, $0xb8;
	[tilespmem:$0x1C000] =	vst v63  }
0x623: {  	_ = 	snop  }
0x624: {  	[tilespmem:s24], [sflag:$0x2] =	stream.indirect_vreg.gather [hbm4b:s3+s2], $0x80, v16, vm0, $0xb8;
	[tilespmem:$0x1C000] =	vst v63  }
0x625: {  	_ = 	snop  }
0x626: {  	[tilespmem:s25], [sflag:$0x2] =	stream.indirect_vreg.gather [hbm4b:s6+s2], $0x80, v16, vm1, $0xb8;
	[tilespmem:$0x1C000] =	vst v63  }
0x627: {  	v16 =	vld [tilespmem:s5+$0x4C70];
	_ =	sdelay $0x4  }
0x628: {  	v18 =	vshrl.u32 v16, $0x3  }
0x629: {  	v18 =	vmul.u32 $0x18, v18  }
0x62a: {  	v16 =	vand.u32 $0x7, v16  }
0x62b: {  	v16 =	vor.u32 v16, v18  }
0x62c: {  	v18 =	vperm.xlane v16, v0;
	_ =	sdelay $0x1  }
0x62d: {  	v18 =	vadd.s32 v1, v18;
	_ =	sdelay $0x1  }
0x62e: {  	v16 =	vperm.xlane v16, v2;
	_ =	sdelay $0x1  }
0x62f: {  	v16 =	vadd.s32 v1, v16  }
0x630: {  	[tilespmem:s26], [sflag:$0x2] =	stream.indirect_vreg.gather [hbm4b:s3+s2], $0x80, v18, vm0, $0xb8;
	[tilespmem:$0x1C000] =	vst v63  }
0x631: {  	_ = 	snop  }
0x632: {  	[tilespmem:s28], [sflag:$0x2] =	stream.indirect_vreg.gather [hbm4b:s6+s2], $0x80, v18, vm1, $0xb8;
	[tilespmem:$0x1C000] =	vst v63  }
0x633: {  	_ = 	snop  }
0x634: {  	[tilespmem:s29], [sflag:$0x2] =	stream.indirect_vreg.gather [hbm4b:s3+s2], $0x80, v16, vm0, $0xb8;
	[tilespmem:$0x1C000] =	vst v63  }
0x635: {  	_ = 	snop  }
0x636: {  	[tilespmem:s30], [sflag:$0x2] =	stream.indirect_vreg.gather [hbm4b:s6+s2], $0x80, v16, vm1, $0xb8;
	[tilespmem:$0x1C000] =	vst v63  }
0x637: {  	v16 =	vld [tilespmem:s5+$0x4C80];
	_ =	sdelay $0x4  }
0x638: {  	v18 =	vshrl.u32 v16, $0x3  }
0x639: {  	v18 =	vmul.u32 $0x18, v18  }
0x63a: {  	v16 =	vand.u32 $0x7, v16  }
0x63b: {  	v16 =	vor.u32 v16, v18  }
0x63c: {  	v18 =	vperm.xlane v16, v0;
	_ =	sdelay $0x1  }
0x63d: {  	v18 =	vadd.s32 v1, v18;
	_ =	sdelay $0x2  }
0x63e: {  	v16 =	vperm.xlane v16, v2;
	_ =	sdelay $0x1  }
0x63f: {  	v16 =	vadd.s32 v1, v16;
	[tilespmem:s31], [sflag:$0x2] =	stream.indirect_vreg.gather [hbm4b:s3+s2], $0x80, v18, vm0, $0xb8;
	[tilespmem:$0x1C000] =	vst v63  }
0x640: {  	_ = 	snop  }
0x641: {  	[tilespmem:s1], [sflag:$0x2] =	stream.indirect_vreg.gather [hbm4b:s6+s2], $0x80, v18, vm1, $0xb8;
	[tilespmem:$0x1C000] =	vst v63  }
.Ltmp17:
0x642: {  	_ = 	snop;
	(pc) =	sbr.rel .LBB2_28-.Ltmp17, $4  }
0x643: {  	_ = 	snop  }
0x644: {  	[tilespmem:s0], [sflag:$0x2] =	stream.indirect_vreg.gather [hbm4b:s3+s2], $0x80, v16, vm0, $0xb8;
	[tilespmem:$0x1C000] =	vst v63  }
0x645: {  	_ = 	snop  }
0x646: {  	[tilespmem:s4], [sflag:$0x2] =	stream.indirect_vreg.gather [hbm4b:s6+s2], $0x80, v16, vm1, $0xb8;
	[tilespmem:$0x1C000] =	vst v63  }
.LBB2_30:
0x647: {  	_ =	sfence.sel $0x180000  }
0x648: {  	[bflag:$0x0] =	sbarrier.arrive $0xFFFF  }
0x649: {  	_ =	strace $0x90000047  }
0x64a: {  	s0 =	stileid.u32;
	[bflag:$0x2] =	sbarrier.arrive $0xFFFF  }
0x64b: {  	p0 =	sne.s32 s0, $0x0;
	s0 =	rddreg [dreg:$0x2]  }
0x64c: {  	s0 =	sadd.s32 @!p0 $0x100000, s0  }
0x64d: {  	[sflag:s0] =	ssyncadd.tile.s32 @!p0 $0x1;
	_ =	shalt  }
.Lfunc_end2:
_tile_overlayer_lowered:
.L_overlay_start_2:
0x64e: {  	(tag) =	ssettag $0x2  }
0x64f: {  	s0 =	rddreg [dreg:$0x0];
	s2 =	stileid.u32  }
0x650: {  	s1 =	rddreg [dreg:$0x1];
	p0 =	sne.s32 s2, $0x0  }
0x651: {  	s3 =	rddreg [dreg:$0x2];
	[bflag:$0x3] =	sbarrier.arrive $0xFFFF;
	s2 =	simm.s32 @!p0 $0x1C03  }
0x652: {  	[timem:s3], [sflag:s2] =	dma.local @!p0 [hbm:s0], s1  }
0x653: {  	s0 =	simm.s32 @!p0 $0x3  }
0x654: {  	_ =	swait.ge @!p0 [sflag:s0], s1  }
0x655: {  	s1 =	ssub.s32 @!p0 $0x0, s1;
	[sflag:s0] =	ssyncset.done @!p0 $0x0  }
0x656: {  	[sflag:s0] =	ssyncadd.s32 @!p0 s1  }
0x657: {  	[bflag:$0x3] =	sbarrier.arrive $0xFFFF  }
0x658: {  	_ =	shalt  }

</sc_bundles>
